<compile_context>
chip_gen: v7x
topology: tpu7x:2x2x1
jax: 0.10.2.dev20260603
libtpu: 0.0.44.dev20260713+nightly
codegen_flags: <defaults>
</compile_context>

<pallas_src>
import functools

import jax
import jax.numpy as jnp
from jax import lax
from jax.experimental import pallas as pl
from jax.experimental.pallas import tpu as pltpu
from jax.experimental.pallas import tpu_sc as plsc

N = 10000
D = 128
M = 32
E = 320000
EPAIR = 2 * E
NW = 32
CHUNK = 64
PER_TILE = 20480
EPAD = PER_TILE * NW
NCHUNK = PER_TILE // CHUNK
NP = 10240
ZROWS = NP // 16

R = 5000
G = N // R

_P = None


NBUF = 5
NI = 10
UNROLL = 10


def _sc_edge_scatter(x1, dst2, src2):
    mesh = plsc.VectorSubcoreMesh(core_axis_name="c", subcore_axis_name="s")

    @functools.partial(
        pl.kernel,
        out_type=jax.ShapeDtypeStruct((2 * NP, D), jnp.float32),
        mesh=mesh,
        scratch_types=[
            [pltpu.VMEM((CHUNK,), jnp.int32)] * NI,
            [pltpu.VMEM((CHUNK,), jnp.int32)] * NI,
            [pltpu.VMEM((CHUNK, D), jnp.float32)] * NBUF,
            pltpu.VMEM_SHARED((NP, D), jnp.float32),
            [pltpu.SemaphoreType.DMA] * NI,
            [pltpu.SemaphoreType.DMA] * NBUF,
            [pltpu.SemaphoreType.DMA] * NBUF,
            pltpu.SemaphoreType.DMA,
        ],
    )
    def body(x1_hbm, dst_hbm, src_hbm, out_hbm, dstv, srcv, rbufs, agg,
             isems, rsems, ssems, zsem):
        cid = lax.axis_index("c")
        sid = lax.axis_index("s")
        wid = sid * 2 + cid
        base = wid * NCHUNK

        def idx_issue(slot, h):
            pltpu.async_copy(dst_hbm.at[base + h], dstv[slot], isems[slot])
            pltpu.async_copy(src_hbm.at[base + h], srcv[slot], isems[slot])

        def idx_wait(slot, h):
            pltpu.make_async_copy(dst_hbm.at[base + h], dstv[slot],
                                  isems[slot]).wait()
            pltpu.make_async_copy(src_hbm.at[base + h], srcv[slot],
                                  isems[slot]).wait()

        def gather_issue(slot, islot):
            pltpu.async_copy(x1_hbm.at[srcv[islot]], rbufs[slot], rsems[slot])

        def gather_wait(slot, islot):
            pltpu.make_async_copy(x1_hbm.at[srcv[islot]], rbufs[slot],
                                  rsems[slot]).wait()

        for h in range(NI):
            idx_issue(h, h)

        def zrow(r, carry):
            for c8 in range(8):
                rbufs[0][r, pl.ds(c8 * 16, 16)] = jnp.zeros((16,), jnp.float32)
            return carry

        lax.fori_loop(0, CHUNK, zrow, 0)
        for k in range(ZROWS // CHUNK):
            pltpu.async_copy(rbufs[0],
                             agg.at[pl.ds(sid * ZROWS + k * CHUNK, CHUNK)],
                             zsem)
        for k in range(ZROWS // CHUNK):
            pltpu.make_async_copy(
                rbufs[0], agg.at[pl.ds(sid * ZROWS + k * CHUNK, CHUNK)],
                zsem).wait()

        def scatter_issue(slot, islot):
            pltpu.async_copy(rbufs[slot], agg.at[dstv[islot]], ssems[slot],
                             add=True)

        def scatter_wait(slot, islot):
            pltpu.make_async_copy(rbufs[slot], agg.at[dstv[islot]],
                                  ssems[slot]).wait()

        for h in range(NBUF - 1):
            idx_wait(h, h)
            gather_issue(h, h)
        plsc.subcore_barrier()

        def step(t, carry):
            for u in range(UNROLL):
                g = t * UNROLL + u
                nx = g + NBUF - 1
                ns = (u + NBUF - 1) % NBUF
                ni = (u + NBUF - 1) % NI

                @pl.when(g >= 1)
                def _():
                    scatter_wait(ns, ni)

                @pl.when(nx < NCHUNK)
                def _():
                    idx_wait(ni, nx)
                    gather_issue(ns, ni)

                gather_wait(u % NBUF, u)
                scatter_issue(u % NBUF, u)

                @pl.when((g >= 1) & (g + NI - 1 < NCHUNK))
                def _():
                    idx_issue((u + NI - 1) % NI, g + NI - 1)
            return carry

        lax.fori_loop(0, NCHUNK // UNROLL, step, 0)
        scatter_wait((NCHUNK - 1) % NBUF, (NCHUNK - 1) % NI)
        plsc.subcore_barrier()
        pltpu.sync_copy(
            agg.at[pl.ds(sid * ZROWS, ZROWS)],
            out_hbm.at[pl.ds(cid * NP + sid * ZROWS, ZROWS)],
        )

    return body(x1, dst2, src2)


def _mm2(x, w0, b0, w1, b1):

    def body(x_ref, w0_ref, b0_ref, w1_ref, b1_ref, o0_ref, o1_ref):
        xb = x_ref[...]
        o0_ref[...] = jnp.dot(xb, w0_ref[...], precision=_P,
                              preferred_element_type=jnp.float32) + b0_ref[...]
        o1_ref[...] = jnp.dot(xb, w1_ref[...], precision=_P,
                              preferred_element_type=jnp.float32) + b1_ref[...]

    wspec = pl.BlockSpec((D, D), lambda i: (0, 0))
    bspec = pl.BlockSpec((1, D), lambda i: (0, 0))
    rspec = pl.BlockSpec((R, D), lambda i: (i, 0))
    return pl.pallas_call(
        body,
        grid=(G,),
        in_specs=[rspec, wspec, bspec, wspec, bspec],
        out_specs=[rspec, rspec],
        out_shape=[jax.ShapeDtypeStruct((N, D), jnp.float32)] * 2,
    )(x, w0, b0, w1, b1)


def _bn_stats(y):
    return jnp.concatenate(
        [jnp.sum(y, axis=0, keepdims=True),
         jnp.sum(y * y, axis=0, keepdims=True)], axis=0)


def _bn_relu(y, s_ref, g_ref, be_ref):
    mu = s_ref[0:1, :] * (1.0 / N)
    ex2 = s_ref[1:2, :] * (1.0 / N)
    inv = lax.rsqrt(ex2 - mu * mu + 1e-5)
    return jnp.maximum((y - mu) * (inv * g_ref[...]) + be_ref[...], 0.0)


def _combine_bn_mm2(x0, p, g, be, w0, b0, w1, b1):

    def body(x0_ref, p_ref, g_ref, be_ref, w0_ref, b0_ref, w1_ref, b1_ref,
             o0_ref, o1_ref, y_s, st_s):
        ph = pl.program_id(0)
        i = pl.program_id(1)

        @pl.when(ph == 0)
        def _():
            y = x0_ref[...] + p_ref[0] + p_ref[1]
            y_s[pl.ds(i * R, R), :] = y

            @pl.when(i == 0)
            def _():
                st_s[...] = jnp.zeros_like(st_s)

            st_s[...] += _bn_stats(y)

        @pl.when(ph == 1)
        def _():
            xn = _bn_relu(y_s[pl.ds(i * R, R), :], st_s, g_ref, be_ref)
            o0_ref[...] = jnp.dot(xn, w0_ref[...], precision=_P,
                                  preferred_element_type=jnp.float32) + b0_ref[...]
            o1_ref[...] = jnp.dot(xn, w1_ref[...], precision=_P,
                                  preferred_element_type=jnp.float32) + b1_ref[...]

    wspec = pl.BlockSpec((D, D), lambda ph, i: (0, 0))
    bspec = pl.BlockSpec((1, D), lambda ph, i: (0, 0))
    rspec0 = pl.BlockSpec((R, D), lambda ph, i: (i * (1 - ph), 0))
    rspec1 = pl.BlockSpec((R, D), lambda ph, i: (i * ph, 0))
    return pl.pallas_call(
        body,
        grid=(2, G),
        in_specs=[rspec0, pl.BlockSpec((2, R, D), lambda ph, i: (0, i * (1 - ph), 0)),
                  bspec, bspec, wspec, bspec, wspec, bspec],
        out_specs=[rspec1, rspec1],
        out_shape=[jax.ShapeDtypeStruct((N, D), jnp.float32)] * 2,
        scratch_shapes=[pltpu.VMEM((N, D), jnp.float32),
                        pltpu.VMEM((2, D), jnp.float32)],
    )(x0, p, g, be, w0, b0, w1, b1)


def _combine_bn_pool_heads(x0, p, g, be, ids3, fw, fb, hw, hb):

    def body(x0_ref, p_ref, g_ref, be_ref, ids_ref, fw_ref, fb_ref, hw_ref,
             hb_ref, o_ref, y_s, st_s, seg_s, cnt_s):
        ph = pl.program_id(0)
        i = pl.program_id(1)

        @pl.when(ph == 0)
        def _():
            y = x0_ref[...] + p_ref[0] + p_ref[1]
            y_s[pl.ds(i * R, R), :] = y

            @pl.when(i == 0)
            def _():
                st_s[...] = jnp.zeros_like(st_s)
                seg_s[...] = jnp.zeros_like(seg_s)
                cnt_s[...] = jnp.zeros_like(cnt_s)

            st_s[...] += _bn_stats(y)

        @pl.when(ph == 1)
        def _():
            xn = _bn_relu(y_s[pl.ds(i * R, R), :], st_s, g_ref, be_ref)
            ids = ids_ref[0]
            onehot = (jnp.broadcast_to(ids, (M, R))
                      == lax.broadcasted_iota(jnp.int32, (M, R), 0)
                      ).astype(jnp.float32)
            seg_s[...] += jnp.dot(onehot, xn,
                                  precision=jax.lax.Precision.HIGHEST,
                                  preferred_element_type=jnp.float32)
            cnt_s[...] += jnp.broadcast_to(
                jnp.sum(onehot, axis=1, keepdims=True), (M, D))

            @pl.when(i == G - 1)
            def _():
                mean = seg_s[...] / jnp.maximum(cnt_s[...], 1.0)
                h = jnp.maximum(
                    jnp.dot(mean, fw_ref[...], precision=_P,
                            preferred_element_type=jnp.float32) + fb_ref[...],
                    0.0)
                o_ref[...] = jnp.dot(h, hw_ref[...], precision=_P,
                                     preferred_element_type=jnp.float32
                                     ) + hb_ref[...]

    bspec = pl.BlockSpec((1, D), lambda ph, i: (0, 0))
    wspec = pl.BlockSpec((D, D), lambda ph, i: (0, 0))
    rspec0 = pl.BlockSpec((R, D), lambda ph, i: (i * (1 - ph), 0))
    return pl.pallas_call(
        body,
        grid=(2, G),
        in_specs=[rspec0, pl.BlockSpec((2, R, D), lambda ph, i: (0, i * (1 - ph), 0)),
                  bspec, bspec,
                  pl.BlockSpec((1, 1, R), lambda ph, i: (i * ph, 0, 0)),
                  wspec, bspec, wspec, bspec],
        out_specs=pl.BlockSpec((M, D), lambda ph, i: (0, 0)),
        out_shape=jax.ShapeDtypeStruct((M, D), jnp.float32),
        scratch_shapes=[pltpu.VMEM((N, D), jnp.float32),
                        pltpu.VMEM((2, D), jnp.float32),
                        pltpu.VMEM((M, D), jnp.float32),
                        pltpu.VMEM((M, D), jnp.float32)],
    )(x0, p, g, be, ids3, fw, fb, hw, hb)


def kernel(verts, edges, mesh_idx, W0_0, b0_0, W1_0, b1_0, gamma0, beta0,
           W0_1, b0_1, W1_1, b1_1, gamma1, beta1, fc1_w, fc1_b,
           style_w, style_b, sem_w, sem_b, func_w, func_b, aes_w, aes_b):
    e0 = edges[:, 0].astype(jnp.int32)
    e1 = edges[:, 1].astype(jnp.int32)
    npad = EPAD - EPAIR
    ar = jnp.arange(npad, dtype=jnp.int32)
    dst = jnp.concatenate([e0, e1, N + ar % (NP - N)]
                          ).reshape(EPAD // CHUNK, CHUNK)
    src = jnp.concatenate([e1, e0, ar % N]
                          ).reshape(EPAD // CHUNK, CHUNK)

    row = lambda v: v.reshape(1, D)
    ids3 = mesh_idx.astype(jnp.int32).reshape(G, 1, R)
    hw = jnp.pad(jnp.concatenate([style_w, sem_w, func_w, aes_w], axis=1),
                 ((0, 0), (0, D - 14)))
    hb = jnp.pad(jnp.concatenate([style_b, sem_b, func_b, aes_b]).reshape(1, 14),
                 ((0, 0), (0, D - 14)))

    x0, x1 = _mm2(verts, W0_0, row(b0_0), W1_0, row(b1_0))
    p = _sc_edge_scatter(x1, dst, src).reshape(2, NP, D)
    x0, x1 = _combine_bn_mm2(x0, p, row(gamma0), row(beta0),
                             W0_1, row(b0_1), W1_1, row(b1_1))
    p = _sc_edge_scatter(x1, dst, src).reshape(2, NP, D)
    out = _combine_bn_pool_heads(x0, p, row(gamma1), row(beta1), ids3,
                                 fc1_w, row(fc1_b), hw, hb)
    return (out[:, 0:3], out[:, 3:5], out[:, 5:9], out[:, 9:14])

# --- scband reference (transcript-rebuilt; emitter-appended) ---
"""Pipeline reference for scband-graph-conv-clf-67327907332508 (READ-ONLY COPY).

The authoritative reference and input builder live on the scoring server;
editing this copy changes nothing except your own understanding.
"""

import jax, jax.numpy as jnp
import numpy as np

N = 10000
E = 320000
D = 128
HID = [128, 128]
M = 32


def _lin_init(k, din, dout):
    kw, kb = jax.random.split(k)
    w = jax.random.normal(kw, (din, dout), jnp.float32) * 0.01
    b = jnp.zeros((dout,), jnp.float32)
    return w, b


def setup_inputs(seed: int = 0) -> dict:
    key = jax.random.key(seed)
    ks = jax.random.split(key, 16)
    inp = {}
    inp['verts'] = jax.random.normal(ks[0], (N, D), jnp.float32)
    inp['edges'] = jax.random.randint(ks[1], (E, 2), 0, N)
    inp['mesh_idx'] = jnp.sort(jax.random.randint(ks[2], (N,), 0, M))
    dims = [D] + HID
    for i in range(2):
        w0, b0 = _lin_init(ks[3 + i], dims[i], dims[i + 1])
        w1, b1 = _lin_init(ks[5 + i], dims[i], dims[i + 1])
        inp['W0_%d' % i] = w0
        inp['b0_%d' % i] = b0
        inp['W1_%d' % i] = w1
        inp['b1_%d' % i] = b1
        inp['gamma%d' % i] = jnp.ones((dims[i + 1],), jnp.float32)
        inp['beta%d' % i] = jnp.zeros((dims[i + 1],), jnp.float32)
    inp['fc1_w'], inp['fc1_b'] = _lin_init(ks[7], HID[-1], 128)
    inp['style_w'], inp['style_b'] = _lin_init(ks[8], 128, 3)
    inp['sem_w'], inp['sem_b'] = _lin_init(ks[9], 128, 2)
    inp['func_w'], inp['func_b'] = _lin_init(ks[10], 128, 4)
    inp['aes_w'], inp['aes_b'] = _lin_init(ks[11], 128, 5)
    return inp


def _gconv(x, edges, W0, b0, W1, b1):
    # pytorch3d GraphConv, directed=False: w0(x) + gather_scatter(w1(x), edges)
    x0 = x @ W0 + b0
    x1 = x @ W1 + b1
    agg = jnp.zeros_like(x0)
    agg = agg.at[edges[:, 0]].add(x1[edges[:, 1]])
    agg = agg.at[edges[:, 1]].add(x1[edges[:, 0]])
    return x0 + agg


def _bn(x, g, b):
    # BatchNorm1d, training-mode batch statistics
    mu = jnp.mean(x, axis=0)
    var = jnp.var(x, axis=0)
    return (x - mu) / jnp.sqrt(var + 1e-5) * g + b


def reference(verts, edges, mesh_idx, W0_0, b0_0, W1_0, b1_0, gamma0, beta0,
              W0_1, b0_1, W1_1, b1_1, gamma1, beta1, fc1_w, fc1_b,
              style_w, style_b, sem_w, sem_b, func_w, func_b, aes_w, aes_b):
    x = verts
    layers = [(W0_0, b0_0, W1_0, b1_0, gamma0, beta0),
              (W0_1, b0_1, W1_1, b1_1, gamma1, beta1)]
    for (w0, b0, w1, b1, g, be) in layers:
        x = _gconv(x, edges, w0, b0, w1, b1)
        x = jax.nn.relu(_bn(x, g, be))
    # per-mesh mean pooling over packed vertices
    counts = jnp.clip(jnp.bincount(mesh_idx, length=M), 1)
    sums = jax.ops.segment_sum(x, mesh_idx, num_segments=M)
    out = sums / counts[:, None].astype(x.dtype)
    out = jax.nn.relu(out @ fc1_w + fc1_b)
    out_style = out @ style_w + style_b
    out_sem = out @ sem_w + sem_b
    out_func = out @ func_w + func_b
    out_aes = out @ aes_w + aes_b
    return (out_style, out_sem, out_func, out_aes)

if __name__ == "__main__":
    import jax
    _d = setup_inputs()
    print(jax.jit(kernel)(*tuple(_d.values())))

</pallas_src>

<mosaic_0001>
#map = affine_map<(d0, d1) -> (0, 0)>
module attributes {stable_mosaic.version = 14 : i64} {
  func.func @body(%arg0: i32, %arg1: i32, %arg2: memref<10000x128xf32, #tpu.memory_space<hbm>>, %arg3: memref<10240x64xi32, #tpu.memory_space<hbm>>, %arg4: memref<10240x64xi32, #tpu.memory_space<hbm>>, %arg5: memref<20480x128xf32, #tpu.memory_space<hbm>>, %arg6: memref<64xi32, #tpu.memory_space<vmem>>, %arg7: memref<64xi32, #tpu.memory_space<vmem>>, %arg8: memref<64xi32, #tpu.memory_space<vmem>>, %arg9: memref<64xi32, #tpu.memory_space<vmem>>, %arg10: memref<64xi32, #tpu.memory_space<vmem>>, %arg11: memref<64xi32, #tpu.memory_space<vmem>>, %arg12: memref<64xi32, #tpu.memory_space<vmem>>, %arg13: memref<64xi32, #tpu.memory_space<vmem>>, %arg14: memref<64xi32, #tpu.memory_space<vmem>>, %arg15: memref<64xi32, #tpu.memory_space<vmem>>, %arg16: memref<64xi32, #tpu.memory_space<vmem>>, %arg17: memref<64xi32, #tpu.memory_space<vmem>>, %arg18: memref<64xi32, #tpu.memory_space<vmem>>, %arg19: memref<64xi32, #tpu.memory_space<vmem>>, %arg20: memref<64xi32, #tpu.memory_space<vmem>>, %arg21: memref<64xi32, #tpu.memory_space<vmem>>, %arg22: memref<64xi32, #tpu.memory_space<vmem>>, %arg23: memref<64xi32, #tpu.memory_space<vmem>>, %arg24: memref<64xi32, #tpu.memory_space<vmem>>, %arg25: memref<64xi32, #tpu.memory_space<vmem>>, %arg26: memref<64x128xf32, #tpu.memory_space<vmem>>, %arg27: memref<64x128xf32, #tpu.memory_space<vmem>>, %arg28: memref<64x128xf32, #tpu.memory_space<vmem>>, %arg29: memref<64x128xf32, #tpu.memory_space<vmem>>, %arg30: memref<64x128xf32, #tpu.memory_space<vmem>>, %arg31: memref<10240x128xf32, #tpu.memory_space<vmem_shared>>, %arg32: memref<!tpu.dma_semaphore, #tpu.memory_space<semaphore_mem>>, %arg33: memref<!tpu.dma_semaphore, #tpu.memory_space<semaphore_mem>>, %arg34: memref<!tpu.dma_semaphore, #tpu.memory_space<semaphore_mem>>, %arg35: memref<!tpu.dma_semaphore, #tpu.memory_space<semaphore_mem>>, %arg36: memref<!tpu.dma_semaphore, #tpu.memory_space<semaphore_mem>>, %arg37: memref<!tpu.dma_semaphore, #tpu.memory_space<semaphore_mem>>, %arg38: memref<!tpu.dma_semaphore, #tpu.memory_space<semaphore_mem>>, %arg39: memref<!tpu.dma_semaphore, #tpu.memory_space<semaphore_mem>>, %arg40: memref<!tpu.dma_semaphore, #tpu.memory_space<semaphore_mem>>, %arg41: memref<!tpu.dma_semaphore, #tpu.memory_space<semaphore_mem>>, %arg42: memref<!tpu.dma_semaphore, #tpu.memory_space<semaphore_mem>>, %arg43: memref<!tpu.dma_semaphore, #tpu.memory_space<semaphore_mem>>, %arg44: memref<!tpu.dma_semaphore, #tpu.memory_space<semaphore_mem>>, %arg45: memref<!tpu.dma_semaphore, #tpu.memory_space<semaphore_mem>>, %arg46: memref<!tpu.dma_semaphore, #tpu.memory_space<semaphore_mem>>, %arg47: memref<!tpu.dma_semaphore, #tpu.memory_space<semaphore_mem>>, %arg48: memref<!tpu.dma_semaphore, #tpu.memory_space<semaphore_mem>>, %arg49: memref<!tpu.dma_semaphore, #tpu.memory_space<semaphore_mem>>, %arg50: memref<!tpu.dma_semaphore, #tpu.memory_space<semaphore_mem>>, %arg51: memref<!tpu.dma_semaphore, #tpu.memory_space<semaphore_mem>>, %arg52: memref<!tpu.dma_semaphore, #tpu.memory_space<semaphore_mem>>) attributes {dimension_semantics = [#tpu.dimension_semantics<core_parallel>, #tpu.dimension_semantics<subcore_parallel>], iteration_bounds = array<i64: 2, 16>, scalar_prefetch = 0 : i64, scratch_operands = 47 : i64, tpu.core_type = #tpu.core_type<sc_vector_subcore>, window_params = [{transform_indices = #map}, {transform_indices = #map}, {transform_indices = #map}, {transform_indices = #map}]} {
    %mul3A = arith.constant 2 : i32
    %mul3A_0 = arith.muli %arg1, %mul3A : i32
    %add3A = arith.addi %mul3A_0, %arg0 : i32
    %mul3A_1 = arith.constant 320 : i32
    %mul3A_2 = arith.muli %add3A, %mul3A_1 : i32
    %add3A_3 = arith.constant 0 : i32
    %add3A_4 = arith.addi %mul3A_2, %add3A_3 : i32
    %dma_start3A = arith.constant 0 : i32
    %dma_start3A_5 = tpu.memref_slice %arg3[%add3A_4, %dma_start3A] : memref<10240x64xi32, #tpu.memory_space<hbm>> -> memref<1x64xi32, #tpu.memory_space<hbm>>
    %dma_start3A_6 = tpu.memref_squeeze %dma_start3A_5 : memref<1x64xi32, #tpu.memory_space<hbm>> -> memref<64xi32, #tpu.memory_space<hbm>>
    %dma_start3A_7 = arith.constant 0 : i32
    %dma_start3A_8 = tpu.memref_slice %arg3[%add3A_4, %dma_start3A_7] : memref<10240x64xi32, #tpu.memory_space<hbm>> -> memref<1x64xi32, #tpu.memory_space<hbm>>
    %dma_start3A_9 = tpu.memref_squeeze %dma_start3A_8 : memref<1x64xi32, #tpu.memory_space<hbm>> -> memref<64xi32, #tpu.memory_space<hbm>>
    tpu.enqueue_dma source(%dma_start3A_9 : memref<64xi32, #tpu.memory_space<hbm>>) target(%arg6 : memref<64xi32, #tpu.memory_space<vmem>>) target_semaphore(%arg32 : memref<!tpu.dma_semaphore, #tpu.memory_space<semaphore_mem>>)
    %add3A_10 = arith.constant 0 : i32
    %add3A_11 = arith.addi %mul3A_2, %add3A_10 : i32
    %dma_start3A_12 = arith.constant 0 : i32
    %dma_start3A_13 = tpu.memref_slice %arg4[%add3A_11, %dma_start3A_12] : memref<10240x64xi32, #tpu.memory_space<hbm>> -> memref<1x64xi32, #tpu.memory_space<hbm>>
    %dma_start3A_14 = tpu.memref_squeeze %dma_start3A_13 : memref<1x64xi32, #tpu.memory_space<hbm>> -> memref<64xi32, #tpu.memory_space<hbm>>
    %dma_start3A_15 = arith.constant 0 : i32
    %dma_start3A_16 = tpu.memref_slice %arg4[%add3A_11, %dma_start3A_15] : memref<10240x64xi32, #tpu.memory_space<hbm>> -> memref<1x64xi32, #tpu.memory_space<hbm>>
    %dma_start3A_17 = tpu.memref_squeeze %dma_start3A_16 : memref<1x64xi32, #tpu.memory_space<hbm>> -> memref<64xi32, #tpu.memory_space<hbm>>
    tpu.enqueue_dma source(%dma_start3A_17 : memref<64xi32, #tpu.memory_space<hbm>>) target(%arg16 : memref<64xi32, #tpu.memory_space<vmem>>) target_semaphore(%arg32 : memref<!tpu.dma_semaphore, #tpu.memory_space<semaphore_mem>>)
    %add3A_18 = arith.constant 1 : i32
    %add3A_19 = arith.addi %mul3A_2, %add3A_18 : i32
    %dma_start3A_20 = arith.constant 0 : i32
    %dma_start3A_21 = tpu.memref_slice %arg3[%add3A_19, %dma_start3A_20] : memref<10240x64xi32, #tpu.memory_space<hbm>> -> memref<1x64xi32, #tpu.memory_space<hbm>>
    %dma_start3A_22 = tpu.memref_squeeze %dma_start3A_21 : memref<1x64xi32, #tpu.memory_space<hbm>> -> memref<64xi32, #tpu.memory_space<hbm>>
    %dma_start3A_23 = arith.constant 0 : i32
    %dma_start3A_24 = tpu.memref_slice %arg3[%add3A_19, %dma_start3A_23] : memref<10240x64xi32, #tpu.memory_space<hbm>> -> memref<1x64xi32, #tpu.memory_space<hbm>>
    %dma_start3A_25 = tpu.memref_squeeze %dma_start3A_24 : memref<1x64xi32, #tpu.memory_space<hbm>> -> memref<64xi32, #tpu.memory_space<hbm>>
    tpu.enqueue_dma source(%dma_start3A_25 : memref<64xi32, #tpu.memory_space<hbm>>) target(%arg7 : memref<64xi32, #tpu.memory_space<vmem>>) target_semaphore(%arg33 : memref<!tpu.dma_semaphore, #tpu.memory_space<semaphore_mem>>)
    %add3A_26 = arith.constant 1 : i32
    %add3A_27 = arith.addi %mul3A_2, %add3A_26 : i32
    %dma_start3A_28 = arith.constant 0 : i32
    %dma_start3A_29 = tpu.memref_slice %arg4[%add3A_27, %dma_start3A_28] : memref<10240x64xi32, #tpu.memory_space<hbm>> -> memref<1x64xi32, #tpu.memory_space<hbm>>
    %dma_start3A_30 = tpu.memref_squeeze %dma_start3A_29 : memref<1x64xi32, #tpu.memory_space<hbm>> -> memref<64xi32, #tpu.memory_space<hbm>>
    %dma_start3A_31 = arith.constant 0 : i32
    %dma_start3A_32 = tpu.memref_slice %arg4[%add3A_27, %dma_start3A_31] : memref<10240x64xi32, #tpu.memory_space<hbm>> -> memref<1x64xi32, #tpu.memory_space<hbm>>
    %dma_start3A_33 = tpu.memref_squeeze %dma_start3A_32 : memref<1x64xi32, #tpu.memory_space<hbm>> -> memref<64xi32, #tpu.memory_space<hbm>>
    tpu.enqueue_dma source(%dma_start3A_33 : memref<64xi32, #tpu.memory_space<hbm>>) target(%arg17 : memref<64xi32, #tpu.memory_space<vmem>>) target_semaphore(%arg33 : memref<!tpu.dma_semaphore, #tpu.memory_space<semaphore_mem>>)
    %add3A_34 = arith.constant 2 : i32
    %add3A_35 = arith.addi %mul3A_2, %add3A_34 : i32
    %dma_start3A_36 = arith.constant 0 : i32
    %dma_start3A_37 = tpu.memref_slice %arg3[%add3A_35, %dma_start3A_36] : memref<10240x64xi32, #tpu.memory_space<hbm>> -> memref<1x64xi32, #tpu.memory_space<hbm>>
    %dma_start3A_38 = tpu.memref_squeeze %dma_start3A_37 : memref<1x64xi32, #tpu.memory_space<hbm>> -> memref<64xi32, #tpu.memory_space<hbm>>
    %dma_start3A_39 = arith.constant 0 : i32
    %dma_start3A_40 = tpu.memref_slice %arg3[%add3A_35, %dma_start3A_39] : memref<10240x64xi32, #tpu.memory_space<hbm>> -> memref<1x64xi32, #tpu.memory_space<hbm>>
    %dma_start3A_41 = tpu.memref_squeeze %dma_start3A_40 : memref<1x64xi32, #tpu.memory_space<hbm>> -> memref<64xi32, #tpu.memory_space<hbm>>
    tpu.enqueue_dma source(%dma_start3A_41 : memref<64xi32, #tpu.memory_space<hbm>>) target(%arg8 : memref<64xi32, #tpu.memory_space<vmem>>) target_semaphore(%arg34 : memref<!tpu.dma_semaphore, #tpu.memory_space<semaphore_mem>>)
    %add3A_42 = arith.constant 2 : i32
    %add3A_43 = arith.addi %mul3A_2, %add3A_42 : i32
    %dma_start3A_44 = arith.constant 0 : i32
    %dma_start3A_45 = tpu.memref_slice %arg4[%add3A_43, %dma_start3A_44] : memref<10240x64xi32, #tpu.memory_space<hbm>> -> memref<1x64xi32, #tpu.memory_space<hbm>>
    %dma_start3A_46 = tpu.memref_squeeze %dma_start3A_45 : memref<1x64xi32, #tpu.memory_space<hbm>> -> memref<64xi32, #tpu.memory_space<hbm>>
    %dma_start3A_47 = arith.constant 0 : i32
    %dma_start3A_48 = tpu.memref_slice %arg4[%add3A_43, %dma_start3A_47] : memref<10240x64xi32, #tpu.memory_space<hbm>> -> memref<1x64xi32, #tpu.memory_space<hbm>>
    %dma_start3A_49 = tpu.memref_squeeze %dma_start3A_48 : memref<1x64xi32, #tpu.memory_space<hbm>> -> memref<64xi32, #tpu.memory_space<hbm>>
    tpu.enqueue_dma source(%dma_start3A_49 : memref<64xi32, #tpu.memory_space<hbm>>) target(%arg18 : memref<64xi32, #tpu.memory_space<vmem>>) target_semaphore(%arg34 : memref<!tpu.dma_semaphore, #tpu.memory_space<semaphore_mem>>)
    %add3A_50 = arith.constant 3 : i32
    %add3A_51 = arith.addi %mul3A_2, %add3A_50 : i32
    %dma_start3A_52 = arith.constant 0 : i32
    %dma_start3A_53 = tpu.memref_slice %arg3[%add3A_51, %dma_start3A_52] : memref<10240x64xi32, #tpu.memory_space<hbm>> -> memref<1x64xi32, #tpu.memory_space<hbm>>
    %dma_start3A_54 = tpu.memref_squeeze %dma_start3A_53 : memref<1x64xi32, #tpu.memory_space<hbm>> -> memref<64xi32, #tpu.memory_space<hbm>>
    %dma_start3A_55 = arith.constant 0 : i32
    %dma_start3A_56 = tpu.memref_slice %arg3[%add3A_51, %dma_start3A_55] : memref<10240x64xi32, #tpu.memory_space<hbm>> -> memref<1x64xi32, #tpu.memory_space<hbm>>
    %dma_start3A_57 = tpu.memref_squeeze %dma_start3A_56 : memref<1x64xi32, #tpu.memory_space<hbm>> -> memref<64xi32, #tpu.memory_space<hbm>>
    tpu.enqueue_dma source(%dma_start3A_57 : memref<64xi32, #tpu.memory_space<hbm>>) target(%arg9 : memref<64xi32, #tpu.memory_space<vmem>>) target_semaphore(%arg35 : memref<!tpu.dma_semaphore, #tpu.memory_space<semaphore_mem>>)
    %add3A_58 = arith.constant 3 : i32
    %add3A_59 = arith.addi %mul3A_2, %add3A_58 : i32
    %dma_start3A_60 = arith.constant 0 : i32
    %dma_start3A_61 = tpu.memref_slice %arg4[%add3A_59, %dma_start3A_60] : memref<10240x64xi32, #tpu.memory_space<hbm>> -> memref<1x64xi32, #tpu.memory_space<hbm>>
    %dma_start3A_62 = tpu.memref_squeeze %dma_start3A_61 : memref<1x64xi32, #tpu.memory_space<hbm>> -> memref<64xi32, #tpu.memory_space<hbm>>
    %dma_start3A_63 = arith.constant 0 : i32
    %dma_start3A_64 = tpu.memref_slice %arg4[%add3A_59, %dma_start3A_63] : memref<10240x64xi32, #tpu.memory_space<hbm>> -> memref<1x64xi32, #tpu.memory_space<hbm>>
    %dma_start3A_65 = tpu.memref_squeeze %dma_start3A_64 : memref<1x64xi32, #tpu.memory_space<hbm>> -> memref<64xi32, #tpu.memory_space<hbm>>
    tpu.enqueue_dma source(%dma_start3A_65 : memref<64xi32, #tpu.memory_space<hbm>>) target(%arg19 : memref<64xi32, #tpu.memory_space<vmem>>) target_semaphore(%arg35 : memref<!tpu.dma_semaphore, #tpu.memory_space<semaphore_mem>>)
    %add3A_66 = arith.constant 4 : i32
    %add3A_67 = arith.addi %mul3A_2, %add3A_66 : i32
    %dma_start3A_68 = arith.constant 0 : i32
    %dma_start3A_69 = tpu.memref_slice %arg3[%add3A_67, %dma_start3A_68] : memref<10240x64xi32, #tpu.memory_space<hbm>> -> memref<1x64xi32, #tpu.memory_space<hbm>>
    %dma_start3A_70 = tpu.memref_squeeze %dma_start3A_69 : memref<1x64xi32, #tpu.memory_space<hbm>> -> memref<64xi32, #tpu.memory_space<hbm>>
    %dma_start3A_71 = arith.constant 0 : i32
    %dma_start3A_72 = tpu.memref_slice %arg3[%add3A_67, %dma_start3A_71] : memref<10240x64xi32, #tpu.memory_space<hbm>> -> memref<1x64xi32, #tpu.memory_space<hbm>>
    %dma_start3A_73 = tpu.memref_squeeze %dma_start3A_72 : memref<1x64xi32, #tpu.memory_space<hbm>> -> memref<64xi32, #tpu.memory_space<hbm>>
    tpu.enqueue_dma source(%dma_start3A_73 : memref<64xi32, #tpu.memory_space<hbm>>) target(%arg10 : memref<64xi32, #tpu.memory_space<vmem>>) target_semaphore(%arg36 : memref<!tpu.dma_semaphore, #tpu.memory_space<semaphore_mem>>)
    %add3A_74 = arith.constant 4 : i32
    %add3A_75 = arith.addi %mul3A_2, %add3A_74 : i32
    %dma_start3A_76 = arith.constant 0 : i32
    %dma_start3A_77 = tpu.memref_slice %arg4[%add3A_75, %dma_start3A_76] : memref<10240x64xi32, #tpu.memory_space<hbm>> -> memref<1x64xi32, #tpu.memory_space<hbm>>
    %dma_start3A_78 = tpu.memref_squeeze %dma_start3A_77 : memref<1x64xi32, #tpu.memory_space<hbm>> -> memref<64xi32, #tpu.memory_space<hbm>>
    %dma_start3A_79 = arith.constant 0 : i32
    %dma_start3A_80 = tpu.memref_slice %arg4[%add3A_75, %dma_start3A_79] : memref<10240x64xi32, #tpu.memory_space<hbm>> -> memref<1x64xi32, #tpu.memory_space<hbm>>
    %dma_start3A_81 = tpu.memref_squeeze %dma_start3A_80 : memref<1x64xi32, #tpu.memory_space<hbm>> -> memref<64xi32, #tpu.memory_space<hbm>>
    tpu.enqueue_dma source(%dma_start3A_81 : memref<64xi32, #tpu.memory_space<hbm>>) target(%arg20 : memref<64xi32, #tpu.memory_space<vmem>>) target_semaphore(%arg36 : memref<!tpu.dma_semaphore, #tpu.memory_space<semaphore_mem>>)
    %add3A_82 = arith.constant 5 : i32
    %add3A_83 = arith.addi %mul3A_2, %add3A_82 : i32
    %dma_start3A_84 = arith.constant 0 : i32
    %dma_start3A_85 = tpu.memref_slice %arg3[%add3A_83, %dma_start3A_84] : memref<10240x64xi32, #tpu.memory_space<hbm>> -> memref<1x64xi32, #tpu.memory_space<hbm>>
    %dma_start3A_86 = tpu.memref_squeeze %dma_start3A_85 : memref<1x64xi32, #tpu.memory_space<hbm>> -> memref<64xi32, #tpu.memory_space<hbm>>
    %dma_start3A_87 = arith.constant 0 : i32
    %dma_start3A_88 = tpu.memref_slice %arg3[%add3A_83, %dma_start3A_87] : memref<10240x64xi32, #tpu.memory_space<hbm>> -> memref<1x64xi32, #tpu.memory_space<hbm>>
    %dma_start3A_89 = tpu.memref_squeeze %dma_start3A_88 : memref<1x64xi32, #tpu.memory_space<hbm>> -> memref<64xi32, #tpu.memory_space<hbm>>
    tpu.enqueue_dma source(%dma_start3A_89 : memref<64xi32, #tpu.memory_space<hbm>>) target(%arg11 : memref<64xi32, #tpu.memory_space<vmem>>) target_semaphore(%arg37 : memref<!tpu.dma_semaphore, #tpu.memory_space<semaphore_mem>>)
    %add3A_90 = arith.constant 5 : i32
    %add3A_91 = arith.addi %mul3A_2, %add3A_90 : i32
    %dma_start3A_92 = arith.constant 0 : i32
    %dma_start3A_93 = tpu.memref_slice %arg4[%add3A_91, %dma_start3A_92] : memref<10240x64xi32, #tpu.memory_space<hbm>> -> memref<1x64xi32, #tpu.memory_space<hbm>>
    %dma_start3A_94 = tpu.memref_squeeze %dma_start3A_93 : memref<1x64xi32, #tpu.memory_space<hbm>> -> memref<64xi32, #tpu.memory_space<hbm>>
    %dma_start3A_95 = arith.constant 0 : i32
    %dma_start3A_96 = tpu.memref_slice %arg4[%add3A_91, %dma_start3A_95] : memref<10240x64xi32, #tpu.memory_space<hbm>> -> memref<1x64xi32, #tpu.memory_space<hbm>>
    %dma_start3A_97 = tpu.memref_squeeze %dma_start3A_96 : memref<1x64xi32, #tpu.memory_space<hbm>> -> memref<64xi32, #tpu.memory_space<hbm>>
    tpu.enqueue_dma source(%dma_start3A_97 : memref<64xi32, #tpu.memory_space<hbm>>) target(%arg21 : memref<64xi32, #tpu.memory_space<vmem>>) target_semaphore(%arg37 : memref<!tpu.dma_semaphore, #tpu.memory_space<semaphore_mem>>)
    %add3A_98 = arith.constant 6 : i32
    %add3A_99 = arith.addi %mul3A_2, %add3A_98 : i32
    %dma_start3A_100 = arith.constant 0 : i32
    %dma_start3A_101 = tpu.memref_slice %arg3[%add3A_99, %dma_start3A_100] : memref<10240x64xi32, #tpu.memory_space<hbm>> -> memref<1x64xi32, #tpu.memory_space<hbm>>
    %dma_start3A_102 = tpu.memref_squeeze %dma_start3A_101 : memref<1x64xi32, #tpu.memory_space<hbm>> -> memref<64xi32, #tpu.memory_space<hbm>>
    %dma_start3A_103 = arith.constant 0 : i32
    %dma_start3A_104 = tpu.memref_slice %arg3[%add3A_99, %dma_start3A_103] : memref<10240x64xi32, #tpu.memory_space<hbm>> -> memref<1x64xi32, #tpu.memory_space<hbm>>
    %dma_start3A_105 = tpu.memref_squeeze %dma_start3A_104 : memref<1x64xi32, #tpu.memory_space<hbm>> -> memref<64xi32, #tpu.memory_space<hbm>>
    tpu.enqueue_dma source(%dma_start3A_105 : memref<64xi32, #tpu.memory_space<hbm>>) target(%arg12 : memref<64xi32, #tpu.memory_space<vmem>>) target_semaphore(%arg38 : memref<!tpu.dma_semaphore, #tpu.memory_space<semaphore_mem>>)
    %add3A_106 = arith.constant 6 : i32
    %add3A_107 = arith.addi %mul3A_2, %add3A_106 : i32
    %dma_start3A_108 = arith.constant 0 : i32
    %dma_start3A_109 = tpu.memref_slice %arg4[%add3A_107, %dma_start3A_108] : memref<10240x64xi32, #tpu.memory_space<hbm>> -> memref<1x64xi32, #tpu.memory_space<hbm>>
    %dma_start3A_110 = tpu.memref_squeeze %dma_start3A_109 : memref<1x64xi32, #tpu.memory_space<hbm>> -> memref<64xi32, #tpu.memory_space<hbm>>
    %dma_start3A_111 = arith.constant 0 : i32
    %dma_start3A_112 = tpu.memref_slice %arg4[%add3A_107, %dma_start3A_111] : memref<10240x64xi32, #tpu.memory_space<hbm>> -> memref<1x64xi32, #tpu.memory_space<hbm>>
    %dma_start3A_113 = tpu.memref_squeeze %dma_start3A_112 : memref<1x64xi32, #tpu.memory_space<hbm>> -> memref<64xi32, #tpu.memory_space<hbm>>
    tpu.enqueue_dma source(%dma_start3A_113 : memref<64xi32, #tpu.memory_space<hbm>>) target(%arg22 : memref<64xi32, #tpu.memory_space<vmem>>) target_semaphore(%arg38 : memref<!tpu.dma_semaphore, #tpu.memory_space<semaphore_mem>>)
    %add3A_114 = arith.constant 7 : i32
    %add3A_115 = arith.addi %mul3A_2, %add3A_114 : i32
    %dma_start3A_116 = arith.constant 0 : i32
    %dma_start3A_117 = tpu.memref_slice %arg3[%add3A_115, %dma_start3A_116] : memref<10240x64xi32, #tpu.memory_space<hbm>> -> memref<1x64xi32, #tpu.memory_space<hbm>>
    %dma_start3A_118 = tpu.memref_squeeze %dma_start3A_117 : memref<1x64xi32, #tpu.memory_space<hbm>> -> memref<64xi32, #tpu.memory_space<hbm>>
    %dma_start3A_119 = arith.constant 0 : i32
    %dma_start3A_120 = tpu.memref_slice %arg3[%add3A_115, %dma_start3A_119] : memref<10240x64xi32, #tpu.memory_space<hbm>> -> memref<1x64xi32, #tpu.memory_space<hbm>>
    %dma_start3A_121 = tpu.memref_squeeze %dma_start3A_120 : memref<1x64xi32, #tpu.memory_space<hbm>> -> memref<64xi32, #tpu.memory_space<hbm>>
    tpu.enqueue_dma source(%dma_start3A_121 : memref<64xi32, #tpu.memory_space<hbm>>) target(%arg13 : memref<64xi32, #tpu.memory_space<vmem>>) target_semaphore(%arg39 : memref<!tpu.dma_semaphore, #tpu.memory_space<semaphore_mem>>)
    %add3A_122 = arith.constant 7 : i32
    %add3A_123 = arith.addi %mul3A_2, %add3A_122 : i32
    %dma_start3A_124 = arith.constant 0 : i32
    %dma_start3A_125 = tpu.memref_slice %arg4[%add3A_123, %dma_start3A_124] : memref<10240x64xi32, #tpu.memory_space<hbm>> -> memref<1x64xi32, #tpu.memory_space<hbm>>
    %dma_start3A_126 = tpu.memref_squeeze %dma_start3A_125 : memref<1x64xi32, #tpu.memory_space<hbm>> -> memref<64xi32, #tpu.memory_space<hbm>>
    %dma_start3A_127 = arith.constant 0 : i32
    %dma_start3A_128 = tpu.memref_slice %arg4[%add3A_123, %dma_start3A_127] : memref<10240x64xi32, #tpu.memory_space<hbm>> -> memref<1x64xi32, #tpu.memory_space<hbm>>
    %dma_start3A_129 = tpu.memref_squeeze %dma_start3A_128 : memref<1x64xi32, #tpu.memory_space<hbm>> -> memref<64xi32, #tpu.memory_space<hbm>>
    tpu.enqueue_dma source(%dma_start3A_129 : memref<64xi32, #tpu.memory_space<hbm>>) target(%arg23 : memref<64xi32, #tpu.memory_space<vmem>>) target_semaphore(%arg39 : memref<!tpu.dma_semaphore, #tpu.memory_space<semaphore_mem>>)
    %add3A_130 = arith.constant 8 : i32
    %add3A_131 = arith.addi %mul3A_2, %add3A_130 : i32
    %dma_start3A_132 = arith.constant 0 : i32
    %dma_start3A_133 = tpu.memref_slice %arg3[%add3A_131, %dma_start3A_132] : memref<10240x64xi32, #tpu.memory_space<hbm>> -> memref<1x64xi32, #tpu.memory_space<hbm>>
    %dma_start3A_134 = tpu.memref_squeeze %dma_start3A_133 : memref<1x64xi32, #tpu.memory_space<hbm>> -> memref<64xi32, #tpu.memory_space<hbm>>
    %dma_start3A_135 = arith.constant 0 : i32
    %dma_start3A_136 = tpu.memref_slice %arg3[%add3A_131, %dma_start3A_135] : memref<10240x64xi32, #tpu.memory_space<hbm>> -> memref<1x64xi32, #tpu.memory_space<hbm>>
    %dma_start3A_137 = tpu.memref_squeeze %dma_start3A_136 : memref<1x64xi32, #tpu.memory_space<hbm>> -> memref<64xi32, #tpu.memory_space<hbm>>
    tpu.enqueue_dma source(%dma_start3A_137 : memref<64xi32, #tpu.memory_space<hbm>>) target(%arg14 : memref<64xi32, #tpu.memory_space<vmem>>) target_semaphore(%arg40 : memref<!tpu.dma_semaphore, #tpu.memory_space<semaphore_mem>>)
    %add3A_138 = arith.constant 8 : i32
    %add3A_139 = arith.addi %mul3A_2, %add3A_138 : i32
    %dma_start3A_140 = arith.constant 0 : i32
    %dma_start3A_141 = tpu.memref_slice %arg4[%add3A_139, %dma_start3A_140] : memref<10240x64xi32, #tpu.memory_space<hbm>> -> memref<1x64xi32, #tpu.memory_space<hbm>>
    %dma_start3A_142 = tpu.memref_squeeze %dma_start3A_141 : memref<1x64xi32, #tpu.memory_space<hbm>> -> memref<64xi32, #tpu.memory_space<hbm>>
    %dma_start3A_143 = arith.constant 0 : i32
    %dma_start3A_144 = tpu.memref_slice %arg4[%add3A_139, %dma_start3A_143] : memref<10240x64xi32, #tpu.memory_space<hbm>> -> memref<1x64xi32, #tpu.memory_space<hbm>>
    %dma_start3A_145 = tpu.memref_squeeze %dma_start3A_144 : memref<1x64xi32, #tpu.memory_space<hbm>> -> memref<64xi32, #tpu.memory_space<hbm>>
    tpu.enqueue_dma source(%dma_start3A_145 : memref<64xi32, #tpu.memory_space<hbm>>) target(%arg24 : memref<64xi32, #tpu.memory_space<vmem>>) target_semaphore(%arg40 : memref<!tpu.dma_semaphore, #tpu.memory_space<semaphore_mem>>)
    %add3A_146 = arith.constant 9 : i32
    %add3A_147 = arith.addi %mul3A_2, %add3A_146 : i32
    %dma_start3A_148 = arith.constant 0 : i32
    %dma_start3A_149 = tpu.memref_slice %arg3[%add3A_147, %dma_start3A_148] : memref<10240x64xi32, #tpu.memory_space<hbm>> -> memref<1x64xi32, #tpu.memory_space<hbm>>
    %dma_start3A_150 = tpu.memref_squeeze %dma_start3A_149 : memref<1x64xi32, #tpu.memory_space<hbm>> -> memref<64xi32, #tpu.memory_space<hbm>>
    %dma_start3A_151 = arith.constant 0 : i32
    %dma_start3A_152 = tpu.memref_slice %arg3[%add3A_147, %dma_start3A_151] : memref<10240x64xi32, #tpu.memory_space<hbm>> -> memref<1x64xi32, #tpu.memory_space<hbm>>
    %dma_start3A_153 = tpu.memref_squeeze %dma_start3A_152 : memref<1x64xi32, #tpu.memory_space<hbm>> -> memref<64xi32, #tpu.memory_space<hbm>>
    tpu.enqueue_dma source(%dma_start3A_153 : memref<64xi32, #tpu.memory_space<hbm>>) target(%arg15 : memref<64xi32, #tpu.memory_space<vmem>>) target_semaphore(%arg41 : memref<!tpu.dma_semaphore, #tpu.memory_space<semaphore_mem>>)
    %add3A_154 = arith.constant 9 : i32
    %add3A_155 = arith.addi %mul3A_2, %add3A_154 : i32
    %dma_start3A_156 = arith.constant 0 : i32
    %dma_start3A_157 = tpu.memref_slice %arg4[%add3A_155, %dma_start3A_156] : memref<10240x64xi32, #tpu.memory_space<hbm>> -> memref<1x64xi32, #tpu.memory_space<hbm>>
    %dma_start3A_158 = tpu.memref_squeeze %dma_start3A_157 : memref<1x64xi32, #tpu.memory_space<hbm>> -> memref<64xi32, #tpu.memory_space<hbm>>
    %dma_start3A_159 = arith.constant 0 : i32
    %dma_start3A_160 = tpu.memref_slice %arg4[%add3A_155, %dma_start3A_159] : memref<10240x64xi32, #tpu.memory_space<hbm>> -> memref<1x64xi32, #tpu.memory_space<hbm>>
    %dma_start3A_161 = tpu.memref_squeeze %dma_start3A_160 : memref<1x64xi32, #tpu.memory_space<hbm>> -> memref<64xi32, #tpu.memory_space<hbm>>
    tpu.enqueue_dma source(%dma_start3A_161 : memref<64xi32, #tpu.memory_space<hbm>>) target(%arg25 : memref<64xi32, #tpu.memory_space<vmem>>) target_semaphore(%arg41 : memref<!tpu.dma_semaphore, #tpu.memory_space<semaphore_mem>>)
    %scan3A = arith.constant 0 : i32
    %scan3A_162 = arith.constant 0 : i32
    %scan3A_163 = arith.constant 64 : i32
    %scan3A_164 = arith.addi %scan3A_162, %scan3A_163 : i32
    %scan3A_165 = arith.constant 1 : i32
    scf.for %scan3A_419 = %scan3A_162 to %scan3A_164 step %scan3A_165  : i32 {
      %broadcast_in_dim3A = arith.constant 0.000000e+00 : f32
      %broadcast_in_dim3A_420 = vector.broadcast %broadcast_in_dim3A : f32 to vector<16xf32>
      %swap3A = arith.index_cast %scan3A_419 : i32 to index
      %swap3A_421 = arith.constant 0 : index
      %swap3A_422 = tpu.vector_load %arg26[%swap3A, %swap3A_421] {strides = array<i32>} : memref<64x128xf32, #tpu.memory_space<vmem>>, vector<1x16xf32>,
      %swap3A_423 = vector.shape_cast %swap3A_422 : vector<1x16xf32> to vector<16xf32>
      %swap3A_424 = vector.shape_cast %broadcast_in_dim3A_420 : vector<16xf32> to vector<1x16xf32>
      tpu.vector_store %arg26[%swap3A, %swap3A_421], %swap3A_424 {strides = array<i32>} : memref<64x128xf32, #tpu.memory_space<vmem>>, vector<1x16xf32>,
      %broadcast_in_dim3A_425 = arith.constant 0.000000e+00 : f32
      %broadcast_in_dim3A_426 = vector.broadcast %broadcast_in_dim3A_425 : f32 to vector<16xf32>
      %swap3A_427 = arith.index_cast %scan3A_419 : i32 to index
      %swap3A_428 = arith.constant 16 : index
      %swap3A_429 = tpu.vector_load %arg26[%swap3A_427, %swap3A_428] {strides = array<i32>} : memref<64x128xf32, #tpu.memory_space<vmem>>, vector<1x16xf32>,
      %swap3A_430 = vector.shape_cast %swap3A_429 : vector<1x16xf32> to vector<16xf32>
      %swap3A_431 = vector.shape_cast %broadcast_in_dim3A_426 : vector<16xf32> to vector<1x16xf32>
      tpu.vector_store %arg26[%swap3A_427, %swap3A_428], %swap3A_431 {strides = array<i32>} : memref<64x128xf32, #tpu.memory_space<vmem>>, vector<1x16xf32>,
      %broadcast_in_dim3A_432 = arith.constant 0.000000e+00 : f32
      %broadcast_in_dim3A_433 = vector.broadcast %broadcast_in_dim3A_432 : f32 to vector<16xf32>
      %swap3A_434 = arith.index_cast %scan3A_419 : i32 to index
      %swap3A_435 = arith.constant 32 : index
      %swap3A_436 = tpu.vector_load %arg26[%swap3A_434, %swap3A_435] {strides = array<i32>} : memref<64x128xf32, #tpu.memory_space<vmem>>, vector<1x16xf32>,
      %swap3A_437 = vector.shape_cast %swap3A_436 : vector<1x16xf32> to vector<16xf32>
      %swap3A_438 = vector.shape_cast %broadcast_in_dim3A_433 : vector<16xf32> to vector<1x16xf32>
      tpu.vector_store %arg26[%swap3A_434, %swap3A_435], %swap3A_438 {strides = array<i32>} : memref<64x128xf32, #tpu.memory_space<vmem>>, vector<1x16xf32>,
      %broadcast_in_dim3A_439 = arith.constant 0.000000e+00 : f32
      %broadcast_in_dim3A_440 = vector.broadcast %broadcast_in_dim3A_439 : f32 to vector<16xf32>
      %swap3A_441 = arith.index_cast %scan3A_419 : i32 to index
      %swap3A_442 = arith.constant 48 : index
      %swap3A_443 = tpu.vector_load %arg26[%swap3A_441, %swap3A_442] {strides = array<i32>} : memref<64x128xf32, #tpu.memory_space<vmem>>, vector<1x16xf32>,
      %swap3A_444 = vector.shape_cast %swap3A_443 : vector<1x16xf32> to vector<16xf32>
      %swap3A_445 = vector.shape_cast %broadcast_in_dim3A_440 : vector<16xf32> to vector<1x16xf32>
      tpu.vector_store %arg26[%swap3A_441, %swap3A_442], %swap3A_445 {strides = array<i32>} : memref<64x128xf32, #tpu.memory_space<vmem>>, vector<1x16xf32>,
      %broadcast_in_dim3A_446 = arith.constant 0.000000e+00 : f32
      %broadcast_in_dim3A_447 = vector.broadcast %broadcast_in_dim3A_446 : f32 to vector<16xf32>
      %swap3A_448 = arith.index_cast %scan3A_419 : i32 to index
      %swap3A_449 = arith.constant 64 : index
      %swap3A_450 = tpu.vector_load %arg26[%swap3A_448, %swap3A_449] {strides = array<i32>} : memref<64x128xf32, #tpu.memory_space<vmem>>, vector<1x16xf32>,
      %swap3A_451 = vector.shape_cast %swap3A_450 : vector<1x16xf32> to vector<16xf32>
      %swap3A_452 = vector.shape_cast %broadcast_in_dim3A_447 : vector<16xf32> to vector<1x16xf32>
      tpu.vector_store %arg26[%swap3A_448, %swap3A_449], %swap3A_452 {strides = array<i32>} : memref<64x128xf32, #tpu.memory_space<vmem>>, vector<1x16xf32>,
      %broadcast_in_dim3A_453 = arith.constant 0.000000e+00 : f32
      %broadcast_in_dim3A_454 = vector.broadcast %broadcast_in_dim3A_453 : f32 to vector<16xf32>
      %swap3A_455 = arith.index_cast %scan3A_419 : i32 to index
      %swap3A_456 = arith.constant 80 : index
      %swap3A_457 = tpu.vector_load %arg26[%swap3A_455, %swap3A_456] {strides = array<i32>} : memref<64x128xf32, #tpu.memory_space<vmem>>, vector<1x16xf32>,
      %swap3A_458 = vector.shape_cast %swap3A_457 : vector<1x16xf32> to vector<16xf32>
      %swap3A_459 = vector.shape_cast %broadcast_in_dim3A_454 : vector<16xf32> to vector<1x16xf32>
      tpu.vector_store %arg26[%swap3A_455, %swap3A_456], %swap3A_459 {strides = array<i32>} : memref<64x128xf32, #tpu.memory_space<vmem>>, vector<1x16xf32>,
      %broadcast_in_dim3A_460 = arith.constant 0.000000e+00 : f32
      %broadcast_in_dim3A_461 = vector.broadcast %broadcast_in_dim3A_460 : f32 to vector<16xf32>
      %swap3A_462 = arith.index_cast %scan3A_419 : i32 to index
      %swap3A_463 = arith.constant 96 : index
      %swap3A_464 = tpu.vector_load %arg26[%swap3A_462, %swap3A_463] {strides = array<i32>} : memref<64x128xf32, #tpu.memory_space<vmem>>, vector<1x16xf32>,
      %swap3A_465 = vector.shape_cast %swap3A_464 : vector<1x16xf32> to vector<16xf32>
      %swap3A_466 = vector.shape_cast %broadcast_in_dim3A_461 : vector<16xf32> to vector<1x16xf32>
      tpu.vector_store %arg26[%swap3A_462, %swap3A_463], %swap3A_466 {strides = array<i32>} : memref<64x128xf32, #tpu.memory_space<vmem>>, vector<1x16xf32>,
      %broadcast_in_dim3A_467 = arith.constant 0.000000e+00 : f32
      %broadcast_in_dim3A_468 = vector.broadcast %broadcast_in_dim3A_467 : f32 to vector<16xf32>
      %swap3A_469 = arith.index_cast %scan3A_419 : i32 to index
      %swap3A_470 = arith.constant 112 : index
      %swap3A_471 = tpu.vector_load %arg26[%swap3A_469, %swap3A_470] {strides = array<i32>} : memref<64x128xf32, #tpu.memory_space<vmem>>, vector<1x16xf32>,
      %swap3A_472 = vector.shape_cast %swap3A_471 : vector<1x16xf32> to vector<16xf32>
      %swap3A_473 = vector.shape_cast %broadcast_in_dim3A_468 : vector<16xf32> to vector<1x16xf32>
      tpu.vector_store %arg26[%swap3A_469, %swap3A_470], %swap3A_473 {strides = array<i32>} : memref<64x128xf32, #tpu.memory_space<vmem>>, vector<1x16xf32>,
    }
    %scan3A_166 = arith.constant 64 : i32
    %mul3A_167 = arith.constant 640 : i32
    %mul3A_168 = arith.muli %arg1, %mul3A_167 : i32
    %add3A_169 = arith.constant 0 : i32
    %add3A_170 = arith.addi %mul3A_168, %add3A_169 : i32
    %dma_start3A_171 = arith.constant 0 : i32
    %dma_start3A_172 = tpu.memref_slice %arg31[%add3A_170, %dma_start3A_171] : memref<10240x128xf32, #tpu.memory_space<vmem_shared>> -> memref<64x128xf32, #tpu.memory_space<vmem_shared>>
    %dma_start3A_173 = arith.constant 0 : i32
    %dma_start3A_174 = tpu.memref_slice %arg31[%add3A_170, %dma_start3A_173] : memref<10240x128xf32, #tpu.memory_space<vmem_shared>> -> memref<64x128xf32, #tpu.memory_space<vmem_shared>>
    tpu.enqueue_dma source(%arg26 : memref<64x128xf32, #tpu.memory_space<vmem>>) target(%dma_start3A_174 : memref<64x128xf32, #tpu.memory_space<vmem_shared>>) target_semaphore(%arg52 : memref<!tpu.dma_semaphore, #tpu.memory_space<semaphore_mem>>)
    %mul3A_175 = arith.constant 640 : i32
    %mul3A_176 = arith.muli %arg1, %mul3A_175 : i32
    %add3A_177 = arith.constant 64 : i32
    %add3A_178 = arith.addi %mul3A_176, %add3A_177 : i32
    %dma_start3A_179 = arith.constant 0 : i32
    %dma_start3A_180 = tpu.memref_slice %arg31[%add3A_178, %dma_start3A_179] : memref<10240x128xf32, #tpu.memory_space<vmem_shared>> -> memref<64x128xf32, #tpu.memory_space<vmem_shared>>
    %dma_start3A_181 = arith.constant 0 : i32
    %dma_start3A_182 = tpu.memref_slice %arg31[%add3A_178, %dma_start3A_181] : memref<10240x128xf32, #tpu.memory_space<vmem_shared>> -> memref<64x128xf32, #tpu.memory_space<vmem_shared>>
    tpu.enqueue_dma source(%arg26 : memref<64x128xf32, #tpu.memory_space<vmem>>) target(%dma_start3A_182 : memref<64x128xf32, #tpu.memory_space<vmem_shared>>) target_semaphore(%arg52 : memref<!tpu.dma_semaphore, #tpu.memory_space<semaphore_mem>>)
    %mul3A_183 = arith.constant 640 : i32
    %mul3A_184 = arith.muli %arg1, %mul3A_183 : i32
    %add3A_185 = arith.constant 128 : i32
    %add3A_186 = arith.addi %mul3A_184, %add3A_185 : i32
    %dma_start3A_187 = arith.constant 0 : i32
    %dma_start3A_188 = tpu.memref_slice %arg31[%add3A_186, %dma_start3A_187] : memref<10240x128xf32, #tpu.memory_space<vmem_shared>> -> memref<64x128xf32, #tpu.memory_space<vmem_shared>>
    %dma_start3A_189 = arith.constant 0 : i32
    %dma_start3A_190 = tpu.memref_slice %arg31[%add3A_186, %dma_start3A_189] : memref<10240x128xf32, #tpu.memory_space<vmem_shared>> -> memref<64x128xf32, #tpu.memory_space<vmem_shared>>
    tpu.enqueue_dma source(%arg26 : memref<64x128xf32, #tpu.memory_space<vmem>>) target(%dma_start3A_190 : memref<64x128xf32, #tpu.memory_space<vmem_shared>>) target_semaphore(%arg52 : memref<!tpu.dma_semaphore, #tpu.memory_space<semaphore_mem>>)
    %mul3A_191 = arith.constant 640 : i32
    %mul3A_192 = arith.muli %arg1, %mul3A_191 : i32
    %add3A_193 = arith.constant 192 : i32
    %add3A_194 = arith.addi %mul3A_192, %add3A_193 : i32
    %dma_start3A_195 = arith.constant 0 : i32
    %dma_start3A_196 = tpu.memref_slice %arg31[%add3A_194, %dma_start3A_195] : memref<10240x128xf32, #tpu.memory_space<vmem_shared>> -> memref<64x128xf32, #tpu.memory_space<vmem_shared>>
    %dma_start3A_197 = arith.constant 0 : i32
    %dma_start3A_198 = tpu.memref_slice %arg31[%add3A_194, %dma_start3A_197] : memref<10240x128xf32, #tpu.memory_space<vmem_shared>> -> memref<64x128xf32, #tpu.memory_space<vmem_shared>>
    tpu.enqueue_dma source(%arg26 : memref<64x128xf32, #tpu.memory_space<vmem>>) target(%dma_start3A_198 : memref<64x128xf32, #tpu.memory_space<vmem_shared>>) target_semaphore(%arg52 : memref<!tpu.dma_semaphore, #tpu.memory_space<semaphore_mem>>)
    %mul3A_199 = arith.constant 640 : i32
    %mul3A_200 = arith.muli %arg1, %mul3A_199 : i32
    %add3A_201 = arith.constant 256 : i32
    %add3A_202 = arith.addi %mul3A_200, %add3A_201 : i32
    %dma_start3A_203 = arith.constant 0 : i32
    %dma_start3A_204 = tpu.memref_slice %arg31[%add3A_202, %dma_start3A_203] : memref<10240x128xf32, #tpu.memory_space<vmem_shared>> -> memref<64x128xf32, #tpu.memory_space<vmem_shared>>
    %dma_start3A_205 = arith.constant 0 : i32
    %dma_start3A_206 = tpu.memref_slice %arg31[%add3A_202, %dma_start3A_205] : memref<10240x128xf32, #tpu.memory_space<vmem_shared>> -> memref<64x128xf32, #tpu.memory_space<vmem_shared>>
    tpu.enqueue_dma source(%arg26 : memref<64x128xf32, #tpu.memory_space<vmem>>) target(%dma_start3A_206 : memref<64x128xf32, #tpu.memory_space<vmem_shared>>) target_semaphore(%arg52 : memref<!tpu.dma_semaphore, #tpu.memory_space<semaphore_mem>>)
    %mul3A_207 = arith.constant 640 : i32
    %mul3A_208 = arith.muli %arg1, %mul3A_207 : i32
    %add3A_209 = arith.constant 320 : i32
    %add3A_210 = arith.addi %mul3A_208, %add3A_209 : i32
    %dma_start3A_211 = arith.constant 0 : i32
    %dma_start3A_212 = tpu.memref_slice %arg31[%add3A_210, %dma_start3A_211] : memref<10240x128xf32, #tpu.memory_space<vmem_shared>> -> memref<64x128xf32, #tpu.memory_space<vmem_shared>>
    %dma_start3A_213 = arith.constant 0 : i32
    %dma_start3A_214 = tpu.memref_slice %arg31[%add3A_210, %dma_start3A_213] : memref<10240x128xf32, #tpu.memory_space<vmem_shared>> -> memref<64x128xf32, #tpu.memory_space<vmem_shared>>
    tpu.enqueue_dma source(%arg26 : memref<64x128xf32, #tpu.memory_space<vmem>>) target(%dma_start3A_214 : memref<64x128xf32, #tpu.memory_space<vmem_shared>>) target_semaphore(%arg52 : memref<!tpu.dma_semaphore, #tpu.memory_space<semaphore_mem>>)
    %mul3A_215 = arith.constant 640 : i32
    %mul3A_216 = arith.muli %arg1, %mul3A_215 : i32
    %add3A_217 = arith.constant 384 : i32
    %add3A_218 = arith.addi %mul3A_216, %add3A_217 : i32
    %dma_start3A_219 = arith.constant 0 : i32
    %dma_start3A_220 = tpu.memref_slice %arg31[%add3A_218, %dma_start3A_219] : memref<10240x128xf32, #tpu.memory_space<vmem_shared>> -> memref<64x128xf32, #tpu.memory_space<vmem_shared>>
    %dma_start3A_221 = arith.constant 0 : i32
    %dma_start3A_222 = tpu.memref_slice %arg31[%add3A_218, %dma_start3A_221] : memref<10240x128xf32, #tpu.memory_space<vmem_shared>> -> memref<64x128xf32, #tpu.memory_space<vmem_shared>>
    tpu.enqueue_dma source(%arg26 : memref<64x128xf32, #tpu.memory_space<vmem>>) target(%dma_start3A_222 : memref<64x128xf32, #tpu.memory_space<vmem_shared>>) target_semaphore(%arg52 : memref<!tpu.dma_semaphore, #tpu.memory_space<semaphore_mem>>)
    %mul3A_223 = arith.constant 640 : i32
    %mul3A_224 = arith.muli %arg1, %mul3A_223 : i32
    %add3A_225 = arith.constant 448 : i32
    %add3A_226 = arith.addi %mul3A_224, %add3A_225 : i32
    %dma_start3A_227 = arith.constant 0 : i32
    %dma_start3A_228 = tpu.memref_slice %arg31[%add3A_226, %dma_start3A_227] : memref<10240x128xf32, #tpu.memory_space<vmem_shared>> -> memref<64x128xf32, #tpu.memory_space<vmem_shared>>
    %dma_start3A_229 = arith.constant 0 : i32
    %dma_start3A_230 = tpu.memref_slice %arg31[%add3A_226, %dma_start3A_229] : memref<10240x128xf32, #tpu.memory_space<vmem_shared>> -> memref<64x128xf32, #tpu.memory_space<vmem_shared>>
    tpu.enqueue_dma source(%arg26 : memref<64x128xf32, #tpu.memory_space<vmem>>) target(%dma_start3A_230 : memref<64x128xf32, #tpu.memory_space<vmem_shared>>) target_semaphore(%arg52 : memref<!tpu.dma_semaphore, #tpu.memory_space<semaphore_mem>>)
    %mul3A_231 = arith.constant 640 : i32
    %mul3A_232 = arith.muli %arg1, %mul3A_231 : i32
    %add3A_233 = arith.constant 512 : i32
    %add3A_234 = arith.addi %mul3A_232, %add3A_233 : i32
    %dma_start3A_235 = arith.constant 0 : i32
    %dma_start3A_236 = tpu.memref_slice %arg31[%add3A_234, %dma_start3A_235] : memref<10240x128xf32, #tpu.memory_space<vmem_shared>> -> memref<64x128xf32, #tpu.memory_space<vmem_shared>>
    %dma_start3A_237 = arith.constant 0 : i32
    %dma_start3A_238 = tpu.memref_slice %arg31[%add3A_234, %dma_start3A_237] : memref<10240x128xf32, #tpu.memory_space<vmem_shared>> -> memref<64x128xf32, #tpu.memory_space<vmem_shared>>
    tpu.enqueue_dma source(%arg26 : memref<64x128xf32, #tpu.memory_space<vmem>>) target(%dma_start3A_238 : memref<64x128xf32, #tpu.memory_space<vmem_shared>>) target_semaphore(%arg52 : memref<!tpu.dma_semaphore, #tpu.memory_space<semaphore_mem>>)
    %mul3A_239 = arith.constant 640 : i32
    %mul3A_240 = arith.muli %arg1, %mul3A_239 : i32
    %add3A_241 = arith.constant 576 : i32
    %add3A_242 = arith.addi %mul3A_240, %add3A_241 : i32
    %dma_start3A_243 = arith.constant 0 : i32
    %dma_start3A_244 = tpu.memref_slice %arg31[%add3A_242, %dma_start3A_243] : memref<10240x128xf32, #tpu.memory_space<vmem_shared>> -> memref<64x128xf32, #tpu.memory_space<vmem_shared>>
    %dma_start3A_245 = arith.constant 0 : i32
    %dma_start3A_246 = tpu.memref_slice %arg31[%add3A_242, %dma_start3A_245] : memref<10240x128xf32, #tpu.memory_space<vmem_shared>> -> memref<64x128xf32, #tpu.memory_space<vmem_shared>>
    tpu.enqueue_dma source(%arg26 : memref<64x128xf32, #tpu.memory_space<vmem>>) target(%dma_start3A_246 : memref<64x128xf32, #tpu.memory_space<vmem_shared>>) target_semaphore(%arg52 : memref<!tpu.dma_semaphore, #tpu.memory_space<semaphore_mem>>)
    %mul3A_247 = arith.constant 640 : i32
    %mul3A_248 = arith.muli %arg1, %mul3A_247 : i32
    %add3A_249 = arith.constant 0 : i32
    %add3A_250 = arith.addi %mul3A_248, %add3A_249 : i32
    %dma_wait3A = arith.constant 0 : i32
    %dma_wait3A_251 = tpu.memref_slice %arg31[%add3A_250, %dma_wait3A] : memref<10240x128xf32, #tpu.memory_space<vmem_shared>> -> memref<64x128xf32, #tpu.memory_space<vmem_shared>>
    %dma_wait3A_252 = arith.constant 0 : i32
    %dma_wait3A_253 = tpu.memref_slice %arg31[%add3A_250, %dma_wait3A_252] : memref<10240x128xf32, #tpu.memory_space<vmem_shared>> -> memref<64x128xf32, #tpu.memory_space<vmem_shared>>
    tpu.wait_dma2 semaphore(%arg52 : memref<!tpu.dma_semaphore, #tpu.memory_space<semaphore_mem>>) src(%arg26 : memref<64x128xf32, #tpu.memory_space<vmem>>) dst(%dma_wait3A_253 : memref<64x128xf32, #tpu.memory_space<vmem_shared>>)
    %mul3A_254 = arith.constant 640 : i32
    %mul3A_255 = arith.muli %arg1, %mul3A_254 : i32
    %add3A_256 = arith.constant 64 : i32
    %add3A_257 = arith.addi %mul3A_255, %add3A_256 : i32
    %dma_wait3A_258 = arith.constant 0 : i32
    %dma_wait3A_259 = tpu.memref_slice %arg31[%add3A_257, %dma_wait3A_258] : memref<10240x128xf32, #tpu.memory_space<vmem_shared>> -> memref<64x128xf32, #tpu.memory_space<vmem_shared>>
    %dma_wait3A_260 = arith.constant 0 : i32
    %dma_wait3A_261 = tpu.memref_slice %arg31[%add3A_257, %dma_wait3A_260] : memref<10240x128xf32, #tpu.memory_space<vmem_shared>> -> memref<64x128xf32, #tpu.memory_space<vmem_shared>>
    tpu.wait_dma2 semaphore(%arg52 : memref<!tpu.dma_semaphore, #tpu.memory_space<semaphore_mem>>) src(%arg26 : memref<64x128xf32, #tpu.memory_space<vmem>>) dst(%dma_wait3A_261 : memref<64x128xf32, #tpu.memory_space<vmem_shared>>)
    %mul3A_262 = arith.constant 640 : i32
    %mul3A_263 = arith.muli %arg1, %mul3A_262 : i32
    %add3A_264 = arith.constant 128 : i32
    %add3A_265 = arith.addi %mul3A_263, %add3A_264 : i32
    %dma_wait3A_266 = arith.constant 0 : i32
    %dma_wait3A_267 = tpu.memref_slice %arg31[%add3A_265, %dma_wait3A_266] : memref<10240x128xf32, #tpu.memory_space<vmem_shared>> -> memref<64x128xf32, #tpu.memory_space<vmem_shared>>
    %dma_wait3A_268 = arith.constant 0 : i32
    %dma_wait3A_269 = tpu.memref_slice %arg31[%add3A_265, %dma_wait3A_268] : memref<10240x128xf32, #tpu.memory_space<vmem_shared>> -> memref<64x128xf32, #tpu.memory_space<vmem_shared>>
    tpu.wait_dma2 semaphore(%arg52 : memref<!tpu.dma_semaphore, #tpu.memory_space<semaphore_mem>>) src(%arg26 : memref<64x128xf32, #tpu.memory_space<vmem>>) dst(%dma_wait3A_269 : memref<64x128xf32, #tpu.memory_space<vmem_shared>>)
    %mul3A_270 = arith.constant 640 : i32
    %mul3A_271 = arith.muli %arg1, %mul3A_270 : i32
    %add3A_272 = arith.constant 192 : i32
    %add3A_273 = arith.addi %mul3A_271, %add3A_272 : i32
    %dma_wait3A_274 = arith.constant 0 : i32
    %dma_wait3A_275 = tpu.memref_slice %arg31[%add3A_273, %dma_wait3A_274] : memref<10240x128xf32, #tpu.memory_space<vmem_shared>> -> memref<64x128xf32, #tpu.memory_space<vmem_shared>>
    %dma_wait3A_276 = arith.constant 0 : i32
    %dma_wait3A_277 = tpu.memref_slice %arg31[%add3A_273, %dma_wait3A_276] : memref<10240x128xf32, #tpu.memory_space<vmem_shared>> -> memref<64x128xf32, #tpu.memory_space<vmem_shared>>
    tpu.wait_dma2 semaphore(%arg52 : memref<!tpu.dma_semaphore, #tpu.memory_space<semaphore_mem>>) src(%arg26 : memref<64x128xf32, #tpu.memory_space<vmem>>) dst(%dma_wait3A_277 : memref<64x128xf32, #tpu.memory_space<vmem_shared>>)
    %mul3A_278 = arith.constant 640 : i32
    %mul3A_279 = arith.muli %arg1, %mul3A_278 : i32
    %add3A_280 = arith.constant 256 : i32
    %add3A_281 = arith.addi %mul3A_279, %add3A_280 : i32
    %dma_wait3A_282 = arith.constant 0 : i32
    %dma_wait3A_283 = tpu.memref_slice %arg31[%add3A_281, %dma_wait3A_282] : memref<10240x128xf32, #tpu.memory_space<vmem_shared>> -> memref<64x128xf32, #tpu.memory_space<vmem_shared>>
    %dma_wait3A_284 = arith.constant 0 : i32
    %dma_wait3A_285 = tpu.memref_slice %arg31[%add3A_281, %dma_wait3A_284] : memref<10240x128xf32, #tpu.memory_space<vmem_shared>> -> memref<64x128xf32, #tpu.memory_space<vmem_shared>>
    tpu.wait_dma2 semaphore(%arg52 : memref<!tpu.dma_semaphore, #tpu.memory_space<semaphore_mem>>) src(%arg26 : memref<64x128xf32, #tpu.memory_space<vmem>>) dst(%dma_wait3A_285 : memref<64x128xf32, #tpu.memory_space<vmem_shared>>)
    %mul3A_286 = arith.constant 640 : i32
    %mul3A_287 = arith.muli %arg1, %mul3A_286 : i32
    %add3A_288 = arith.constant 320 : i32
    %add3A_289 = arith.addi %mul3A_287, %add3A_288 : i32
    %dma_wait3A_290 = arith.constant 0 : i32
    %dma_wait3A_291 = tpu.memref_slice %arg31[%add3A_289, %dma_wait3A_290] : memref<10240x128xf32, #tpu.memory_space<vmem_shared>> -> memref<64x128xf32, #tpu.memory_space<vmem_shared>>
    %dma_wait3A_292 = arith.constant 0 : i32
    %dma_wait3A_293 = tpu.memref_slice %arg31[%add3A_289, %dma_wait3A_292] : memref<10240x128xf32, #tpu.memory_space<vmem_shared>> -> memref<64x128xf32, #tpu.memory_space<vmem_shared>>
    tpu.wait_dma2 semaphore(%arg52 : memref<!tpu.dma_semaphore, #tpu.memory_space<semaphore_mem>>) src(%arg26 : memref<64x128xf32, #tpu.memory_space<vmem>>) dst(%dma_wait3A_293 : memref<64x128xf32, #tpu.memory_space<vmem_shared>>)
    %mul3A_294 = arith.constant 640 : i32
    %mul3A_295 = arith.muli %arg1, %mul3A_294 : i32
    %add3A_296 = arith.constant 384 : i32
    %add3A_297 = arith.addi %mul3A_295, %add3A_296 : i32
    %dma_wait3A_298 = arith.constant 0 : i32
    %dma_wait3A_299 = tpu.memref_slice %arg31[%add3A_297, %dma_wait3A_298] : memref<10240x128xf32, #tpu.memory_space<vmem_shared>> -> memref<64x128xf32, #tpu.memory_space<vmem_shared>>
    %dma_wait3A_300 = arith.constant 0 : i32
    %dma_wait3A_301 = tpu.memref_slice %arg31[%add3A_297, %dma_wait3A_300] : memref<10240x128xf32, #tpu.memory_space<vmem_shared>> -> memref<64x128xf32, #tpu.memory_space<vmem_shared>>
    tpu.wait_dma2 semaphore(%arg52 : memref<!tpu.dma_semaphore, #tpu.memory_space<semaphore_mem>>) src(%arg26 : memref<64x128xf32, #tpu.memory_space<vmem>>) dst(%dma_wait3A_301 : memref<64x128xf32, #tpu.memory_space<vmem_shared>>)
    %mul3A_302 = arith.constant 640 : i32
    %mul3A_303 = arith.muli %arg1, %mul3A_302 : i32
    %add3A_304 = arith.constant 448 : i32
    %add3A_305 = arith.addi %mul3A_303, %add3A_304 : i32
    %dma_wait3A_306 = arith.constant 0 : i32
    %dma_wait3A_307 = tpu.memref_slice %arg31[%add3A_305, %dma_wait3A_306] : memref<10240x128xf32, #tpu.memory_space<vmem_shared>> -> memref<64x128xf32, #tpu.memory_space<vmem_shared>>
    %dma_wait3A_308 = arith.constant 0 : i32
    %dma_wait3A_309 = tpu.memref_slice %arg31[%add3A_305, %dma_wait3A_308] : memref<10240x128xf32, #tpu.memory_space<vmem_shared>> -> memref<64x128xf32, #tpu.memory_space<vmem_shared>>
    tpu.wait_dma2 semaphore(%arg52 : memref<!tpu.dma_semaphore, #tpu.memory_space<semaphore_mem>>) src(%arg26 : memref<64x128xf32, #tpu.memory_space<vmem>>) dst(%dma_wait3A_309 : memref<64x128xf32, #tpu.memory_space<vmem_shared>>)
    %mul3A_310 = arith.constant 640 : i32
    %mul3A_311 = arith.muli %arg1, %mul3A_310 : i32
    %add3A_312 = arith.constant 512 : i32
    %add3A_313 = arith.addi %mul3A_311, %add3A_312 : i32
    %dma_wait3A_314 = arith.constant 0 : i32
    %dma_wait3A_315 = tpu.memref_slice %arg31[%add3A_313, %dma_wait3A_314] : memref<10240x128xf32, #tpu.memory_space<vmem_shared>> -> memref<64x128xf32, #tpu.memory_space<vmem_shared>>
    %dma_wait3A_316 = arith.constant 0 : i32
    %dma_wait3A_317 = tpu.memref_slice %arg31[%add3A_313, %dma_wait3A_316] : memref<10240x128xf32, #tpu.memory_space<vmem_shared>> -> memref<64x128xf32, #tpu.memory_space<vmem_shared>>
    tpu.wait_dma2 semaphore(%arg52 : memref<!tpu.dma_semaphore, #tpu.memory_space<semaphore_mem>>) src(%arg26 : memref<64x128xf32, #tpu.memory_space<vmem>>) dst(%dma_wait3A_317 : memref<64x128xf32, #tpu.memory_space<vmem_shared>>)
    %mul3A_318 = arith.constant 640 : i32
    %mul3A_319 = arith.muli %arg1, %mul3A_318 : i32
    %add3A_320 = arith.constant 576 : i32
    %add3A_321 = arith.addi %mul3A_319, %add3A_320 : i32
    %dma_wait3A_322 = arith.constant 0 : i32
    %dma_wait3A_323 = tpu.memref_slice %arg31[%add3A_321, %dma_wait3A_322] : memref<10240x128xf32, #tpu.memory_space<vmem_shared>> -> memref<64x128xf32, #tpu.memory_space<vmem_shared>>
    %dma_wait3A_324 = arith.constant 0 : i32
    %dma_wait3A_325 = tpu.memref_slice %arg31[%add3A_321, %dma_wait3A_324] : memref<10240x128xf32, #tpu.memory_space<vmem_shared>> -> memref<64x128xf32, #tpu.memory_space<vmem_shared>>
    tpu.wait_dma2 semaphore(%arg52 : memref<!tpu.dma_semaphore, #tpu.memory_space<semaphore_mem>>) src(%arg26 : memref<64x128xf32, #tpu.memory_space<vmem>>) dst(%dma_wait3A_325 : memref<64x128xf32, #tpu.memory_space<vmem_shared>>)
    %add3A_326 = arith.constant 0 : i32
    %add3A_327 = arith.addi %mul3A_2, %add3A_326 : i32
    %dma_wait3A_328 = arith.constant 0 : i32
    %dma_wait3A_329 = tpu.memref_slice %arg3[%add3A_327, %dma_wait3A_328] : memref<10240x64xi32, #tpu.memory_space<hbm>> -> memref<1x64xi32, #tpu.memory_space<hbm>>
    %dma_wait3A_330 = tpu.memref_squeeze %dma_wait3A_329 : memref<1x64xi32, #tpu.memory_space<hbm>> -> memref<64xi32, #tpu.memory_space<hbm>>
    %dma_wait3A_331 = arith.constant 0 : i32
    %dma_wait3A_332 = tpu.memref_slice %arg3[%add3A_327, %dma_wait3A_331] : memref<10240x64xi32, #tpu.memory_space<hbm>> -> memref<1x64xi32, #tpu.memory_space<hbm>>
    %dma_wait3A_333 = tpu.memref_squeeze %dma_wait3A_332 : memref<1x64xi32, #tpu.memory_space<hbm>> -> memref<64xi32, #tpu.memory_space<hbm>>
    tpu.wait_dma2 semaphore(%arg32 : memref<!tpu.dma_semaphore, #tpu.memory_space<semaphore_mem>>) src(%dma_wait3A_333 : memref<64xi32, #tpu.memory_space<hbm>>) dst(%arg6 : memref<64xi32, #tpu.memory_space<vmem>>)
    %add3A_334 = arith.constant 0 : i32
    %add3A_335 = arith.addi %mul3A_2, %add3A_334 : i32
    %dma_wait3A_336 = arith.constant 0 : i32
    %dma_wait3A_337 = tpu.memref_slice %arg4[%add3A_335, %dma_wait3A_336] : memref<10240x64xi32, #tpu.memory_space<hbm>> -> memref<1x64xi32, #tpu.memory_space<hbm>>
    %dma_wait3A_338 = tpu.memref_squeeze %dma_wait3A_337 : memref<1x64xi32, #tpu.memory_space<hbm>> -> memref<64xi32, #tpu.memory_space<hbm>>
    %dma_wait3A_339 = arith.constant 0 : i32
    %dma_wait3A_340 = tpu.memref_slice %arg4[%add3A_335, %dma_wait3A_339] : memref<10240x64xi32, #tpu.memory_space<hbm>> -> memref<1x64xi32, #tpu.memory_space<hbm>>
    %dma_wait3A_341 = tpu.memref_squeeze %dma_wait3A_340 : memref<1x64xi32, #tpu.memory_space<hbm>> -> memref<64xi32, #tpu.memory_space<hbm>>
    tpu.wait_dma2 semaphore(%arg32 : memref<!tpu.dma_semaphore, #tpu.memory_space<semaphore_mem>>) src(%dma_wait3A_341 : memref<64xi32, #tpu.memory_space<hbm>>) dst(%arg16 : memref<64xi32, #tpu.memory_space<vmem>>)
    %dma_start3A_342 = arith.constant 0 : i32
    %dma_start3A_343 = arith.constant 0 : i32
    %dma_start3A_344 = tpu.memref_slice %arg2[%dma_start3A_342, %dma_start3A_343] : memref<10000x128xf32, #tpu.memory_space<hbm>> -> memref<10000x128xf32, #tpu.memory_space<hbm>>
    tpu.enqueue_indirect_dma source(%dma_start3A_344 : memref<10000x128xf32, #tpu.memory_space<hbm>>) target(%arg26 : memref<64x128xf32, #tpu.memory_space<vmem>>) offsets(%arg16 : memref<64xi32, #tpu.memory_space<vmem>>) semaphore(%arg42 : memref<!tpu.dma_semaphore, #tpu.memory_space<semaphore_mem>>)
    %add3A_345 = arith.constant 1 : i32
    %add3A_346 = arith.addi %mul3A_2, %add3A_345 : i32
    %dma_wait3A_347 = arith.constant 0 : i32
    %dma_wait3A_348 = tpu.memref_slice %arg3[%add3A_346, %dma_wait3A_347] : memref<10240x64xi32, #tpu.memory_space<hbm>> -> memref<1x64xi32, #tpu.memory_space<hbm>>
    %dma_wait3A_349 = tpu.memref_squeeze %dma_wait3A_348 : memref<1x64xi32, #tpu.memory_space<hbm>> -> memref<64xi32, #tpu.memory_space<hbm>>
    %dma_wait3A_350 = arith.constant 0 : i32
    %dma_wait3A_351 = tpu.memref_slice %arg3[%add3A_346, %dma_wait3A_350] : memref<10240x64xi32, #tpu.memory_space<hbm>> -> memref<1x64xi32, #tpu.memory_space<hbm>>
    %dma_wait3A_352 = tpu.memref_squeeze %dma_wait3A_351 : memref<1x64xi32, #tpu.memory_space<hbm>> -> memref<64xi32, #tpu.memory_space<hbm>>
    tpu.wait_dma2 semaphore(%arg33 : memref<!tpu.dma_semaphore, #tpu.memory_space<semaphore_mem>>) src(%dma_wait3A_352 : memref<64xi32, #tpu.memory_space<hbm>>) dst(%arg7 : memref<64xi32, #tpu.memory_space<vmem>>)
    %add3A_353 = arith.constant 1 : i32
    %add3A_354 = arith.addi %mul3A_2, %add3A_353 : i32
    %dma_wait3A_355 = arith.constant 0 : i32
    %dma_wait3A_356 = tpu.memref_slice %arg4[%add3A_354, %dma_wait3A_355] : memref<10240x64xi32, #tpu.memory_space<hbm>> -> memref<1x64xi32, #tpu.memory_space<hbm>>
    %dma_wait3A_357 = tpu.memref_squeeze %dma_wait3A_356 : memref<1x64xi32, #tpu.memory_space<hbm>> -> memref<64xi32, #tpu.memory_space<hbm>>
    %dma_wait3A_358 = arith.constant 0 : i32
    %dma_wait3A_359 = tpu.memref_slice %arg4[%add3A_354, %dma_wait3A_358] : memref<10240x64xi32, #tpu.memory_space<hbm>> -> memref<1x64xi32, #tpu.memory_space<hbm>>
    %dma_wait3A_360 = tpu.memref_squeeze %dma_wait3A_359 : memref<1x64xi32, #tpu.memory_space<hbm>> -> memref<64xi32, #tpu.memory_space<hbm>>
    tpu.wait_dma2 semaphore(%arg33 : memref<!tpu.dma_semaphore, #tpu.memory_space<semaphore_mem>>) src(%dma_wait3A_360 : memref<64xi32, #tpu.memory_space<hbm>>) dst(%arg17 : memref<64xi32, #tpu.memory_space<vmem>>)
    %dma_start3A_361 = arith.constant 0 : i32
    %dma_start3A_362 = arith.constant 0 : i32
    %dma_start3A_363 = tpu.memref_slice %arg2[%dma_start3A_361, %dma_start3A_362] : memref<10000x128xf32, #tpu.memory_space<hbm>> -> memref<10000x128xf32, #tpu.memory_space<hbm>>
    tpu.enqueue_indirect_dma source(%dma_start3A_363 : memref<10000x128xf32, #tpu.memory_space<hbm>>) target(%arg27 : memref<64x128xf32, #tpu.memory_space<vmem>>) offsets(%arg17 : memref<64xi32, #tpu.memory_space<vmem>>) semaphore(%arg43 : memref<!tpu.dma_semaphore, #tpu.memory_space<semaphore_mem>>)
    %add3A_364 = arith.constant 2 : i32
    %add3A_365 = arith.addi %mul3A_2, %add3A_364 : i32
    %dma_wait3A_366 = arith.constant 0 : i32
    %dma_wait3A_367 = tpu.memref_slice %arg3[%add3A_365, %dma_wait3A_366] : memref<10240x64xi32, #tpu.memory_space<hbm>> -> memref<1x64xi32, #tpu.memory_space<hbm>>
    %dma_wait3A_368 = tpu.memref_squeeze %dma_wait3A_367 : memref<1x64xi32, #tpu.memory_space<hbm>> -> memref<64xi32, #tpu.memory_space<hbm>>
    %dma_wait3A_369 = arith.constant 0 : i32
    %dma_wait3A_370 = tpu.memref_slice %arg3[%add3A_365, %dma_wait3A_369] : memref<10240x64xi32, #tpu.memory_space<hbm>> -> memref<1x64xi32, #tpu.memory_space<hbm>>
    %dma_wait3A_371 = tpu.memref_squeeze %dma_wait3A_370 : memref<1x64xi32, #tpu.memory_space<hbm>> -> memref<64xi32, #tpu.memory_space<hbm>>
    tpu.wait_dma2 semaphore(%arg34 : memref<!tpu.dma_semaphore, #tpu.memory_space<semaphore_mem>>) src(%dma_wait3A_371 : memref<64xi32, #tpu.memory_space<hbm>>) dst(%arg8 : memref<64xi32, #tpu.memory_space<vmem>>)
    %add3A_372 = arith.constant 2 : i32
    %add3A_373 = arith.addi %mul3A_2, %add3A_372 : i32
    %dma_wait3A_374 = arith.constant 0 : i32
    %dma_wait3A_375 = tpu.memref_slice %arg4[%add3A_373, %dma_wait3A_374] : memref<10240x64xi32, #tpu.memory_space<hbm>> -> memref<1x64xi32, #tpu.memory_space<hbm>>
    %dma_wait3A_376 = tpu.memref_squeeze %dma_wait3A_375 : memref<1x64xi32, #tpu.memory_space<hbm>> -> memref<64xi32, #tpu.memory_space<hbm>>
    %dma_wait3A_377 = arith.constant 0 : i32
    %dma_wait3A_378 = tpu.memref_slice %arg4[%add3A_373, %dma_wait3A_377] : memref<10240x64xi32, #tpu.memory_space<hbm>> -> memref<1x64xi32, #tpu.memory_space<hbm>>
    %dma_wait3A_379 = tpu.memref_squeeze %dma_wait3A_378 : memref<1x64xi32, #tpu.memory_space<hbm>> -> memref<64xi32, #tpu.memory_space<hbm>>
    tpu.wait_dma2 semaphore(%arg34 : memref<!tpu.dma_semaphore, #tpu.memory_space<semaphore_mem>>) src(%dma_wait3A_379 : memref<64xi32, #tpu.memory_space<hbm>>) dst(%arg18 : memref<64xi32, #tpu.memory_space<vmem>>)
    %dma_start3A_380 = arith.constant 0 : i32
    %dma_start3A_381 = arith.constant 0 : i32
    %dma_start3A_382 = tpu.memref_slice %arg2[%dma_start3A_380, %dma_start3A_381] : memref<10000x128xf32, #tpu.memory_space<hbm>> -> memref<10000x128xf32, #tpu.memory_space<hbm>>
    tpu.enqueue_indirect_dma source(%dma_start3A_382 : memref<10000x128xf32, #tpu.memory_space<hbm>>) target(%arg28 : memref<64x128xf32, #tpu.memory_space<vmem>>) offsets(%arg18 : memref<64xi32, #tpu.memory_space<vmem>>) semaphore(%arg44 : memref<!tpu.dma_semaphore, #tpu.memory_space<semaphore_mem>>)
    %add3A_383 = arith.constant 3 : i32
    %add3A_384 = arith.addi %mul3A_2, %add3A_383 : i32
    %dma_wait3A_385 = arith.constant 0 : i32
    %dma_wait3A_386 = tpu.memref_slice %arg3[%add3A_384, %dma_wait3A_385] : memref<10240x64xi32, #tpu.memory_space<hbm>> -> memref<1x64xi32, #tpu.memory_space<hbm>>
    %dma_wait3A_387 = tpu.memref_squeeze %dma_wait3A_386 : memref<1x64xi32, #tpu.memory_space<hbm>> -> memref<64xi32, #tpu.memory_space<hbm>>
    %dma_wait3A_388 = arith.constant 0 : i32
    %dma_wait3A_389 = tpu.memref_slice %arg3[%add3A_384, %dma_wait3A_388] : memref<10240x64xi32, #tpu.memory_space<hbm>> -> memref<1x64xi32, #tpu.memory_space<hbm>>
    %dma_wait3A_390 = tpu.memref_squeeze %dma_wait3A_389 : memref<1x64xi32, #tpu.memory_space<hbm>> -> memref<64xi32, #tpu.memory_space<hbm>>
    tpu.wait_dma2 semaphore(%arg35 : memref<!tpu.dma_semaphore, #tpu.memory_space<semaphore_mem>>) src(%dma_wait3A_390 : memref<64xi32, #tpu.memory_space<hbm>>) dst(%arg9 : memref<64xi32, #tpu.memory_space<vmem>>)
    %add3A_391 = arith.constant 3 : i32
    %add3A_392 = arith.addi %mul3A_2, %add3A_391 : i32
    %dma_wait3A_393 = arith.constant 0 : i32
    %dma_wait3A_394 = tpu.memref_slice %arg4[%add3A_392, %dma_wait3A_393] : memref<10240x64xi32, #tpu.memory_space<hbm>> -> memref<1x64xi32, #tpu.memory_space<hbm>>
    %dma_wait3A_395 = tpu.memref_squeeze %dma_wait3A_394 : memref<1x64xi32, #tpu.memory_space<hbm>> -> memref<64xi32, #tpu.memory_space<hbm>>
    %dma_wait3A_396 = arith.constant 0 : i32
    %dma_wait3A_397 = tpu.memref_slice %arg4[%add3A_392, %dma_wait3A_396] : memref<10240x64xi32, #tpu.memory_space<hbm>> -> memref<1x64xi32, #tpu.memory_space<hbm>>
    %dma_wait3A_398 = tpu.memref_squeeze %dma_wait3A_397 : memref<1x64xi32, #tpu.memory_space<hbm>> -> memref<64xi32, #tpu.memory_space<hbm>>
    tpu.wait_dma2 semaphore(%arg35 : memref<!tpu.dma_semaphore, #tpu.memory_space<semaphore_mem>>) src(%dma_wait3A_398 : memref<64xi32, #tpu.memory_space<hbm>>) dst(%arg19 : memref<64xi32, #tpu.memory_space<vmem>>)
    %dma_start3A_399 = arith.constant 0 : i32
    %dma_start3A_400 = arith.constant 0 : i32
    %dma_start3A_401 = tpu.memref_slice %arg2[%dma_start3A_399, %dma_start3A_400] : memref<10000x128xf32, #tpu.memory_space<hbm>> -> memref<10000x128xf32, #tpu.memory_space<hbm>>
    tpu.enqueue_indirect_dma source(%dma_start3A_401 : memref<10000x128xf32, #tpu.memory_space<hbm>>) target(%arg29 : memref<64x128xf32, #tpu.memory_space<vmem>>) offsets(%arg19 : memref<64xi32, #tpu.memory_space<vmem>>) semaphore(%arg45 : memref<!tpu.dma_semaphore, #tpu.memory_space<semaphore_mem>>)
    %barrier3A = arith.constant 0 : index
    tpu.barrier barrier_id(%barrier3A)
    %scan3A_402 = arith.constant 0 : i32
    %scan3A_403 = arith.constant 0 : i32
    %scan3A_404 = arith.constant 32 : i32
    %scan3A_405 = arith.addi %scan3A_403, %scan3A_404 : i32
    %scan3A_406 = arith.constant 1 : i32
    scf.for %scan3A_419 = %scan3A_403 to %scan3A_405 step %scan3A_406  : i32 {
      %mul3A_420 = arith.constant 10 : i32
      %mul3A_421 = arith.muli %scan3A_419, %mul3A_420 : i32
      %add3A_422 = arith.constant 0 : i32
      %add3A_423 = arith.addi %mul3A_421, %add3A_422 : i32
      %add3A_424 = arith.constant 5 : i32
      %add3A_425 = arith.addi %add3A_423, %add3A_424 : i32
      %sub3A = arith.constant 1 : i32
      %sub3A_426 = arith.subi %add3A_425, %sub3A : i32
      %ge3A = arith.constant 1 : i32
      %ge3A_427 = arith.cmpi sge, %add3A_423, %ge3A : i32
      %convert_element_type3A = arith.extui %ge3A_427 : i1 to i32
      %cond3A = arith.constant 0 : i32
      %cond3A_428 = arith.cmpi ne, %convert_element_type3A, %cond3A : i32
      scf.if %cond3A_428 {
        %dma_wait3A_774 = arith.constant 0 : i32
        %dma_wait3A_775 = arith.constant 0 : i32
        %dma_wait3A_776 = tpu.memref_slice %arg31[%dma_wait3A_774, %dma_wait3A_775] : memref<10240x128xf32, #tpu.memory_space<vmem_shared>> -> memref<10240x128xf32, #tpu.memory_space<vmem_shared>>
        tpu.wait_indirect_dma semaphore(%arg51 : memref<!tpu.dma_semaphore, #tpu.memory_space<semaphore_mem>>) src(%arg30 : memref<64x128xf32, #tpu.memory_space<vmem>>) dst(%dma_wait3A_776 : memref<10240x128xf32, #tpu.memory_space<vmem_shared>>)
      } else {
      }
      %lt3A = arith.constant 320 : i32
      %lt3A_429 = arith.cmpi slt, %sub3A_426, %lt3A : i32
      %convert_element_type3A_430 = arith.extui %lt3A_429 : i1 to i32
      %cond3A_431 = arith.constant 0 : i32
      %cond3A_432 = arith.cmpi ne, %convert_element_type3A_430, %cond3A_431 : i32
      scf.if %cond3A_432 {
        %add3A_774 = arith.addi %mul3A_2, %sub3A_426 : i32
        %dma_wait3A_775 = arith.constant 0 : i32
        %dma_wait3A_776 = tpu.memref_slice %arg3[%add3A_774, %dma_wait3A_775] : memref<10240x64xi32, #tpu.memory_space<hbm>> -> memref<1x64xi32, #tpu.memory_space<hbm>>
        %dma_wait3A_777 = tpu.memref_squeeze %dma_wait3A_776 : memref<1x64xi32, #tpu.memory_space<hbm>> -> memref<64xi32, #tpu.memory_space<hbm>>
        %dma_wait3A_778 = arith.constant 0 : i32
        %dma_wait3A_779 = tpu.memref_slice %arg3[%add3A_774, %dma_wait3A_778] : memref<10240x64xi32, #tpu.memory_space<hbm>> -> memref<1x64xi32, #tpu.memory_space<hbm>>
        %dma_wait3A_780 = tpu.memref_squeeze %dma_wait3A_779 : memref<1x64xi32, #tpu.memory_space<hbm>> -> memref<64xi32, #tpu.memory_space<hbm>>
        tpu.wait_dma2 semaphore(%arg36 : memref<!tpu.dma_semaphore, #tpu.memory_space<semaphore_mem>>) src(%dma_wait3A_780 : memref<64xi32, #tpu.memory_space<hbm>>) dst(%arg10 : memref<64xi32, #tpu.memory_space<vmem>>)
        %add3A_781 = arith.addi %mul3A_2, %sub3A_426 : i32
        %dma_wait3A_782 = arith.constant 0 : i32
        %dma_wait3A_783 = tpu.memref_slice %arg4[%add3A_781, %dma_wait3A_782] : memref<10240x64xi32, #tpu.memory_space<hbm>> -> memref<1x64xi32, #tpu.memory_space<hbm>>
        %dma_wait3A_784 = tpu.memref_squeeze %dma_wait3A_783 : memref<1x64xi32, #tpu.memory_space<hbm>> -> memref<64xi32, #tpu.memory_space<hbm>>
        %dma_wait3A_785 = arith.constant 0 : i32
        %dma_wait3A_786 = tpu.memref_slice %arg4[%add3A_781, %dma_wait3A_785] : memref<10240x64xi32, #tpu.memory_space<hbm>> -> memref<1x64xi32, #tpu.memory_space<hbm>>
        %dma_wait3A_787 = tpu.memref_squeeze %dma_wait3A_786 : memref<1x64xi32, #tpu.memory_space<hbm>> -> memref<64xi32, #tpu.memory_space<hbm>>
        tpu.wait_dma2 semaphore(%arg36 : memref<!tpu.dma_semaphore, #tpu.memory_space<semaphore_mem>>) src(%dma_wait3A_787 : memref<64xi32, #tpu.memory_space<hbm>>) dst(%arg20 : memref<64xi32, #tpu.memory_space<vmem>>)
        %dma_start3A_788 = arith.constant 0 : i32
        %dma_start3A_789 = arith.constant 0 : i32
        %dma_start3A_790 = tpu.memref_slice %arg2[%dma_start3A_788, %dma_start3A_789] : memref<10000x128xf32, #tpu.memory_space<hbm>> -> memref<10000x128xf32, #tpu.memory_space<hbm>>
        tpu.enqueue_indirect_dma source(%dma_start3A_790 : memref<10000x128xf32, #tpu.memory_space<hbm>>) target(%arg30 : memref<64x128xf32, #tpu.memory_space<vmem>>) offsets(%arg20 : memref<64xi32, #tpu.memory_space<vmem>>) semaphore(%arg46 : memref<!tpu.dma_semaphore, #tpu.memory_space<semaphore_mem>>)
      } else {
      }
      %dma_wait3A_433 = arith.constant 0 : i32
      %dma_wait3A_434 = arith.constant 0 : i32
      %dma_wait3A_435 = tpu.memref_slice %arg2[%dma_wait3A_433, %dma_wait3A_434] : memref<10000x128xf32, #tpu.memory_space<hbm>> -> memref<10000x128xf32, #tpu.memory_space<hbm>>
      tpu.wait_indirect_dma semaphore(%arg42 : memref<!tpu.dma_semaphore, #tpu.memory_space<semaphore_mem>>) src(%dma_wait3A_435 : memref<10000x128xf32, #tpu.memory_space<hbm>>) dst(%arg26 : memref<64x128xf32, #tpu.memory_space<vmem>>)
      %dma_start3A_436 = arith.constant 0 : i32
      %dma_start3A_437 = arith.constant 0 : i32
      %dma_start3A_438 = tpu.memref_slice %arg31[%dma_start3A_436, %dma_start3A_437] : memref<10240x128xf32, #tpu.memory_space<vmem_shared>> -> memref<10240x128xf32, #tpu.memory_space<vmem_shared>>
      tpu.enqueue_indirect_dma source(%arg26 : memref<64x128xf32, #tpu.memory_space<vmem>>) target(%dma_start3A_438 : memref<10240x128xf32, #tpu.memory_space<vmem_shared>>) offsets(%arg6 : memref<64xi32, #tpu.memory_space<vmem>>) semaphore(%arg47 : memref<!tpu.dma_semaphore, #tpu.memory_space<semaphore_mem>>) {add = true}
      %ge3A_439 = arith.constant 1 : i32
      %ge3A_440 = arith.cmpi sge, %add3A_423, %ge3A_439 : i32
      %add3A_441 = arith.constant 10 : i32
      %add3A_442 = arith.addi %add3A_423, %add3A_441 : i32
      %sub3A_443 = arith.constant 1 : i32
      %sub3A_444 = arith.subi %add3A_442, %sub3A_443 : i32
      %lt3A_445 = arith.constant 320 : i32
      %lt3A_446 = arith.cmpi slt, %sub3A_444, %lt3A_445 : i32
      %and3A = arith.andi %ge3A_440, %lt3A_446 : i1
      %convert_element_type3A_447 = arith.extui %and3A : i1 to i32
      %cond3A_448 = arith.constant 0 : i32
      %cond3A_449 = arith.cmpi ne, %convert_element_type3A_447, %cond3A_448 : i32
      scf.if %cond3A_449 {
        %add3A_774 = arith.constant 10 : i32
        %add3A_775 = arith.addi %add3A_423, %add3A_774 : i32
        %sub3A_776 = arith.constant 1 : i32
        %sub3A_777 = arith.subi %add3A_775, %sub3A_776 : i32
        %add3A_778 = arith.addi %mul3A_2, %sub3A_777 : i32
        %dma_start3A_779 = arith.constant 0 : i32
        %dma_start3A_780 = tpu.memref_slice %arg3[%add3A_778, %dma_start3A_779] : memref<10240x64xi32, #tpu.memory_space<hbm>> -> memref<1x64xi32, #tpu.memory_space<hbm>>
        %dma_start3A_781 = tpu.memref_squeeze %dma_start3A_780 : memref<1x64xi32, #tpu.memory_space<hbm>> -> memref<64xi32, #tpu.memory_space<hbm>>
        %dma_start3A_782 = arith.constant 0 : i32
        %dma_start3A_783 = tpu.memref_slice %arg3[%add3A_778, %dma_start3A_782] : memref<10240x64xi32, #tpu.memory_space<hbm>> -> memref<1x64xi32, #tpu.memory_space<hbm>>
        %dma_start3A_784 = tpu.memref_squeeze %dma_start3A_783 : memref<1x64xi32, #tpu.memory_space<hbm>> -> memref<64xi32, #tpu.memory_space<hbm>>
        tpu.enqueue_dma source(%dma_start3A_784 : memref<64xi32, #tpu.memory_space<hbm>>) target(%arg15 : memref<64xi32, #tpu.memory_space<vmem>>) target_semaphore(%arg41 : memref<!tpu.dma_semaphore, #tpu.memory_space<semaphore_mem>>)
        %add3A_785 = arith.addi %mul3A_2, %sub3A_777 : i32
        %dma_start3A_786 = arith.constant 0 : i32
        %dma_start3A_787 = tpu.memref_slice %arg4[%add3A_785, %dma_start3A_786] : memref<10240x64xi32, #tpu.memory_space<hbm>> -> memref<1x64xi32, #tpu.memory_space<hbm>>
        %dma_start3A_788 = tpu.memref_squeeze %dma_start3A_787 : memref<1x64xi32, #tpu.memory_space<hbm>> -> memref<64xi32, #tpu.memory_space<hbm>>
        %dma_start3A_789 = arith.constant 0 : i32
        %dma_start3A_790 = tpu.memref_slice %arg4[%add3A_785, %dma_start3A_789] : memref<10240x64xi32, #tpu.memory_space<hbm>> -> memref<1x64xi32, #tpu.memory_space<hbm>>
        %dma_start3A_791 = tpu.memref_squeeze %dma_start3A_790 : memref<1x64xi32, #tpu.memory_space<hbm>> -> memref<64xi32, #tpu.memory_space<hbm>>
        tpu.enqueue_dma source(%dma_start3A_791 : memref<64xi32, #tpu.memory_space<hbm>>) target(%arg25 : memref<64xi32, #tpu.memory_space<vmem>>) target_semaphore(%arg41 : memref<!tpu.dma_semaphore, #tpu.memory_space<semaphore_mem>>)
      } else {
      }
      %mul3A_450 = arith.constant 10 : i32
      %mul3A_451 = arith.muli %scan3A_419, %mul3A_450 : i32
      %add3A_452 = arith.constant 1 : i32
      %add3A_453 = arith.addi %mul3A_451, %add3A_452 : i32
      %add3A_454 = arith.constant 5 : i32
      %add3A_455 = arith.addi %add3A_453, %add3A_454 : i32
      %sub3A_456 = arith.constant 1 : i32
      %sub3A_457 = arith.subi %add3A_455, %sub3A_456 : i32
      %ge3A_458 = arith.constant 1 : i32
      %ge3A_459 = arith.cmpi sge, %add3A_453, %ge3A_458 : i32
      %convert_element_type3A_460 = arith.extui %ge3A_459 : i1 to i32
      %cond3A_461 = arith.constant 0 : i32
      %cond3A_462 = arith.cmpi ne, %convert_element_type3A_460, %cond3A_461 : i32
      scf.if %cond3A_462 {
        %dma_wait3A_774 = arith.constant 0 : i32
        %dma_wait3A_775 = arith.constant 0 : i32
        %dma_wait3A_776 = tpu.memref_slice %arg31[%dma_wait3A_774, %dma_wait3A_775] : memref<10240x128xf32, #tpu.memory_space<vmem_shared>> -> memref<10240x128xf32, #tpu.memory_space<vmem_shared>>
        tpu.wait_indirect_dma semaphore(%arg47 : memref<!tpu.dma_semaphore, #tpu.memory_space<semaphore_mem>>) src(%arg26 : memref<64x128xf32, #tpu.memory_space<vmem>>) dst(%dma_wait3A_776 : memref<10240x128xf32, #tpu.memory_space<vmem_shared>>)
      } else {
      }
      %lt3A_463 = arith.constant 320 : i32
      %lt3A_464 = arith.cmpi slt, %sub3A_457, %lt3A_463 : i32
      %convert_element_type3A_465 = arith.extui %lt3A_464 : i1 to i32
      %cond3A_466 = arith.constant 0 : i32
      %cond3A_467 = arith.cmpi ne, %convert_element_type3A_465, %cond3A_466 : i32
      scf.if %cond3A_467 {
        %add3A_774 = arith.addi %mul3A_2, %sub3A_457 : i32
        %dma_wait3A_775 = arith.constant 0 : i32
        %dma_wait3A_776 = tpu.memref_slice %arg3[%add3A_774, %dma_wait3A_775] : memref<10240x64xi32, #tpu.memory_space<hbm>> -> memref<1x64xi32, #tpu.memory_space<hbm>>
        %dma_wait3A_777 = tpu.memref_squeeze %dma_wait3A_776 : memref<1x64xi32, #tpu.memory_space<hbm>> -> memref<64xi32, #tpu.memory_space<hbm>>
        %dma_wait3A_778 = arith.constant 0 : i32
        %dma_wait3A_779 = tpu.memref_slice %arg3[%add3A_774, %dma_wait3A_778] : memref<10240x64xi32, #tpu.memory_space<hbm>> -> memref<1x64xi32, #tpu.memory_space<hbm>>
        %dma_wait3A_780 = tpu.memref_squeeze %dma_wait3A_779 : memref<1x64xi32, #tpu.memory_space<hbm>> -> memref<64xi32, #tpu.memory_space<hbm>>
        tpu.wait_dma2 semaphore(%arg37 : memref<!tpu.dma_semaphore, #tpu.memory_space<semaphore_mem>>) src(%dma_wait3A_780 : memref<64xi32, #tpu.memory_space<hbm>>) dst(%arg11 : memref<64xi32, #tpu.memory_space<vmem>>)
        %add3A_781 = arith.addi %mul3A_2, %sub3A_457 : i32
        %dma_wait3A_782 = arith.constant 0 : i32
        %dma_wait3A_783 = tpu.memref_slice %arg4[%add3A_781, %dma_wait3A_782] : memref<10240x64xi32, #tpu.memory_space<hbm>> -> memref<1x64xi32, #tpu.memory_space<hbm>>
        %dma_wait3A_784 = tpu.memref_squeeze %dma_wait3A_783 : memref<1x64xi32, #tpu.memory_space<hbm>> -> memref<64xi32, #tpu.memory_space<hbm>>
        %dma_wait3A_785 = arith.constant 0 : i32
        %dma_wait3A_786 = tpu.memref_slice %arg4[%add3A_781, %dma_wait3A_785] : memref<10240x64xi32, #tpu.memory_space<hbm>> -> memref<1x64xi32, #tpu.memory_space<hbm>>
        %dma_wait3A_787 = tpu.memref_squeeze %dma_wait3A_786 : memref<1x64xi32, #tpu.memory_space<hbm>> -> memref<64xi32, #tpu.memory_space<hbm>>
        tpu.wait_dma2 semaphore(%arg37 : memref<!tpu.dma_semaphore, #tpu.memory_space<semaphore_mem>>) src(%dma_wait3A_787 : memref<64xi32, #tpu.memory_space<hbm>>) dst(%arg21 : memref<64xi32, #tpu.memory_space<vmem>>)
        %dma_start3A_788 = arith.constant 0 : i32
        %dma_start3A_789 = arith.constant 0 : i32
        %dma_start3A_790 = tpu.memref_slice %arg2[%dma_start3A_788, %dma_start3A_789] : memref<10000x128xf32, #tpu.memory_space<hbm>> -> memref<10000x128xf32, #tpu.memory_space<hbm>>
        tpu.enqueue_indirect_dma source(%dma_start3A_790 : memref<10000x128xf32, #tpu.memory_space<hbm>>) target(%arg26 : memref<64x128xf32, #tpu.memory_space<vmem>>) offsets(%arg21 : memref<64xi32, #tpu.memory_space<vmem>>) semaphore(%arg42 : memref<!tpu.dma_semaphore, #tpu.memory_space<semaphore_mem>>)
      } else {
      }
      %dma_wait3A_468 = arith.constant 0 : i32
      %dma_wait3A_469 = arith.constant 0 : i32
      %dma_wait3A_470 = tpu.memref_slice %arg2[%dma_wait3A_468, %dma_wait3A_469] : memref<10000x128xf32, #tpu.memory_space<hbm>> -> memref<10000x128xf32, #tpu.memory_space<hbm>>
      tpu.wait_indirect_dma semaphore(%arg43 : memref<!tpu.dma_semaphore, #tpu.memory_space<semaphore_mem>>) src(%dma_wait3A_470 : memref<10000x128xf32, #tpu.memory_space<hbm>>) dst(%arg27 : memref<64x128xf32, #tpu.memory_space<vmem>>)
      %dma_start3A_471 = arith.constant 0 : i32
      %dma_start3A_472 = arith.constant 0 : i32
      %dma_start3A_473 = tpu.memref_slice %arg31[%dma_start3A_471, %dma_start3A_472] : memref<10240x128xf32, #tpu.memory_space<vmem_shared>> -> memref<10240x128xf32, #tpu.memory_space<vmem_shared>>
      tpu.enqueue_indirect_dma source(%arg27 : memref<64x128xf32, #tpu.memory_space<vmem>>) target(%dma_start3A_473 : memref<10240x128xf32, #tpu.memory_space<vmem_shared>>) offsets(%arg7 : memref<64xi32, #tpu.memory_space<vmem>>) semaphore(%arg48 : memref<!tpu.dma_semaphore, #tpu.memory_space<semaphore_mem>>) {add = true}
      %ge3A_474 = arith.constant 1 : i32
      %ge3A_475 = arith.cmpi sge, %add3A_453, %ge3A_474 : i32
      %add3A_476 = arith.constant 10 : i32
      %add3A_477 = arith.addi %add3A_453, %add3A_476 : i32
      %sub3A_478 = arith.constant 1 : i32
      %sub3A_479 = arith.subi %add3A_477, %sub3A_478 : i32
      %lt3A_480 = arith.constant 320 : i32
      %lt3A_481 = arith.cmpi slt, %sub3A_479, %lt3A_480 : i32
      %and3A_482 = arith.andi %ge3A_475, %lt3A_481 : i1
      %convert_element_type3A_483 = arith.extui %and3A_482 : i1 to i32
      %cond3A_484 = arith.constant 0 : i32
      %cond3A_485 = arith.cmpi ne, %convert_element_type3A_483, %cond3A_484 : i32
      scf.if %cond3A_485 {
        %add3A_774 = arith.constant 10 : i32
        %add3A_775 = arith.addi %add3A_453, %add3A_774 : i32
        %sub3A_776 = arith.constant 1 : i32
        %sub3A_777 = arith.subi %add3A_775, %sub3A_776 : i32
        %add3A_778 = arith.addi %mul3A_2, %sub3A_777 : i32
        %dma_start3A_779 = arith.constant 0 : i32
        %dma_start3A_780 = tpu.memref_slice %arg3[%add3A_778, %dma_start3A_779] : memref<10240x64xi32, #tpu.memory_space<hbm>> -> memref<1x64xi32, #tpu.memory_space<hbm>>
        %dma_start3A_781 = tpu.memref_squeeze %dma_start3A_780 : memref<1x64xi32, #tpu.memory_space<hbm>> -> memref<64xi32, #tpu.memory_space<hbm>>
        %dma_start3A_782 = arith.constant 0 : i32
        %dma_start3A_783 = tpu.memref_slice %arg3[%add3A_778, %dma_start3A_782] : memref<10240x64xi32, #tpu.memory_space<hbm>> -> memref<1x64xi32, #tpu.memory_space<hbm>>
        %dma_start3A_784 = tpu.memref_squeeze %dma_start3A_783 : memref<1x64xi32, #tpu.memory_space<hbm>> -> memref<64xi32, #tpu.memory_space<hbm>>
        tpu.enqueue_dma source(%dma_start3A_784 : memref<64xi32, #tpu.memory_space<hbm>>) target(%arg6 : memref<64xi32, #tpu.memory_space<vmem>>) target_semaphore(%arg32 : memref<!tpu.dma_semaphore, #tpu.memory_space<semaphore_mem>>)
        %add3A_785 = arith.addi %mul3A_2, %sub3A_777 : i32
        %dma_start3A_786 = arith.constant 0 : i32
        %dma_start3A_787 = tpu.memref_slice %arg4[%add3A_785, %dma_start3A_786] : memref<10240x64xi32, #tpu.memory_space<hbm>> -> memref<1x64xi32, #tpu.memory_space<hbm>>
        %dma_start3A_788 = tpu.memref_squeeze %dma_start3A_787 : memref<1x64xi32, #tpu.memory_space<hbm>> -> memref<64xi32, #tpu.memory_space<hbm>>
        %dma_start3A_789 = arith.constant 0 : i32
        %dma_start3A_790 = tpu.memref_slice %arg4[%add3A_785, %dma_start3A_789] : memref<10240x64xi32, #tpu.memory_space<hbm>> -> memref<1x64xi32, #tpu.memory_space<hbm>>
        %dma_start3A_791 = tpu.memref_squeeze %dma_start3A_790 : memref<1x64xi32, #tpu.memory_space<hbm>> -> memref<64xi32, #tpu.memory_space<hbm>>
        tpu.enqueue_dma source(%dma_start3A_791 : memref<64xi32, #tpu.memory_space<hbm>>) target(%arg16 : memref<64xi32, #tpu.memory_space<vmem>>) target_semaphore(%arg32 : memref<!tpu.dma_semaphore, #tpu.memory_space<semaphore_mem>>)
      } else {
      }
      %mul3A_486 = arith.constant 10 : i32
      %mul3A_487 = arith.muli %scan3A_419, %mul3A_486 : i32
      %add3A_488 = arith.constant 2 : i32
      %add3A_489 = arith.addi %mul3A_487, %add3A_488 : i32
      %add3A_490 = arith.constant 5 : i32
      %add3A_491 = arith.addi %add3A_489, %add3A_490 : i32
      %sub3A_492 = arith.constant 1 : i32
      %sub3A_493 = arith.subi %add3A_491, %sub3A_492 : i32
      %ge3A_494 = arith.constant 1 : i32
      %ge3A_495 = arith.cmpi sge, %add3A_489, %ge3A_494 : i32
      %convert_element_type3A_496 = arith.extui %ge3A_495 : i1 to i32
      %cond3A_497 = arith.constant 0 : i32
      %cond3A_498 = arith.cmpi ne, %convert_element_type3A_496, %cond3A_497 : i32
      scf.if %cond3A_498 {
        %dma_wait3A_774 = arith.constant 0 : i32
        %dma_wait3A_775 = arith.constant 0 : i32
        %dma_wait3A_776 = tpu.memref_slice %arg31[%dma_wait3A_774, %dma_wait3A_775] : memref<10240x128xf32, #tpu.memory_space<vmem_shared>> -> memref<10240x128xf32, #tpu.memory_space<vmem_shared>>
        tpu.wait_indirect_dma semaphore(%arg48 : memref<!tpu.dma_semaphore, #tpu.memory_space<semaphore_mem>>) src(%arg27 : memref<64x128xf32, #tpu.memory_space<vmem>>) dst(%dma_wait3A_776 : memref<10240x128xf32, #tpu.memory_space<vmem_shared>>)
      } else {
      }
      %lt3A_499 = arith.constant 320 : i32
      %lt3A_500 = arith.cmpi slt, %sub3A_493, %lt3A_499 : i32
      %convert_element_type3A_501 = arith.extui %lt3A_500 : i1 to i32
      %cond3A_502 = arith.constant 0 : i32
      %cond3A_503 = arith.cmpi ne, %convert_element_type3A_501, %cond3A_502 : i32
      scf.if %cond3A_503 {
        %add3A_774 = arith.addi %mul3A_2, %sub3A_493 : i32
        %dma_wait3A_775 = arith.constant 0 : i32
        %dma_wait3A_776 = tpu.memref_slice %arg3[%add3A_774, %dma_wait3A_775] : memref<10240x64xi32, #tpu.memory_space<hbm>> -> memref<1x64xi32, #tpu.memory_space<hbm>>
        %dma_wait3A_777 = tpu.memref_squeeze %dma_wait3A_776 : memref<1x64xi32, #tpu.memory_space<hbm>> -> memref<64xi32, #tpu.memory_space<hbm>>
        %dma_wait3A_778 = arith.constant 0 : i32
        %dma_wait3A_779 = tpu.memref_slice %arg3[%add3A_774, %dma_wait3A_778] : memref<10240x64xi32, #tpu.memory_space<hbm>> -> memref<1x64xi32, #tpu.memory_space<hbm>>
        %dma_wait3A_780 = tpu.memref_squeeze %dma_wait3A_779 : memref<1x64xi32, #tpu.memory_space<hbm>> -> memref<64xi32, #tpu.memory_space<hbm>>
        tpu.wait_dma2 semaphore(%arg38 : memref<!tpu.dma_semaphore, #tpu.memory_space<semaphore_mem>>) src(%dma_wait3A_780 : memref<64xi32, #tpu.memory_space<hbm>>) dst(%arg12 : memref<64xi32, #tpu.memory_space<vmem>>)
        %add3A_781 = arith.addi %mul3A_2, %sub3A_493 : i32
        %dma_wait3A_782 = arith.constant 0 : i32
        %dma_wait3A_783 = tpu.memref_slice %arg4[%add3A_781, %dma_wait3A_782] : memref<10240x64xi32, #tpu.memory_space<hbm>> -> memref<1x64xi32, #tpu.memory_space<hbm>>
        %dma_wait3A_784 = tpu.memref_squeeze %dma_wait3A_783 : memref<1x64xi32, #tpu.memory_space<hbm>> -> memref<64xi32, #tpu.memory_space<hbm>>
        %dma_wait3A_785 = arith.constant 0 : i32
        %dma_wait3A_786 = tpu.memref_slice %arg4[%add3A_781, %dma_wait3A_785] : memref<10240x64xi32, #tpu.memory_space<hbm>> -> memref<1x64xi32, #tpu.memory_space<hbm>>
        %dma_wait3A_787 = tpu.memref_squeeze %dma_wait3A_786 : memref<1x64xi32, #tpu.memory_space<hbm>> -> memref<64xi32, #tpu.memory_space<hbm>>
        tpu.wait_dma2 semaphore(%arg38 : memref<!tpu.dma_semaphore, #tpu.memory_space<semaphore_mem>>) src(%dma_wait3A_787 : memref<64xi32, #tpu.memory_space<hbm>>) dst(%arg22 : memref<64xi32, #tpu.memory_space<vmem>>)
        %dma_start3A_788 = arith.constant 0 : i32
        %dma_start3A_789 = arith.constant 0 : i32
        %dma_start3A_790 = tpu.memref_slice %arg2[%dma_start3A_788, %dma_start3A_789] : memref<10000x128xf32, #tpu.memory_space<hbm>> -> memref<10000x128xf32, #tpu.memory_space<hbm>>
        tpu.enqueue_indirect_dma source(%dma_start3A_790 : memref<10000x128xf32, #tpu.memory_space<hbm>>) target(%arg27 : memref<64x128xf32, #tpu.memory_space<vmem>>) offsets(%arg22 : memref<64xi32, #tpu.memory_space<vmem>>) semaphore(%arg43 : memref<!tpu.dma_semaphore, #tpu.memory_space<semaphore_mem>>)
      } else {
      }
      %dma_wait3A_504 = arith.constant 0 : i32
      %dma_wait3A_505 = arith.constant 0 : i32
      %dma_wait3A_506 = tpu.memref_slice %arg2[%dma_wait3A_504, %dma_wait3A_505] : memref<10000x128xf32, #tpu.memory_space<hbm>> -> memref<10000x128xf32, #tpu.memory_space<hbm>>
      tpu.wait_indirect_dma semaphore(%arg44 : memref<!tpu.dma_semaphore, #tpu.memory_space<semaphore_mem>>) src(%dma_wait3A_506 : memref<10000x128xf32, #tpu.memory_space<hbm>>) dst(%arg28 : memref<64x128xf32, #tpu.memory_space<vmem>>)
      %dma_start3A_507 = arith.constant 0 : i32
      %dma_start3A_508 = arith.constant 0 : i32
      %dma_start3A_509 = tpu.memref_slice %arg31[%dma_start3A_507, %dma_start3A_508] : memref<10240x128xf32, #tpu.memory_space<vmem_shared>> -> memref<10240x128xf32, #tpu.memory_space<vmem_shared>>
      tpu.enqueue_indirect_dma source(%arg28 : memref<64x128xf32, #tpu.memory_space<vmem>>) target(%dma_start3A_509 : memref<10240x128xf32, #tpu.memory_space<vmem_shared>>) offsets(%arg8 : memref<64xi32, #tpu.memory_space<vmem>>) semaphore(%arg49 : memref<!tpu.dma_semaphore, #tpu.memory_space<semaphore_mem>>) {add = true}
      %ge3A_510 = arith.constant 1 : i32
      %ge3A_511 = arith.cmpi sge, %add3A_489, %ge3A_510 : i32
      %add3A_512 = arith.constant 10 : i32
      %add3A_513 = arith.addi %add3A_489, %add3A_512 : i32
      %sub3A_514 = arith.constant 1 : i32
      %sub3A_515 = arith.subi %add3A_513, %sub3A_514 : i32
      %lt3A_516 = arith.constant 320 : i32
      %lt3A_517 = arith.cmpi slt, %sub3A_515, %lt3A_516 : i32
      %and3A_518 = arith.andi %ge3A_511, %lt3A_517 : i1
      %convert_element_type3A_519 = arith.extui %and3A_518 : i1 to i32
      %cond3A_520 = arith.constant 0 : i32
      %cond3A_521 = arith.cmpi ne, %convert_element_type3A_519, %cond3A_520 : i32
      scf.if %cond3A_521 {
        %add3A_774 = arith.constant 10 : i32
        %add3A_775 = arith.addi %add3A_489, %add3A_774 : i32
        %sub3A_776 = arith.constant 1 : i32
        %sub3A_777 = arith.subi %add3A_775, %sub3A_776 : i32
        %add3A_778 = arith.addi %mul3A_2, %sub3A_777 : i32
        %dma_start3A_779 = arith.constant 0 : i32
        %dma_start3A_780 = tpu.memref_slice %arg3[%add3A_778, %dma_start3A_779] : memref<10240x64xi32, #tpu.memory_space<hbm>> -> memref<1x64xi32, #tpu.memory_space<hbm>>
        %dma_start3A_781 = tpu.memref_squeeze %dma_start3A_780 : memref<1x64xi32, #tpu.memory_space<hbm>> -> memref<64xi32, #tpu.memory_space<hbm>>
        %dma_start3A_782 = arith.constant 0 : i32
        %dma_start3A_783 = tpu.memref_slice %arg3[%add3A_778, %dma_start3A_782] : memref<10240x64xi32, #tpu.memory_space<hbm>> -> memref<1x64xi32, #tpu.memory_space<hbm>>
        %dma_start3A_784 = tpu.memref_squeeze %dma_start3A_783 : memref<1x64xi32, #tpu.memory_space<hbm>> -> memref<64xi32, #tpu.memory_space<hbm>>
        tpu.enqueue_dma source(%dma_start3A_784 : memref<64xi32, #tpu.memory_space<hbm>>) target(%arg7 : memref<64xi32, #tpu.memory_space<vmem>>) target_semaphore(%arg33 : memref<!tpu.dma_semaphore, #tpu.memory_space<semaphore_mem>>)
        %add3A_785 = arith.addi %mul3A_2, %sub3A_777 : i32
        %dma_start3A_786 = arith.constant 0 : i32
        %dma_start3A_787 = tpu.memref_slice %arg4[%add3A_785, %dma_start3A_786] : memref<10240x64xi32, #tpu.memory_space<hbm>> -> memref<1x64xi32, #tpu.memory_space<hbm>>
        %dma_start3A_788 = tpu.memref_squeeze %dma_start3A_787 : memref<1x64xi32, #tpu.memory_space<hbm>> -> memref<64xi32, #tpu.memory_space<hbm>>
        %dma_start3A_789 = arith.constant 0 : i32
        %dma_start3A_790 = tpu.memref_slice %arg4[%add3A_785, %dma_start3A_789] : memref<10240x64xi32, #tpu.memory_space<hbm>> -> memref<1x64xi32, #tpu.memory_space<hbm>>
        %dma_start3A_791 = tpu.memref_squeeze %dma_start3A_790 : memref<1x64xi32, #tpu.memory_space<hbm>> -> memref<64xi32, #tpu.memory_space<hbm>>
        tpu.enqueue_dma source(%dma_start3A_791 : memref<64xi32, #tpu.memory_space<hbm>>) target(%arg17 : memref<64xi32, #tpu.memory_space<vmem>>) target_semaphore(%arg33 : memref<!tpu.dma_semaphore, #tpu.memory_space<semaphore_mem>>)
      } else {
      }
      %mul3A_522 = arith.constant 10 : i32
      %mul3A_523 = arith.muli %scan3A_419, %mul3A_522 : i32
      %add3A_524 = arith.constant 3 : i32
      %add3A_525 = arith.addi %mul3A_523, %add3A_524 : i32
      %add3A_526 = arith.constant 5 : i32
      %add3A_527 = arith.addi %add3A_525, %add3A_526 : i32
      %sub3A_528 = arith.constant 1 : i32
      %sub3A_529 = arith.subi %add3A_527, %sub3A_528 : i32
      %ge3A_530 = arith.constant 1 : i32
      %ge3A_531 = arith.cmpi sge, %add3A_525, %ge3A_530 : i32
      %convert_element_type3A_532 = arith.extui %ge3A_531 : i1 to i32
      %cond3A_533 = arith.constant 0 : i32
      %cond3A_534 = arith.cmpi ne, %convert_element_type3A_532, %cond3A_533 : i32
      scf.if %cond3A_534 {
        %dma_wait3A_774 = arith.constant 0 : i32
        %dma_wait3A_775 = arith.constant 0 : i32
        %dma_wait3A_776 = tpu.memref_slice %arg31[%dma_wait3A_774, %dma_wait3A_775] : memref<10240x128xf32, #tpu.memory_space<vmem_shared>> -> memref<10240x128xf32, #tpu.memory_space<vmem_shared>>
        tpu.wait_indirect_dma semaphore(%arg49 : memref<!tpu.dma_semaphore, #tpu.memory_space<semaphore_mem>>) src(%arg28 : memref<64x128xf32, #tpu.memory_space<vmem>>) dst(%dma_wait3A_776 : memref<10240x128xf32, #tpu.memory_space<vmem_shared>>)
      } else {
      }
      %lt3A_535 = arith.constant 320 : i32
      %lt3A_536 = arith.cmpi slt, %sub3A_529, %lt3A_535 : i32
      %convert_element_type3A_537 = arith.extui %lt3A_536 : i1 to i32
      %cond3A_538 = arith.constant 0 : i32
      %cond3A_539 = arith.cmpi ne, %convert_element_type3A_537, %cond3A_538 : i32
      scf.if %cond3A_539 {
        %add3A_774 = arith.addi %mul3A_2, %sub3A_529 : i32
        %dma_wait3A_775 = arith.constant 0 : i32
        %dma_wait3A_776 = tpu.memref_slice %arg3[%add3A_774, %dma_wait3A_775] : memref<10240x64xi32, #tpu.memory_space<hbm>> -> memref<1x64xi32, #tpu.memory_space<hbm>>
        %dma_wait3A_777 = tpu.memref_squeeze %dma_wait3A_776 : memref<1x64xi32, #tpu.memory_space<hbm>> -> memref<64xi32, #tpu.memory_space<hbm>>
        %dma_wait3A_778 = arith.constant 0 : i32
        %dma_wait3A_779 = tpu.memref_slice %arg3[%add3A_774, %dma_wait3A_778] : memref<10240x64xi32, #tpu.memory_space<hbm>> -> memref<1x64xi32, #tpu.memory_space<hbm>>
        %dma_wait3A_780 = tpu.memref_squeeze %dma_wait3A_779 : memref<1x64xi32, #tpu.memory_space<hbm>> -> memref<64xi32, #tpu.memory_space<hbm>>
        tpu.wait_dma2 semaphore(%arg39 : memref<!tpu.dma_semaphore, #tpu.memory_space<semaphore_mem>>) src(%dma_wait3A_780 : memref<64xi32, #tpu.memory_space<hbm>>) dst(%arg13 : memref<64xi32, #tpu.memory_space<vmem>>)
        %add3A_781 = arith.addi %mul3A_2, %sub3A_529 : i32
        %dma_wait3A_782 = arith.constant 0 : i32
        %dma_wait3A_783 = tpu.memref_slice %arg4[%add3A_781, %dma_wait3A_782] : memref<10240x64xi32, #tpu.memory_space<hbm>> -> memref<1x64xi32, #tpu.memory_space<hbm>>
        %dma_wait3A_784 = tpu.memref_squeeze %dma_wait3A_783 : memref<1x64xi32, #tpu.memory_space<hbm>> -> memref<64xi32, #tpu.memory_space<hbm>>
        %dma_wait3A_785 = arith.constant 0 : i32
        %dma_wait3A_786 = tpu.memref_slice %arg4[%add3A_781, %dma_wait3A_785] : memref<10240x64xi32, #tpu.memory_space<hbm>> -> memref<1x64xi32, #tpu.memory_space<hbm>>
        %dma_wait3A_787 = tpu.memref_squeeze %dma_wait3A_786 : memref<1x64xi32, #tpu.memory_space<hbm>> -> memref<64xi32, #tpu.memory_space<hbm>>
        tpu.wait_dma2 semaphore(%arg39 : memref<!tpu.dma_semaphore, #tpu.memory_space<semaphore_mem>>) src(%dma_wait3A_787 : memref<64xi32, #tpu.memory_space<hbm>>) dst(%arg23 : memref<64xi32, #tpu.memory_space<vmem>>)
        %dma_start3A_788 = arith.constant 0 : i32
        %dma_start3A_789 = arith.constant 0 : i32
        %dma_start3A_790 = tpu.memref_slice %arg2[%dma_start3A_788, %dma_start3A_789] : memref<10000x128xf32, #tpu.memory_space<hbm>> -> memref<10000x128xf32, #tpu.memory_space<hbm>>
        tpu.enqueue_indirect_dma source(%dma_start3A_790 : memref<10000x128xf32, #tpu.memory_space<hbm>>) target(%arg28 : memref<64x128xf32, #tpu.memory_space<vmem>>) offsets(%arg23 : memref<64xi32, #tpu.memory_space<vmem>>) semaphore(%arg44 : memref<!tpu.dma_semaphore, #tpu.memory_space<semaphore_mem>>)
      } else {
      }
      %dma_wait3A_540 = arith.constant 0 : i32
      %dma_wait3A_541 = arith.constant 0 : i32
      %dma_wait3A_542 = tpu.memref_slice %arg2[%dma_wait3A_540, %dma_wait3A_541] : memref<10000x128xf32, #tpu.memory_space<hbm>> -> memref<10000x128xf32, #tpu.memory_space<hbm>>
      tpu.wait_indirect_dma semaphore(%arg45 : memref<!tpu.dma_semaphore, #tpu.memory_space<semaphore_mem>>) src(%dma_wait3A_542 : memref<10000x128xf32, #tpu.memory_space<hbm>>) dst(%arg29 : memref<64x128xf32, #tpu.memory_space<vmem>>)
      %dma_start3A_543 = arith.constant 0 : i32
      %dma_start3A_544 = arith.constant 0 : i32
      %dma_start3A_545 = tpu.memref_slice %arg31[%dma_start3A_543, %dma_start3A_544] : memref<10240x128xf32, #tpu.memory_space<vmem_shared>> -> memref<10240x128xf32, #tpu.memory_space<vmem_shared>>
      tpu.enqueue_indirect_dma source(%arg29 : memref<64x128xf32, #tpu.memory_space<vmem>>) target(%dma_start3A_545 : memref<10240x128xf32, #tpu.memory_space<vmem_shared>>) offsets(%arg9 : memref<64xi32, #tpu.memory_space<vmem>>) semaphore(%arg50 : memref<!tpu.dma_semaphore, #tpu.memory_space<semaphore_mem>>) {add = true}
      %ge3A_546 = arith.constant 1 : i32
      %ge3A_547 = arith.cmpi sge, %add3A_525, %ge3A_546 : i32
      %add3A_548 = arith.constant 10 : i32
      %add3A_549 = arith.addi %add3A_525, %add3A_548 : i32
      %sub3A_550 = arith.constant 1 : i32
      %sub3A_551 = arith.subi %add3A_549, %sub3A_550 : i32
      %lt3A_552 = arith.constant 320 : i32
      %lt3A_553 = arith.cmpi slt, %sub3A_551, %lt3A_552 : i32
      %and3A_554 = arith.andi %ge3A_547, %lt3A_553 : i1
      %convert_element_type3A_555 = arith.extui %and3A_554 : i1 to i32
      %cond3A_556 = arith.constant 0 : i32
      %cond3A_557 = arith.cmpi ne, %convert_element_type3A_555, %cond3A_556 : i32
      scf.if %cond3A_557 {
        %add3A_774 = arith.constant 10 : i32
        %add3A_775 = arith.addi %add3A_525, %add3A_774 : i32
        %sub3A_776 = arith.constant 1 : i32
        %sub3A_777 = arith.subi %add3A_775, %sub3A_776 : i32
        %add3A_778 = arith.addi %mul3A_2, %sub3A_777 : i32
        %dma_start3A_779 = arith.constant 0 : i32
        %dma_start3A_780 = tpu.memref_slice %arg3[%add3A_778, %dma_start3A_779] : memref<10240x64xi32, #tpu.memory_space<hbm>> -> memref<1x64xi32, #tpu.memory_space<hbm>>
        %dma_start3A_781 = tpu.memref_squeeze %dma_start3A_780 : memref<1x64xi32, #tpu.memory_space<hbm>> -> memref<64xi32, #tpu.memory_space<hbm>>
        %dma_start3A_782 = arith.constant 0 : i32
        %dma_start3A_783 = tpu.memref_slice %arg3[%add3A_778, %dma_start3A_782] : memref<10240x64xi32, #tpu.memory_space<hbm>> -> memref<1x64xi32, #tpu.memory_space<hbm>>
        %dma_start3A_784 = tpu.memref_squeeze %dma_start3A_783 : memref<1x64xi32, #tpu.memory_space<hbm>> -> memref<64xi32, #tpu.memory_space<hbm>>
        tpu.enqueue_dma source(%dma_start3A_784 : memref<64xi32, #tpu.memory_space<hbm>>) target(%arg8 : memref<64xi32, #tpu.memory_space<vmem>>) target_semaphore(%arg34 : memref<!tpu.dma_semaphore, #tpu.memory_space<semaphore_mem>>)
        %add3A_785 = arith.addi %mul3A_2, %sub3A_777 : i32
        %dma_start3A_786 = arith.constant 0 : i32
        %dma_start3A_787 = tpu.memref_slice %arg4[%add3A_785, %dma_start3A_786] : memref<10240x64xi32, #tpu.memory_space<hbm>> -> memref<1x64xi32, #tpu.memory_space<hbm>>
        %dma_start3A_788 = tpu.memref_squeeze %dma_start3A_787 : memref<1x64xi32, #tpu.memory_space<hbm>> -> memref<64xi32, #tpu.memory_space<hbm>>
        %dma_start3A_789 = arith.constant 0 : i32
        %dma_start3A_790 = tpu.memref_slice %arg4[%add3A_785, %dma_start3A_789] : memref<10240x64xi32, #tpu.memory_space<hbm>> -> memref<1x64xi32, #tpu.memory_space<hbm>>
        %dma_start3A_791 = tpu.memref_squeeze %dma_start3A_790 : memref<1x64xi32, #tpu.memory_space<hbm>> -> memref<64xi32, #tpu.memory_space<hbm>>
        tpu.enqueue_dma source(%dma_start3A_791 : memref<64xi32, #tpu.memory_space<hbm>>) target(%arg18 : memref<64xi32, #tpu.memory_space<vmem>>) target_semaphore(%arg34 : memref<!tpu.dma_semaphore, #tpu.memory_space<semaphore_mem>>)
      } else {
      }
      %mul3A_558 = arith.constant 10 : i32
      %mul3A_559 = arith.muli %scan3A_419, %mul3A_558 : i32
      %add3A_560 = arith.constant 4 : i32
      %add3A_561 = arith.addi %mul3A_559, %add3A_560 : i32
      %add3A_562 = arith.constant 5 : i32
      %add3A_563 = arith.addi %add3A_561, %add3A_562 : i32
      %sub3A_564 = arith.constant 1 : i32
      %sub3A_565 = arith.subi %add3A_563, %sub3A_564 : i32
      %ge3A_566 = arith.constant 1 : i32
      %ge3A_567 = arith.cmpi sge, %add3A_561, %ge3A_566 : i32
      %convert_element_type3A_568 = arith.extui %ge3A_567 : i1 to i32
      %cond3A_569 = arith.constant 0 : i32
      %cond3A_570 = arith.cmpi ne, %convert_element_type3A_568, %cond3A_569 : i32
      scf.if %cond3A_570 {
        %dma_wait3A_774 = arith.constant 0 : i32
        %dma_wait3A_775 = arith.constant 0 : i32
        %dma_wait3A_776 = tpu.memref_slice %arg31[%dma_wait3A_774, %dma_wait3A_775] : memref<10240x128xf32, #tpu.memory_space<vmem_shared>> -> memref<10240x128xf32, #tpu.memory_space<vmem_shared>>
        tpu.wait_indirect_dma semaphore(%arg50 : memref<!tpu.dma_semaphore, #tpu.memory_space<semaphore_mem>>) src(%arg29 : memref<64x128xf32, #tpu.memory_space<vmem>>) dst(%dma_wait3A_776 : memref<10240x128xf32, #tpu.memory_space<vmem_shared>>)
      } else {
      }
      %lt3A_571 = arith.constant 320 : i32
      %lt3A_572 = arith.cmpi slt, %sub3A_565, %lt3A_571 : i32
      %convert_element_type3A_573 = arith.extui %lt3A_572 : i1 to i32
      %cond3A_574 = arith.constant 0 : i32
      %cond3A_575 = arith.cmpi ne, %convert_element_type3A_573, %cond3A_574 : i32
      scf.if %cond3A_575 {
        %add3A_774 = arith.addi %mul3A_2, %sub3A_565 : i32
        %dma_wait3A_775 = arith.constant 0 : i32
        %dma_wait3A_776 = tpu.memref_slice %arg3[%add3A_774, %dma_wait3A_775] : memref<10240x64xi32, #tpu.memory_space<hbm>> -> memref<1x64xi32, #tpu.memory_space<hbm>>
        %dma_wait3A_777 = tpu.memref_squeeze %dma_wait3A_776 : memref<1x64xi32, #tpu.memory_space<hbm>> -> memref<64xi32, #tpu.memory_space<hbm>>
        %dma_wait3A_778 = arith.constant 0 : i32
        %dma_wait3A_779 = tpu.memref_slice %arg3[%add3A_774, %dma_wait3A_778] : memref<10240x64xi32, #tpu.memory_space<hbm>> -> memref<1x64xi32, #tpu.memory_space<hbm>>
        %dma_wait3A_780 = tpu.memref_squeeze %dma_wait3A_779 : memref<1x64xi32, #tpu.memory_space<hbm>> -> memref<64xi32, #tpu.memory_space<hbm>>
        tpu.wait_dma2 semaphore(%arg40 : memref<!tpu.dma_semaphore, #tpu.memory_space<semaphore_mem>>) src(%dma_wait3A_780 : memref<64xi32, #tpu.memory_space<hbm>>) dst(%arg14 : memref<64xi32, #tpu.memory_space<vmem>>)
        %add3A_781 = arith.addi %mul3A_2, %sub3A_565 : i32
        %dma_wait3A_782 = arith.constant 0 : i32
        %dma_wait3A_783 = tpu.memref_slice %arg4[%add3A_781, %dma_wait3A_782] : memref<10240x64xi32, #tpu.memory_space<hbm>> -> memref<1x64xi32, #tpu.memory_space<hbm>>
        %dma_wait3A_784 = tpu.memref_squeeze %dma_wait3A_783 : memref<1x64xi32, #tpu.memory_space<hbm>> -> memref<64xi32, #tpu.memory_space<hbm>>
        %dma_wait3A_785 = arith.constant 0 : i32
        %dma_wait3A_786 = tpu.memref_slice %arg4[%add3A_781, %dma_wait3A_785] : memref<10240x64xi32, #tpu.memory_space<hbm>> -> memref<1x64xi32, #tpu.memory_space<hbm>>
        %dma_wait3A_787 = tpu.memref_squeeze %dma_wait3A_786 : memref<1x64xi32, #tpu.memory_space<hbm>> -> memref<64xi32, #tpu.memory_space<hbm>>
        tpu.wait_dma2 semaphore(%arg40 : memref<!tpu.dma_semaphore, #tpu.memory_space<semaphore_mem>>) src(%dma_wait3A_787 : memref<64xi32, #tpu.memory_space<hbm>>) dst(%arg24 : memref<64xi32, #tpu.memory_space<vmem>>)
        %dma_start3A_788 = arith.constant 0 : i32
        %dma_start3A_789 = arith.constant 0 : i32
        %dma_start3A_790 = tpu.memref_slice %arg2[%dma_start3A_788, %dma_start3A_789] : memref<10000x128xf32, #tpu.memory_space<hbm>> -> memref<10000x128xf32, #tpu.memory_space<hbm>>
        tpu.enqueue_indirect_dma source(%dma_start3A_790 : memref<10000x128xf32, #tpu.memory_space<hbm>>) target(%arg29 : memref<64x128xf32, #tpu.memory_space<vmem>>) offsets(%arg24 : memref<64xi32, #tpu.memory_space<vmem>>) semaphore(%arg45 : memref<!tpu.dma_semaphore, #tpu.memory_space<semaphore_mem>>)
      } else {
      }
      %dma_wait3A_576 = arith.constant 0 : i32
      %dma_wait3A_577 = arith.constant 0 : i32
      %dma_wait3A_578 = tpu.memref_slice %arg2[%dma_wait3A_576, %dma_wait3A_577] : memref<10000x128xf32, #tpu.memory_space<hbm>> -> memref<10000x128xf32, #tpu.memory_space<hbm>>
      tpu.wait_indirect_dma semaphore(%arg46 : memref<!tpu.dma_semaphore, #tpu.memory_space<semaphore_mem>>) src(%dma_wait3A_578 : memref<10000x128xf32, #tpu.memory_space<hbm>>) dst(%arg30 : memref<64x128xf32, #tpu.memory_space<vmem>>)
      %dma_start3A_579 = arith.constant 0 : i32
      %dma_start3A_580 = arith.constant 0 : i32
      %dma_start3A_581 = tpu.memref_slice %arg31[%dma_start3A_579, %dma_start3A_580] : memref<10240x128xf32, #tpu.memory_space<vmem_shared>> -> memref<10240x128xf32, #tpu.memory_space<vmem_shared>>
      tpu.enqueue_indirect_dma source(%arg30 : memref<64x128xf32, #tpu.memory_space<vmem>>) target(%dma_start3A_581 : memref<10240x128xf32, #tpu.memory_space<vmem_shared>>) offsets(%arg10 : memref<64xi32, #tpu.memory_space<vmem>>) semaphore(%arg51 : memref<!tpu.dma_semaphore, #tpu.memory_space<semaphore_mem>>) {add = true}
      %ge3A_582 = arith.constant 1 : i32
      %ge3A_583 = arith.cmpi sge, %add3A_561, %ge3A_582 : i32
      %add3A_584 = arith.constant 10 : i32
      %add3A_585 = arith.addi %add3A_561, %add3A_584 : i32
      %sub3A_586 = arith.constant 1 : i32
      %sub3A_587 = arith.subi %add3A_585, %sub3A_586 : i32
      %lt3A_588 = arith.constant 320 : i32
      %lt3A_589 = arith.cmpi slt, %sub3A_587, %lt3A_588 : i32
      %and3A_590 = arith.andi %ge3A_583, %lt3A_589 : i1
      %convert_element_type3A_591 = arith.extui %and3A_590 : i1 to i32
      %cond3A_592 = arith.constant 0 : i32
      %cond3A_593 = arith.cmpi ne, %convert_element_type3A_591, %cond3A_592 : i32
      scf.if %cond3A_593 {
        %add3A_774 = arith.constant 10 : i32
        %add3A_775 = arith.addi %add3A_561, %add3A_774 : i32
        %sub3A_776 = arith.constant 1 : i32
        %sub3A_777 = arith.subi %add3A_775, %sub3A_776 : i32
        %add3A_778 = arith.addi %mul3A_2, %sub3A_777 : i32
        %dma_start3A_779 = arith.constant 0 : i32
        %dma_start3A_780 = tpu.memref_slice %arg3[%add3A_778, %dma_start3A_779] : memref<10240x64xi32, #tpu.memory_space<hbm>> -> memref<1x64xi32, #tpu.memory_space<hbm>>
        %dma_start3A_781 = tpu.memref_squeeze %dma_start3A_780 : memref<1x64xi32, #tpu.memory_space<hbm>> -> memref<64xi32, #tpu.memory_space<hbm>>
        %dma_start3A_782 = arith.constant 0 : i32
        %dma_start3A_783 = tpu.memref_slice %arg3[%add3A_778, %dma_start3A_782] : memref<10240x64xi32, #tpu.memory_space<hbm>> -> memref<1x64xi32, #tpu.memory_space<hbm>>
        %dma_start3A_784 = tpu.memref_squeeze %dma_start3A_783 : memref<1x64xi32, #tpu.memory_space<hbm>> -> memref<64xi32, #tpu.memory_space<hbm>>
        tpu.enqueue_dma source(%dma_start3A_784 : memref<64xi32, #tpu.memory_space<hbm>>) target(%arg9 : memref<64xi32, #tpu.memory_space<vmem>>) target_semaphore(%arg35 : memref<!tpu.dma_semaphore, #tpu.memory_space<semaphore_mem>>)
        %add3A_785 = arith.addi %mul3A_2, %sub3A_777 : i32
        %dma_start3A_786 = arith.constant 0 : i32
        %dma_start3A_787 = tpu.memref_slice %arg4[%add3A_785, %dma_start3A_786] : memref<10240x64xi32, #tpu.memory_space<hbm>> -> memref<1x64xi32, #tpu.memory_space<hbm>>
        %dma_start3A_788 = tpu.memref_squeeze %dma_start3A_787 : memref<1x64xi32, #tpu.memory_space<hbm>> -> memref<64xi32, #tpu.memory_space<hbm>>
        %dma_start3A_789 = arith.constant 0 : i32
        %dma_start3A_790 = tpu.memref_slice %arg4[%add3A_785, %dma_start3A_789] : memref<10240x64xi32, #tpu.memory_space<hbm>> -> memref<1x64xi32, #tpu.memory_space<hbm>>
        %dma_start3A_791 = tpu.memref_squeeze %dma_start3A_790 : memref<1x64xi32, #tpu.memory_space<hbm>> -> memref<64xi32, #tpu.memory_space<hbm>>
        tpu.enqueue_dma source(%dma_start3A_791 : memref<64xi32, #tpu.memory_space<hbm>>) target(%arg19 : memref<64xi32, #tpu.memory_space<vmem>>) target_semaphore(%arg35 : memref<!tpu.dma_semaphore, #tpu.memory_space<semaphore_mem>>)
      } else {
      }
      %mul3A_594 = arith.constant 10 : i32
      %mul3A_595 = arith.muli %scan3A_419, %mul3A_594 : i32
      %add3A_596 = arith.constant 5 : i32
      %add3A_597 = arith.addi %mul3A_595, %add3A_596 : i32
      %add3A_598 = arith.constant 5 : i32
      %add3A_599 = arith.addi %add3A_597, %add3A_598 : i32
      %sub3A_600 = arith.constant 1 : i32
      %sub3A_601 = arith.subi %add3A_599, %sub3A_600 : i32
      %ge3A_602 = arith.constant 1 : i32
      %ge3A_603 = arith.cmpi sge, %add3A_597, %ge3A_602 : i32
      %convert_element_type3A_604 = arith.extui %ge3A_603 : i1 to i32
      %cond3A_605 = arith.constant 0 : i32
      %cond3A_606 = arith.cmpi ne, %convert_element_type3A_604, %cond3A_605 : i32
      scf.if %cond3A_606 {
        %dma_wait3A_774 = arith.constant 0 : i32
        %dma_wait3A_775 = arith.constant 0 : i32
        %dma_wait3A_776 = tpu.memref_slice %arg31[%dma_wait3A_774, %dma_wait3A_775] : memref<10240x128xf32, #tpu.memory_space<vmem_shared>> -> memref<10240x128xf32, #tpu.memory_space<vmem_shared>>
        tpu.wait_indirect_dma semaphore(%arg51 : memref<!tpu.dma_semaphore, #tpu.memory_space<semaphore_mem>>) src(%arg30 : memref<64x128xf32, #tpu.memory_space<vmem>>) dst(%dma_wait3A_776 : memref<10240x128xf32, #tpu.memory_space<vmem_shared>>)
      } else {
      }
      %lt3A_607 = arith.constant 320 : i32
      %lt3A_608 = arith.cmpi slt, %sub3A_601, %lt3A_607 : i32
      %convert_element_type3A_609 = arith.extui %lt3A_608 : i1 to i32
      %cond3A_610 = arith.constant 0 : i32
      %cond3A_611 = arith.cmpi ne, %convert_element_type3A_609, %cond3A_610 : i32
      scf.if %cond3A_611 {
        %add3A_774 = arith.addi %mul3A_2, %sub3A_601 : i32
        %dma_wait3A_775 = arith.constant 0 : i32
        %dma_wait3A_776 = tpu.memref_slice %arg3[%add3A_774, %dma_wait3A_775] : memref<10240x64xi32, #tpu.memory_space<hbm>> -> memref<1x64xi32, #tpu.memory_space<hbm>>
        %dma_wait3A_777 = tpu.memref_squeeze %dma_wait3A_776 : memref<1x64xi32, #tpu.memory_space<hbm>> -> memref<64xi32, #tpu.memory_space<hbm>>
        %dma_wait3A_778 = arith.constant 0 : i32
        %dma_wait3A_779 = tpu.memref_slice %arg3[%add3A_774, %dma_wait3A_778] : memref<10240x64xi32, #tpu.memory_space<hbm>> -> memref<1x64xi32, #tpu.memory_space<hbm>>
        %dma_wait3A_780 = tpu.memref_squeeze %dma_wait3A_779 : memref<1x64xi32, #tpu.memory_space<hbm>> -> memref<64xi32, #tpu.memory_space<hbm>>
        tpu.wait_dma2 semaphore(%arg41 : memref<!tpu.dma_semaphore, #tpu.memory_space<semaphore_mem>>) src(%dma_wait3A_780 : memref<64xi32, #tpu.memory_space<hbm>>) dst(%arg15 : memref<64xi32, #tpu.memory_space<vmem>>)
        %add3A_781 = arith.addi %mul3A_2, %sub3A_601 : i32
        %dma_wait3A_782 = arith.constant 0 : i32
        %dma_wait3A_783 = tpu.memref_slice %arg4[%add3A_781, %dma_wait3A_782] : memref<10240x64xi32, #tpu.memory_space<hbm>> -> memref<1x64xi32, #tpu.memory_space<hbm>>
        %dma_wait3A_784 = tpu.memref_squeeze %dma_wait3A_783 : memref<1x64xi32, #tpu.memory_space<hbm>> -> memref<64xi32, #tpu.memory_space<hbm>>
        %dma_wait3A_785 = arith.constant 0 : i32
        %dma_wait3A_786 = tpu.memref_slice %arg4[%add3A_781, %dma_wait3A_785] : memref<10240x64xi32, #tpu.memory_space<hbm>> -> memref<1x64xi32, #tpu.memory_space<hbm>>
        %dma_wait3A_787 = tpu.memref_squeeze %dma_wait3A_786 : memref<1x64xi32, #tpu.memory_space<hbm>> -> memref<64xi32, #tpu.memory_space<hbm>>
        tpu.wait_dma2 semaphore(%arg41 : memref<!tpu.dma_semaphore, #tpu.memory_space<semaphore_mem>>) src(%dma_wait3A_787 : memref<64xi32, #tpu.memory_space<hbm>>) dst(%arg25 : memref<64xi32, #tpu.memory_space<vmem>>)
        %dma_start3A_788 = arith.constant 0 : i32
        %dma_start3A_789 = arith.constant 0 : i32
        %dma_start3A_790 = tpu.memref_slice %arg2[%dma_start3A_788, %dma_start3A_789] : memref<10000x128xf32, #tpu.memory_space<hbm>> -> memref<10000x128xf32, #tpu.memory_space<hbm>>
        tpu.enqueue_indirect_dma source(%dma_start3A_790 : memref<10000x128xf32, #tpu.memory_space<hbm>>) target(%arg30 : memref<64x128xf32, #tpu.memory_space<vmem>>) offsets(%arg25 : memref<64xi32, #tpu.memory_space<vmem>>) semaphore(%arg46 : memref<!tpu.dma_semaphore, #tpu.memory_space<semaphore_mem>>)
      } else {
      }
      %dma_wait3A_612 = arith.constant 0 : i32
      %dma_wait3A_613 = arith.constant 0 : i32
      %dma_wait3A_614 = tpu.memref_slice %arg2[%dma_wait3A_612, %dma_wait3A_613] : memref<10000x128xf32, #tpu.memory_space<hbm>> -> memref<10000x128xf32, #tpu.memory_space<hbm>>
      tpu.wait_indirect_dma semaphore(%arg42 : memref<!tpu.dma_semaphore, #tpu.memory_space<semaphore_mem>>) src(%dma_wait3A_614 : memref<10000x128xf32, #tpu.memory_space<hbm>>) dst(%arg26 : memref<64x128xf32, #tpu.memory_space<vmem>>)
      %dma_start3A_615 = arith.constant 0 : i32
      %dma_start3A_616 = arith.constant 0 : i32
      %dma_start3A_617 = tpu.memref_slice %arg31[%dma_start3A_615, %dma_start3A_616] : memref<10240x128xf32, #tpu.memory_space<vmem_shared>> -> memref<10240x128xf32, #tpu.memory_space<vmem_shared>>
      tpu.enqueue_indirect_dma source(%arg26 : memref<64x128xf32, #tpu.memory_space<vmem>>) target(%dma_start3A_617 : memref<10240x128xf32, #tpu.memory_space<vmem_shared>>) offsets(%arg11 : memref<64xi32, #tpu.memory_space<vmem>>) semaphore(%arg47 : memref<!tpu.dma_semaphore, #tpu.memory_space<semaphore_mem>>) {add = true}
      %ge3A_618 = arith.constant 1 : i32
      %ge3A_619 = arith.cmpi sge, %add3A_597, %ge3A_618 : i32
      %add3A_620 = arith.constant 10 : i32
      %add3A_621 = arith.addi %add3A_597, %add3A_620 : i32
      %sub3A_622 = arith.constant 1 : i32
      %sub3A_623 = arith.subi %add3A_621, %sub3A_622 : i32
      %lt3A_624 = arith.constant 320 : i32
      %lt3A_625 = arith.cmpi slt, %sub3A_623, %lt3A_624 : i32
      %and3A_626 = arith.andi %ge3A_619, %lt3A_625 : i1
      %convert_element_type3A_627 = arith.extui %and3A_626 : i1 to i32
      %cond3A_628 = arith.constant 0 : i32
      %cond3A_629 = arith.cmpi ne, %convert_element_type3A_627, %cond3A_628 : i32
      scf.if %cond3A_629 {
        %add3A_774 = arith.constant 10 : i32
        %add3A_775 = arith.addi %add3A_597, %add3A_774 : i32
        %sub3A_776 = arith.constant 1 : i32
        %sub3A_777 = arith.subi %add3A_775, %sub3A_776 : i32
        %add3A_778 = arith.addi %mul3A_2, %sub3A_777 : i32
        %dma_start3A_779 = arith.constant 0 : i32
        %dma_start3A_780 = tpu.memref_slice %arg3[%add3A_778, %dma_start3A_779] : memref<10240x64xi32, #tpu.memory_space<hbm>> -> memref<1x64xi32, #tpu.memory_space<hbm>>
        %dma_start3A_781 = tpu.memref_squeeze %dma_start3A_780 : memref<1x64xi32, #tpu.memory_space<hbm>> -> memref<64xi32, #tpu.memory_space<hbm>>
        %dma_start3A_782 = arith.constant 0 : i32
        %dma_start3A_783 = tpu.memref_slice %arg3[%add3A_778, %dma_start3A_782] : memref<10240x64xi32, #tpu.memory_space<hbm>> -> memref<1x64xi32, #tpu.memory_space<hbm>>
        %dma_start3A_784 = tpu.memref_squeeze %dma_start3A_783 : memref<1x64xi32, #tpu.memory_space<hbm>> -> memref<64xi32, #tpu.memory_space<hbm>>
        tpu.enqueue_dma source(%dma_start3A_784 : memref<64xi32, #tpu.memory_space<hbm>>) target(%arg10 : memref<64xi32, #tpu.memory_space<vmem>>) target_semaphore(%arg36 : memref<!tpu.dma_semaphore, #tpu.memory_space<semaphore_mem>>)
        %add3A_785 = arith.addi %mul3A_2, %sub3A_777 : i32
        %dma_start3A_786 = arith.constant 0 : i32
        %dma_start3A_787 = tpu.memref_slice %arg4[%add3A_785, %dma_start3A_786] : memref<10240x64xi32, #tpu.memory_space<hbm>> -> memref<1x64xi32, #tpu.memory_space<hbm>>
        %dma_start3A_788 = tpu.memref_squeeze %dma_start3A_787 : memref<1x64xi32, #tpu.memory_space<hbm>> -> memref<64xi32, #tpu.memory_space<hbm>>
        %dma_start3A_789 = arith.constant 0 : i32
        %dma_start3A_790 = tpu.memref_slice %arg4[%add3A_785, %dma_start3A_789] : memref<10240x64xi32, #tpu.memory_space<hbm>> -> memref<1x64xi32, #tpu.memory_space<hbm>>
        %dma_start3A_791 = tpu.memref_squeeze %dma_start3A_790 : memref<1x64xi32, #tpu.memory_space<hbm>> -> memref<64xi32, #tpu.memory_space<hbm>>
        tpu.enqueue_dma source(%dma_start3A_791 : memref<64xi32, #tpu.memory_space<hbm>>) target(%arg20 : memref<64xi32, #tpu.memory_space<vmem>>) target_semaphore(%arg36 : memref<!tpu.dma_semaphore, #tpu.memory_space<semaphore_mem>>)
      } else {
      }
      %mul3A_630 = arith.constant 10 : i32
      %mul3A_631 = arith.muli %scan3A_419, %mul3A_630 : i32
      %add3A_632 = arith.constant 6 : i32
      %add3A_633 = arith.addi %mul3A_631, %add3A_632 : i32
      %add3A_634 = arith.constant 5 : i32
      %add3A_635 = arith.addi %add3A_633, %add3A_634 : i32
      %sub3A_636 = arith.constant 1 : i32
      %sub3A_637 = arith.subi %add3A_635, %sub3A_636 : i32
      %ge3A_638 = arith.constant 1 : i32
      %ge3A_639 = arith.cmpi sge, %add3A_633, %ge3A_638 : i32
      %convert_element_type3A_640 = arith.extui %ge3A_639 : i1 to i32
      %cond3A_641 = arith.constant 0 : i32
      %cond3A_642 = arith.cmpi ne, %convert_element_type3A_640, %cond3A_641 : i32
      scf.if %cond3A_642 {
        %dma_wait3A_774 = arith.constant 0 : i32
        %dma_wait3A_775 = arith.constant 0 : i32
        %dma_wait3A_776 = tpu.memref_slice %arg31[%dma_wait3A_774, %dma_wait3A_775] : memref<10240x128xf32, #tpu.memory_space<vmem_shared>> -> memref<10240x128xf32, #tpu.memory_space<vmem_shared>>
        tpu.wait_indirect_dma semaphore(%arg47 : memref<!tpu.dma_semaphore, #tpu.memory_space<semaphore_mem>>) src(%arg26 : memref<64x128xf32, #tpu.memory_space<vmem>>) dst(%dma_wait3A_776 : memref<10240x128xf32, #tpu.memory_space<vmem_shared>>)
      } else {
      }
      %lt3A_643 = arith.constant 320 : i32
      %lt3A_644 = arith.cmpi slt, %sub3A_637, %lt3A_643 : i32
      %convert_element_type3A_645 = arith.extui %lt3A_644 : i1 to i32
      %cond3A_646 = arith.constant 0 : i32
      %cond3A_647 = arith.cmpi ne, %convert_element_type3A_645, %cond3A_646 : i32
      scf.if %cond3A_647 {
        %add3A_774 = arith.addi %mul3A_2, %sub3A_637 : i32
        %dma_wait3A_775 = arith.constant 0 : i32
        %dma_wait3A_776 = tpu.memref_slice %arg3[%add3A_774, %dma_wait3A_775] : memref<10240x64xi32, #tpu.memory_space<hbm>> -> memref<1x64xi32, #tpu.memory_space<hbm>>
        %dma_wait3A_777 = tpu.memref_squeeze %dma_wait3A_776 : memref<1x64xi32, #tpu.memory_space<hbm>> -> memref<64xi32, #tpu.memory_space<hbm>>
        %dma_wait3A_778 = arith.constant 0 : i32
        %dma_wait3A_779 = tpu.memref_slice %arg3[%add3A_774, %dma_wait3A_778] : memref<10240x64xi32, #tpu.memory_space<hbm>> -> memref<1x64xi32, #tpu.memory_space<hbm>>
        %dma_wait3A_780 = tpu.memref_squeeze %dma_wait3A_779 : memref<1x64xi32, #tpu.memory_space<hbm>> -> memref<64xi32, #tpu.memory_space<hbm>>
        tpu.wait_dma2 semaphore(%arg32 : memref<!tpu.dma_semaphore, #tpu.memory_space<semaphore_mem>>) src(%dma_wait3A_780 : memref<64xi32, #tpu.memory_space<hbm>>) dst(%arg6 : memref<64xi32, #tpu.memory_space<vmem>>)
        %add3A_781 = arith.addi %mul3A_2, %sub3A_637 : i32
        %dma_wait3A_782 = arith.constant 0 : i32
        %dma_wait3A_783 = tpu.memref_slice %arg4[%add3A_781, %dma_wait3A_782] : memref<10240x64xi32, #tpu.memory_space<hbm>> -> memref<1x64xi32, #tpu.memory_space<hbm>>
        %dma_wait3A_784 = tpu.memref_squeeze %dma_wait3A_783 : memref<1x64xi32, #tpu.memory_space<hbm>> -> memref<64xi32, #tpu.memory_space<hbm>>
        %dma_wait3A_785 = arith.constant 0 : i32
        %dma_wait3A_786 = tpu.memref_slice %arg4[%add3A_781, %dma_wait3A_785] : memref<10240x64xi32, #tpu.memory_space<hbm>> -> memref<1x64xi32, #tpu.memory_space<hbm>>
        %dma_wait3A_787 = tpu.memref_squeeze %dma_wait3A_786 : memref<1x64xi32, #tpu.memory_space<hbm>> -> memref<64xi32, #tpu.memory_space<hbm>>
        tpu.wait_dma2 semaphore(%arg32 : memref<!tpu.dma_semaphore, #tpu.memory_space<semaphore_mem>>) src(%dma_wait3A_787 : memref<64xi32, #tpu.memory_space<hbm>>) dst(%arg16 : memref<64xi32, #tpu.memory_space<vmem>>)
        %dma_start3A_788 = arith.constant 0 : i32
        %dma_start3A_789 = arith.constant 0 : i32
        %dma_start3A_790 = tpu.memref_slice %arg2[%dma_start3A_788, %dma_start3A_789] : memref<10000x128xf32, #tpu.memory_space<hbm>> -> memref<10000x128xf32, #tpu.memory_space<hbm>>
        tpu.enqueue_indirect_dma source(%dma_start3A_790 : memref<10000x128xf32, #tpu.memory_space<hbm>>) target(%arg26 : memref<64x128xf32, #tpu.memory_space<vmem>>) offsets(%arg16 : memref<64xi32, #tpu.memory_space<vmem>>) semaphore(%arg42 : memref<!tpu.dma_semaphore, #tpu.memory_space<semaphore_mem>>)
      } else {
      }
      %dma_wait3A_648 = arith.constant 0 : i32
      %dma_wait3A_649 = arith.constant 0 : i32
      %dma_wait3A_650 = tpu.memref_slice %arg2[%dma_wait3A_648, %dma_wait3A_649] : memref<10000x128xf32, #tpu.memory_space<hbm>> -> memref<10000x128xf32, #tpu.memory_space<hbm>>
      tpu.wait_indirect_dma semaphore(%arg43 : memref<!tpu.dma_semaphore, #tpu.memory_space<semaphore_mem>>) src(%dma_wait3A_650 : memref<10000x128xf32, #tpu.memory_space<hbm>>) dst(%arg27 : memref<64x128xf32, #tpu.memory_space<vmem>>)
      %dma_start3A_651 = arith.constant 0 : i32
      %dma_start3A_652 = arith.constant 0 : i32
      %dma_start3A_653 = tpu.memref_slice %arg31[%dma_start3A_651, %dma_start3A_652] : memref<10240x128xf32, #tpu.memory_space<vmem_shared>> -> memref<10240x128xf32, #tpu.memory_space<vmem_shared>>
      tpu.enqueue_indirect_dma source(%arg27 : memref<64x128xf32, #tpu.memory_space<vmem>>) target(%dma_start3A_653 : memref<10240x128xf32, #tpu.memory_space<vmem_shared>>) offsets(%arg12 : memref<64xi32, #tpu.memory_space<vmem>>) semaphore(%arg48 : memref<!tpu.dma_semaphore, #tpu.memory_space<semaphore_mem>>) {add = true}
      %ge3A_654 = arith.constant 1 : i32
      %ge3A_655 = arith.cmpi sge, %add3A_633, %ge3A_654 : i32
      %add3A_656 = arith.constant 10 : i32
      %add3A_657 = arith.addi %add3A_633, %add3A_656 : i32
      %sub3A_658 = arith.constant 1 : i32
      %sub3A_659 = arith.subi %add3A_657, %sub3A_658 : i32
      %lt3A_660 = arith.constant 320 : i32
      %lt3A_661 = arith.cmpi slt, %sub3A_659, %lt3A_660 : i32
      %and3A_662 = arith.andi %ge3A_655, %lt3A_661 : i1
      %convert_element_type3A_663 = arith.extui %and3A_662 : i1 to i32
      %cond3A_664 = arith.constant 0 : i32
      %cond3A_665 = arith.cmpi ne, %convert_element_type3A_663, %cond3A_664 : i32
      scf.if %cond3A_665 {
        %add3A_774 = arith.constant 10 : i32
        %add3A_775 = arith.addi %add3A_633, %add3A_774 : i32
        %sub3A_776 = arith.constant 1 : i32
        %sub3A_777 = arith.subi %add3A_775, %sub3A_776 : i32
        %add3A_778 = arith.addi %mul3A_2, %sub3A_777 : i32
        %dma_start3A_779 = arith.constant 0 : i32
        %dma_start3A_780 = tpu.memref_slice %arg3[%add3A_778, %dma_start3A_779] : memref<10240x64xi32, #tpu.memory_space<hbm>> -> memref<1x64xi32, #tpu.memory_space<hbm>>
        %dma_start3A_781 = tpu.memref_squeeze %dma_start3A_780 : memref<1x64xi32, #tpu.memory_space<hbm>> -> memref<64xi32, #tpu.memory_space<hbm>>
        %dma_start3A_782 = arith.constant 0 : i32
        %dma_start3A_783 = tpu.memref_slice %arg3[%add3A_778, %dma_start3A_782] : memref<10240x64xi32, #tpu.memory_space<hbm>> -> memref<1x64xi32, #tpu.memory_space<hbm>>
        %dma_start3A_784 = tpu.memref_squeeze %dma_start3A_783 : memref<1x64xi32, #tpu.memory_space<hbm>> -> memref<64xi32, #tpu.memory_space<hbm>>
        tpu.enqueue_dma source(%dma_start3A_784 : memref<64xi32, #tpu.memory_space<hbm>>) target(%arg11 : memref<64xi32, #tpu.memory_space<vmem>>) target_semaphore(%arg37 : memref<!tpu.dma_semaphore, #tpu.memory_space<semaphore_mem>>)
        %add3A_785 = arith.addi %mul3A_2, %sub3A_777 : i32
        %dma_start3A_786 = arith.constant 0 : i32
        %dma_start3A_787 = tpu.memref_slice %arg4[%add3A_785, %dma_start3A_786] : memref<10240x64xi32, #tpu.memory_space<hbm>> -> memref<1x64xi32, #tpu.memory_space<hbm>>
        %dma_start3A_788 = tpu.memref_squeeze %dma_start3A_787 : memref<1x64xi32, #tpu.memory_space<hbm>> -> memref<64xi32, #tpu.memory_space<hbm>>
        %dma_start3A_789 = arith.constant 0 : i32
        %dma_start3A_790 = tpu.memref_slice %arg4[%add3A_785, %dma_start3A_789] : memref<10240x64xi32, #tpu.memory_space<hbm>> -> memref<1x64xi32, #tpu.memory_space<hbm>>
        %dma_start3A_791 = tpu.memref_squeeze %dma_start3A_790 : memref<1x64xi32, #tpu.memory_space<hbm>> -> memref<64xi32, #tpu.memory_space<hbm>>
        tpu.enqueue_dma source(%dma_start3A_791 : memref<64xi32, #tpu.memory_space<hbm>>) target(%arg21 : memref<64xi32, #tpu.memory_space<vmem>>) target_semaphore(%arg37 : memref<!tpu.dma_semaphore, #tpu.memory_space<semaphore_mem>>)
      } else {
      }
      %mul3A_666 = arith.constant 10 : i32
      %mul3A_667 = arith.muli %scan3A_419, %mul3A_666 : i32
      %add3A_668 = arith.constant 7 : i32
      %add3A_669 = arith.addi %mul3A_667, %add3A_668 : i32
      %add3A_670 = arith.constant 5 : i32
      %add3A_671 = arith.addi %add3A_669, %add3A_670 : i32
      %sub3A_672 = arith.constant 1 : i32
      %sub3A_673 = arith.subi %add3A_671, %sub3A_672 : i32
      %ge3A_674 = arith.constant 1 : i32
      %ge3A_675 = arith.cmpi sge, %add3A_669, %ge3A_674 : i32
      %convert_element_type3A_676 = arith.extui %ge3A_675 : i1 to i32
      %cond3A_677 = arith.constant 0 : i32
      %cond3A_678 = arith.cmpi ne, %convert_element_type3A_676, %cond3A_677 : i32
      scf.if %cond3A_678 {
        %dma_wait3A_774 = arith.constant 0 : i32
        %dma_wait3A_775 = arith.constant 0 : i32
        %dma_wait3A_776 = tpu.memref_slice %arg31[%dma_wait3A_774, %dma_wait3A_775] : memref<10240x128xf32, #tpu.memory_space<vmem_shared>> -> memref<10240x128xf32, #tpu.memory_space<vmem_shared>>
        tpu.wait_indirect_dma semaphore(%arg48 : memref<!tpu.dma_semaphore, #tpu.memory_space<semaphore_mem>>) src(%arg27 : memref<64x128xf32, #tpu.memory_space<vmem>>) dst(%dma_wait3A_776 : memref<10240x128xf32, #tpu.memory_space<vmem_shared>>)
      } else {
      }
      %lt3A_679 = arith.constant 320 : i32
      %lt3A_680 = arith.cmpi slt, %sub3A_673, %lt3A_679 : i32
      %convert_element_type3A_681 = arith.extui %lt3A_680 : i1 to i32
      %cond3A_682 = arith.constant 0 : i32
      %cond3A_683 = arith.cmpi ne, %convert_element_type3A_681, %cond3A_682 : i32
      scf.if %cond3A_683 {
        %add3A_774 = arith.addi %mul3A_2, %sub3A_673 : i32
        %dma_wait3A_775 = arith.constant 0 : i32
        %dma_wait3A_776 = tpu.memref_slice %arg3[%add3A_774, %dma_wait3A_775] : memref<10240x64xi32, #tpu.memory_space<hbm>> -> memref<1x64xi32, #tpu.memory_space<hbm>>
        %dma_wait3A_777 = tpu.memref_squeeze %dma_wait3A_776 : memref<1x64xi32, #tpu.memory_space<hbm>> -> memref<64xi32, #tpu.memory_space<hbm>>
        %dma_wait3A_778 = arith.constant 0 : i32
        %dma_wait3A_779 = tpu.memref_slice %arg3[%add3A_774, %dma_wait3A_778] : memref<10240x64xi32, #tpu.memory_space<hbm>> -> memref<1x64xi32, #tpu.memory_space<hbm>>
        %dma_wait3A_780 = tpu.memref_squeeze %dma_wait3A_779 : memref<1x64xi32, #tpu.memory_space<hbm>> -> memref<64xi32, #tpu.memory_space<hbm>>
        tpu.wait_dma2 semaphore(%arg33 : memref<!tpu.dma_semaphore, #tpu.memory_space<semaphore_mem>>) src(%dma_wait3A_780 : memref<64xi32, #tpu.memory_space<hbm>>) dst(%arg7 : memref<64xi32, #tpu.memory_space<vmem>>)
        %add3A_781 = arith.addi %mul3A_2, %sub3A_673 : i32
        %dma_wait3A_782 = arith.constant 0 : i32
        %dma_wait3A_783 = tpu.memref_slice %arg4[%add3A_781, %dma_wait3A_782] : memref<10240x64xi32, #tpu.memory_space<hbm>> -> memref<1x64xi32, #tpu.memory_space<hbm>>
        %dma_wait3A_784 = tpu.memref_squeeze %dma_wait3A_783 : memref<1x64xi32, #tpu.memory_space<hbm>> -> memref<64xi32, #tpu.memory_space<hbm>>
        %dma_wait3A_785 = arith.constant 0 : i32
        %dma_wait3A_786 = tpu.memref_slice %arg4[%add3A_781, %dma_wait3A_785] : memref<10240x64xi32, #tpu.memory_space<hbm>> -> memref<1x64xi32, #tpu.memory_space<hbm>>
        %dma_wait3A_787 = tpu.memref_squeeze %dma_wait3A_786 : memref<1x64xi32, #tpu.memory_space<hbm>> -> memref<64xi32, #tpu.memory_space<hbm>>
        tpu.wait_dma2 semaphore(%arg33 : memref<!tpu.dma_semaphore, #tpu.memory_space<semaphore_mem>>) src(%dma_wait3A_787 : memref<64xi32, #tpu.memory_space<hbm>>) dst(%arg17 : memref<64xi32, #tpu.memory_space<vmem>>)
        %dma_start3A_788 = arith.constant 0 : i32
        %dma_start3A_789 = arith.constant 0 : i32
        %dma_start3A_790 = tpu.memref_slice %arg2[%dma_start3A_788, %dma_start3A_789] : memref<10000x128xf32, #tpu.memory_space<hbm>> -> memref<10000x128xf32, #tpu.memory_space<hbm>>
        tpu.enqueue_indirect_dma source(%dma_start3A_790 : memref<10000x128xf32, #tpu.memory_space<hbm>>) target(%arg27 : memref<64x128xf32, #tpu.memory_space<vmem>>) offsets(%arg17 : memref<64xi32, #tpu.memory_space<vmem>>) semaphore(%arg43 : memref<!tpu.dma_semaphore, #tpu.memory_space<semaphore_mem>>)
      } else {
      }
      %dma_wait3A_684 = arith.constant 0 : i32
      %dma_wait3A_685 = arith.constant 0 : i32
      %dma_wait3A_686 = tpu.memref_slice %arg2[%dma_wait3A_684, %dma_wait3A_685] : memref<10000x128xf32, #tpu.memory_space<hbm>> -> memref<10000x128xf32, #tpu.memory_space<hbm>>
      tpu.wait_indirect_dma semaphore(%arg44 : memref<!tpu.dma_semaphore, #tpu.memory_space<semaphore_mem>>) src(%dma_wait3A_686 : memref<10000x128xf32, #tpu.memory_space<hbm>>) dst(%arg28 : memref<64x128xf32, #tpu.memory_space<vmem>>)
      %dma_start3A_687 = arith.constant 0 : i32
      %dma_start3A_688 = arith.constant 0 : i32
      %dma_start3A_689 = tpu.memref_slice %arg31[%dma_start3A_687, %dma_start3A_688] : memref<10240x128xf32, #tpu.memory_space<vmem_shared>> -> memref<10240x128xf32, #tpu.memory_space<vmem_shared>>
      tpu.enqueue_indirect_dma source(%arg28 : memref<64x128xf32, #tpu.memory_space<vmem>>) target(%dma_start3A_689 : memref<10240x128xf32, #tpu.memory_space<vmem_shared>>) offsets(%arg13 : memref<64xi32, #tpu.memory_space<vmem>>) semaphore(%arg49 : memref<!tpu.dma_semaphore, #tpu.memory_space<semaphore_mem>>) {add = true}
      %ge3A_690 = arith.constant 1 : i32
      %ge3A_691 = arith.cmpi sge, %add3A_669, %ge3A_690 : i32
      %add3A_692 = arith.constant 10 : i32
      %add3A_693 = arith.addi %add3A_669, %add3A_692 : i32
      %sub3A_694 = arith.constant 1 : i32
      %sub3A_695 = arith.subi %add3A_693, %sub3A_694 : i32
      %lt3A_696 = arith.constant 320 : i32
      %lt3A_697 = arith.cmpi slt, %sub3A_695, %lt3A_696 : i32
      %and3A_698 = arith.andi %ge3A_691, %lt3A_697 : i1
      %convert_element_type3A_699 = arith.extui %and3A_698 : i1 to i32
      %cond3A_700 = arith.constant 0 : i32
      %cond3A_701 = arith.cmpi ne, %convert_element_type3A_699, %cond3A_700 : i32
      scf.if %cond3A_701 {
        %add3A_774 = arith.constant 10 : i32
        %add3A_775 = arith.addi %add3A_669, %add3A_774 : i32
        %sub3A_776 = arith.constant 1 : i32
        %sub3A_777 = arith.subi %add3A_775, %sub3A_776 : i32
        %add3A_778 = arith.addi %mul3A_2, %sub3A_777 : i32
        %dma_start3A_779 = arith.constant 0 : i32
        %dma_start3A_780 = tpu.memref_slice %arg3[%add3A_778, %dma_start3A_779] : memref<10240x64xi32, #tpu.memory_space<hbm>> -> memref<1x64xi32, #tpu.memory_space<hbm>>
        %dma_start3A_781 = tpu.memref_squeeze %dma_start3A_780 : memref<1x64xi32, #tpu.memory_space<hbm>> -> memref<64xi32, #tpu.memory_space<hbm>>
        %dma_start3A_782 = arith.constant 0 : i32
        %dma_start3A_783 = tpu.memref_slice %arg3[%add3A_778, %dma_start3A_782] : memref<10240x64xi32, #tpu.memory_space<hbm>> -> memref<1x64xi32, #tpu.memory_space<hbm>>
        %dma_start3A_784 = tpu.memref_squeeze %dma_start3A_783 : memref<1x64xi32, #tpu.memory_space<hbm>> -> memref<64xi32, #tpu.memory_space<hbm>>
        tpu.enqueue_dma source(%dma_start3A_784 : memref<64xi32, #tpu.memory_space<hbm>>) target(%arg12 : memref<64xi32, #tpu.memory_space<vmem>>) target_semaphore(%arg38 : memref<!tpu.dma_semaphore, #tpu.memory_space<semaphore_mem>>)
        %add3A_785 = arith.addi %mul3A_2, %sub3A_777 : i32
        %dma_start3A_786 = arith.constant 0 : i32
        %dma_start3A_787 = tpu.memref_slice %arg4[%add3A_785, %dma_start3A_786] : memref<10240x64xi32, #tpu.memory_space<hbm>> -> memref<1x64xi32, #tpu.memory_space<hbm>>
        %dma_start3A_788 = tpu.memref_squeeze %dma_start3A_787 : memref<1x64xi32, #tpu.memory_space<hbm>> -> memref<64xi32, #tpu.memory_space<hbm>>
        %dma_start3A_789 = arith.constant 0 : i32
        %dma_start3A_790 = tpu.memref_slice %arg4[%add3A_785, %dma_start3A_789] : memref<10240x64xi32, #tpu.memory_space<hbm>> -> memref<1x64xi32, #tpu.memory_space<hbm>>
        %dma_start3A_791 = tpu.memref_squeeze %dma_start3A_790 : memref<1x64xi32, #tpu.memory_space<hbm>> -> memref<64xi32, #tpu.memory_space<hbm>>
        tpu.enqueue_dma source(%dma_start3A_791 : memref<64xi32, #tpu.memory_space<hbm>>) target(%arg22 : memref<64xi32, #tpu.memory_space<vmem>>) target_semaphore(%arg38 : memref<!tpu.dma_semaphore, #tpu.memory_space<semaphore_mem>>)
      } else {
      }
      %mul3A_702 = arith.constant 10 : i32
      %mul3A_703 = arith.muli %scan3A_419, %mul3A_702 : i32
      %add3A_704 = arith.constant 8 : i32
      %add3A_705 = arith.addi %mul3A_703, %add3A_704 : i32
      %add3A_706 = arith.constant 5 : i32
      %add3A_707 = arith.addi %add3A_705, %add3A_706 : i32
      %sub3A_708 = arith.constant 1 : i32
      %sub3A_709 = arith.subi %add3A_707, %sub3A_708 : i32
      %ge3A_710 = arith.constant 1 : i32
      %ge3A_711 = arith.cmpi sge, %add3A_705, %ge3A_710 : i32
      %convert_element_type3A_712 = arith.extui %ge3A_711 : i1 to i32
      %cond3A_713 = arith.constant 0 : i32
      %cond3A_714 = arith.cmpi ne, %convert_element_type3A_712, %cond3A_713 : i32
      scf.if %cond3A_714 {
        %dma_wait3A_774 = arith.constant 0 : i32
        %dma_wait3A_775 = arith.constant 0 : i32
        %dma_wait3A_776 = tpu.memref_slice %arg31[%dma_wait3A_774, %dma_wait3A_775] : memref<10240x128xf32, #tpu.memory_space<vmem_shared>> -> memref<10240x128xf32, #tpu.memory_space<vmem_shared>>
        tpu.wait_indirect_dma semaphore(%arg49 : memref<!tpu.dma_semaphore, #tpu.memory_space<semaphore_mem>>) src(%arg28 : memref<64x128xf32, #tpu.memory_space<vmem>>) dst(%dma_wait3A_776 : memref<10240x128xf32, #tpu.memory_space<vmem_shared>>)
      } else {
      }
      %lt3A_715 = arith.constant 320 : i32
      %lt3A_716 = arith.cmpi slt, %sub3A_709, %lt3A_715 : i32
      %convert_element_type3A_717 = arith.extui %lt3A_716 : i1 to i32
      %cond3A_718 = arith.constant 0 : i32
      %cond3A_719 = arith.cmpi ne, %convert_element_type3A_717, %cond3A_718 : i32
      scf.if %cond3A_719 {
        %add3A_774 = arith.addi %mul3A_2, %sub3A_709 : i32
        %dma_wait3A_775 = arith.constant 0 : i32
        %dma_wait3A_776 = tpu.memref_slice %arg3[%add3A_774, %dma_wait3A_775] : memref<10240x64xi32, #tpu.memory_space<hbm>> -> memref<1x64xi32, #tpu.memory_space<hbm>>
        %dma_wait3A_777 = tpu.memref_squeeze %dma_wait3A_776 : memref<1x64xi32, #tpu.memory_space<hbm>> -> memref<64xi32, #tpu.memory_space<hbm>>
        %dma_wait3A_778 = arith.constant 0 : i32
        %dma_wait3A_779 = tpu.memref_slice %arg3[%add3A_774, %dma_wait3A_778] : memref<10240x64xi32, #tpu.memory_space<hbm>> -> memref<1x64xi32, #tpu.memory_space<hbm>>
        %dma_wait3A_780 = tpu.memref_squeeze %dma_wait3A_779 : memref<1x64xi32, #tpu.memory_space<hbm>> -> memref<64xi32, #tpu.memory_space<hbm>>
        tpu.wait_dma2 semaphore(%arg34 : memref<!tpu.dma_semaphore, #tpu.memory_space<semaphore_mem>>) src(%dma_wait3A_780 : memref<64xi32, #tpu.memory_space<hbm>>) dst(%arg8 : memref<64xi32, #tpu.memory_space<vmem>>)
        %add3A_781 = arith.addi %mul3A_2, %sub3A_709 : i32
        %dma_wait3A_782 = arith.constant 0 : i32
        %dma_wait3A_783 = tpu.memref_slice %arg4[%add3A_781, %dma_wait3A_782] : memref<10240x64xi32, #tpu.memory_space<hbm>> -> memref<1x64xi32, #tpu.memory_space<hbm>>
        %dma_wait3A_784 = tpu.memref_squeeze %dma_wait3A_783 : memref<1x64xi32, #tpu.memory_space<hbm>> -> memref<64xi32, #tpu.memory_space<hbm>>
        %dma_wait3A_785 = arith.constant 0 : i32
        %dma_wait3A_786 = tpu.memref_slice %arg4[%add3A_781, %dma_wait3A_785] : memref<10240x64xi32, #tpu.memory_space<hbm>> -> memref<1x64xi32, #tpu.memory_space<hbm>>
        %dma_wait3A_787 = tpu.memref_squeeze %dma_wait3A_786 : memref<1x64xi32, #tpu.memory_space<hbm>> -> memref<64xi32, #tpu.memory_space<hbm>>
        tpu.wait_dma2 semaphore(%arg34 : memref<!tpu.dma_semaphore, #tpu.memory_space<semaphore_mem>>) src(%dma_wait3A_787 : memref<64xi32, #tpu.memory_space<hbm>>) dst(%arg18 : memref<64xi32, #tpu.memory_space<vmem>>)
        %dma_start3A_788 = arith.constant 0 : i32
        %dma_start3A_789 = arith.constant 0 : i32
        %dma_start3A_790 = tpu.memref_slice %arg2[%dma_start3A_788, %dma_start3A_789] : memref<10000x128xf32, #tpu.memory_space<hbm>> -> memref<10000x128xf32, #tpu.memory_space<hbm>>
        tpu.enqueue_indirect_dma source(%dma_start3A_790 : memref<10000x128xf32, #tpu.memory_space<hbm>>) target(%arg28 : memref<64x128xf32, #tpu.memory_space<vmem>>) offsets(%arg18 : memref<64xi32, #tpu.memory_space<vmem>>) semaphore(%arg44 : memref<!tpu.dma_semaphore, #tpu.memory_space<semaphore_mem>>)
      } else {
      }
      %dma_wait3A_720 = arith.constant 0 : i32
      %dma_wait3A_721 = arith.constant 0 : i32
      %dma_wait3A_722 = tpu.memref_slice %arg2[%dma_wait3A_720, %dma_wait3A_721] : memref<10000x128xf32, #tpu.memory_space<hbm>> -> memref<10000x128xf32, #tpu.memory_space<hbm>>
      tpu.wait_indirect_dma semaphore(%arg45 : memref<!tpu.dma_semaphore, #tpu.memory_space<semaphore_mem>>) src(%dma_wait3A_722 : memref<10000x128xf32, #tpu.memory_space<hbm>>) dst(%arg29 : memref<64x128xf32, #tpu.memory_space<vmem>>)
      %dma_start3A_723 = arith.constant 0 : i32
      %dma_start3A_724 = arith.constant 0 : i32
      %dma_start3A_725 = tpu.memref_slice %arg31[%dma_start3A_723, %dma_start3A_724] : memref<10240x128xf32, #tpu.memory_space<vmem_shared>> -> memref<10240x128xf32, #tpu.memory_space<vmem_shared>>
      tpu.enqueue_indirect_dma source(%arg29 : memref<64x128xf32, #tpu.memory_space<vmem>>) target(%dma_start3A_725 : memref<10240x128xf32, #tpu.memory_space<vmem_shared>>) offsets(%arg14 : memref<64xi32, #tpu.memory_space<vmem>>) semaphore(%arg50 : memref<!tpu.dma_semaphore, #tpu.memory_space<semaphore_mem>>) {add = true}
      %ge3A_726 = arith.constant 1 : i32
      %ge3A_727 = arith.cmpi sge, %add3A_705, %ge3A_726 : i32
      %add3A_728 = arith.constant 10 : i32
      %add3A_729 = arith.addi %add3A_705, %add3A_728 : i32
      %sub3A_730 = arith.constant 1 : i32
      %sub3A_731 = arith.subi %add3A_729, %sub3A_730 : i32
      %lt3A_732 = arith.constant 320 : i32
      %lt3A_733 = arith.cmpi slt, %sub3A_731, %lt3A_732 : i32
      %and3A_734 = arith.andi %ge3A_727, %lt3A_733 : i1
      %convert_element_type3A_735 = arith.extui %and3A_734 : i1 to i32
      %cond3A_736 = arith.constant 0 : i32
      %cond3A_737 = arith.cmpi ne, %convert_element_type3A_735, %cond3A_736 : i32
      scf.if %cond3A_737 {
        %add3A_774 = arith.constant 10 : i32
        %add3A_775 = arith.addi %add3A_705, %add3A_774 : i32
        %sub3A_776 = arith.constant 1 : i32
        %sub3A_777 = arith.subi %add3A_775, %sub3A_776 : i32
        %add3A_778 = arith.addi %mul3A_2, %sub3A_777 : i32
        %dma_start3A_779 = arith.constant 0 : i32
        %dma_start3A_780 = tpu.memref_slice %arg3[%add3A_778, %dma_start3A_779] : memref<10240x64xi32, #tpu.memory_space<hbm>> -> memref<1x64xi32, #tpu.memory_space<hbm>>
        %dma_start3A_781 = tpu.memref_squeeze %dma_start3A_780 : memref<1x64xi32, #tpu.memory_space<hbm>> -> memref<64xi32, #tpu.memory_space<hbm>>
        %dma_start3A_782 = arith.constant 0 : i32
        %dma_start3A_783 = tpu.memref_slice %arg3[%add3A_778, %dma_start3A_782] : memref<10240x64xi32, #tpu.memory_space<hbm>> -> memref<1x64xi32, #tpu.memory_space<hbm>>
        %dma_start3A_784 = tpu.memref_squeeze %dma_start3A_783 : memref<1x64xi32, #tpu.memory_space<hbm>> -> memref<64xi32, #tpu.memory_space<hbm>>
        tpu.enqueue_dma source(%dma_start3A_784 : memref<64xi32, #tpu.memory_space<hbm>>) target(%arg13 : memref<64xi32, #tpu.memory_space<vmem>>) target_semaphore(%arg39 : memref<!tpu.dma_semaphore, #tpu.memory_space<semaphore_mem>>)
        %add3A_785 = arith.addi %mul3A_2, %sub3A_777 : i32
        %dma_start3A_786 = arith.constant 0 : i32
        %dma_start3A_787 = tpu.memref_slice %arg4[%add3A_785, %dma_start3A_786] : memref<10240x64xi32, #tpu.memory_space<hbm>> -> memref<1x64xi32, #tpu.memory_space<hbm>>
        %dma_start3A_788 = tpu.memref_squeeze %dma_start3A_787 : memref<1x64xi32, #tpu.memory_space<hbm>> -> memref<64xi32, #tpu.memory_space<hbm>>
        %dma_start3A_789 = arith.constant 0 : i32
        %dma_start3A_790 = tpu.memref_slice %arg4[%add3A_785, %dma_start3A_789] : memref<10240x64xi32, #tpu.memory_space<hbm>> -> memref<1x64xi32, #tpu.memory_space<hbm>>
        %dma_start3A_791 = tpu.memref_squeeze %dma_start3A_790 : memref<1x64xi32, #tpu.memory_space<hbm>> -> memref<64xi32, #tpu.memory_space<hbm>>
        tpu.enqueue_dma source(%dma_start3A_791 : memref<64xi32, #tpu.memory_space<hbm>>) target(%arg23 : memref<64xi32, #tpu.memory_space<vmem>>) target_semaphore(%arg39 : memref<!tpu.dma_semaphore, #tpu.memory_space<semaphore_mem>>)
      } else {
      }
      %mul3A_738 = arith.constant 10 : i32
      %mul3A_739 = arith.muli %scan3A_419, %mul3A_738 : i32
      %add3A_740 = arith.constant 9 : i32
      %add3A_741 = arith.addi %mul3A_739, %add3A_740 : i32
      %add3A_742 = arith.constant 5 : i32
      %add3A_743 = arith.addi %add3A_741, %add3A_742 : i32
      %sub3A_744 = arith.constant 1 : i32
      %sub3A_745 = arith.subi %add3A_743, %sub3A_744 : i32
      %ge3A_746 = arith.constant 1 : i32
      %ge3A_747 = arith.cmpi sge, %add3A_741, %ge3A_746 : i32
      %convert_element_type3A_748 = arith.extui %ge3A_747 : i1 to i32
      %cond3A_749 = arith.constant 0 : i32
      %cond3A_750 = arith.cmpi ne, %convert_element_type3A_748, %cond3A_749 : i32
      scf.if %cond3A_750 {
        %dma_wait3A_774 = arith.constant 0 : i32
        %dma_wait3A_775 = arith.constant 0 : i32
        %dma_wait3A_776 = tpu.memref_slice %arg31[%dma_wait3A_774, %dma_wait3A_775] : memref<10240x128xf32, #tpu.memory_space<vmem_shared>> -> memref<10240x128xf32, #tpu.memory_space<vmem_shared>>
        tpu.wait_indirect_dma semaphore(%arg50 : memref<!tpu.dma_semaphore, #tpu.memory_space<semaphore_mem>>) src(%arg29 : memref<64x128xf32, #tpu.memory_space<vmem>>) dst(%dma_wait3A_776 : memref<10240x128xf32, #tpu.memory_space<vmem_shared>>)
      } else {
      }
      %lt3A_751 = arith.constant 320 : i32
      %lt3A_752 = arith.cmpi slt, %sub3A_745, %lt3A_751 : i32
      %convert_element_type3A_753 = arith.extui %lt3A_752 : i1 to i32
      %cond3A_754 = arith.constant 0 : i32
      %cond3A_755 = arith.cmpi ne, %convert_element_type3A_753, %cond3A_754 : i32
      scf.if %cond3A_755 {
        %add3A_774 = arith.addi %mul3A_2, %sub3A_745 : i32
        %dma_wait3A_775 = arith.constant 0 : i32
        %dma_wait3A_776 = tpu.memref_slice %arg3[%add3A_774, %dma_wait3A_775] : memref<10240x64xi32, #tpu.memory_space<hbm>> -> memref<1x64xi32, #tpu.memory_space<hbm>>
        %dma_wait3A_777 = tpu.memref_squeeze %dma_wait3A_776 : memref<1x64xi32, #tpu.memory_space<hbm>> -> memref<64xi32, #tpu.memory_space<hbm>>
        %dma_wait3A_778 = arith.constant 0 : i32
        %dma_wait3A_779 = tpu.memref_slice %arg3[%add3A_774, %dma_wait3A_778] : memref<10240x64xi32, #tpu.memory_space<hbm>> -> memref<1x64xi32, #tpu.memory_space<hbm>>
        %dma_wait3A_780 = tpu.memref_squeeze %dma_wait3A_779 : memref<1x64xi32, #tpu.memory_space<hbm>> -> memref<64xi32, #tpu.memory_space<hbm>>
        tpu.wait_dma2 semaphore(%arg35 : memref<!tpu.dma_semaphore, #tpu.memory_space<semaphore_mem>>) src(%dma_wait3A_780 : memref<64xi32, #tpu.memory_space<hbm>>) dst(%arg9 : memref<64xi32, #tpu.memory_space<vmem>>)
        %add3A_781 = arith.addi %mul3A_2, %sub3A_745 : i32
        %dma_wait3A_782 = arith.constant 0 : i32
        %dma_wait3A_783 = tpu.memref_slice %arg4[%add3A_781, %dma_wait3A_782] : memref<10240x64xi32, #tpu.memory_space<hbm>> -> memref<1x64xi32, #tpu.memory_space<hbm>>
        %dma_wait3A_784 = tpu.memref_squeeze %dma_wait3A_783 : memref<1x64xi32, #tpu.memory_space<hbm>> -> memref<64xi32, #tpu.memory_space<hbm>>
        %dma_wait3A_785 = arith.constant 0 : i32
        %dma_wait3A_786 = tpu.memref_slice %arg4[%add3A_781, %dma_wait3A_785] : memref<10240x64xi32, #tpu.memory_space<hbm>> -> memref<1x64xi32, #tpu.memory_space<hbm>>
        %dma_wait3A_787 = tpu.memref_squeeze %dma_wait3A_786 : memref<1x64xi32, #tpu.memory_space<hbm>> -> memref<64xi32, #tpu.memory_space<hbm>>
        tpu.wait_dma2 semaphore(%arg35 : memref<!tpu.dma_semaphore, #tpu.memory_space<semaphore_mem>>) src(%dma_wait3A_787 : memref<64xi32, #tpu.memory_space<hbm>>) dst(%arg19 : memref<64xi32, #tpu.memory_space<vmem>>)
        %dma_start3A_788 = arith.constant 0 : i32
        %dma_start3A_789 = arith.constant 0 : i32
        %dma_start3A_790 = tpu.memref_slice %arg2[%dma_start3A_788, %dma_start3A_789] : memref<10000x128xf32, #tpu.memory_space<hbm>> -> memref<10000x128xf32, #tpu.memory_space<hbm>>
        tpu.enqueue_indirect_dma source(%dma_start3A_790 : memref<10000x128xf32, #tpu.memory_space<hbm>>) target(%arg29 : memref<64x128xf32, #tpu.memory_space<vmem>>) offsets(%arg19 : memref<64xi32, #tpu.memory_space<vmem>>) semaphore(%arg45 : memref<!tpu.dma_semaphore, #tpu.memory_space<semaphore_mem>>)
      } else {
      }
      %dma_wait3A_756 = arith.constant 0 : i32
      %dma_wait3A_757 = arith.constant 0 : i32
      %dma_wait3A_758 = tpu.memref_slice %arg2[%dma_wait3A_756, %dma_wait3A_757] : memref<10000x128xf32, #tpu.memory_space<hbm>> -> memref<10000x128xf32, #tpu.memory_space<hbm>>
      tpu.wait_indirect_dma semaphore(%arg46 : memref<!tpu.dma_semaphore, #tpu.memory_space<semaphore_mem>>) src(%dma_wait3A_758 : memref<10000x128xf32, #tpu.memory_space<hbm>>) dst(%arg30 : memref<64x128xf32, #tpu.memory_space<vmem>>)
      %dma_start3A_759 = arith.constant 0 : i32
      %dma_start3A_760 = arith.constant 0 : i32
      %dma_start3A_761 = tpu.memref_slice %arg31[%dma_start3A_759, %dma_start3A_760] : memref<10240x128xf32, #tpu.memory_space<vmem_shared>> -> memref<10240x128xf32, #tpu.memory_space<vmem_shared>>
      tpu.enqueue_indirect_dma source(%arg30 : memref<64x128xf32, #tpu.memory_space<vmem>>) target(%dma_start3A_761 : memref<10240x128xf32, #tpu.memory_space<vmem_shared>>) offsets(%arg15 : memref<64xi32, #tpu.memory_space<vmem>>) semaphore(%arg51 : memref<!tpu.dma_semaphore, #tpu.memory_space<semaphore_mem>>) {add = true}
      %ge3A_762 = arith.constant 1 : i32
      %ge3A_763 = arith.cmpi sge, %add3A_741, %ge3A_762 : i32
      %add3A_764 = arith.constant 10 : i32
      %add3A_765 = arith.addi %add3A_741, %add3A_764 : i32
      %sub3A_766 = arith.constant 1 : i32
      %sub3A_767 = arith.subi %add3A_765, %sub3A_766 : i32
      %lt3A_768 = arith.constant 320 : i32
      %lt3A_769 = arith.cmpi slt, %sub3A_767, %lt3A_768 : i32
      %and3A_770 = arith.andi %ge3A_763, %lt3A_769 : i1
      %convert_element_type3A_771 = arith.extui %and3A_770 : i1 to i32
      %cond3A_772 = arith.constant 0 : i32
      %cond3A_773 = arith.cmpi ne, %convert_element_type3A_771, %cond3A_772 : i32
      scf.if %cond3A_773 {
        %add3A_774 = arith.constant 10 : i32
        %add3A_775 = arith.addi %add3A_741, %add3A_774 : i32
        %sub3A_776 = arith.constant 1 : i32
        %sub3A_777 = arith.subi %add3A_775, %sub3A_776 : i32
        %add3A_778 = arith.addi %mul3A_2, %sub3A_777 : i32
        %dma_start3A_779 = arith.constant 0 : i32
        %dma_start3A_780 = tpu.memref_slice %arg3[%add3A_778, %dma_start3A_779] : memref<10240x64xi32, #tpu.memory_space<hbm>> -> memref<1x64xi32, #tpu.memory_space<hbm>>
        %dma_start3A_781 = tpu.memref_squeeze %dma_start3A_780 : memref<1x64xi32, #tpu.memory_space<hbm>> -> memref<64xi32, #tpu.memory_space<hbm>>
        %dma_start3A_782 = arith.constant 0 : i32
        %dma_start3A_783 = tpu.memref_slice %arg3[%add3A_778, %dma_start3A_782] : memref<10240x64xi32, #tpu.memory_space<hbm>> -> memref<1x64xi32, #tpu.memory_space<hbm>>
        %dma_start3A_784 = tpu.memref_squeeze %dma_start3A_783 : memref<1x64xi32, #tpu.memory_space<hbm>> -> memref<64xi32, #tpu.memory_space<hbm>>
        tpu.enqueue_dma source(%dma_start3A_784 : memref<64xi32, #tpu.memory_space<hbm>>) target(%arg14 : memref<64xi32, #tpu.memory_space<vmem>>) target_semaphore(%arg40 : memref<!tpu.dma_semaphore, #tpu.memory_space<semaphore_mem>>)
        %add3A_785 = arith.addi %mul3A_2, %sub3A_777 : i32
        %dma_start3A_786 = arith.constant 0 : i32
        %dma_start3A_787 = tpu.memref_slice %arg4[%add3A_785, %dma_start3A_786] : memref<10240x64xi32, #tpu.memory_space<hbm>> -> memref<1x64xi32, #tpu.memory_space<hbm>>
        %dma_start3A_788 = tpu.memref_squeeze %dma_start3A_787 : memref<1x64xi32, #tpu.memory_space<hbm>> -> memref<64xi32, #tpu.memory_space<hbm>>
        %dma_start3A_789 = arith.constant 0 : i32
        %dma_start3A_790 = tpu.memref_slice %arg4[%add3A_785, %dma_start3A_789] : memref<10240x64xi32, #tpu.memory_space<hbm>> -> memref<1x64xi32, #tpu.memory_space<hbm>>
        %dma_start3A_791 = tpu.memref_squeeze %dma_start3A_790 : memref<1x64xi32, #tpu.memory_space<hbm>> -> memref<64xi32, #tpu.memory_space<hbm>>
        tpu.enqueue_dma source(%dma_start3A_791 : memref<64xi32, #tpu.memory_space<hbm>>) target(%arg24 : memref<64xi32, #tpu.memory_space<vmem>>) target_semaphore(%arg40 : memref<!tpu.dma_semaphore, #tpu.memory_space<semaphore_mem>>)
      } else {
      }
    }
    %scan3A_407 = arith.constant 32 : i32
    %dma_wait3A_408 = arith.constant 0 : i32
    %dma_wait3A_409 = arith.constant 0 : i32
    %dma_wait3A_410 = tpu.memref_slice %arg31[%dma_wait3A_408, %dma_wait3A_409] : memref<10240x128xf32, #tpu.memory_space<vmem_shared>> -> memref<10240x128xf32, #tpu.memory_space<vmem_shared>>
    tpu.wait_indirect_dma semaphore(%arg51 : memref<!tpu.dma_semaphore, #tpu.memory_space<semaphore_mem>>) src(%arg30 : memref<64x128xf32, #tpu.memory_space<vmem>>) dst(%dma_wait3A_410 : memref<10240x128xf32, #tpu.memory_space<vmem_shared>>)
    %barrier3A_411 = arith.constant 0 : index
    tpu.barrier barrier_id(%barrier3A_411)
    %mul3A_412 = arith.constant 640 : i32
    %mul3A_413 = arith.muli %arg1, %mul3A_412 : i32
    %mul3A_414 = arith.constant 10240 : i32
    %mul3A_415 = arith.muli %arg0, %mul3A_414 : i32
    %mul3A_416 = arith.constant 640 : i32
    %mul3A_417 = arith.muli %arg1, %mul3A_416 : i32
    %add3A_418 = arith.addi %mul3A_415, %mul3A_417 : i32
    "tpu.region"() ({
      %run_scoped3A = tpu.sem_alloc : memref<!tpu.dma_semaphore, #tpu.memory_space<semaphore_mem>>
      %dma_start3A_419 = arith.constant 0 : i32
      %dma_start3A_420 = tpu.memref_slice %arg5[%add3A_418, %dma_start3A_419] : memref<20480x128xf32, #tpu.memory_space<hbm>> -> memref<640x128xf32, #tpu.memory_space<hbm>>
      %dma_start3A_421 = arith.constant 0 : i32
      %dma_start3A_422 = tpu.memref_slice %arg31[%mul3A_413, %dma_start3A_421] : memref<10240x128xf32, #tpu.memory_space<vmem_shared>> -> memref<640x128xf32, #tpu.memory_space<vmem_shared>>
      tpu.enqueue_dma source(%dma_start3A_422 : memref<640x128xf32, #tpu.memory_space<vmem_shared>>) target(%dma_start3A_420 : memref<640x128xf32, #tpu.memory_space<hbm>>) target_semaphore(%run_scoped3A : memref<!tpu.dma_semaphore, #tpu.memory_space<semaphore_mem>>)
      %dma_wait3A_423 = arith.constant 0 : i32
      %dma_wait3A_424 = tpu.memref_slice %arg5[%add3A_418, %dma_wait3A_423] : memref<20480x128xf32, #tpu.memory_space<hbm>> -> memref<640x128xf32, #tpu.memory_space<hbm>>
      %dma_wait3A_425 = arith.constant 0 : i32
      %dma_wait3A_426 = tpu.memref_slice %arg31[%mul3A_413, %dma_wait3A_425] : memref<10240x128xf32, #tpu.memory_space<vmem_shared>> -> memref<640x128xf32, #tpu.memory_space<vmem_shared>>
      tpu.wait_dma2 semaphore(%run_scoped3A : memref<!tpu.dma_semaphore, #tpu.memory_space<semaphore_mem>>) src(%dma_wait3A_426 : memref<640x128xf32, #tpu.memory_space<vmem_shared>>) dst(%dma_wait3A_424 : memref<640x128xf32, #tpu.memory_space<hbm>>)
      tpu.yield
    }) : () -> ()
    return
  }
}

#map = affine_map<(d0, d1) -> (0, 0)>
module attributes {stable_mosaic.version = 14 : i64} {
  func.func @body(%arg0: i32, %arg1: i32, %arg2: memref<10000x128xf32, #tpu.memory_space<hbm>>, %arg3: memref<10240x64xi32, #tpu.memory_space<hbm>>, %arg4: memref<10240x64xi32, #tpu.memory_space<hbm>>, %arg5: memref<20480x128xf32, #tpu.memory_space<hbm>>, %arg6: memref<64xi32, #tpu.memory_space<vmem>>, %arg7: memref<64xi32, #tpu.memory_space<vmem>>, %arg8: memref<64xi32, #tpu.memory_space<vmem>>, %arg9: memref<64xi32, #tpu.memory_space<vmem>>, %arg10: memref<64xi32, #tpu.memory_space<vmem>>, %arg11: memref<64xi32, #tpu.memory_space<vmem>>, %arg12: memref<64xi32, #tpu.memory_space<vmem>>, %arg13: memref<64xi32, #tpu.memory_space<vmem>>, %arg14: memref<64xi32, #tpu.memory_space<vmem>>, %arg15: memref<64xi32, #tpu.memory_space<vmem>>, %arg16: memref<64xi32, #tpu.memory_space<vmem>>, %arg17: memref<64xi32, #tpu.memory_space<vmem>>, %arg18: memref<64xi32, #tpu.memory_space<vmem>>, %arg19: memref<64xi32, #tpu.memory_space<vmem>>, %arg20: memref<64xi32, #tpu.memory_space<vmem>>, %arg21: memref<64xi32, #tpu.memory_space<vmem>>, %arg22: memref<64xi32, #tpu.memory_space<vmem>>, %arg23: memref<64xi32, #tpu.memory_space<vmem>>, %arg24: memref<64xi32, #tpu.memory_space<vmem>>, %arg25: memref<64xi32, #tpu.memory_space<vmem>>, %arg26: memref<64x128xf32, #tpu.memory_space<vmem>>, %arg27: memref<64x128xf32, #tpu.memory_space<vmem>>, %arg28: memref<64x128xf32, #tpu.memory_space<vmem>>, %arg29: memref<64x128xf32, #tpu.memory_space<vmem>>, %arg30: memref<64x128xf32, #tpu.memory_space<vmem>>, %arg31: memref<10240x128xf32, #tpu.memory_space<vmem_shared>>, %arg32: memref<!tpu.dma_semaphore, #tpu.memory_space<semaphore_mem>>, %arg33: memref<!tpu.dma_semaphore, #tpu.memory_space<semaphore_mem>>, %arg34: memref<!tpu.dma_semaphore, #tpu.memory_space<semaphore_mem>>, %arg35: memref<!tpu.dma_semaphore, #tpu.memory_space<semaphore_mem>>, %arg36: memref<!tpu.dma_semaphore, #tpu.memory_space<semaphore_mem>>, %arg37: memref<!tpu.dma_semaphore, #tpu.memory_space<semaphore_mem>>, %arg38: memref<!tpu.dma_semaphore, #tpu.memory_space<semaphore_mem>>, %arg39: memref<!tpu.dma_semaphore, #tpu.memory_space<semaphore_mem>>, %arg40: memref<!tpu.dma_semaphore, #tpu.memory_space<semaphore_mem>>, %arg41: memref<!tpu.dma_semaphore, #tpu.memory_space<semaphore_mem>>, %arg42: memref<!tpu.dma_semaphore, #tpu.memory_space<semaphore_mem>>, %arg43: memref<!tpu.dma_semaphore, #tpu.memory_space<semaphore_mem>>, %arg44: memref<!tpu.dma_semaphore, #tpu.memory_space<semaphore_mem>>, %arg45: memref<!tpu.dma_semaphore, #tpu.memory_space<semaphore_mem>>, %arg46: memref<!tpu.dma_semaphore, #tpu.memory_space<semaphore_mem>>, %arg47: memref<!tpu.dma_semaphore, #tpu.memory_space<semaphore_mem>>, %arg48: memref<!tpu.dma_semaphore, #tpu.memory_space<semaphore_mem>>, %arg49: memref<!tpu.dma_semaphore, #tpu.memory_space<semaphore_mem>>, %arg50: memref<!tpu.dma_semaphore, #tpu.memory_space<semaphore_mem>>, %arg51: memref<!tpu.dma_semaphore, #tpu.memory_space<semaphore_mem>>, %arg52: memref<!tpu.dma_semaphore, #tpu.memory_space<semaphore_mem>>) attributes {dimension_semantics = [#tpu.dimension_semantics<core_parallel>, #tpu.dimension_semantics<subcore_parallel>], iteration_bounds = array<i64: 2, 16>, scalar_prefetch = 0 : i64, scratch_operands = 47 : i64, tpu.core_type = #tpu.core_type<sc_vector_subcore>, window_params = [{transform_indices = #map}, {transform_indices = #map}, {transform_indices = #map}, {transform_indices = #map}]} {
    %mul3A = arith.constant 2 : i32
    %mul3A_0 = arith.muli %arg1, %mul3A : i32
    %add3A = arith.addi %mul3A_0, %arg0 : i32
    %mul3A_1 = arith.constant 320 : i32
    %mul3A_2 = arith.muli %add3A, %mul3A_1 : i32
    %add3A_3 = arith.constant 0 : i32
    %add3A_4 = arith.addi %mul3A_2, %add3A_3 : i32
    %dma_start3A = arith.constant 0 : i32
    %dma_start3A_5 = tpu.memref_slice %arg3[%add3A_4, %dma_start3A] : memref<10240x64xi32, #tpu.memory_space<hbm>> -> memref<1x64xi32, #tpu.memory_space<hbm>>
    %dma_start3A_6 = tpu.memref_squeeze %dma_start3A_5 : memref<1x64xi32, #tpu.memory_space<hbm>> -> memref<64xi32, #tpu.memory_space<hbm>>
    %dma_start3A_7 = arith.constant 0 : i32
    %dma_start3A_8 = tpu.memref_slice %arg3[%add3A_4, %dma_start3A_7] : memref<10240x64xi32, #tpu.memory_space<hbm>> -> memref<1x64xi32, #tpu.memory_space<hbm>>
    %dma_start3A_9 = tpu.memref_squeeze %dma_start3A_8 : memref<1x64xi32, #tpu.memory_space<hbm>> -> memref<64xi32, #tpu.memory_space<hbm>>
    tpu.enqueue_dma source(%dma_start3A_9 : memref<64xi32, #tpu.memory_space<hbm>>) target(%arg6 : memref<64xi32, #tpu.memory_space<vmem>>) target_semaphore(%arg32 : memref<!tpu.dma_semaphore, #tpu.memory_space<semaphore_mem>>)
    %add3A_10 = arith.constant 0 : i32
    %add3A_11 = arith.addi %mul3A_2, %add3A_10 : i32
    %dma_start3A_12 = arith.constant 0 : i32
    %dma_start3A_13 = tpu.memref_slice %arg4[%add3A_11, %dma_start3A_12] : memref<10240x64xi32, #tpu.memory_space<hbm>> -> memref<1x64xi32, #tpu.memory_space<hbm>>
    %dma_start3A_14 = tpu.memref_squeeze %dma_start3A_13 : memref<1x64xi32, #tpu.memory_space<hbm>> -> memref<64xi32, #tpu.memory_space<hbm>>
    %dma_start3A_15 = arith.constant 0 : i32
    %dma_start3A_16 = tpu.memref_slice %arg4[%add3A_11, %dma_start3A_15] : memref<10240x64xi32, #tpu.memory_space<hbm>> -> memref<1x64xi32, #tpu.memory_space<hbm>>
    %dma_start3A_17 = tpu.memref_squeeze %dma_start3A_16 : memref<1x64xi32, #tpu.memory_space<hbm>> -> memref<64xi32, #tpu.memory_space<hbm>>
    tpu.enqueue_dma source(%dma_start3A_17 : memref<64xi32, #tpu.memory_space<hbm>>) target(%arg16 : memref<64xi32, #tpu.memory_space<vmem>>) target_semaphore(%arg32 : memref<!tpu.dma_semaphore, #tpu.memory_space<semaphore_mem>>)
    %add3A_18 = arith.constant 1 : i32
    %add3A_19 = arith.addi %mul3A_2, %add3A_18 : i32
    %dma_start3A_20 = arith.constant 0 : i32
    %dma_start3A_21 = tpu.memref_slice %arg3[%add3A_19, %dma_start3A_20] : memref<10240x64xi32, #tpu.memory_space<hbm>> -> memref<1x64xi32, #tpu.memory_space<hbm>>
    %dma_start3A_22 = tpu.memref_squeeze %dma_start3A_21 : memref<1x64xi32, #tpu.memory_space<hbm>> -> memref<64xi32, #tpu.memory_space<hbm>>
    %dma_start3A_23 = arith.constant 0 : i32
    %dma_start3A_24 = tpu.memref_slice %arg3[%add3A_19, %dma_start3A_23] : memref<10240x64xi32, #tpu.memory_space<hbm>> -> memref<1x64xi32, #tpu.memory_space<hbm>>
    %dma_start3A_25 = tpu.memref_squeeze %dma_start3A_24 : memref<1x64xi32, #tpu.memory_space<hbm>> -> memref<64xi32, #tpu.memory_space<hbm>>
    tpu.enqueue_dma source(%dma_start3A_25 : memref<64xi32, #tpu.memory_space<hbm>>) target(%arg7 : memref<64xi32, #tpu.memory_space<vmem>>) target_semaphore(%arg33 : memref<!tpu.dma_semaphore, #tpu.memory_space<semaphore_mem>>)
    %add3A_26 = arith.constant 1 : i32
    %add3A_27 = arith.addi %mul3A_2, %add3A_26 : i32
    %dma_start3A_28 = arith.constant 0 : i32
    %dma_start3A_29 = tpu.memref_slice %arg4[%add3A_27, %dma_start3A_28] : memref<10240x64xi32, #tpu.memory_space<hbm>> -> memref<1x64xi32, #tpu.memory_space<hbm>>
    %dma_start3A_30 = tpu.memref_squeeze %dma_start3A_29 : memref<1x64xi32, #tpu.memory_space<hbm>> -> memref<64xi32, #tpu.memory_space<hbm>>
    %dma_start3A_31 = arith.constant 0 : i32
    %dma_start3A_32 = tpu.memref_slice %arg4[%add3A_27, %dma_start3A_31] : memref<10240x64xi32, #tpu.memory_space<hbm>> -> memref<1x64xi32, #tpu.memory_space<hbm>>
    %dma_start3A_33 = tpu.memref_squeeze %dma_start3A_32 : memref<1x64xi32, #tpu.memory_space<hbm>> -> memref<64xi32, #tpu.memory_space<hbm>>
    tpu.enqueue_dma source(%dma_start3A_33 : memref<64xi32, #tpu.memory_space<hbm>>) target(%arg17 : memref<64xi32, #tpu.memory_space<vmem>>) target_semaphore(%arg33 : memref<!tpu.dma_semaphore, #tpu.memory_space<semaphore_mem>>)
    %add3A_34 = arith.constant 2 : i32
    %add3A_35 = arith.addi %mul3A_2, %add3A_34 : i32
    %dma_start3A_36 = arith.constant 0 : i32
    %dma_start3A_37 = tpu.memref_slice %arg3[%add3A_35, %dma_start3A_36] : memref<10240x64xi32, #tpu.memory_space<hbm>> -> memref<1x64xi32, #tpu.memory_space<hbm>>
    %dma_start3A_38 = tpu.memref_squeeze %dma_start3A_37 : memref<1x64xi32, #tpu.memory_space<hbm>> -> memref<64xi32, #tpu.memory_space<hbm>>
    %dma_start3A_39 = arith.constant 0 : i32
    %dma_start3A_40 = tpu.memref_slice %arg3[%add3A_35, %dma_start3A_39] : memref<10240x64xi32, #tpu.memory_space<hbm>> -> memref<1x64xi32, #tpu.memory_space<hbm>>
    %dma_start3A_41 = tpu.memref_squeeze %dma_start3A_40 : memref<1x64xi32, #tpu.memory_space<hbm>> -> memref<64xi32, #tpu.memory_space<hbm>>
    tpu.enqueue_dma source(%dma_start3A_41 : memref<64xi32, #tpu.memory_space<hbm>>) target(%arg8 : memref<64xi32, #tpu.memory_space<vmem>>) target_semaphore(%arg34 : memref<!tpu.dma_semaphore, #tpu.memory_space<semaphore_mem>>)
    %add3A_42 = arith.constant 2 : i32
    %add3A_43 = arith.addi %mul3A_2, %add3A_42 : i32
    %dma_start3A_44 = arith.constant 0 : i32
    %dma_start3A_45 = tpu.memref_slice %arg4[%add3A_43, %dma_start3A_44] : memref<10240x64xi32, #tpu.memory_space<hbm>> -> memref<1x64xi32, #tpu.memory_space<hbm>>
    %dma_start3A_46 = tpu.memref_squeeze %dma_start3A_45 : memref<1x64xi32, #tpu.memory_space<hbm>> -> memref<64xi32, #tpu.memory_space<hbm>>
    %dma_start3A_47 = arith.constant 0 : i32
    %dma_start3A_48 = tpu.memref_slice %arg4[%add3A_43, %dma_start3A_47] : memref<10240x64xi32, #tpu.memory_space<hbm>> -> memref<1x64xi32, #tpu.memory_space<hbm>>
    %dma_start3A_49 = tpu.memref_squeeze %dma_start3A_48 : memref<1x64xi32, #tpu.memory_space<hbm>> -> memref<64xi32, #tpu.memory_space<hbm>>
    tpu.enqueue_dma source(%dma_start3A_49 : memref<64xi32, #tpu.memory_space<hbm>>) target(%arg18 : memref<64xi32, #tpu.memory_space<vmem>>) target_semaphore(%arg34 : memref<!tpu.dma_semaphore, #tpu.memory_space<semaphore_mem>>)
    %add3A_50 = arith.constant 3 : i32
    %add3A_51 = arith.addi %mul3A_2, %add3A_50 : i32
    %dma_start3A_52 = arith.constant 0 : i32
    %dma_start3A_53 = tpu.memref_slice %arg3[%add3A_51, %dma_start3A_52] : memref<10240x64xi32, #tpu.memory_space<hbm>> -> memref<1x64xi32, #tpu.memory_space<hbm>>
    %dma_start3A_54 = tpu.memref_squeeze %dma_start3A_53 : memref<1x64xi32, #tpu.memory_space<hbm>> -> memref<64xi32, #tpu.memory_space<hbm>>
    %dma_start3A_55 = arith.constant 0 : i32
    %dma_start3A_56 = tpu.memref_slice %arg3[%add3A_51, %dma_start3A_55] : memref<10240x64xi32, #tpu.memory_space<hbm>> -> memref<1x64xi32, #tpu.memory_space<hbm>>
    %dma_start3A_57 = tpu.memref_squeeze %dma_start3A_56 : memref<1x64xi32, #tpu.memory_space<hbm>> -> memref<64xi32, #tpu.memory_space<hbm>>
    tpu.enqueue_dma source(%dma_start3A_57 : memref<64xi32, #tpu.memory_space<hbm>>) target(%arg9 : memref<64xi32, #tpu.memory_space<vmem>>) target_semaphore(%arg35 : memref<!tpu.dma_semaphore, #tpu.memory_space<semaphore_mem>>)
    %add3A_58 = arith.constant 3 : i32
    %add3A_59 = arith.addi %mul3A_2, %add3A_58 : i32
    %dma_start3A_60 = arith.constant 0 : i32
    %dma_start3A_61 = tpu.memref_slice %arg4[%add3A_59, %dma_start3A_60] : memref<10240x64xi32, #tpu.memory_space<hbm>> -> memref<1x64xi32, #tpu.memory_space<hbm>>
    %dma_start3A_62 = tpu.memref_squeeze %dma_start3A_61 : memref<1x64xi32, #tpu.memory_space<hbm>> -> memref<64xi32, #tpu.memory_space<hbm>>
    %dma_start3A_63 = arith.constant 0 : i32
    %dma_start3A_64 = tpu.memref_slice %arg4[%add3A_59, %dma_start3A_63] : memref<10240x64xi32, #tpu.memory_space<hbm>> -> memref<1x64xi32, #tpu.memory_space<hbm>>
    %dma_start3A_65 = tpu.memref_squeeze %dma_start3A_64 : memref<1x64xi32, #tpu.memory_space<hbm>> -> memref<64xi32, #tpu.memory_space<hbm>>
    tpu.enqueue_dma source(%dma_start3A_65 : memref<64xi32, #tpu.memory_space<hbm>>) target(%arg19 : memref<64xi32, #tpu.memory_space<vmem>>) target_semaphore(%arg35 : memref<!tpu.dma_semaphore, #tpu.memory_space<semaphore_mem>>)
    %add3A_66 = arith.constant 4 : i32
    %add3A_67 = arith.addi %mul3A_2, %add3A_66 : i32
    %dma_start3A_68 = arith.constant 0 : i32
    %dma_start3A_69 = tpu.memref_slice %arg3[%add3A_67, %dma_start3A_68] : memref<10240x64xi32, #tpu.memory_space<hbm>> -> memref<1x64xi32, #tpu.memory_space<hbm>>
    %dma_start3A_70 = tpu.memref_squeeze %dma_start3A_69 : memref<1x64xi32, #tpu.memory_space<hbm>> -> memref<64xi32, #tpu.memory_space<hbm>>
    %dma_start3A_71 = arith.constant 0 : i32
    %dma_start3A_72 = tpu.memref_slice %arg3[%add3A_67, %dma_start3A_71] : memref<10240x64xi32, #tpu.memory_space<hbm>> -> memref<1x64xi32, #tpu.memory_space<hbm>>
    %dma_start3A_73 = tpu.memref_squeeze %dma_start3A_72 : memref<1x64xi32, #tpu.memory_space<hbm>> -> memref<64xi32, #tpu.memory_space<hbm>>
    tpu.enqueue_dma source(%dma_start3A_73 : memref<64xi32, #tpu.memory_space<hbm>>) target(%arg10 : memref<64xi32, #tpu.memory_space<vmem>>) target_semaphore(%arg36 : memref<!tpu.dma_semaphore, #tpu.memory_space<semaphore_mem>>)
    %add3A_74 = arith.constant 4 : i32
    %add3A_75 = arith.addi %mul3A_2, %add3A_74 : i32
    %dma_start3A_76 = arith.constant 0 : i32
    %dma_start3A_77 = tpu.memref_slice %arg4[%add3A_75, %dma_start3A_76] : memref<10240x64xi32, #tpu.memory_space<hbm>> -> memref<1x64xi32, #tpu.memory_space<hbm>>
    %dma_start3A_78 = tpu.memref_squeeze %dma_start3A_77 : memref<1x64xi32, #tpu.memory_space<hbm>> -> memref<64xi32, #tpu.memory_space<hbm>>
    %dma_start3A_79 = arith.constant 0 : i32
    %dma_start3A_80 = tpu.memref_slice %arg4[%add3A_75, %dma_start3A_79] : memref<10240x64xi32, #tpu.memory_space<hbm>> -> memref<1x64xi32, #tpu.memory_space<hbm>>
    %dma_start3A_81 = tpu.memref_squeeze %dma_start3A_80 : memref<1x64xi32, #tpu.memory_space<hbm>> -> memref<64xi32, #tpu.memory_space<hbm>>
    tpu.enqueue_dma source(%dma_start3A_81 : memref<64xi32, #tpu.memory_space<hbm>>) target(%arg20 : memref<64xi32, #tpu.memory_space<vmem>>) target_semaphore(%arg36 : memref<!tpu.dma_semaphore, #tpu.memory_space<semaphore_mem>>)
    %add3A_82 = arith.constant 5 : i32
    %add3A_83 = arith.addi %mul3A_2, %add3A_82 : i32
    %dma_start3A_84 = arith.constant 0 : i32
    %dma_start3A_85 = tpu.memref_slice %arg3[%add3A_83, %dma_start3A_84] : memref<10240x64xi32, #tpu.memory_space<hbm>> -> memref<1x64xi32, #tpu.memory_space<hbm>>
    %dma_start3A_86 = tpu.memref_squeeze %dma_start3A_85 : memref<1x64xi32, #tpu.memory_space<hbm>> -> memref<64xi32, #tpu.memory_space<hbm>>
    %dma_start3A_87 = arith.constant 0 : i32
    %dma_start3A_88 = tpu.memref_slice %arg3[%add3A_83, %dma_start3A_87] : memref<10240x64xi32, #tpu.memory_space<hbm>> -> memref<1x64xi32, #tpu.memory_space<hbm>>
    %dma_start3A_89 = tpu.memref_squeeze %dma_start3A_88 : memref<1x64xi32, #tpu.memory_space<hbm>> -> memref<64xi32, #tpu.memory_space<hbm>>
    tpu.enqueue_dma source(%dma_start3A_89 : memref<64xi32, #tpu.memory_space<hbm>>) target(%arg11 : memref<64xi32, #tpu.memory_space<vmem>>) target_semaphore(%arg37 : memref<!tpu.dma_semaphore, #tpu.memory_space<semaphore_mem>>)
    %add3A_90 = arith.constant 5 : i32
    %add3A_91 = arith.addi %mul3A_2, %add3A_90 : i32
    %dma_start3A_92 = arith.constant 0 : i32
    %dma_start3A_93 = tpu.memref_slice %arg4[%add3A_91, %dma_start3A_92] : memref<10240x64xi32, #tpu.memory_space<hbm>> -> memref<1x64xi32, #tpu.memory_space<hbm>>
    %dma_start3A_94 = tpu.memref_squeeze %dma_start3A_93 : memref<1x64xi32, #tpu.memory_space<hbm>> -> memref<64xi32, #tpu.memory_space<hbm>>
    %dma_start3A_95 = arith.constant 0 : i32
    %dma_start3A_96 = tpu.memref_slice %arg4[%add3A_91, %dma_start3A_95] : memref<10240x64xi32, #tpu.memory_space<hbm>> -> memref<1x64xi32, #tpu.memory_space<hbm>>
    %dma_start3A_97 = tpu.memref_squeeze %dma_start3A_96 : memref<1x64xi32, #tpu.memory_space<hbm>> -> memref<64xi32, #tpu.memory_space<hbm>>
    tpu.enqueue_dma source(%dma_start3A_97 : memref<64xi32, #tpu.memory_space<hbm>>) target(%arg21 : memref<64xi32, #tpu.memory_space<vmem>>) target_semaphore(%arg37 : memref<!tpu.dma_semaphore, #tpu.memory_space<semaphore_mem>>)
    %add3A_98 = arith.constant 6 : i32
    %add3A_99 = arith.addi %mul3A_2, %add3A_98 : i32
    %dma_start3A_100 = arith.constant 0 : i32
    %dma_start3A_101 = tpu.memref_slice %arg3[%add3A_99, %dma_start3A_100] : memref<10240x64xi32, #tpu.memory_space<hbm>> -> memref<1x64xi32, #tpu.memory_space<hbm>>
    %dma_start3A_102 = tpu.memref_squeeze %dma_start3A_101 : memref<1x64xi32, #tpu.memory_space<hbm>> -> memref<64xi32, #tpu.memory_space<hbm>>
    %dma_start3A_103 = arith.constant 0 : i32
    %dma_start3A_104 = tpu.memref_slice %arg3[%add3A_99, %dma_start3A_103] : memref<10240x64xi32, #tpu.memory_space<hbm>> -> memref<1x64xi32, #tpu.memory_space<hbm>>
    %dma_start3A_105 = tpu.memref_squeeze %dma_start3A_104 : memref<1x64xi32, #tpu.memory_space<hbm>> -> memref<64xi32, #tpu.memory_space<hbm>>
    tpu.enqueue_dma source(%dma_start3A_105 : memref<64xi32, #tpu.memory_space<hbm>>) target(%arg12 : memref<64xi32, #tpu.memory_space<vmem>>) target_semaphore(%arg38 : memref<!tpu.dma_semaphore, #tpu.memory_space<semaphore_mem>>)
    %add3A_106 = arith.constant 6 : i32
    %add3A_107 = arith.addi %mul3A_2, %add3A_106 : i32
    %dma_start3A_108 = arith.constant 0 : i32
    %dma_start3A_109 = tpu.memref_slice %arg4[%add3A_107, %dma_start3A_108] : memref<10240x64xi32, #tpu.memory_space<hbm>> -> memref<1x64xi32, #tpu.memory_space<hbm>>
    %dma_start3A_110 = tpu.memref_squeeze %dma_start3A_109 : memref<1x64xi32, #tpu.memory_space<hbm>> -> memref<64xi32, #tpu.memory_space<hbm>>
    %dma_start3A_111 = arith.constant 0 : i32
    %dma_start3A_112 = tpu.memref_slice %arg4[%add3A_107, %dma_start3A_111] : memref<10240x64xi32, #tpu.memory_space<hbm>> -> memref<1x64xi32, #tpu.memory_space<hbm>>
    %dma_start3A_113 = tpu.memref_squeeze %dma_start3A_112 : memref<1x64xi32, #tpu.memory_space<hbm>> -> memref<64xi32, #tpu.memory_space<hbm>>
    tpu.enqueue_dma source(%dma_start3A_113 : memref<64xi32, #tpu.memory_space<hbm>>) target(%arg22 : memref<64xi32, #tpu.memory_space<vmem>>) target_semaphore(%arg38 : memref<!tpu.dma_semaphore, #tpu.memory_space<semaphore_mem>>)
    %add3A_114 = arith.constant 7 : i32
    %add3A_115 = arith.addi %mul3A_2, %add3A_114 : i32
    %dma_start3A_116 = arith.constant 0 : i32
    %dma_start3A_117 = tpu.memref_slice %arg3[%add3A_115, %dma_start3A_116] : memref<10240x64xi32, #tpu.memory_space<hbm>> -> memref<1x64xi32, #tpu.memory_space<hbm>>
    %dma_start3A_118 = tpu.memref_squeeze %dma_start3A_117 : memref<1x64xi32, #tpu.memory_space<hbm>> -> memref<64xi32, #tpu.memory_space<hbm>>
    %dma_start3A_119 = arith.constant 0 : i32
    %dma_start3A_120 = tpu.memref_slice %arg3[%add3A_115, %dma_start3A_119] : memref<10240x64xi32, #tpu.memory_space<hbm>> -> memref<1x64xi32, #tpu.memory_space<hbm>>
    %dma_start3A_121 = tpu.memref_squeeze %dma_start3A_120 : memref<1x64xi32, #tpu.memory_space<hbm>> -> memref<64xi32, #tpu.memory_space<hbm>>
    tpu.enqueue_dma source(%dma_start3A_121 : memref<64xi32, #tpu.memory_space<hbm>>) target(%arg13 : memref<64xi32, #tpu.memory_space<vmem>>) target_semaphore(%arg39 : memref<!tpu.dma_semaphore, #tpu.memory_space<semaphore_mem>>)
    %add3A_122 = arith.constant 7 : i32
    %add3A_123 = arith.addi %mul3A_2, %add3A_122 : i32
    %dma_start3A_124 = arith.constant 0 : i32
    %dma_start3A_125 = tpu.memref_slice %arg4[%add3A_123, %dma_start3A_124] : memref<10240x64xi32, #tpu.memory_space<hbm>> -> memref<1x64xi32, #tpu.memory_space<hbm>>
    %dma_start3A_126 = tpu.memref_squeeze %dma_start3A_125 : memref<1x64xi32, #tpu.memory_space<hbm>> -> memref<64xi32, #tpu.memory_space<hbm>>
    %dma_start3A_127 = arith.constant 0 : i32
    %dma_start3A_128 = tpu.memref_slice %arg4[%add3A_123, %dma_start3A_127] : memref<10240x64xi32, #tpu.memory_space<hbm>> -> memref<1x64xi32, #tpu.memory_space<hbm>>
    %dma_start3A_129 = tpu.memref_squeeze %dma_start3A_128 : memref<1x64xi32, #tpu.memory_space<hbm>> -> memref<64xi32, #tpu.memory_space<hbm>>
    tpu.enqueue_dma source(%dma_start3A_129 : memref<64xi32, #tpu.memory_space<hbm>>) target(%arg23 : memref<64xi32, #tpu.memory_space<vmem>>) target_semaphore(%arg39 : memref<!tpu.dma_semaphore, #tpu.memory_space<semaphore_mem>>)
    %add3A_130 = arith.constant 8 : i32
    %add3A_131 = arith.addi %mul3A_2, %add3A_130 : i32
    %dma_start3A_132 = arith.constant 0 : i32
    %dma_start3A_133 = tpu.memref_slice %arg3[%add3A_131, %dma_start3A_132] : memref<10240x64xi32, #tpu.memory_space<hbm>> -> memref<1x64xi32, #tpu.memory_space<hbm>>
    %dma_start3A_134 = tpu.memref_squeeze %dma_start3A_133 : memref<1x64xi32, #tpu.memory_space<hbm>> -> memref<64xi32, #tpu.memory_space<hbm>>
    %dma_start3A_135 = arith.constant 0 : i32
    %dma_start3A_136 = tpu.memref_slice %arg3[%add3A_131, %dma_start3A_135] : memref<10240x64xi32, #tpu.memory_space<hbm>> -> memref<1x64xi32, #tpu.memory_space<hbm>>
    %dma_start3A_137 = tpu.memref_squeeze %dma_start3A_136 : memref<1x64xi32, #tpu.memory_space<hbm>> -> memref<64xi32, #tpu.memory_space<hbm>>
    tpu.enqueue_dma source(%dma_start3A_137 : memref<64xi32, #tpu.memory_space<hbm>>) target(%arg14 : memref<64xi32, #tpu.memory_space<vmem>>) target_semaphore(%arg40 : memref<!tpu.dma_semaphore, #tpu.memory_space<semaphore_mem>>)
    %add3A_138 = arith.constant 8 : i32
    %add3A_139 = arith.addi %mul3A_2, %add3A_138 : i32
    %dma_start3A_140 = arith.constant 0 : i32
    %dma_start3A_141 = tpu.memref_slice %arg4[%add3A_139, %dma_start3A_140] : memref<10240x64xi32, #tpu.memory_space<hbm>> -> memref<1x64xi32, #tpu.memory_space<hbm>>
    %dma_start3A_142 = tpu.memref_squeeze %dma_start3A_141 : memref<1x64xi32, #tpu.memory_space<hbm>> -> memref<64xi32, #tpu.memory_space<hbm>>
    %dma_start3A_143 = arith.constant 0 : i32
    %dma_start3A_144 = tpu.memref_slice %arg4[%add3A_139, %dma_start3A_143] : memref<10240x64xi32, #tpu.memory_space<hbm>> -> memref<1x64xi32, #tpu.memory_space<hbm>>
    %dma_start3A_145 = tpu.memref_squeeze %dma_start3A_144 : memref<1x64xi32, #tpu.memory_space<hbm>> -> memref<64xi32, #tpu.memory_space<hbm>>
    tpu.enqueue_dma source(%dma_start3A_145 : memref<64xi32, #tpu.memory_space<hbm>>) target(%arg24 : memref<64xi32, #tpu.memory_space<vmem>>) target_semaphore(%arg40 : memref<!tpu.dma_semaphore, #tpu.memory_space<semaphore_mem>>)
    %add3A_146 = arith.constant 9 : i32
    %add3A_147 = arith.addi %mul3A_2, %add3A_146 : i32
    %dma_start3A_148 = arith.constant 0 : i32
    %dma_start3A_149 = tpu.memref_slice %arg3[%add3A_147, %dma_start3A_148] : memref<10240x64xi32, #tpu.memory_space<hbm>> -> memref<1x64xi32, #tpu.memory_space<hbm>>
    %dma_start3A_150 = tpu.memref_squeeze %dma_start3A_149 : memref<1x64xi32, #tpu.memory_space<hbm>> -> memref<64xi32, #tpu.memory_space<hbm>>
    %dma_start3A_151 = arith.constant 0 : i32
    %dma_start3A_152 = tpu.memref_slice %arg3[%add3A_147, %dma_start3A_151] : memref<10240x64xi32, #tpu.memory_space<hbm>> -> memref<1x64xi32, #tpu.memory_space<hbm>>
    %dma_start3A_153 = tpu.memref_squeeze %dma_start3A_152 : memref<1x64xi32, #tpu.memory_space<hbm>> -> memref<64xi32, #tpu.memory_space<hbm>>
    tpu.enqueue_dma source(%dma_start3A_153 : memref<64xi32, #tpu.memory_space<hbm>>) target(%arg15 : memref<64xi32, #tpu.memory_space<vmem>>) target_semaphore(%arg41 : memref<!tpu.dma_semaphore, #tpu.memory_space<semaphore_mem>>)
    %add3A_154 = arith.constant 9 : i32
    %add3A_155 = arith.addi %mul3A_2, %add3A_154 : i32
    %dma_start3A_156 = arith.constant 0 : i32
    %dma_start3A_157 = tpu.memref_slice %arg4[%add3A_155, %dma_start3A_156] : memref<10240x64xi32, #tpu.memory_space<hbm>> -> memref<1x64xi32, #tpu.memory_space<hbm>>
    %dma_start3A_158 = tpu.memref_squeeze %dma_start3A_157 : memref<1x64xi32, #tpu.memory_space<hbm>> -> memref<64xi32, #tpu.memory_space<hbm>>
    %dma_start3A_159 = arith.constant 0 : i32
    %dma_start3A_160 = tpu.memref_slice %arg4[%add3A_155, %dma_start3A_159] : memref<10240x64xi32, #tpu.memory_space<hbm>> -> memref<1x64xi32, #tpu.memory_space<hbm>>
    %dma_start3A_161 = tpu.memref_squeeze %dma_start3A_160 : memref<1x64xi32, #tpu.memory_space<hbm>> -> memref<64xi32, #tpu.memory_space<hbm>>
    tpu.enqueue_dma source(%dma_start3A_161 : memref<64xi32, #tpu.memory_space<hbm>>) target(%arg25 : memref<64xi32, #tpu.memory_space<vmem>>) target_semaphore(%arg41 : memref<!tpu.dma_semaphore, #tpu.memory_space<semaphore_mem>>)
    %scan3A = arith.constant 0 : i32
    %scan3A_162 = arith.constant 0 : i32
    %scan3A_163 = arith.constant 64 : i32
    %scan3A_164 = arith.addi %scan3A_162, %scan3A_163 : i32
    %scan3A_165 = arith.constant 1 : i32
    scf.for %scan3A_419 = %scan3A_162 to %scan3A_164 step %scan3A_165  : i32 {
      %broadcast_in_dim3A = arith.constant 0.000000e+00 : f32
      %broadcast_in_dim3A_420 = vector.broadcast %broadcast_in_dim3A : f32 to vector<16xf32>
      %swap3A = arith.index_cast %scan3A_419 : i32 to index
      %swap3A_421 = arith.constant 0 : index
      %swap3A_422 = tpu.vector_load %arg26[%swap3A, %swap3A_421] {strides = array<i32>} : memref<64x128xf32, #tpu.memory_space<vmem>>, vector<1x16xf32>,
      %swap3A_423 = vector.shape_cast %swap3A_422 : vector<1x16xf32> to vector<16xf32>
      %swap3A_424 = vector.shape_cast %broadcast_in_dim3A_420 : vector<16xf32> to vector<1x16xf32>
      tpu.vector_store %arg26[%swap3A, %swap3A_421], %swap3A_424 {strides = array<i32>} : memref<64x128xf32, #tpu.memory_space<vmem>>, vector<1x16xf32>,
      %broadcast_in_dim3A_425 = arith.constant 0.000000e+00 : f32
      %broadcast_in_dim3A_426 = vector.broadcast %broadcast_in_dim3A_425 : f32 to vector<16xf32>
      %swap3A_427 = arith.index_cast %scan3A_419 : i32 to index
      %swap3A_428 = arith.constant 16 : index
      %swap3A_429 = tpu.vector_load %arg26[%swap3A_427, %swap3A_428] {strides = array<i32>} : memref<64x128xf32, #tpu.memory_space<vmem>>, vector<1x16xf32>,
      %swap3A_430 = vector.shape_cast %swap3A_429 : vector<1x16xf32> to vector<16xf32>
      %swap3A_431 = vector.shape_cast %broadcast_in_dim3A_426 : vector<16xf32> to vector<1x16xf32>
      tpu.vector_store %arg26[%swap3A_427, %swap3A_428], %swap3A_431 {strides = array<i32>} : memref<64x128xf32, #tpu.memory_space<vmem>>, vector<1x16xf32>,
      %broadcast_in_dim3A_432 = arith.constant 0.000000e+00 : f32
      %broadcast_in_dim3A_433 = vector.broadcast %broadcast_in_dim3A_432 : f32 to vector<16xf32>
      %swap3A_434 = arith.index_cast %scan3A_419 : i32 to index
      %swap3A_435 = arith.constant 32 : index
      %swap3A_436 = tpu.vector_load %arg26[%swap3A_434, %swap3A_435] {strides = array<i32>} : memref<64x128xf32, #tpu.memory_space<vmem>>, vector<1x16xf32>,
      %swap3A_437 = vector.shape_cast %swap3A_436 : vector<1x16xf32> to vector<16xf32>
      %swap3A_438 = vector.shape_cast %broadcast_in_dim3A_433 : vector<16xf32> to vector<1x16xf32>
      tpu.vector_store %arg26[%swap3A_434, %swap3A_435], %swap3A_438 {strides = array<i32>} : memref<64x128xf32, #tpu.memory_space<vmem>>, vector<1x16xf32>,
      %broadcast_in_dim3A_439 = arith.constant 0.000000e+00 : f32
      %broadcast_in_dim3A_440 = vector.broadcast %broadcast_in_dim3A_439 : f32 to vector<16xf32>
      %swap3A_441 = arith.index_cast %scan3A_419 : i32 to index
      %swap3A_442 = arith.constant 48 : index
      %swap3A_443 = tpu.vector_load %arg26[%swap3A_441, %swap3A_442] {strides = array<i32>} : memref<64x128xf32, #tpu.memory_space<vmem>>, vector<1x16xf32>,
      %swap3A_444 = vector.shape_cast %swap3A_443 : vector<1x16xf32> to vector<16xf32>
      %swap3A_445 = vector.shape_cast %broadcast_in_dim3A_440 : vector<16xf32> to vector<1x16xf32>
      tpu.vector_store %arg26[%swap3A_441, %swap3A_442], %swap3A_445 {strides = array<i32>} : memref<64x128xf32, #tpu.memory_space<vmem>>, vector<1x16xf32>,
      %broadcast_in_dim3A_446 = arith.constant 0.000000e+00 : f32
      %broadcast_in_dim3A_447 = vector.broadcast %broadcast_in_dim3A_446 : f32 to vector<16xf32>
      %swap3A_448 = arith.index_cast %scan3A_419 : i32 to index
      %swap3A_449 = arith.constant 64 : index
      %swap3A_450 = tpu.vector_load %arg26[%swap3A_448, %swap3A_449] {strides = array<i32>} : memref<64x128xf32, #tpu.memory_space<vmem>>, vector<1x16xf32>,
      %swap3A_451 = vector.shape_cast %swap3A_450 : vector<1x16xf32> to vector<16xf32>
      %swap3A_452 = vector.shape_cast %broadcast_in_dim3A_447 : vector<16xf32> to vector<1x16xf32>
      tpu.vector_store %arg26[%swap3A_448, %swap3A_449], %swap3A_452 {strides = array<i32>} : memref<64x128xf32, #tpu.memory_space<vmem>>, vector<1x16xf32>,
      %broadcast_in_dim3A_453 = arith.constant 0.000000e+00 : f32
      %broadcast_in_dim3A_454 = vector.broadcast %broadcast_in_dim3A_453 : f32 to vector<16xf32>
      %swap3A_455 = arith.index_cast %scan3A_419 : i32 to index
      %swap3A_456 = arith.constant 80 : index
      %swap3A_457 = tpu.vector_load %arg26[%swap3A_455, %swap3A_456] {strides = array<i32>} : memref<64x128xf32, #tpu.memory_space<vmem>>, vector<1x16xf32>,
      %swap3A_458 = vector.shape_cast %swap3A_457 : vector<1x16xf32> to vector<16xf32>
      %swap3A_459 = vector.shape_cast %broadcast_in_dim3A_454 : vector<16xf32> to vector<1x16xf32>
      tpu.vector_store %arg26[%swap3A_455, %swap3A_456], %swap3A_459 {strides = array<i32>} : memref<64x128xf32, #tpu.memory_space<vmem>>, vector<1x16xf32>,
      %broadcast_in_dim3A_460 = arith.constant 0.000000e+00 : f32
      %broadcast_in_dim3A_461 = vector.broadcast %broadcast_in_dim3A_460 : f32 to vector<16xf32>
      %swap3A_462 = arith.index_cast %scan3A_419 : i32 to index
      %swap3A_463 = arith.constant 96 : index
      %swap3A_464 = tpu.vector_load %arg26[%swap3A_462, %swap3A_463] {strides = array<i32>} : memref<64x128xf32, #tpu.memory_space<vmem>>, vector<1x16xf32>,
      %swap3A_465 = vector.shape_cast %swap3A_464 : vector<1x16xf32> to vector<16xf32>
      %swap3A_466 = vector.shape_cast %broadcast_in_dim3A_461 : vector<16xf32> to vector<1x16xf32>
      tpu.vector_store %arg26[%swap3A_462, %swap3A_463], %swap3A_466 {strides = array<i32>} : memref<64x128xf32, #tpu.memory_space<vmem>>, vector<1x16xf32>,
      %broadcast_in_dim3A_467 = arith.constant 0.000000e+00 : f32
      %broadcast_in_dim3A_468 = vector.broadcast %broadcast_in_dim3A_467 : f32 to vector<16xf32>
      %swap3A_469 = arith.index_cast %scan3A_419 : i32 to index
      %swap3A_470 = arith.constant 112 : index
      %swap3A_471 = tpu.vector_load %arg26[%swap3A_469, %swap3A_470] {strides = array<i32>} : memref<64x128xf32, #tpu.memory_space<vmem>>, vector<1x16xf32>,
      %swap3A_472 = vector.shape_cast %swap3A_471 : vector<1x16xf32> to vector<16xf32>
      %swap3A_473 = vector.shape_cast %broadcast_in_dim3A_468 : vector<16xf32> to vector<1x16xf32>
      tpu.vector_store %arg26[%swap3A_469, %swap3A_470], %swap3A_473 {strides = array<i32>} : memref<64x128xf32, #tpu.memory_space<vmem>>, vector<1x16xf32>,
    }
    %scan3A_166 = arith.constant 64 : i32
    %mul3A_167 = arith.constant 640 : i32
    %mul3A_168 = arith.muli %arg1, %mul3A_167 : i32
    %add3A_169 = arith.constant 0 : i32
    %add3A_170 = arith.addi %mul3A_168, %add3A_169 : i32
    %dma_start3A_171 = arith.constant 0 : i32
    %dma_start3A_172 = tpu.memref_slice %arg31[%add3A_170, %dma_start3A_171] : memref<10240x128xf32, #tpu.memory_space<vmem_shared>> -> memref<64x128xf32, #tpu.memory_space<vmem_shared>>
    %dma_start3A_173 = arith.constant 0 : i32
    %dma_start3A_174 = tpu.memref_slice %arg31[%add3A_170, %dma_start3A_173] : memref<10240x128xf32, #tpu.memory_space<vmem_shared>> -> memref<64x128xf32, #tpu.memory_space<vmem_shared>>
    tpu.enqueue_dma source(%arg26 : memref<64x128xf32, #tpu.memory_space<vmem>>) target(%dma_start3A_174 : memref<64x128xf32, #tpu.memory_space<vmem_shared>>) target_semaphore(%arg52 : memref<!tpu.dma_semaphore, #tpu.memory_space<semaphore_mem>>)
    %mul3A_175 = arith.constant 640 : i32
    %mul3A_176 = arith.muli %arg1, %mul3A_175 : i32
    %add3A_177 = arith.constant 64 : i32
    %add3A_178 = arith.addi %mul3A_176, %add3A_177 : i32
    %dma_start3A_179 = arith.constant 0 : i32
    %dma_start3A_180 = tpu.memref_slice %arg31[%add3A_178, %dma_start3A_179] : memref<10240x128xf32, #tpu.memory_space<vmem_shared>> -> memref<64x128xf32, #tpu.memory_space<vmem_shared>>
    %dma_start3A_181 = arith.constant 0 : i32
    %dma_start3A_182 = tpu.memref_slice %arg31[%add3A_178, %dma_start3A_181] : memref<10240x128xf32, #tpu.memory_space<vmem_shared>> -> memref<64x128xf32, #tpu.memory_space<vmem_shared>>
    tpu.enqueue_dma source(%arg26 : memref<64x128xf32, #tpu.memory_space<vmem>>) target(%dma_start3A_182 : memref<64x128xf32, #tpu.memory_space<vmem_shared>>) target_semaphore(%arg52 : memref<!tpu.dma_semaphore, #tpu.memory_space<semaphore_mem>>)
    %mul3A_183 = arith.constant 640 : i32
    %mul3A_184 = arith.muli %arg1, %mul3A_183 : i32
    %add3A_185 = arith.constant 128 : i32
    %add3A_186 = arith.addi %mul3A_184, %add3A_185 : i32
    %dma_start3A_187 = arith.constant 0 : i32
    %dma_start3A_188 = tpu.memref_slice %arg31[%add3A_186, %dma_start3A_187] : memref<10240x128xf32, #tpu.memory_space<vmem_shared>> -> memref<64x128xf32, #tpu.memory_space<vmem_shared>>
    %dma_start3A_189 = arith.constant 0 : i32
    %dma_start3A_190 = tpu.memref_slice %arg31[%add3A_186, %dma_start3A_189] : memref<10240x128xf32, #tpu.memory_space<vmem_shared>> -> memref<64x128xf32, #tpu.memory_space<vmem_shared>>
    tpu.enqueue_dma source(%arg26 : memref<64x128xf32, #tpu.memory_space<vmem>>) target(%dma_start3A_190 : memref<64x128xf32, #tpu.memory_space<vmem_shared>>) target_semaphore(%arg52 : memref<!tpu.dma_semaphore, #tpu.memory_space<semaphore_mem>>)
    %mul3A_191 = arith.constant 640 : i32
    %mul3A_192 = arith.muli %arg1, %mul3A_191 : i32
    %add3A_193 = arith.constant 192 : i32
    %add3A_194 = arith.addi %mul3A_192, %add3A_193 : i32
    %dma_start3A_195 = arith.constant 0 : i32
    %dma_start3A_196 = tpu.memref_slice %arg31[%add3A_194, %dma_start3A_195] : memref<10240x128xf32, #tpu.memory_space<vmem_shared>> -> memref<64x128xf32, #tpu.memory_space<vmem_shared>>
    %dma_start3A_197 = arith.constant 0 : i32
    %dma_start3A_198 = tpu.memref_slice %arg31[%add3A_194, %dma_start3A_197] : memref<10240x128xf32, #tpu.memory_space<vmem_shared>> -> memref<64x128xf32, #tpu.memory_space<vmem_shared>>
    tpu.enqueue_dma source(%arg26 : memref<64x128xf32, #tpu.memory_space<vmem>>) target(%dma_start3A_198 : memref<64x128xf32, #tpu.memory_space<vmem_shared>>) target_semaphore(%arg52 : memref<!tpu.dma_semaphore, #tpu.memory_space<semaphore_mem>>)
    %mul3A_199 = arith.constant 640 : i32
    %mul3A_200 = arith.muli %arg1, %mul3A_199 : i32
    %add3A_201 = arith.constant 256 : i32
    %add3A_202 = arith.addi %mul3A_200, %add3A_201 : i32
    %dma_start3A_203 = arith.constant 0 : i32
    %dma_start3A_204 = tpu.memref_slice %arg31[%add3A_202, %dma_start3A_203] : memref<10240x128xf32, #tpu.memory_space<vmem_shared>> -> memref<64x128xf32, #tpu.memory_space<vmem_shared>>
    %dma_start3A_205 = arith.constant 0 : i32
    %dma_start3A_206 = tpu.memref_slice %arg31[%add3A_202, %dma_start3A_205] : memref<10240x128xf32, #tpu.memory_space<vmem_shared>> -> memref<64x128xf32, #tpu.memory_space<vmem_shared>>
    tpu.enqueue_dma source(%arg26 : memref<64x128xf32, #tpu.memory_space<vmem>>) target(%dma_start3A_206 : memref<64x128xf32, #tpu.memory_space<vmem_shared>>) target_semaphore(%arg52 : memref<!tpu.dma_semaphore, #tpu.memory_space<semaphore_mem>>)
    %mul3A_207 = arith.constant 640 : i32
    %mul3A_208 = arith.muli %arg1, %mul3A_207 : i32
    %add3A_209 = arith.constant 320 : i32
    %add3A_210 = arith.addi %mul3A_208, %add3A_209 : i32
    %dma_start3A_211 = arith.constant 0 : i32
    %dma_start3A_212 = tpu.memref_slice %arg31[%add3A_210, %dma_start3A_211] : memref<10240x128xf32, #tpu.memory_space<vmem_shared>> -> memref<64x128xf32, #tpu.memory_space<vmem_shared>>
    %dma_start3A_213 = arith.constant 0 : i32
    %dma_start3A_214 = tpu.memref_slice %arg31[%add3A_210, %dma_start3A_213] : memref<10240x128xf32, #tpu.memory_space<vmem_shared>> -> memref<64x128xf32, #tpu.memory_space<vmem_shared>>
    tpu.enqueue_dma source(%arg26 : memref<64x128xf32, #tpu.memory_space<vmem>>) target(%dma_start3A_214 : memref<64x128xf32, #tpu.memory_space<vmem_shared>>) target_semaphore(%arg52 : memref<!tpu.dma_semaphore, #tpu.memory_space<semaphore_mem>>)
    %mul3A_215 = arith.constant 640 : i32
    %mul3A_216 = arith.muli %arg1, %mul3A_215 : i32
    %add3A_217 = arith.constant 384 : i32
    %add3A_218 = arith.addi %mul3A_216, %add3A_217 : i32
    %dma_start3A_219 = arith.constant 0 : i32
    %dma_start3A_220 = tpu.memref_slice %arg31[%add3A_218, %dma_start3A_219] : memref<10240x128xf32, #tpu.memory_space<vmem_shared>> -> memref<64x128xf32, #tpu.memory_space<vmem_shared>>
    %dma_start3A_221 = arith.constant 0 : i32
    %dma_start3A_222 = tpu.memref_slice %arg31[%add3A_218, %dma_start3A_221] : memref<10240x128xf32, #tpu.memory_space<vmem_shared>> -> memref<64x128xf32, #tpu.memory_space<vmem_shared>>
    tpu.enqueue_dma source(%arg26 : memref<64x128xf32, #tpu.memory_space<vmem>>) target(%dma_start3A_222 : memref<64x128xf32, #tpu.memory_space<vmem_shared>>) target_semaphore(%arg52 : memref<!tpu.dma_semaphore, #tpu.memory_space<semaphore_mem>>)
    %mul3A_223 = arith.constant 640 : i32
    %mul3A_224 = arith.muli %arg1, %mul3A_223 : i32
    %add3A_225 = arith.constant 448 : i32
    %add3A_226 = arith.addi %mul3A_224, %add3A_225 : i32
    %dma_start3A_227 = arith.constant 0 : i32
    %dma_start3A_228 = tpu.memref_slice %arg31[%add3A_226, %dma_start3A_227] : memref<10240x128xf32, #tpu.memory_space<vmem_shared>> -> memref<64x128xf32, #tpu.memory_space<vmem_shared>>
    %dma_start3A_229 = arith.constant 0 : i32
    %dma_start3A_230 = tpu.memref_slice %arg31[%add3A_226, %dma_start3A_229] : memref<10240x128xf32, #tpu.memory_space<vmem_shared>> -> memref<64x128xf32, #tpu.memory_space<vmem_shared>>
    tpu.enqueue_dma source(%arg26 : memref<64x128xf32, #tpu.memory_space<vmem>>) target(%dma_start3A_230 : memref<64x128xf32, #tpu.memory_space<vmem_shared>>) target_semaphore(%arg52 : memref<!tpu.dma_semaphore, #tpu.memory_space<semaphore_mem>>)
    %mul3A_231 = arith.constant 640 : i32
    %mul3A_232 = arith.muli %arg1, %mul3A_231 : i32
    %add3A_233 = arith.constant 512 : i32
    %add3A_234 = arith.addi %mul3A_232, %add3A_233 : i32
    %dma_start3A_235 = arith.constant 0 : i32
    %dma_start3A_236 = tpu.memref_slice %arg31[%add3A_234, %dma_start3A_235] : memref<10240x128xf32, #tpu.memory_space<vmem_shared>> -> memref<64x128xf32, #tpu.memory_space<vmem_shared>>
    %dma_start3A_237 = arith.constant 0 : i32
    %dma_start3A_238 = tpu.memref_slice %arg31[%add3A_234, %dma_start3A_237] : memref<10240x128xf32, #tpu.memory_space<vmem_shared>> -> memref<64x128xf32, #tpu.memory_space<vmem_shared>>
    tpu.enqueue_dma source(%arg26 : memref<64x128xf32, #tpu.memory_space<vmem>>) target(%dma_start3A_238 : memref<64x128xf32, #tpu.memory_space<vmem_shared>>) target_semaphore(%arg52 : memref<!tpu.dma_semaphore, #tpu.memory_space<semaphore_mem>>)
    %mul3A_239 = arith.constant 640 : i32
    %mul3A_240 = arith.muli %arg1, %mul3A_239 : i32
    %add3A_241 = arith.constant 576 : i32
    %add3A_242 = arith.addi %mul3A_240, %add3A_241 : i32
    %dma_start3A_243 = arith.constant 0 : i32
    %dma_start3A_244 = tpu.memref_slice %arg31[%add3A_242, %dma_start3A_243] : memref<10240x128xf32, #tpu.memory_space<vmem_shared>> -> memref<64x128xf32, #tpu.memory_space<vmem_shared>>
    %dma_start3A_245 = arith.constant 0 : i32
    %dma_start3A_246 = tpu.memref_slice %arg31[%add3A_242, %dma_start3A_245] : memref<10240x128xf32, #tpu.memory_space<vmem_shared>> -> memref<64x128xf32, #tpu.memory_space<vmem_shared>>
    tpu.enqueue_dma source(%arg26 : memref<64x128xf32, #tpu.memory_space<vmem>>) target(%dma_start3A_246 : memref<64x128xf32, #tpu.memory_space<vmem_shared>>) target_semaphore(%arg52 : memref<!tpu.dma_semaphore, #tpu.memory_space<semaphore_mem>>)
    %mul3A_247 = arith.constant 640 : i32
    %mul3A_248 = arith.muli %arg1, %mul3A_247 : i32
    %add3A_249 = arith.constant 0 : i32
    %add3A_250 = arith.addi %mul3A_248, %add3A_249 : i32
    %dma_wait3A = arith.constant 0 : i32
    %dma_wait3A_251 = tpu.memref_slice %arg31[%add3A_250, %dma_wait3A] : memref<10240x128xf32, #tpu.memory_space<vmem_shared>> -> memref<64x128xf32, #tpu.memory_space<vmem_shared>>
    %dma_wait3A_252 = arith.constant 0 : i32
    %dma_wait3A_253 = tpu.memref_slice %arg31[%add3A_250, %dma_wait3A_252] : memref<10240x128xf32, #tpu.memory_space<vmem_shared>> -> memref<64x128xf32, #tpu.memory_space<vmem_shared>>
    tpu.wait_dma2 semaphore(%arg52 : memref<!tpu.dma_semaphore, #tpu.memory_space<semaphore_mem>>) src(%arg26 : memref<64x128xf32, #tpu.memory_space<vmem>>) dst(%dma_wait3A_253 : memref<64x128xf32, #tpu.memory_space<vmem_shared>>)
    %mul3A_254 = arith.constant 640 : i32
    %mul3A_255 = arith.muli %arg1, %mul3A_254 : i32
    %add3A_256 = arith.constant 64 : i32
    %add3A_257 = arith.addi %mul3A_255, %add3A_256 : i32
    %dma_wait3A_258 = arith.constant 0 : i32
    %dma_wait3A_259 = tpu.memref_slice %arg31[%add3A_257, %dma_wait3A_258] : memref<10240x128xf32, #tpu.memory_space<vmem_shared>> -> memref<64x128xf32, #tpu.memory_space<vmem_shared>>
    %dma_wait3A_260 = arith.constant 0 : i32
    %dma_wait3A_261 = tpu.memref_slice %arg31[%add3A_257, %dma_wait3A_260] : memref<10240x128xf32, #tpu.memory_space<vmem_shared>> -> memref<64x128xf32, #tpu.memory_space<vmem_shared>>
    tpu.wait_dma2 semaphore(%arg52 : memref<!tpu.dma_semaphore, #tpu.memory_space<semaphore_mem>>) src(%arg26 : memref<64x128xf32, #tpu.memory_space<vmem>>) dst(%dma_wait3A_261 : memref<64x128xf32, #tpu.memory_space<vmem_shared>>)
    %mul3A_262 = arith.constant 640 : i32
    %mul3A_263 = arith.muli %arg1, %mul3A_262 : i32
    %add3A_264 = arith.constant 128 : i32
    %add3A_265 = arith.addi %mul3A_263, %add3A_264 : i32
    %dma_wait3A_266 = arith.constant 0 : i32
    %dma_wait3A_267 = tpu.memref_slice %arg31[%add3A_265, %dma_wait3A_266] : memref<10240x128xf32, #tpu.memory_space<vmem_shared>> -> memref<64x128xf32, #tpu.memory_space<vmem_shared>>
    %dma_wait3A_268 = arith.constant 0 : i32
    %dma_wait3A_269 = tpu.memref_slice %arg31[%add3A_265, %dma_wait3A_268] : memref<10240x128xf32, #tpu.memory_space<vmem_shared>> -> memref<64x128xf32, #tpu.memory_space<vmem_shared>>
    tpu.wait_dma2 semaphore(%arg52 : memref<!tpu.dma_semaphore, #tpu.memory_space<semaphore_mem>>) src(%arg26 : memref<64x128xf32, #tpu.memory_space<vmem>>) dst(%dma_wait3A_269 : memref<64x128xf32, #tpu.memory_space<vmem_shared>>)
    %mul3A_270 = arith.constant 640 : i32
    %mul3A_271 = arith.muli %arg1, %mul3A_270 : i32
    %add3A_272 = arith.constant 192 : i32
    %add3A_273 = arith.addi %mul3A_271, %add3A_272 : i32
    %dma_wait3A_274 = arith.constant 0 : i32
    %dma_wait3A_275 = tpu.memref_slice %arg31[%add3A_273, %dma_wait3A_274] : memref<10240x128xf32, #tpu.memory_space<vmem_shared>> -> memref<64x128xf32, #tpu.memory_space<vmem_shared>>
    %dma_wait3A_276 = arith.constant 0 : i32
    %dma_wait3A_277 = tpu.memref_slice %arg31[%add3A_273, %dma_wait3A_276] : memref<10240x128xf32, #tpu.memory_space<vmem_shared>> -> memref<64x128xf32, #tpu.memory_space<vmem_shared>>
    tpu.wait_dma2 semaphore(%arg52 : memref<!tpu.dma_semaphore, #tpu.memory_space<semaphore_mem>>) src(%arg26 : memref<64x128xf32, #tpu.memory_space<vmem>>) dst(%dma_wait3A_277 : memref<64x128xf32, #tpu.memory_space<vmem_shared>>)
    %mul3A_278 = arith.constant 640 : i32
    %mul3A_279 = arith.muli %arg1, %mul3A_278 : i32
    %add3A_280 = arith.constant 256 : i32
    %add3A_281 = arith.addi %mul3A_279, %add3A_280 : i32
    %dma_wait3A_282 = arith.constant 0 : i32
    %dma_wait3A_283 = tpu.memref_slice %arg31[%add3A_281, %dma_wait3A_282] : memref<10240x128xf32, #tpu.memory_space<vmem_shared>> -> memref<64x128xf32, #tpu.memory_space<vmem_shared>>
    %dma_wait3A_284 = arith.constant 0 : i32
    %dma_wait3A_285 = tpu.memref_slice %arg31[%add3A_281, %dma_wait3A_284] : memref<10240x128xf32, #tpu.memory_space<vmem_shared>> -> memref<64x128xf32, #tpu.memory_space<vmem_shared>>
    tpu.wait_dma2 semaphore(%arg52 : memref<!tpu.dma_semaphore, #tpu.memory_space<semaphore_mem>>) src(%arg26 : memref<64x128xf32, #tpu.memory_space<vmem>>) dst(%dma_wait3A_285 : memref<64x128xf32, #tpu.memory_space<vmem_shared>>)
    %mul3A_286 = arith.constant 640 : i32
    %mul3A_287 = arith.muli %arg1, %mul3A_286 : i32
    %add3A_288 = arith.constant 320 : i32
    %add3A_289 = arith.addi %mul3A_287, %add3A_288 : i32
    %dma_wait3A_290 = arith.constant 0 : i32
    %dma_wait3A_291 = tpu.memref_slice %arg31[%add3A_289, %dma_wait3A_290] : memref<10240x128xf32, #tpu.memory_space<vmem_shared>> -> memref<64x128xf32, #tpu.memory_space<vmem_shared>>
    %dma_wait3A_292 = arith.constant 0 : i32
    %dma_wait3A_293 = tpu.memref_slice %arg31[%add3A_289, %dma_wait3A_292] : memref<10240x128xf32, #tpu.memory_space<vmem_shared>> -> memref<64x128xf32, #tpu.memory_space<vmem_shared>>
    tpu.wait_dma2 semaphore(%arg52 : memref<!tpu.dma_semaphore, #tpu.memory_space<semaphore_mem>>) src(%arg26 : memref<64x128xf32, #tpu.memory_space<vmem>>) dst(%dma_wait3A_293 : memref<64x128xf32, #tpu.memory_space<vmem_shared>>)
    %mul3A_294 = arith.constant 640 : i32
    %mul3A_295 = arith.muli %arg1, %mul3A_294 : i32
    %add3A_296 = arith.constant 384 : i32
    %add3A_297 = arith.addi %mul3A_295, %add3A_296 : i32
    %dma_wait3A_298 = arith.constant 0 : i32
    %dma_wait3A_299 = tpu.memref_slice %arg31[%add3A_297, %dma_wait3A_298] : memref<10240x128xf32, #tpu.memory_space<vmem_shared>> -> memref<64x128xf32, #tpu.memory_space<vmem_shared>>
    %dma_wait3A_300 = arith.constant 0 : i32
    %dma_wait3A_301 = tpu.memref_slice %arg31[%add3A_297, %dma_wait3A_300] : memref<10240x128xf32, #tpu.memory_space<vmem_shared>> -> memref<64x128xf32, #tpu.memory_space<vmem_shared>>
    tpu.wait_dma2 semaphore(%arg52 : memref<!tpu.dma_semaphore, #tpu.memory_space<semaphore_mem>>) src(%arg26 : memref<64x128xf32, #tpu.memory_space<vmem>>) dst(%dma_wait3A_301 : memref<64x128xf32, #tpu.memory_space<vmem_shared>>)
    %mul3A_302 = arith.constant 640 : i32
    %mul3A_303 = arith.muli %arg1, %mul3A_302 : i32
    %add3A_304 = arith.constant 448 : i32
    %add3A_305 = arith.addi %mul3A_303, %add3A_304 : i32
    %dma_wait3A_306 = arith.constant 0 : i32
    %dma_wait3A_307 = tpu.memref_slice %arg31[%add3A_305, %dma_wait3A_306] : memref<10240x128xf32, #tpu.memory_space<vmem_shared>> -> memref<64x128xf32, #tpu.memory_space<vmem_shared>>
    %dma_wait3A_308 = arith.constant 0 : i32
    %dma_wait3A_309 = tpu.memref_slice %arg31[%add3A_305, %dma_wait3A_308] : memref<10240x128xf32, #tpu.memory_space<vmem_shared>> -> memref<64x128xf32, #tpu.memory_space<vmem_shared>>
    tpu.wait_dma2 semaphore(%arg52 : memref<!tpu.dma_semaphore, #tpu.memory_space<semaphore_mem>>) src(%arg26 : memref<64x128xf32, #tpu.memory_space<vmem>>) dst(%dma_wait3A_309 : memref<64x128xf32, #tpu.memory_space<vmem_shared>>)
    %mul3A_310 = arith.constant 640 : i32
    %mul3A_311 = arith.muli %arg1, %mul3A_310 : i32
    %add3A_312 = arith.constant 512 : i32
    %add3A_313 = arith.addi %mul3A_311, %add3A_312 : i32
    %dma_wait3A_314 = arith.constant 0 : i32
    %dma_wait3A_315 = tpu.memref_slice %arg31[%add3A_313, %dma_wait3A_314] : memref<10240x128xf32, #tpu.memory_space<vmem_shared>> -> memref<64x128xf32, #tpu.memory_space<vmem_shared>>
    %dma_wait3A_316 = arith.constant 0 : i32
    %dma_wait3A_317 = tpu.memref_slice %arg31[%add3A_313, %dma_wait3A_316] : memref<10240x128xf32, #tpu.memory_space<vmem_shared>> -> memref<64x128xf32, #tpu.memory_space<vmem_shared>>
    tpu.wait_dma2 semaphore(%arg52 : memref<!tpu.dma_semaphore, #tpu.memory_space<semaphore_mem>>) src(%arg26 : memref<64x128xf32, #tpu.memory_space<vmem>>) dst(%dma_wait3A_317 : memref<64x128xf32, #tpu.memory_space<vmem_shared>>)
    %mul3A_318 = arith.constant 640 : i32
    %mul3A_319 = arith.muli %arg1, %mul3A_318 : i32
    %add3A_320 = arith.constant 576 : i32
    %add3A_321 = arith.addi %mul3A_319, %add3A_320 : i32
    %dma_wait3A_322 = arith.constant 0 : i32
    %dma_wait3A_323 = tpu.memref_slice %arg31[%add3A_321, %dma_wait3A_322] : memref<10240x128xf32, #tpu.memory_space<vmem_shared>> -> memref<64x128xf32, #tpu.memory_space<vmem_shared>>
    %dma_wait3A_324 = arith.constant 0 : i32
    %dma_wait3A_325 = tpu.memref_slice %arg31[%add3A_321, %dma_wait3A_324] : memref<10240x128xf32, #tpu.memory_space<vmem_shared>> -> memref<64x128xf32, #tpu.memory_space<vmem_shared>>
    tpu.wait_dma2 semaphore(%arg52 : memref<!tpu.dma_semaphore, #tpu.memory_space<semaphore_mem>>) src(%arg26 : memref<64x128xf32, #tpu.memory_space<vmem>>) dst(%dma_wait3A_325 : memref<64x128xf32, #tpu.memory_space<vmem_shared>>)
    %add3A_326 = arith.constant 0 : i32
    %add3A_327 = arith.addi %mul3A_2, %add3A_326 : i32
    %dma_wait3A_328 = arith.constant 0 : i32
    %dma_wait3A_329 = tpu.memref_slice %arg3[%add3A_327, %dma_wait3A_328] : memref<10240x64xi32, #tpu.memory_space<hbm>> -> memref<1x64xi32, #tpu.memory_space<hbm>>
    %dma_wait3A_330 = tpu.memref_squeeze %dma_wait3A_329 : memref<1x64xi32, #tpu.memory_space<hbm>> -> memref<64xi32, #tpu.memory_space<hbm>>
    %dma_wait3A_331 = arith.constant 0 : i32
    %dma_wait3A_332 = tpu.memref_slice %arg3[%add3A_327, %dma_wait3A_331] : memref<10240x64xi32, #tpu.memory_space<hbm>> -> memref<1x64xi32, #tpu.memory_space<hbm>>
    %dma_wait3A_333 = tpu.memref_squeeze %dma_wait3A_332 : memref<1x64xi32, #tpu.memory_space<hbm>> -> memref<64xi32, #tpu.memory_space<hbm>>
    tpu.wait_dma2 semaphore(%arg32 : memref<!tpu.dma_semaphore, #tpu.memory_space<semaphore_mem>>) src(%dma_wait3A_333 : memref<64xi32, #tpu.memory_space<hbm>>) dst(%arg6 : memref<64xi32, #tpu.memory_space<vmem>>)
    %add3A_334 = arith.constant 0 : i32
    %add3A_335 = arith.addi %mul3A_2, %add3A_334 : i32
    %dma_wait3A_336 = arith.constant 0 : i32
    %dma_wait3A_337 = tpu.memref_slice %arg4[%add3A_335, %dma_wait3A_336] : memref<10240x64xi32, #tpu.memory_space<hbm>> -> memref<1x64xi32, #tpu.memory_space<hbm>>
    %dma_wait3A_338 = tpu.memref_squeeze %dma_wait3A_337 : memref<1x64xi32, #tpu.memory_space<hbm>> -> memref<64xi32, #tpu.memory_space<hbm>>
    %dma_wait3A_339 = arith.constant 0 : i32
    %dma_wait3A_340 = tpu.memref_slice %arg4[%add3A_335, %dma_wait3A_339] : memref<10240x64xi32, #tpu.memory_space<hbm>> -> memref<1x64xi32, #tpu.memory_space<hbm>>
    %dma_wait3A_341 = tpu.memref_squeeze %dma_wait3A_340 : memref<1x64xi32, #tpu.memory_space<hbm>> -> memref<64xi32, #tpu.memory_space<hbm>>
    tpu.wait_dma2 semaphore(%arg32 : memref<!tpu.dma_semaphore, #tpu.memory_space<semaphore_mem>>) src(%dma_wait3A_341 : memref<64xi32, #tpu.memory_space<hbm>>) dst(%arg16 : memref<64xi32, #tpu.memory_space<vmem>>)
    %dma_start3A_342 = arith.constant 0 : i32
    %dma_start3A_343 = arith.constant 0 : i32
    %dma_start3A_344 = tpu.memref_slice %arg2[%dma_start3A_342, %dma_start3A_343] : memref<10000x128xf32, #tpu.memory_space<hbm>> -> memref<10000x128xf32, #tpu.memory_space<hbm>>
    tpu.enqueue_indirect_dma source(%dma_start3A_344 : memref<10000x128xf32, #tpu.memory_space<hbm>>) target(%arg26 : memref<64x128xf32, #tpu.memory_space<vmem>>) offsets(%arg16 : memref<64xi32, #tpu.memory_space<vmem>>) semaphore(%arg42 : memref<!tpu.dma_semaphore, #tpu.memory_space<semaphore_mem>>)
    %add3A_345 = arith.constant 1 : i32
    %add3A_346 = arith.addi %mul3A_2, %add3A_345 : i32
    %dma_wait3A_347 = arith.constant 0 : i32
    %dma_wait3A_348 = tpu.memref_slice %arg3[%add3A_346, %dma_wait3A_347] : memref<10240x64xi32, #tpu.memory_space<hbm>> -> memref<1x64xi32, #tpu.memory_space<hbm>>
    %dma_wait3A_349 = tpu.memref_squeeze %dma_wait3A_348 : memref<1x64xi32, #tpu.memory_space<hbm>> -> memref<64xi32, #tpu.memory_space<hbm>>
    %dma_wait3A_350 = arith.constant 0 : i32
    %dma_wait3A_351 = tpu.memref_slice %arg3[%add3A_346, %dma_wait3A_350] : memref<10240x64xi32, #tpu.memory_space<hbm>> -> memref<1x64xi32, #tpu.memory_space<hbm>>
    %dma_wait3A_352 = tpu.memref_squeeze %dma_wait3A_351 : memref<1x64xi32, #tpu.memory_space<hbm>> -> memref<64xi32, #tpu.memory_space<hbm>>
    tpu.wait_dma2 semaphore(%arg33 : memref<!tpu.dma_semaphore, #tpu.memory_space<semaphore_mem>>) src(%dma_wait3A_352 : memref<64xi32, #tpu.memory_space<hbm>>) dst(%arg7 : memref<64xi32, #tpu.memory_space<vmem>>)
    %add3A_353 = arith.constant 1 : i32
    %add3A_354 = arith.addi %mul3A_2, %add3A_353 : i32
    %dma_wait3A_355 = arith.constant 0 : i32
    %dma_wait3A_356 = tpu.memref_slice %arg4[%add3A_354, %dma_wait3A_355] : memref<10240x64xi32, #tpu.memory_space<hbm>> -> memref<1x64xi32, #tpu.memory_space<hbm>>
    %dma_wait3A_357 = tpu.memref_squeeze %dma_wait3A_356 : memref<1x64xi32, #tpu.memory_space<hbm>> -> memref<64xi32, #tpu.memory_space<hbm>>
    %dma_wait3A_358 = arith.constant 0 : i32
    %dma_wait3A_359 = tpu.memref_slice %arg4[%add3A_354, %dma_wait3A_358] : memref<10240x64xi32, #tpu.memory_space<hbm>> -> memref<1x64xi32, #tpu.memory_space<hbm>>
    %dma_wait3A_360 = tpu.memref_squeeze %dma_wait3A_359 : memref<1x64xi32, #tpu.memory_space<hbm>> -> memref<64xi32, #tpu.memory_space<hbm>>
    tpu.wait_dma2 semaphore(%arg33 : memref<!tpu.dma_semaphore, #tpu.memory_space<semaphore_mem>>) src(%dma_wait3A_360 : memref<64xi32, #tpu.memory_space<hbm>>) dst(%arg17 : memref<64xi32, #tpu.memory_space<vmem>>)
    %dma_start3A_361 = arith.constant 0 : i32
    %dma_start3A_362 = arith.constant 0 : i32
    %dma_start3A_363 = tpu.memref_slice %arg2[%dma_start3A_361, %dma_start3A_362] : memref<10000x128xf32, #tpu.memory_space<hbm>> -> memref<10000x128xf32, #tpu.memory_space<hbm>>
    tpu.enqueue_indirect_dma source(%dma_start3A_363 : memref<10000x128xf32, #tpu.memory_space<hbm>>) target(%arg27 : memref<64x128xf32, #tpu.memory_space<vmem>>) offsets(%arg17 : memref<64xi32, #tpu.memory_space<vmem>>) semaphore(%arg43 : memref<!tpu.dma_semaphore, #tpu.memory_space<semaphore_mem>>)
    %add3A_364 = arith.constant 2 : i32
    %add3A_365 = arith.addi %mul3A_2, %add3A_364 : i32
    %dma_wait3A_366 = arith.constant 0 : i32
    %dma_wait3A_367 = tpu.memref_slice %arg3[%add3A_365, %dma_wait3A_366] : memref<10240x64xi32, #tpu.memory_space<hbm>> -> memref<1x64xi32, #tpu.memory_space<hbm>>
    %dma_wait3A_368 = tpu.memref_squeeze %dma_wait3A_367 : memref<1x64xi32, #tpu.memory_space<hbm>> -> memref<64xi32, #tpu.memory_space<hbm>>
    %dma_wait3A_369 = arith.constant 0 : i32
    %dma_wait3A_370 = tpu.memref_slice %arg3[%add3A_365, %dma_wait3A_369] : memref<10240x64xi32, #tpu.memory_space<hbm>> -> memref<1x64xi32, #tpu.memory_space<hbm>>
    %dma_wait3A_371 = tpu.memref_squeeze %dma_wait3A_370 : memref<1x64xi32, #tpu.memory_space<hbm>> -> memref<64xi32, #tpu.memory_space<hbm>>
    tpu.wait_dma2 semaphore(%arg34 : memref<!tpu.dma_semaphore, #tpu.memory_space<semaphore_mem>>) src(%dma_wait3A_371 : memref<64xi32, #tpu.memory_space<hbm>>) dst(%arg8 : memref<64xi32, #tpu.memory_space<vmem>>)
    %add3A_372 = arith.constant 2 : i32
    %add3A_373 = arith.addi %mul3A_2, %add3A_372 : i32
    %dma_wait3A_374 = arith.constant 0 : i32
    %dma_wait3A_375 = tpu.memref_slice %arg4[%add3A_373, %dma_wait3A_374] : memref<10240x64xi32, #tpu.memory_space<hbm>> -> memref<1x64xi32, #tpu.memory_space<hbm>>
    %dma_wait3A_376 = tpu.memref_squeeze %dma_wait3A_375 : memref<1x64xi32, #tpu.memory_space<hbm>> -> memref<64xi32, #tpu.memory_space<hbm>>
    %dma_wait3A_377 = arith.constant 0 : i32
    %dma_wait3A_378 = tpu.memref_slice %arg4[%add3A_373, %dma_wait3A_377] : memref<10240x64xi32, #tpu.memory_space<hbm>> -> memref<1x64xi32, #tpu.memory_space<hbm>>
    %dma_wait3A_379 = tpu.memref_squeeze %dma_wait3A_378 : memref<1x64xi32, #tpu.memory_space<hbm>> -> memref<64xi32, #tpu.memory_space<hbm>>
    tpu.wait_dma2 semaphore(%arg34 : memref<!tpu.dma_semaphore, #tpu.memory_space<semaphore_mem>>) src(%dma_wait3A_379 : memref<64xi32, #tpu.memory_space<hbm>>) dst(%arg18 : memref<64xi32, #tpu.memory_space<vmem>>)
    %dma_start3A_380 = arith.constant 0 : i32
    %dma_start3A_381 = arith.constant 0 : i32
    %dma_start3A_382 = tpu.memref_slice %arg2[%dma_start3A_380, %dma_start3A_381] : memref<10000x128xf32, #tpu.memory_space<hbm>> -> memref<10000x128xf32, #tpu.memory_space<hbm>>
    tpu.enqueue_indirect_dma source(%dma_start3A_382 : memref<10000x128xf32, #tpu.memory_space<hbm>>) target(%arg28 : memref<64x128xf32, #tpu.memory_space<vmem>>) offsets(%arg18 : memref<64xi32, #tpu.memory_space<vmem>>) semaphore(%arg44 : memref<!tpu.dma_semaphore, #tpu.memory_space<semaphore_mem>>)
    %add3A_383 = arith.constant 3 : i32
    %add3A_384 = arith.addi %mul3A_2, %add3A_383 : i32
    %dma_wait3A_385 = arith.constant 0 : i32
    %dma_wait3A_386 = tpu.memref_slice %arg3[%add3A_384, %dma_wait3A_385] : memref<10240x64xi32, #tpu.memory_space<hbm>> -> memref<1x64xi32, #tpu.memory_space<hbm>>
    %dma_wait3A_387 = tpu.memref_squeeze %dma_wait3A_386 : memref<1x64xi32, #tpu.memory_space<hbm>> -> memref<64xi32, #tpu.memory_space<hbm>>
    %dma_wait3A_388 = arith.constant 0 : i32
    %dma_wait3A_389 = tpu.memref_slice %arg3[%add3A_384, %dma_wait3A_388] : memref<10240x64xi32, #tpu.memory_space<hbm>> -> memref<1x64xi32, #tpu.memory_space<hbm>>
    %dma_wait3A_390 = tpu.memref_squeeze %dma_wait3A_389 : memref<1x64xi32, #tpu.memory_space<hbm>> -> memref<64xi32, #tpu.memory_space<hbm>>
    tpu.wait_dma2 semaphore(%arg35 : memref<!tpu.dma_semaphore, #tpu.memory_space<semaphore_mem>>) src(%dma_wait3A_390 : memref<64xi32, #tpu.memory_space<hbm>>) dst(%arg9 : memref<64xi32, #tpu.memory_space<vmem>>)
    %add3A_391 = arith.constant 3 : i32
    %add3A_392 = arith.addi %mul3A_2, %add3A_391 : i32
    %dma_wait3A_393 = arith.constant 0 : i32
    %dma_wait3A_394 = tpu.memref_slice %arg4[%add3A_392, %dma_wait3A_393] : memref<10240x64xi32, #tpu.memory_space<hbm>> -> memref<1x64xi32, #tpu.memory_space<hbm>>
    %dma_wait3A_395 = tpu.memref_squeeze %dma_wait3A_394 : memref<1x64xi32, #tpu.memory_space<hbm>> -> memref<64xi32, #tpu.memory_space<hbm>>
    %dma_wait3A_396 = arith.constant 0 : i32
    %dma_wait3A_397 = tpu.memref_slice %arg4[%add3A_392, %dma_wait3A_396] : memref<10240x64xi32, #tpu.memory_space<hbm>> -> memref<1x64xi32, #tpu.memory_space<hbm>>
    %dma_wait3A_398 = tpu.memref_squeeze %dma_wait3A_397 : memref<1x64xi32, #tpu.memory_space<hbm>> -> memref<64xi32, #tpu.memory_space<hbm>>
    tpu.wait_dma2 semaphore(%arg35 : memref<!tpu.dma_semaphore, #tpu.memory_space<semaphore_mem>>) src(%dma_wait3A_398 : memref<64xi32, #tpu.memory_space<hbm>>) dst(%arg19 : memref<64xi32, #tpu.memory_space<vmem>>)
    %dma_start3A_399 = arith.constant 0 : i32
    %dma_start3A_400 = arith.constant 0 : i32
    %dma_start3A_401 = tpu.memref_slice %arg2[%dma_start3A_399, %dma_start3A_400] : memref<10000x128xf32, #tpu.memory_space<hbm>> -> memref<10000x128xf32, #tpu.memory_space<hbm>>
    tpu.enqueue_indirect_dma source(%dma_start3A_401 : memref<10000x128xf32, #tpu.memory_space<hbm>>) target(%arg29 : memref<64x128xf32, #tpu.memory_space<vmem>>) offsets(%arg19 : memref<64xi32, #tpu.memory_space<vmem>>) semaphore(%arg45 : memref<!tpu.dma_semaphore, #tpu.memory_space<semaphore_mem>>)
    %barrier3A = arith.constant 0 : index
    tpu.barrier barrier_id(%barrier3A)
    %scan3A_402 = arith.constant 0 : i32
    %scan3A_403 = arith.constant 0 : i32
    %scan3A_404 = arith.constant 32 : i32
    %scan3A_405 = arith.addi %scan3A_403, %scan3A_404 : i32
    %scan3A_406 = arith.constant 1 : i32
    scf.for %scan3A_419 = %scan3A_403 to %scan3A_405 step %scan3A_406  : i32 {
      %mul3A_420 = arith.constant 10 : i32
      %mul3A_421 = arith.muli %scan3A_419, %mul3A_420 : i32
      %add3A_422 = arith.constant 0 : i32
      %add3A_423 = arith.addi %mul3A_421, %add3A_422 : i32
      %add3A_424 = arith.constant 5 : i32
      %add3A_425 = arith.addi %add3A_423, %add3A_424 : i32
      %sub3A = arith.constant 1 : i32
      %sub3A_426 = arith.subi %add3A_425, %sub3A : i32
      %ge3A = arith.constant 1 : i32
      %ge3A_427 = arith.cmpi sge, %add3A_423, %ge3A : i32
      %convert_element_type3A = arith.extui %ge3A_427 : i1 to i32
      %cond3A = arith.constant 0 : i32
      %cond3A_428 = arith.cmpi ne, %convert_element_type3A, %cond3A : i32
      scf.if %cond3A_428 {
        %dma_wait3A_774 = arith.constant 0 : i32
        %dma_wait3A_775 = arith.constant 0 : i32
        %dma_wait3A_776 = tpu.memref_slice %arg31[%dma_wait3A_774, %dma_wait3A_775] : memref<10240x128xf32, #tpu.memory_space<vmem_shared>> -> memref<10240x128xf32, #tpu.memory_space<vmem_shared>>
        tpu.wait_indirect_dma semaphore(%arg51 : memref<!tpu.dma_semaphore, #tpu.memory_space<semaphore_mem>>) src(%arg30 : memref<64x128xf32, #tpu.memory_space<vmem>>) dst(%dma_wait3A_776 : memref<10240x128xf32, #tpu.memory_space<vmem_shared>>)
      } else {
      }
      %lt3A = arith.constant 320 : i32
      %lt3A_429 = arith.cmpi slt, %sub3A_426, %lt3A : i32
      %convert_element_type3A_430 = arith.extui %lt3A_429 : i1 to i32
      %cond3A_431 = arith.constant 0 : i32
      %cond3A_432 = arith.cmpi ne, %convert_element_type3A_430, %cond3A_431 : i32
      scf.if %cond3A_432 {
        %add3A_774 = arith.addi %mul3A_2, %sub3A_426 : i32
        %dma_wait3A_775 = arith.constant 0 : i32
        %dma_wait3A_776 = tpu.memref_slice %arg3[%add3A_774, %dma_wait3A_775] : memref<10240x64xi32, #tpu.memory_space<hbm>> -> memref<1x64xi32, #tpu.memory_space<hbm>>
        %dma_wait3A_777 = tpu.memref_squeeze %dma_wait3A_776 : memref<1x64xi32, #tpu.memory_space<hbm>> -> memref<64xi32, #tpu.memory_space<hbm>>
        %dma_wait3A_778 = arith.constant 0 : i32
        %dma_wait3A_779 = tpu.memref_slice %arg3[%add3A_774, %dma_wait3A_778] : memref<10240x64xi32, #tpu.memory_space<hbm>> -> memref<1x64xi32, #tpu.memory_space<hbm>>
        %dma_wait3A_780 = tpu.memref_squeeze %dma_wait3A_779 : memref<1x64xi32, #tpu.memory_space<hbm>> -> memref<64xi32, #tpu.memory_space<hbm>>
        tpu.wait_dma2 semaphore(%arg36 : memref<!tpu.dma_semaphore, #tpu.memory_space<semaphore_mem>>) src(%dma_wait3A_780 : memref<64xi32, #tpu.memory_space<hbm>>) dst(%arg10 : memref<64xi32, #tpu.memory_space<vmem>>)
        %add3A_781 = arith.addi %mul3A_2, %sub3A_426 : i32
        %dma_wait3A_782 = arith.constant 0 : i32
        %dma_wait3A_783 = tpu.memref_slice %arg4[%add3A_781, %dma_wait3A_782] : memref<10240x64xi32, #tpu.memory_space<hbm>> -> memref<1x64xi32, #tpu.memory_space<hbm>>
        %dma_wait3A_784 = tpu.memref_squeeze %dma_wait3A_783 : memref<1x64xi32, #tpu.memory_space<hbm>> -> memref<64xi32, #tpu.memory_space<hbm>>
        %dma_wait3A_785 = arith.constant 0 : i32
        %dma_wait3A_786 = tpu.memref_slice %arg4[%add3A_781, %dma_wait3A_785] : memref<10240x64xi32, #tpu.memory_space<hbm>> -> memref<1x64xi32, #tpu.memory_space<hbm>>
        %dma_wait3A_787 = tpu.memref_squeeze %dma_wait3A_786 : memref<1x64xi32, #tpu.memory_space<hbm>> -> memref<64xi32, #tpu.memory_space<hbm>>
        tpu.wait_dma2 semaphore(%arg36 : memref<!tpu.dma_semaphore, #tpu.memory_space<semaphore_mem>>) src(%dma_wait3A_787 : memref<64xi32, #tpu.memory_space<hbm>>) dst(%arg20 : memref<64xi32, #tpu.memory_space<vmem>>)
        %dma_start3A_788 = arith.constant 0 : i32
        %dma_start3A_789 = arith.constant 0 : i32
        %dma_start3A_790 = tpu.memref_slice %arg2[%dma_start3A_788, %dma_start3A_789] : memref<10000x128xf32, #tpu.memory_space<hbm>> -> memref<10000x128xf32, #tpu.memory_space<hbm>>
        tpu.enqueue_indirect_dma source(%dma_start3A_790 : memref<10000x128xf32, #tpu.memory_space<hbm>>) target(%arg30 : memref<64x128xf32, #tpu.memory_space<vmem>>) offsets(%arg20 : memref<64xi32, #tpu.memory_space<vmem>>) semaphore(%arg46 : memref<!tpu.dma_semaphore, #tpu.memory_space<semaphore_mem>>)
      } else {
      }
      %dma_wait3A_433 = arith.constant 0 : i32
      %dma_wait3A_434 = arith.constant 0 : i32
      %dma_wait3A_435 = tpu.memref_slice %arg2[%dma_wait3A_433, %dma_wait3A_434] : memref<10000x128xf32, #tpu.memory_space<hbm>> -> memref<10000x128xf32, #tpu.memory_space<hbm>>
      tpu.wait_indirect_dma semaphore(%arg42 : memref<!tpu.dma_semaphore, #tpu.memory_space<semaphore_mem>>) src(%dma_wait3A_435 : memref<10000x128xf32, #tpu.memory_space<hbm>>) dst(%arg26 : memref<64x128xf32, #tpu.memory_space<vmem>>)
      %dma_start3A_436 = arith.constant 0 : i32
      %dma_start3A_437 = arith.constant 0 : i32
      %dma_start3A_438 = tpu.memref_slice %arg31[%dma_start3A_436, %dma_start3A_437] : memref<10240x128xf32, #tpu.memory_space<vmem_shared>> -> memref<10240x128xf32, #tpu.memory_space<vmem_shared>>
      tpu.enqueue_indirect_dma source(%arg26 : memref<64x128xf32, #tpu.memory_space<vmem>>) target(%dma_start3A_438 : memref<10240x128xf32, #tpu.memory_space<vmem_shared>>) offsets(%arg6 : memref<64xi32, #tpu.memory_space<vmem>>) semaphore(%arg47 : memref<!tpu.dma_semaphore, #tpu.memory_space<semaphore_mem>>) {add = true}
      %ge3A_439 = arith.constant 1 : i32
      %ge3A_440 = arith.cmpi sge, %add3A_423, %ge3A_439 : i32
      %add3A_441 = arith.constant 10 : i32
      %add3A_442 = arith.addi %add3A_423, %add3A_441 : i32
      %sub3A_443 = arith.constant 1 : i32
      %sub3A_444 = arith.subi %add3A_442, %sub3A_443 : i32
      %lt3A_445 = arith.constant 320 : i32
      %lt3A_446 = arith.cmpi slt, %sub3A_444, %lt3A_445 : i32
      %and3A = arith.andi %ge3A_440, %lt3A_446 : i1
      %convert_element_type3A_447 = arith.extui %and3A : i1 to i32
      %cond3A_448 = arith.constant 0 : i32
      %cond3A_449 = arith.cmpi ne, %convert_element_type3A_447, %cond3A_448 : i32
      scf.if %cond3A_449 {
        %add3A_774 = arith.constant 10 : i32
        %add3A_775 = arith.addi %add3A_423, %add3A_774 : i32
        %sub3A_776 = arith.constant 1 : i32
        %sub3A_777 = arith.subi %add3A_775, %sub3A_776 : i32
        %add3A_778 = arith.addi %mul3A_2, %sub3A_777 : i32
        %dma_start3A_779 = arith.constant 0 : i32
        %dma_start3A_780 = tpu.memref_slice %arg3[%add3A_778, %dma_start3A_779] : memref<10240x64xi32, #tpu.memory_space<hbm>> -> memref<1x64xi32, #tpu.memory_space<hbm>>
        %dma_start3A_781 = tpu.memref_squeeze %dma_start3A_780 : memref<1x64xi32, #tpu.memory_space<hbm>> -> memref<64xi32, #tpu.memory_space<hbm>>
        %dma_start3A_782 = arith.constant 0 : i32
        %dma_start3A_783 = tpu.memref_slice %arg3[%add3A_778, %dma_start3A_782] : memref<10240x64xi32, #tpu.memory_space<hbm>> -> memref<1x64xi32, #tpu.memory_space<hbm>>
        %dma_start3A_784 = tpu.memref_squeeze %dma_start3A_783 : memref<1x64xi32, #tpu.memory_space<hbm>> -> memref<64xi32, #tpu.memory_space<hbm>>
        tpu.enqueue_dma source(%dma_start3A_784 : memref<64xi32, #tpu.memory_space<hbm>>) target(%arg15 : memref<64xi32, #tpu.memory_space<vmem>>) target_semaphore(%arg41 : memref<!tpu.dma_semaphore, #tpu.memory_space<semaphore_mem>>)
        %add3A_785 = arith.addi %mul3A_2, %sub3A_777 : i32
        %dma_start3A_786 = arith.constant 0 : i32
        %dma_start3A_787 = tpu.memref_slice %arg4[%add3A_785, %dma_start3A_786] : memref<10240x64xi32, #tpu.memory_space<hbm>> -> memref<1x64xi32, #tpu.memory_space<hbm>>
        %dma_start3A_788 = tpu.memref_squeeze %dma_start3A_787 : memref<1x64xi32, #tpu.memory_space<hbm>> -> memref<64xi32, #tpu.memory_space<hbm>>
        %dma_start3A_789 = arith.constant 0 : i32
        %dma_start3A_790 = tpu.memref_slice %arg4[%add3A_785, %dma_start3A_789] : memref<10240x64xi32, #tpu.memory_space<hbm>> -> memref<1x64xi32, #tpu.memory_space<hbm>>
        %dma_start3A_791 = tpu.memref_squeeze %dma_start3A_790 : memref<1x64xi32, #tpu.memory_space<hbm>> -> memref<64xi32, #tpu.memory_space<hbm>>
        tpu.enqueue_dma source(%dma_start3A_791 : memref<64xi32, #tpu.memory_space<hbm>>) target(%arg25 : memref<64xi32, #tpu.memory_space<vmem>>) target_semaphore(%arg41 : memref<!tpu.dma_semaphore, #tpu.memory_space<semaphore_mem>>)
      } else {
      }
      %mul3A_450 = arith.constant 10 : i32
      %mul3A_451 = arith.muli %scan3A_419, %mul3A_450 : i32
      %add3A_452 = arith.constant 1 : i32
      %add3A_453 = arith.addi %mul3A_451, %add3A_452 : i32
      %add3A_454 = arith.constant 5 : i32
      %add3A_455 = arith.addi %add3A_453, %add3A_454 : i32
      %sub3A_456 = arith.constant 1 : i32
      %sub3A_457 = arith.subi %add3A_455, %sub3A_456 : i32
      %ge3A_458 = arith.constant 1 : i32
      %ge3A_459 = arith.cmpi sge, %add3A_453, %ge3A_458 : i32
      %convert_element_type3A_460 = arith.extui %ge3A_459 : i1 to i32
      %cond3A_461 = arith.constant 0 : i32
      %cond3A_462 = arith.cmpi ne, %convert_element_type3A_460, %cond3A_461 : i32
      scf.if %cond3A_462 {
        %dma_wait3A_774 = arith.constant 0 : i32
        %dma_wait3A_775 = arith.constant 0 : i32
        %dma_wait3A_776 = tpu.memref_slice %arg31[%dma_wait3A_774, %dma_wait3A_775] : memref<10240x128xf32, #tpu.memory_space<vmem_shared>> -> memref<10240x128xf32, #tpu.memory_space<vmem_shared>>
        tpu.wait_indirect_dma semaphore(%arg47 : memref<!tpu.dma_semaphore, #tpu.memory_space<semaphore_mem>>) src(%arg26 : memref<64x128xf32, #tpu.memory_space<vmem>>) dst(%dma_wait3A_776 : memref<10240x128xf32, #tpu.memory_space<vmem_shared>>)
      } else {
      }
      %lt3A_463 = arith.constant 320 : i32
      %lt3A_464 = arith.cmpi slt, %sub3A_457, %lt3A_463 : i32
      %convert_element_type3A_465 = arith.extui %lt3A_464 : i1 to i32
      %cond3A_466 = arith.constant 0 : i32
      %cond3A_467 = arith.cmpi ne, %convert_element_type3A_465, %cond3A_466 : i32
      scf.if %cond3A_467 {
        %add3A_774 = arith.addi %mul3A_2, %sub3A_457 : i32
        %dma_wait3A_775 = arith.constant 0 : i32
        %dma_wait3A_776 = tpu.memref_slice %arg3[%add3A_774, %dma_wait3A_775] : memref<10240x64xi32, #tpu.memory_space<hbm>> -> memref<1x64xi32, #tpu.memory_space<hbm>>
        %dma_wait3A_777 = tpu.memref_squeeze %dma_wait3A_776 : memref<1x64xi32, #tpu.memory_space<hbm>> -> memref<64xi32, #tpu.memory_space<hbm>>
        %dma_wait3A_778 = arith.constant 0 : i32
        %dma_wait3A_779 = tpu.memref_slice %arg3[%add3A_774, %dma_wait3A_778] : memref<10240x64xi32, #tpu.memory_space<hbm>> -> memref<1x64xi32, #tpu.memory_space<hbm>>
        %dma_wait3A_780 = tpu.memref_squeeze %dma_wait3A_779 : memref<1x64xi32, #tpu.memory_space<hbm>> -> memref<64xi32, #tpu.memory_space<hbm>>
        tpu.wait_dma2 semaphore(%arg37 : memref<!tpu.dma_semaphore, #tpu.memory_space<semaphore_mem>>) src(%dma_wait3A_780 : memref<64xi32, #tpu.memory_space<hbm>>) dst(%arg11 : memref<64xi32, #tpu.memory_space<vmem>>)
        %add3A_781 = arith.addi %mul3A_2, %sub3A_457 : i32
        %dma_wait3A_782 = arith.constant 0 : i32
        %dma_wait3A_783 = tpu.memref_slice %arg4[%add3A_781, %dma_wait3A_782] : memref<10240x64xi32, #tpu.memory_space<hbm>> -> memref<1x64xi32, #tpu.memory_space<hbm>>
        %dma_wait3A_784 = tpu.memref_squeeze %dma_wait3A_783 : memref<1x64xi32, #tpu.memory_space<hbm>> -> memref<64xi32, #tpu.memory_space<hbm>>
        %dma_wait3A_785 = arith.constant 0 : i32
        %dma_wait3A_786 = tpu.memref_slice %arg4[%add3A_781, %dma_wait3A_785] : memref<10240x64xi32, #tpu.memory_space<hbm>> -> memref<1x64xi32, #tpu.memory_space<hbm>>
        %dma_wait3A_787 = tpu.memref_squeeze %dma_wait3A_786 : memref<1x64xi32, #tpu.memory_space<hbm>> -> memref<64xi32, #tpu.memory_space<hbm>>
        tpu.wait_dma2 semaphore(%arg37 : memref<!tpu.dma_semaphore, #tpu.memory_space<semaphore_mem>>) src(%dma_wait3A_787 : memref<64xi32, #tpu.memory_space<hbm>>) dst(%arg21 : memref<64xi32, #tpu.memory_space<vmem>>)
        %dma_start3A_788 = arith.constant 0 : i32
        %dma_start3A_789 = arith.constant 0 : i32
        %dma_start3A_790 = tpu.memref_slice %arg2[%dma_start3A_788, %dma_start3A_789] : memref<10000x128xf32, #tpu.memory_space<hbm>> -> memref<10000x128xf32, #tpu.memory_space<hbm>>
        tpu.enqueue_indirect_dma source(%dma_start3A_790 : memref<10000x128xf32, #tpu.memory_space<hbm>>) target(%arg26 : memref<64x128xf32, #tpu.memory_space<vmem>>) offsets(%arg21 : memref<64xi32, #tpu.memory_space<vmem>>) semaphore(%arg42 : memref<!tpu.dma_semaphore, #tpu.memory_space<semaphore_mem>>)
      } else {
      }
      %dma_wait3A_468 = arith.constant 0 : i32
      %dma_wait3A_469 = arith.constant 0 : i32
      %dma_wait3A_470 = tpu.memref_slice %arg2[%dma_wait3A_468, %dma_wait3A_469] : memref<10000x128xf32, #tpu.memory_space<hbm>> -> memref<10000x128xf32, #tpu.memory_space<hbm>>
      tpu.wait_indirect_dma semaphore(%arg43 : memref<!tpu.dma_semaphore, #tpu.memory_space<semaphore_mem>>) src(%dma_wait3A_470 : memref<10000x128xf32, #tpu.memory_space<hbm>>) dst(%arg27 : memref<64x128xf32, #tpu.memory_space<vmem>>)
      %dma_start3A_471 = arith.constant 0 : i32
      %dma_start3A_472 = arith.constant 0 : i32
      %dma_start3A_473 = tpu.memref_slice %arg31[%dma_start3A_471, %dma_start3A_472] : memref<10240x128xf32, #tpu.memory_space<vmem_shared>> -> memref<10240x128xf32, #tpu.memory_space<vmem_shared>>
      tpu.enqueue_indirect_dma source(%arg27 : memref<64x128xf32, #tpu.memory_space<vmem>>) target(%dma_start3A_473 : memref<10240x128xf32, #tpu.memory_space<vmem_shared>>) offsets(%arg7 : memref<64xi32, #tpu.memory_space<vmem>>) semaphore(%arg48 : memref<!tpu.dma_semaphore, #tpu.memory_space<semaphore_mem>>) {add = true}
      %ge3A_474 = arith.constant 1 : i32
      %ge3A_475 = arith.cmpi sge, %add3A_453, %ge3A_474 : i32
      %add3A_476 = arith.constant 10 : i32
      %add3A_477 = arith.addi %add3A_453, %add3A_476 : i32
      %sub3A_478 = arith.constant 1 : i32
      %sub3A_479 = arith.subi %add3A_477, %sub3A_478 : i32
      %lt3A_480 = arith.constant 320 : i32
      %lt3A_481 = arith.cmpi slt, %sub3A_479, %lt3A_480 : i32
      %and3A_482 = arith.andi %ge3A_475, %lt3A_481 : i1
      %convert_element_type3A_483 = arith.extui %and3A_482 : i1 to i32
      %cond3A_484 = arith.constant 0 : i32
      %cond3A_485 = arith.cmpi ne, %convert_element_type3A_483, %cond3A_484 : i32
      scf.if %cond3A_485 {
        %add3A_774 = arith.constant 10 : i32
        %add3A_775 = arith.addi %add3A_453, %add3A_774 : i32
        %sub3A_776 = arith.constant 1 : i32
        %sub3A_777 = arith.subi %add3A_775, %sub3A_776 : i32
        %add3A_778 = arith.addi %mul3A_2, %sub3A_777 : i32
        %dma_start3A_779 = arith.constant 0 : i32
        %dma_start3A_780 = tpu.memref_slice %arg3[%add3A_778, %dma_start3A_779] : memref<10240x64xi32, #tpu.memory_space<hbm>> -> memref<1x64xi32, #tpu.memory_space<hbm>>
        %dma_start3A_781 = tpu.memref_squeeze %dma_start3A_780 : memref<1x64xi32, #tpu.memory_space<hbm>> -> memref<64xi32, #tpu.memory_space<hbm>>
        %dma_start3A_782 = arith.constant 0 : i32
        %dma_start3A_783 = tpu.memref_slice %arg3[%add3A_778, %dma_start3A_782] : memref<10240x64xi32, #tpu.memory_space<hbm>> -> memref<1x64xi32, #tpu.memory_space<hbm>>
        %dma_start3A_784 = tpu.memref_squeeze %dma_start3A_783 : memref<1x64xi32, #tpu.memory_space<hbm>> -> memref<64xi32, #tpu.memory_space<hbm>>
        tpu.enqueue_dma source(%dma_start3A_784 : memref<64xi32, #tpu.memory_space<hbm>>) target(%arg6 : memref<64xi32, #tpu.memory_space<vmem>>) target_semaphore(%arg32 : memref<!tpu.dma_semaphore, #tpu.memory_space<semaphore_mem>>)
        %add3A_785 = arith.addi %mul3A_2, %sub3A_777 : i32
        %dma_start3A_786 = arith.constant 0 : i32
        %dma_start3A_787 = tpu.memref_slice %arg4[%add3A_785, %dma_start3A_786] : memref<10240x64xi32, #tpu.memory_space<hbm>> -> memref<1x64xi32, #tpu.memory_space<hbm>>
        %dma_start3A_788 = tpu.memref_squeeze %dma_start3A_787 : memref<1x64xi32, #tpu.memory_space<hbm>> -> memref<64xi32, #tpu.memory_space<hbm>>
        %dma_start3A_789 = arith.constant 0 : i32
        %dma_start3A_790 = tpu.memref_slice %arg4[%add3A_785, %dma_start3A_789] : memref<10240x64xi32, #tpu.memory_space<hbm>> -> memref<1x64xi32, #tpu.memory_space<hbm>>
        %dma_start3A_791 = tpu.memref_squeeze %dma_start3A_790 : memref<1x64xi32, #tpu.memory_space<hbm>> -> memref<64xi32, #tpu.memory_space<hbm>>
        tpu.enqueue_dma source(%dma_start3A_791 : memref<64xi32, #tpu.memory_space<hbm>>) target(%arg16 : memref<64xi32, #tpu.memory_space<vmem>>) target_semaphore(%arg32 : memref<!tpu.dma_semaphore, #tpu.memory_space<semaphore_mem>>)
      } else {
      }
      %mul3A_486 = arith.constant 10 : i32
      %mul3A_487 = arith.muli %scan3A_419, %mul3A_486 : i32
      %add3A_488 = arith.constant 2 : i32
      %add3A_489 = arith.addi %mul3A_487, %add3A_488 : i32
      %add3A_490 = arith.constant 5 : i32
      %add3A_491 = arith.addi %add3A_489, %add3A_490 : i32
      %sub3A_492 = arith.constant 1 : i32
      %sub3A_493 = arith.subi %add3A_491, %sub3A_492 : i32
      %ge3A_494 = arith.constant 1 : i32
      %ge3A_495 = arith.cmpi sge, %add3A_489, %ge3A_494 : i32
      %convert_element_type3A_496 = arith.extui %ge3A_495 : i1 to i32
      %cond3A_497 = arith.constant 0 : i32
      %cond3A_498 = arith.cmpi ne, %convert_element_type3A_496, %cond3A_497 : i32
      scf.if %cond3A_498 {
        %dma_wait3A_774 = arith.constant 0 : i32
        %dma_wait3A_775 = arith.constant 0 : i32
        %dma_wait3A_776 = tpu.memref_slice %arg31[%dma_wait3A_774, %dma_wait3A_775] : memref<10240x128xf32, #tpu.memory_space<vmem_shared>> -> memref<10240x128xf32, #tpu.memory_space<vmem_shared>>
        tpu.wait_indirect_dma semaphore(%arg48 : memref<!tpu.dma_semaphore, #tpu.memory_space<semaphore_mem>>) src(%arg27 : memref<64x128xf32, #tpu.memory_space<vmem>>) dst(%dma_wait3A_776 : memref<10240x128xf32, #tpu.memory_space<vmem_shared>>)
      } else {
      }
      %lt3A_499 = arith.constant 320 : i32
      %lt3A_500 = arith.cmpi slt, %sub3A_493, %lt3A_499 : i32
      %convert_element_type3A_501 = arith.extui %lt3A_500 : i1 to i32
      %cond3A_502 = arith.constant 0 : i32
      %cond3A_503 = arith.cmpi ne, %convert_element_type3A_501, %cond3A_502 : i32
      scf.if %cond3A_503 {
        %add3A_774 = arith.addi %mul3A_2, %sub3A_493 : i32
        %dma_wait3A_775 = arith.constant 0 : i32
        %dma_wait3A_776 = tpu.memref_slice %arg3[%add3A_774, %dma_wait3A_775] : memref<10240x64xi32, #tpu.memory_space<hbm>> -> memref<1x64xi32, #tpu.memory_space<hbm>>
        %dma_wait3A_777 = tpu.memref_squeeze %dma_wait3A_776 : memref<1x64xi32, #tpu.memory_space<hbm>> -> memref<64xi32, #tpu.memory_space<hbm>>
        %dma_wait3A_778 = arith.constant 0 : i32
        %dma_wait3A_779 = tpu.memref_slice %arg3[%add3A_774, %dma_wait3A_778] : memref<10240x64xi32, #tpu.memory_space<hbm>> -> memref<1x64xi32, #tpu.memory_space<hbm>>
        %dma_wait3A_780 = tpu.memref_squeeze %dma_wait3A_779 : memref<1x64xi32, #tpu.memory_space<hbm>> -> memref<64xi32, #tpu.memory_space<hbm>>
        tpu.wait_dma2 semaphore(%arg38 : memref<!tpu.dma_semaphore, #tpu.memory_space<semaphore_mem>>) src(%dma_wait3A_780 : memref<64xi32, #tpu.memory_space<hbm>>) dst(%arg12 : memref<64xi32, #tpu.memory_space<vmem>>)
        %add3A_781 = arith.addi %mul3A_2, %sub3A_493 : i32
        %dma_wait3A_782 = arith.constant 0 : i32
        %dma_wait3A_783 = tpu.memref_slice %arg4[%add3A_781, %dma_wait3A_782] : memref<10240x64xi32, #tpu.memory_space<hbm>> -> memref<1x64xi32, #tpu.memory_space<hbm>>
        %dma_wait3A_784 = tpu.memref_squeeze %dma_wait3A_783 : memref<1x64xi32, #tpu.memory_space<hbm>> -> memref<64xi32, #tpu.memory_space<hbm>>
        %dma_wait3A_785 = arith.constant 0 : i32
        %dma_wait3A_786 = tpu.memref_slice %arg4[%add3A_781, %dma_wait3A_785] : memref<10240x64xi32, #tpu.memory_space<hbm>> -> memref<1x64xi32, #tpu.memory_space<hbm>>
        %dma_wait3A_787 = tpu.memref_squeeze %dma_wait3A_786 : memref<1x64xi32, #tpu.memory_space<hbm>> -> memref<64xi32, #tpu.memory_space<hbm>>
        tpu.wait_dma2 semaphore(%arg38 : memref<!tpu.dma_semaphore, #tpu.memory_space<semaphore_mem>>) src(%dma_wait3A_787 : memref<64xi32, #tpu.memory_space<hbm>>) dst(%arg22 : memref<64xi32, #tpu.memory_space<vmem>>)
        %dma_start3A_788 = arith.constant 0 : i32
        %dma_start3A_789 = arith.constant 0 : i32
        %dma_start3A_790 = tpu.memref_slice %arg2[%dma_start3A_788, %dma_start3A_789] : memref<10000x128xf32, #tpu.memory_space<hbm>> -> memref<10000x128xf32, #tpu.memory_space<hbm>>
        tpu.enqueue_indirect_dma source(%dma_start3A_790 : memref<10000x128xf32, #tpu.memory_space<hbm>>) target(%arg27 : memref<64x128xf32, #tpu.memory_space<vmem>>) offsets(%arg22 : memref<64xi32, #tpu.memory_space<vmem>>) semaphore(%arg43 : memref<!tpu.dma_semaphore, #tpu.memory_space<semaphore_mem>>)
      } else {
      }
      %dma_wait3A_504 = arith.constant 0 : i32
      %dma_wait3A_505 = arith.constant 0 : i32
      %dma_wait3A_506 = tpu.memref_slice %arg2[%dma_wait3A_504, %dma_wait3A_505] : memref<10000x128xf32, #tpu.memory_space<hbm>> -> memref<10000x128xf32, #tpu.memory_space<hbm>>
      tpu.wait_indirect_dma semaphore(%arg44 : memref<!tpu.dma_semaphore, #tpu.memory_space<semaphore_mem>>) src(%dma_wait3A_506 : memref<10000x128xf32, #tpu.memory_space<hbm>>) dst(%arg28 : memref<64x128xf32, #tpu.memory_space<vmem>>)
      %dma_start3A_507 = arith.constant 0 : i32
      %dma_start3A_508 = arith.constant 0 : i32
      %dma_start3A_509 = tpu.memref_slice %arg31[%dma_start3A_507, %dma_start3A_508] : memref<10240x128xf32, #tpu.memory_space<vmem_shared>> -> memref<10240x128xf32, #tpu.memory_space<vmem_shared>>
      tpu.enqueue_indirect_dma source(%arg28 : memref<64x128xf32, #tpu.memory_space<vmem>>) target(%dma_start3A_509 : memref<10240x128xf32, #tpu.memory_space<vmem_shared>>) offsets(%arg8 : memref<64xi32, #tpu.memory_space<vmem>>) semaphore(%arg49 : memref<!tpu.dma_semaphore, #tpu.memory_space<semaphore_mem>>) {add = true}
      %ge3A_510 = arith.constant 1 : i32
      %ge3A_511 = arith.cmpi sge, %add3A_489, %ge3A_510 : i32
      %add3A_512 = arith.constant 10 : i32
      %add3A_513 = arith.addi %add3A_489, %add3A_512 : i32
      %sub3A_514 = arith.constant 1 : i32
      %sub3A_515 = arith.subi %add3A_513, %sub3A_514 : i32
      %lt3A_516 = arith.constant 320 : i32
      %lt3A_517 = arith.cmpi slt, %sub3A_515, %lt3A_516 : i32
      %and3A_518 = arith.andi %ge3A_511, %lt3A_517 : i1
      %convert_element_type3A_519 = arith.extui %and3A_518 : i1 to i32
      %cond3A_520 = arith.constant 0 : i32
      %cond3A_521 = arith.cmpi ne, %convert_element_type3A_519, %cond3A_520 : i32
      scf.if %cond3A_521 {
        %add3A_774 = arith.constant 10 : i32
        %add3A_775 = arith.addi %add3A_489, %add3A_774 : i32
        %sub3A_776 = arith.constant 1 : i32
        %sub3A_777 = arith.subi %add3A_775, %sub3A_776 : i32
        %add3A_778 = arith.addi %mul3A_2, %sub3A_777 : i32
        %dma_start3A_779 = arith.constant 0 : i32
        %dma_start3A_780 = tpu.memref_slice %arg3[%add3A_778, %dma_start3A_779] : memref<10240x64xi32, #tpu.memory_space<hbm>> -> memref<1x64xi32, #tpu.memory_space<hbm>>
        %dma_start3A_781 = tpu.memref_squeeze %dma_start3A_780 : memref<1x64xi32, #tpu.memory_space<hbm>> -> memref<64xi32, #tpu.memory_space<hbm>>
        %dma_start3A_782 = arith.constant 0 : i32
        %dma_start3A_783 = tpu.memref_slice %arg3[%add3A_778, %dma_start3A_782] : memref<10240x64xi32, #tpu.memory_space<hbm>> -> memref<1x64xi32, #tpu.memory_space<hbm>>
        %dma_start3A_784 = tpu.memref_squeeze %dma_start3A_783 : memref<1x64xi32, #tpu.memory_space<hbm>> -> memref<64xi32, #tpu.memory_space<hbm>>
        tpu.enqueue_dma source(%dma_start3A_784 : memref<64xi32, #tpu.memory_space<hbm>>) target(%arg7 : memref<64xi32, #tpu.memory_space<vmem>>) target_semaphore(%arg33 : memref<!tpu.dma_semaphore, #tpu.memory_space<semaphore_mem>>)
        %add3A_785 = arith.addi %mul3A_2, %sub3A_777 : i32
        %dma_start3A_786 = arith.constant 0 : i32
        %dma_start3A_787 = tpu.memref_slice %arg4[%add3A_785, %dma_start3A_786] : memref<10240x64xi32, #tpu.memory_space<hbm>> -> memref<1x64xi32, #tpu.memory_space<hbm>>
        %dma_start3A_788 = tpu.memref_squeeze %dma_start3A_787 : memref<1x64xi32, #tpu.memory_space<hbm>> -> memref<64xi32, #tpu.memory_space<hbm>>
        %dma_start3A_789 = arith.constant 0 : i32
        %dma_start3A_790 = tpu.memref_slice %arg4[%add3A_785, %dma_start3A_789] : memref<10240x64xi32, #tpu.memory_space<hbm>> -> memref<1x64xi32, #tpu.memory_space<hbm>>
        %dma_start3A_791 = tpu.memref_squeeze %dma_start3A_790 : memref<1x64xi32, #tpu.memory_space<hbm>> -> memref<64xi32, #tpu.memory_space<hbm>>
        tpu.enqueue_dma source(%dma_start3A_791 : memref<64xi32, #tpu.memory_space<hbm>>) target(%arg17 : memref<64xi32, #tpu.memory_space<vmem>>) target_semaphore(%arg33 : memref<!tpu.dma_semaphore, #tpu.memory_space<semaphore_mem>>)
      } else {
      }
      %mul3A_522 = arith.constant 10 : i32
      %mul3A_523 = arith.muli %scan3A_419, %mul3A_522 : i32
      %add3A_524 = arith.constant 3 : i32
      %add3A_525 = arith.addi %mul3A_523, %add3A_524 : i32
      %add3A_526 = arith.constant 5 : i32
      %add3A_527 = arith.addi %add3A_525, %add3A_526 : i32
      %sub3A_528 = arith.constant 1 : i32
      %sub3A_529 = arith.subi %add3A_527, %sub3A_528 : i32
      %ge3A_530 = arith.constant 1 : i32
      %ge3A_531 = arith.cmpi sge, %add3A_525, %ge3A_530 : i32
      %convert_element_type3A_532 = arith.extui %ge3A_531 : i1 to i32
      %cond3A_533 = arith.constant 0 : i32
      %cond3A_534 = arith.cmpi ne, %convert_element_type3A_532, %cond3A_533 : i32
      scf.if %cond3A_534 {
        %dma_wait3A_774 = arith.constant 0 : i32
        %dma_wait3A_775 = arith.constant 0 : i32
        %dma_wait3A_776 = tpu.memref_slice %arg31[%dma_wait3A_774, %dma_wait3A_775] : memref<10240x128xf32, #tpu.memory_space<vmem_shared>> -> memref<10240x128xf32, #tpu.memory_space<vmem_shared>>
        tpu.wait_indirect_dma semaphore(%arg49 : memref<!tpu.dma_semaphore, #tpu.memory_space<semaphore_mem>>) src(%arg28 : memref<64x128xf32, #tpu.memory_space<vmem>>) dst(%dma_wait3A_776 : memref<10240x128xf32, #tpu.memory_space<vmem_shared>>)
      } else {
      }
      %lt3A_535 = arith.constant 320 : i32
      %lt3A_536 = arith.cmpi slt, %sub3A_529, %lt3A_535 : i32
      %convert_element_type3A_537 = arith.extui %lt3A_536 : i1 to i32
      %cond3A_538 = arith.constant 0 : i32
      %cond3A_539 = arith.cmpi ne, %convert_element_type3A_537, %cond3A_538 : i32
      scf.if %cond3A_539 {
        %add3A_774 = arith.addi %mul3A_2, %sub3A_529 : i32
        %dma_wait3A_775 = arith.constant 0 : i32
        %dma_wait3A_776 = tpu.memref_slice %arg3[%add3A_774, %dma_wait3A_775] : memref<10240x64xi32, #tpu.memory_space<hbm>> -> memref<1x64xi32, #tpu.memory_space<hbm>>
        %dma_wait3A_777 = tpu.memref_squeeze %dma_wait3A_776 : memref<1x64xi32, #tpu.memory_space<hbm>> -> memref<64xi32, #tpu.memory_space<hbm>>
        %dma_wait3A_778 = arith.constant 0 : i32
        %dma_wait3A_779 = tpu.memref_slice %arg3[%add3A_774, %dma_wait3A_778] : memref<10240x64xi32, #tpu.memory_space<hbm>> -> memref<1x64xi32, #tpu.memory_space<hbm>>
        %dma_wait3A_780 = tpu.memref_squeeze %dma_wait3A_779 : memref<1x64xi32, #tpu.memory_space<hbm>> -> memref<64xi32, #tpu.memory_space<hbm>>
        tpu.wait_dma2 semaphore(%arg39 : memref<!tpu.dma_semaphore, #tpu.memory_space<semaphore_mem>>) src(%dma_wait3A_780 : memref<64xi32, #tpu.memory_space<hbm>>) dst(%arg13 : memref<64xi32, #tpu.memory_space<vmem>>)
        %add3A_781 = arith.addi %mul3A_2, %sub3A_529 : i32
        %dma_wait3A_782 = arith.constant 0 : i32
        %dma_wait3A_783 = tpu.memref_slice %arg4[%add3A_781, %dma_wait3A_782] : memref<10240x64xi32, #tpu.memory_space<hbm>> -> memref<1x64xi32, #tpu.memory_space<hbm>>
        %dma_wait3A_784 = tpu.memref_squeeze %dma_wait3A_783 : memref<1x64xi32, #tpu.memory_space<hbm>> -> memref<64xi32, #tpu.memory_space<hbm>>
        %dma_wait3A_785 = arith.constant 0 : i32
        %dma_wait3A_786 = tpu.memref_slice %arg4[%add3A_781, %dma_wait3A_785] : memref<10240x64xi32, #tpu.memory_space<hbm>> -> memref<1x64xi32, #tpu.memory_space<hbm>>
        %dma_wait3A_787 = tpu.memref_squeeze %dma_wait3A_786 : memref<1x64xi32, #tpu.memory_space<hbm>> -> memref<64xi32, #tpu.memory_space<hbm>>
        tpu.wait_dma2 semaphore(%arg39 : memref<!tpu.dma_semaphore, #tpu.memory_space<semaphore_mem>>) src(%dma_wait3A_787 : memref<64xi32, #tpu.memory_space<hbm>>) dst(%arg23 : memref<64xi32, #tpu.memory_space<vmem>>)
        %dma_start3A_788 = arith.constant 0 : i32
        %dma_start3A_789 = arith.constant 0 : i32
        %dma_start3A_790 = tpu.memref_slice %arg2[%dma_start3A_788, %dma_start3A_789] : memref<10000x128xf32, #tpu.memory_space<hbm>> -> memref<10000x128xf32, #tpu.memory_space<hbm>>
        tpu.enqueue_indirect_dma source(%dma_start3A_790 : memref<10000x128xf32, #tpu.memory_space<hbm>>) target(%arg28 : memref<64x128xf32, #tpu.memory_space<vmem>>) offsets(%arg23 : memref<64xi32, #tpu.memory_space<vmem>>) semaphore(%arg44 : memref<!tpu.dma_semaphore, #tpu.memory_space<semaphore_mem>>)
      } else {
      }
      %dma_wait3A_540 = arith.constant 0 : i32
      %dma_wait3A_541 = arith.constant 0 : i32
      %dma_wait3A_542 = tpu.memref_slice %arg2[%dma_wait3A_540, %dma_wait3A_541] : memref<10000x128xf32, #tpu.memory_space<hbm>> -> memref<10000x128xf32, #tpu.memory_space<hbm>>
      tpu.wait_indirect_dma semaphore(%arg45 : memref<!tpu.dma_semaphore, #tpu.memory_space<semaphore_mem>>) src(%dma_wait3A_542 : memref<10000x128xf32, #tpu.memory_space<hbm>>) dst(%arg29 : memref<64x128xf32, #tpu.memory_space<vmem>>)
      %dma_start3A_543 = arith.constant 0 : i32
      %dma_start3A_544 = arith.constant 0 : i32
      %dma_start3A_545 = tpu.memref_slice %arg31[%dma_start3A_543, %dma_start3A_544] : memref<10240x128xf32, #tpu.memory_space<vmem_shared>> -> memref<10240x128xf32, #tpu.memory_space<vmem_shared>>
      tpu.enqueue_indirect_dma source(%arg29 : memref<64x128xf32, #tpu.memory_space<vmem>>) target(%dma_start3A_545 : memref<10240x128xf32, #tpu.memory_space<vmem_shared>>) offsets(%arg9 : memref<64xi32, #tpu.memory_space<vmem>>) semaphore(%arg50 : memref<!tpu.dma_semaphore, #tpu.memory_space<semaphore_mem>>) {add = true}
      %ge3A_546 = arith.constant 1 : i32
      %ge3A_547 = arith.cmpi sge, %add3A_525, %ge3A_546 : i32
      %add3A_548 = arith.constant 10 : i32
      %add3A_549 = arith.addi %add3A_525, %add3A_548 : i32
      %sub3A_550 = arith.constant 1 : i32
      %sub3A_551 = arith.subi %add3A_549, %sub3A_550 : i32
      %lt3A_552 = arith.constant 320 : i32
      %lt3A_553 = arith.cmpi slt, %sub3A_551, %lt3A_552 : i32
      %and3A_554 = arith.andi %ge3A_547, %lt3A_553 : i1
      %convert_element_type3A_555 = arith.extui %and3A_554 : i1 to i32
      %cond3A_556 = arith.constant 0 : i32
      %cond3A_557 = arith.cmpi ne, %convert_element_type3A_555, %cond3A_556 : i32
      scf.if %cond3A_557 {
        %add3A_774 = arith.constant 10 : i32
        %add3A_775 = arith.addi %add3A_525, %add3A_774 : i32
        %sub3A_776 = arith.constant 1 : i32
        %sub3A_777 = arith.subi %add3A_775, %sub3A_776 : i32
        %add3A_778 = arith.addi %mul3A_2, %sub3A_777 : i32
        %dma_start3A_779 = arith.constant 0 : i32
        %dma_start3A_780 = tpu.memref_slice %arg3[%add3A_778, %dma_start3A_779] : memref<10240x64xi32, #tpu.memory_space<hbm>> -> memref<1x64xi32, #tpu.memory_space<hbm>>
        %dma_start3A_781 = tpu.memref_squeeze %dma_start3A_780 : memref<1x64xi32, #tpu.memory_space<hbm>> -> memref<64xi32, #tpu.memory_space<hbm>>
        %dma_start3A_782 = arith.constant 0 : i32
        %dma_start3A_783 = tpu.memref_slice %arg3[%add3A_778, %dma_start3A_782] : memref<10240x64xi32, #tpu.memory_space<hbm>> -> memref<1x64xi32, #tpu.memory_space<hbm>>
        %dma_start3A_784 = tpu.memref_squeeze %dma_start3A_783 : memref<1x64xi32, #tpu.memory_space<hbm>> -> memref<64xi32, #tpu.memory_space<hbm>>
        tpu.enqueue_dma source(%dma_start3A_784 : memref<64xi32, #tpu.memory_space<hbm>>) target(%arg8 : memref<64xi32, #tpu.memory_space<vmem>>) target_semaphore(%arg34 : memref<!tpu.dma_semaphore, #tpu.memory_space<semaphore_mem>>)
        %add3A_785 = arith.addi %mul3A_2, %sub3A_777 : i32
        %dma_start3A_786 = arith.constant 0 : i32
        %dma_start3A_787 = tpu.memref_slice %arg4[%add3A_785, %dma_start3A_786] : memref<10240x64xi32, #tpu.memory_space<hbm>> -> memref<1x64xi32, #tpu.memory_space<hbm>>
        %dma_start3A_788 = tpu.memref_squeeze %dma_start3A_787 : memref<1x64xi32, #tpu.memory_space<hbm>> -> memref<64xi32, #tpu.memory_space<hbm>>
        %dma_start3A_789 = arith.constant 0 : i32
        %dma_start3A_790 = tpu.memref_slice %arg4[%add3A_785, %dma_start3A_789] : memref<10240x64xi32, #tpu.memory_space<hbm>> -> memref<1x64xi32, #tpu.memory_space<hbm>>
        %dma_start3A_791 = tpu.memref_squeeze %dma_start3A_790 : memref<1x64xi32, #tpu.memory_space<hbm>> -> memref<64xi32, #tpu.memory_space<hbm>>
        tpu.enqueue_dma source(%dma_start3A_791 : memref<64xi32, #tpu.memory_space<hbm>>) target(%arg18 : memref<64xi32, #tpu.memory_space<vmem>>) target_semaphore(%arg34 : memref<!tpu.dma_semaphore, #tpu.memory_space<semaphore_mem>>)
      } else {
      }
      %mul3A_558 = arith.constant 10 : i32
      %mul3A_559 = arith.muli %scan3A_419, %mul3A_558 : i32
      %add3A_560 = arith.constant 4 : i32
      %add3A_561 = arith.addi %mul3A_559, %add3A_560 : i32
      %add3A_562 = arith.constant 5 : i32
      %add3A_563 = arith.addi %add3A_561, %add3A_562 : i32
      %sub3A_564 = arith.constant 1 : i32
      %sub3A_565 = arith.subi %add3A_563, %sub3A_564 : i32
      %ge3A_566 = arith.constant 1 : i32
      %ge3A_567 = arith.cmpi sge, %add3A_561, %ge3A_566 : i32
      %convert_element_type3A_568 = arith.extui %ge3A_567 : i1 to i32
      %cond3A_569 = arith.constant 0 : i32
      %cond3A_570 = arith.cmpi ne, %convert_element_type3A_568, %cond3A_569 : i32
      scf.if %cond3A_570 {
        %dma_wait3A_774 = arith.constant 0 : i32
        %dma_wait3A_775 = arith.constant 0 : i32
        %dma_wait3A_776 = tpu.memref_slice %arg31[%dma_wait3A_774, %dma_wait3A_775] : memref<10240x128xf32, #tpu.memory_space<vmem_shared>> -> memref<10240x128xf32, #tpu.memory_space<vmem_shared>>
        tpu.wait_indirect_dma semaphore(%arg50 : memref<!tpu.dma_semaphore, #tpu.memory_space<semaphore_mem>>) src(%arg29 : memref<64x128xf32, #tpu.memory_space<vmem>>) dst(%dma_wait3A_776 : memref<10240x128xf32, #tpu.memory_space<vmem_shared>>)
      } else {
      }
      %lt3A_571 = arith.constant 320 : i32
      %lt3A_572 = arith.cmpi slt, %sub3A_565, %lt3A_571 : i32
      %convert_element_type3A_573 = arith.extui %lt3A_572 : i1 to i32
      %cond3A_574 = arith.constant 0 : i32
      %cond3A_575 = arith.cmpi ne, %convert_element_type3A_573, %cond3A_574 : i32
      scf.if %cond3A_575 {
        %add3A_774 = arith.addi %mul3A_2, %sub3A_565 : i32
        %dma_wait3A_775 = arith.constant 0 : i32
        %dma_wait3A_776 = tpu.memref_slice %arg3[%add3A_774, %dma_wait3A_775] : memref<10240x64xi32, #tpu.memory_space<hbm>> -> memref<1x64xi32, #tpu.memory_space<hbm>>
        %dma_wait3A_777 = tpu.memref_squeeze %dma_wait3A_776 : memref<1x64xi32, #tpu.memory_space<hbm>> -> memref<64xi32, #tpu.memory_space<hbm>>
        %dma_wait3A_778 = arith.constant 0 : i32
        %dma_wait3A_779 = tpu.memref_slice %arg3[%add3A_774, %dma_wait3A_778] : memref<10240x64xi32, #tpu.memory_space<hbm>> -> memref<1x64xi32, #tpu.memory_space<hbm>>
        %dma_wait3A_780 = tpu.memref_squeeze %dma_wait3A_779 : memref<1x64xi32, #tpu.memory_space<hbm>> -> memref<64xi32, #tpu.memory_space<hbm>>
        tpu.wait_dma2 semaphore(%arg40 : memref<!tpu.dma_semaphore, #tpu.memory_space<semaphore_mem>>) src(%dma_wait3A_780 : memref<64xi32, #tpu.memory_space<hbm>>) dst(%arg14 : memref<64xi32, #tpu.memory_space<vmem>>)
        %add3A_781 = arith.addi %mul3A_2, %sub3A_565 : i32
        %dma_wait3A_782 = arith.constant 0 : i32
        %dma_wait3A_783 = tpu.memref_slice %arg4[%add3A_781, %dma_wait3A_782] : memref<10240x64xi32, #tpu.memory_space<hbm>> -> memref<1x64xi32, #tpu.memory_space<hbm>>
        %dma_wait3A_784 = tpu.memref_squeeze %dma_wait3A_783 : memref<1x64xi32, #tpu.memory_space<hbm>> -> memref<64xi32, #tpu.memory_space<hbm>>
        %dma_wait3A_785 = arith.constant 0 : i32
        %dma_wait3A_786 = tpu.memref_slice %arg4[%add3A_781, %dma_wait3A_785] : memref<10240x64xi32, #tpu.memory_space<hbm>> -> memref<1x64xi32, #tpu.memory_space<hbm>>
        %dma_wait3A_787 = tpu.memref_squeeze %dma_wait3A_786 : memref<1x64xi32, #tpu.memory_space<hbm>> -> memref<64xi32, #tpu.memory_space<hbm>>
        tpu.wait_dma2 semaphore(%arg40 : memref<!tpu.dma_semaphore, #tpu.memory_space<semaphore_mem>>) src(%dma_wait3A_787 : memref<64xi32, #tpu.memory_space<hbm>>) dst(%arg24 : memref<64xi32, #tpu.memory_space<vmem>>)
        %dma_start3A_788 = arith.constant 0 : i32
        %dma_start3A_789 = arith.constant 0 : i32
        %dma_start3A_790 = tpu.memref_slice %arg2[%dma_start3A_788, %dma_start3A_789] : memref<10000x128xf32, #tpu.memory_space<hbm>> -> memref<10000x128xf32, #tpu.memory_space<hbm>>
        tpu.enqueue_indirect_dma source(%dma_start3A_790 : memref<10000x128xf32, #tpu.memory_space<hbm>>) target(%arg29 : memref<64x128xf32, #tpu.memory_space<vmem>>) offsets(%arg24 : memref<64xi32, #tpu.memory_space<vmem>>) semaphore(%arg45 : memref<!tpu.dma_semaphore, #tpu.memory_space<semaphore_mem>>)
      } else {
      }
      %dma_wait3A_576 = arith.constant 0 : i32
      %dma_wait3A_577 = arith.constant 0 : i32
      %dma_wait3A_578 = tpu.memref_slice %arg2[%dma_wait3A_576, %dma_wait3A_577] : memref<10000x128xf32, #tpu.memory_space<hbm>> -> memref<10000x128xf32, #tpu.memory_space<hbm>>
      tpu.wait_indirect_dma semaphore(%arg46 : memref<!tpu.dma_semaphore, #tpu.memory_space<semaphore_mem>>) src(%dma_wait3A_578 : memref<10000x128xf32, #tpu.memory_space<hbm>>) dst(%arg30 : memref<64x128xf32, #tpu.memory_space<vmem>>)
      %dma_start3A_579 = arith.constant 0 : i32
      %dma_start3A_580 = arith.constant 0 : i32
      %dma_start3A_581 = tpu.memref_slice %arg31[%dma_start3A_579, %dma_start3A_580] : memref<10240x128xf32, #tpu.memory_space<vmem_shared>> -> memref<10240x128xf32, #tpu.memory_space<vmem_shared>>
      tpu.enqueue_indirect_dma source(%arg30 : memref<64x128xf32, #tpu.memory_space<vmem>>) target(%dma_start3A_581 : memref<10240x128xf32, #tpu.memory_space<vmem_shared>>) offsets(%arg10 : memref<64xi32, #tpu.memory_space<vmem>>) semaphore(%arg51 : memref<!tpu.dma_semaphore, #tpu.memory_space<semaphore_mem>>) {add = true}
      %ge3A_582 = arith.constant 1 : i32
      %ge3A_583 = arith.cmpi sge, %add3A_561, %ge3A_582 : i32
      %add3A_584 = arith.constant 10 : i32
      %add3A_585 = arith.addi %add3A_561, %add3A_584 : i32
      %sub3A_586 = arith.constant 1 : i32
      %sub3A_587 = arith.subi %add3A_585, %sub3A_586 : i32
      %lt3A_588 = arith.constant 320 : i32
      %lt3A_589 = arith.cmpi slt, %sub3A_587, %lt3A_588 : i32
      %and3A_590 = arith.andi %ge3A_583, %lt3A_589 : i1
      %convert_element_type3A_591 = arith.extui %and3A_590 : i1 to i32
      %cond3A_592 = arith.constant 0 : i32
      %cond3A_593 = arith.cmpi ne, %convert_element_type3A_591, %cond3A_592 : i32
      scf.if %cond3A_593 {
        %add3A_774 = arith.constant 10 : i32
        %add3A_775 = arith.addi %add3A_561, %add3A_774 : i32
        %sub3A_776 = arith.constant 1 : i32
        %sub3A_777 = arith.subi %add3A_775, %sub3A_776 : i32
        %add3A_778 = arith.addi %mul3A_2, %sub3A_777 : i32
        %dma_start3A_779 = arith.constant 0 : i32
        %dma_start3A_780 = tpu.memref_slice %arg3[%add3A_778, %dma_start3A_779] : memref<10240x64xi32, #tpu.memory_space<hbm>> -> memref<1x64xi32, #tpu.memory_space<hbm>>
        %dma_start3A_781 = tpu.memref_squeeze %dma_start3A_780 : memref<1x64xi32, #tpu.memory_space<hbm>> -> memref<64xi32, #tpu.memory_space<hbm>>
        %dma_start3A_782 = arith.constant 0 : i32
        %dma_start3A_783 = tpu.memref_slice %arg3[%add3A_778, %dma_start3A_782] : memref<10240x64xi32, #tpu.memory_space<hbm>> -> memref<1x64xi32, #tpu.memory_space<hbm>>
        %dma_start3A_784 = tpu.memref_squeeze %dma_start3A_783 : memref<1x64xi32, #tpu.memory_space<hbm>> -> memref<64xi32, #tpu.memory_space<hbm>>
        tpu.enqueue_dma source(%dma_start3A_784 : memref<64xi32, #tpu.memory_space<hbm>>) target(%arg9 : memref<64xi32, #tpu.memory_space<vmem>>) target_semaphore(%arg35 : memref<!tpu.dma_semaphore, #tpu.memory_space<semaphore_mem>>)
        %add3A_785 = arith.addi %mul3A_2, %sub3A_777 : i32
        %dma_start3A_786 = arith.constant 0 : i32
        %dma_start3A_787 = tpu.memref_slice %arg4[%add3A_785, %dma_start3A_786] : memref<10240x64xi32, #tpu.memory_space<hbm>> -> memref<1x64xi32, #tpu.memory_space<hbm>>
        %dma_start3A_788 = tpu.memref_squeeze %dma_start3A_787 : memref<1x64xi32, #tpu.memory_space<hbm>> -> memref<64xi32, #tpu.memory_space<hbm>>
        %dma_start3A_789 = arith.constant 0 : i32
        %dma_start3A_790 = tpu.memref_slice %arg4[%add3A_785, %dma_start3A_789] : memref<10240x64xi32, #tpu.memory_space<hbm>> -> memref<1x64xi32, #tpu.memory_space<hbm>>
        %dma_start3A_791 = tpu.memref_squeeze %dma_start3A_790 : memref<1x64xi32, #tpu.memory_space<hbm>> -> memref<64xi32, #tpu.memory_space<hbm>>
        tpu.enqueue_dma source(%dma_start3A_791 : memref<64xi32, #tpu.memory_space<hbm>>) target(%arg19 : memref<64xi32, #tpu.memory_space<vmem>>) target_semaphore(%arg35 : memref<!tpu.dma_semaphore, #tpu.memory_space<semaphore_mem>>)
      } else {
      }
      %mul3A_594 = arith.constant 10 : i32
      %mul3A_595 = arith.muli %scan3A_419, %mul3A_594 : i32
      %add3A_596 = arith.constant 5 : i32
      %add3A_597 = arith.addi %mul3A_595, %add3A_596 : i32
      %add3A_598 = arith.constant 5 : i32
      %add3A_599 = arith.addi %add3A_597, %add3A_598 : i32
      %sub3A_600 = arith.constant 1 : i32
      %sub3A_601 = arith.subi %add3A_599, %sub3A_600 : i32
      %ge3A_602 = arith.constant 1 : i32
      %ge3A_603 = arith.cmpi sge, %add3A_597, %ge3A_602 : i32
      %convert_element_type3A_604 = arith.extui %ge3A_603 : i1 to i32
      %cond3A_605 = arith.constant 0 : i32
      %cond3A_606 = arith.cmpi ne, %convert_element_type3A_604, %cond3A_605 : i32
      scf.if %cond3A_606 {
        %dma_wait3A_774 = arith.constant 0 : i32
        %dma_wait3A_775 = arith.constant 0 : i32
        %dma_wait3A_776 = tpu.memref_slice %arg31[%dma_wait3A_774, %dma_wait3A_775] : memref<10240x128xf32, #tpu.memory_space<vmem_shared>> -> memref<10240x128xf32, #tpu.memory_space<vmem_shared>>
        tpu.wait_indirect_dma semaphore(%arg51 : memref<!tpu.dma_semaphore, #tpu.memory_space<semaphore_mem>>) src(%arg30 : memref<64x128xf32, #tpu.memory_space<vmem>>) dst(%dma_wait3A_776 : memref<10240x128xf32, #tpu.memory_space<vmem_shared>>)
      } else {
      }
      %lt3A_607 = arith.constant 320 : i32
      %lt3A_608 = arith.cmpi slt, %sub3A_601, %lt3A_607 : i32
      %convert_element_type3A_609 = arith.extui %lt3A_608 : i1 to i32
      %cond3A_610 = arith.constant 0 : i32
      %cond3A_611 = arith.cmpi ne, %convert_element_type3A_609, %cond3A_610 : i32
      scf.if %cond3A_611 {
        %add3A_774 = arith.addi %mul3A_2, %sub3A_601 : i32
        %dma_wait3A_775 = arith.constant 0 : i32
        %dma_wait3A_776 = tpu.memref_slice %arg3[%add3A_774, %dma_wait3A_775] : memref<10240x64xi32, #tpu.memory_space<hbm>> -> memref<1x64xi32, #tpu.memory_space<hbm>>
        %dma_wait3A_777 = tpu.memref_squeeze %dma_wait3A_776 : memref<1x64xi32, #tpu.memory_space<hbm>> -> memref<64xi32, #tpu.memory_space<hbm>>
        %dma_wait3A_778 = arith.constant 0 : i32
        %dma_wait3A_779 = tpu.memref_slice %arg3[%add3A_774, %dma_wait3A_778] : memref<10240x64xi32, #tpu.memory_space<hbm>> -> memref<1x64xi32, #tpu.memory_space<hbm>>
        %dma_wait3A_780 = tpu.memref_squeeze %dma_wait3A_779 : memref<1x64xi32, #tpu.memory_space<hbm>> -> memref<64xi32, #tpu.memory_space<hbm>>
        tpu.wait_dma2 semaphore(%arg41 : memref<!tpu.dma_semaphore, #tpu.memory_space<semaphore_mem>>) src(%dma_wait3A_780 : memref<64xi32, #tpu.memory_space<hbm>>) dst(%arg15 : memref<64xi32, #tpu.memory_space<vmem>>)
        %add3A_781 = arith.addi %mul3A_2, %sub3A_601 : i32
        %dma_wait3A_782 = arith.constant 0 : i32
        %dma_wait3A_783 = tpu.memref_slice %arg4[%add3A_781, %dma_wait3A_782] : memref<10240x64xi32, #tpu.memory_space<hbm>> -> memref<1x64xi32, #tpu.memory_space<hbm>>
        %dma_wait3A_784 = tpu.memref_squeeze %dma_wait3A_783 : memref<1x64xi32, #tpu.memory_space<hbm>> -> memref<64xi32, #tpu.memory_space<hbm>>
        %dma_wait3A_785 = arith.constant 0 : i32
        %dma_wait3A_786 = tpu.memref_slice %arg4[%add3A_781, %dma_wait3A_785] : memref<10240x64xi32, #tpu.memory_space<hbm>> -> memref<1x64xi32, #tpu.memory_space<hbm>>
        %dma_wait3A_787 = tpu.memref_squeeze %dma_wait3A_786 : memref<1x64xi32, #tpu.memory_space<hbm>> -> memref<64xi32, #tpu.memory_space<hbm>>
        tpu.wait_dma2 semaphore(%arg41 : memref<!tpu.dma_semaphore, #tpu.memory_space<semaphore_mem>>) src(%dma_wait3A_787 : memref<64xi32, #tpu.memory_space<hbm>>) dst(%arg25 : memref<64xi32, #tpu.memory_space<vmem>>)
        %dma_start3A_788 = arith.constant 0 : i32
        %dma_start3A_789 = arith.constant 0 : i32
        %dma_start3A_790 = tpu.memref_slice %arg2[%dma_start3A_788, %dma_start3A_789] : memref<10000x128xf32, #tpu.memory_space<hbm>> -> memref<10000x128xf32, #tpu.memory_space<hbm>>
        tpu.enqueue_indirect_dma source(%dma_start3A_790 : memref<10000x128xf32, #tpu.memory_space<hbm>>) target(%arg30 : memref<64x128xf32, #tpu.memory_space<vmem>>) offsets(%arg25 : memref<64xi32, #tpu.memory_space<vmem>>) semaphore(%arg46 : memref<!tpu.dma_semaphore, #tpu.memory_space<semaphore_mem>>)
      } else {
      }
      %dma_wait3A_612 = arith.constant 0 : i32
      %dma_wait3A_613 = arith.constant 0 : i32
      %dma_wait3A_614 = tpu.memref_slice %arg2[%dma_wait3A_612, %dma_wait3A_613] : memref<10000x128xf32, #tpu.memory_space<hbm>> -> memref<10000x128xf32, #tpu.memory_space<hbm>>
      tpu.wait_indirect_dma semaphore(%arg42 : memref<!tpu.dma_semaphore, #tpu.memory_space<semaphore_mem>>) src(%dma_wait3A_614 : memref<10000x128xf32, #tpu.memory_space<hbm>>) dst(%arg26 : memref<64x128xf32, #tpu.memory_space<vmem>>)
      %dma_start3A_615 = arith.constant 0 : i32
      %dma_start3A_616 = arith.constant 0 : i32
      %dma_start3A_617 = tpu.memref_slice %arg31[%dma_start3A_615, %dma_start3A_616] : memref<10240x128xf32, #tpu.memory_space<vmem_shared>> -> memref<10240x128xf32, #tpu.memory_space<vmem_shared>>
      tpu.enqueue_indirect_dma source(%arg26 : memref<64x128xf32, #tpu.memory_space<vmem>>) target(%dma_start3A_617 : memref<10240x128xf32, #tpu.memory_space<vmem_shared>>) offsets(%arg11 : memref<64xi32, #tpu.memory_space<vmem>>) semaphore(%arg47 : memref<!tpu.dma_semaphore, #tpu.memory_space<semaphore_mem>>) {add = true}
      %ge3A_618 = arith.constant 1 : i32
      %ge3A_619 = arith.cmpi sge, %add3A_597, %ge3A_618 : i32
      %add3A_620 = arith.constant 10 : i32
      %add3A_621 = arith.addi %add3A_597, %add3A_620 : i32
      %sub3A_622 = arith.constant 1 : i32
      %sub3A_623 = arith.subi %add3A_621, %sub3A_622 : i32
      %lt3A_624 = arith.constant 320 : i32
      %lt3A_625 = arith.cmpi slt, %sub3A_623, %lt3A_624 : i32
      %and3A_626 = arith.andi %ge3A_619, %lt3A_625 : i1
      %convert_element_type3A_627 = arith.extui %and3A_626 : i1 to i32
      %cond3A_628 = arith.constant 0 : i32
      %cond3A_629 = arith.cmpi ne, %convert_element_type3A_627, %cond3A_628 : i32
      scf.if %cond3A_629 {
        %add3A_774 = arith.constant 10 : i32
        %add3A_775 = arith.addi %add3A_597, %add3A_774 : i32
        %sub3A_776 = arith.constant 1 : i32
        %sub3A_777 = arith.subi %add3A_775, %sub3A_776 : i32
        %add3A_778 = arith.addi %mul3A_2, %sub3A_777 : i32
        %dma_start3A_779 = arith.constant 0 : i32
        %dma_start3A_780 = tpu.memref_slice %arg3[%add3A_778, %dma_start3A_779] : memref<10240x64xi32, #tpu.memory_space<hbm>> -> memref<1x64xi32, #tpu.memory_space<hbm>>
        %dma_start3A_781 = tpu.memref_squeeze %dma_start3A_780 : memref<1x64xi32, #tpu.memory_space<hbm>> -> memref<64xi32, #tpu.memory_space<hbm>>
        %dma_start3A_782 = arith.constant 0 : i32
        %dma_start3A_783 = tpu.memref_slice %arg3[%add3A_778, %dma_start3A_782] : memref<10240x64xi32, #tpu.memory_space<hbm>> -> memref<1x64xi32, #tpu.memory_space<hbm>>
        %dma_start3A_784 = tpu.memref_squeeze %dma_start3A_783 : memref<1x64xi32, #tpu.memory_space<hbm>> -> memref<64xi32, #tpu.memory_space<hbm>>
        tpu.enqueue_dma source(%dma_start3A_784 : memref<64xi32, #tpu.memory_space<hbm>>) target(%arg10 : memref<64xi32, #tpu.memory_space<vmem>>) target_semaphore(%arg36 : memref<!tpu.dma_semaphore, #tpu.memory_space<semaphore_mem>>)
        %add3A_785 = arith.addi %mul3A_2, %sub3A_777 : i32
        %dma_start3A_786 = arith.constant 0 : i32
        %dma_start3A_787 = tpu.memref_slice %arg4[%add3A_785, %dma_start3A_786] : memref<10240x64xi32, #tpu.memory_space<hbm>> -> memref<1x64xi32, #tpu.memory_space<hbm>>
        %dma_start3A_788 = tpu.memref_squeeze %dma_start3A_787 : memref<1x64xi32, #tpu.memory_space<hbm>> -> memref<64xi32, #tpu.memory_space<hbm>>
        %dma_start3A_789 = arith.constant 0 : i32
        %dma_start3A_790 = tpu.memref_slice %arg4[%add3A_785, %dma_start3A_789] : memref<10240x64xi32, #tpu.memory_space<hbm>> -> memref<1x64xi32, #tpu.memory_space<hbm>>
        %dma_start3A_791 = tpu.memref_squeeze %dma_start3A_790 : memref<1x64xi32, #tpu.memory_space<hbm>> -> memref<64xi32, #tpu.memory_space<hbm>>
        tpu.enqueue_dma source(%dma_start3A_791 : memref<64xi32, #tpu.memory_space<hbm>>) target(%arg20 : memref<64xi32, #tpu.memory_space<vmem>>) target_semaphore(%arg36 : memref<!tpu.dma_semaphore, #tpu.memory_space<semaphore_mem>>)
      } else {
      }
      %mul3A_630 = arith.constant 10 : i32
      %mul3A_631 = arith.muli %scan3A_419, %mul3A_630 : i32
      %add3A_632 = arith.constant 6 : i32
      %add3A_633 = arith.addi %mul3A_631, %add3A_632 : i32
      %add3A_634 = arith.constant 5 : i32
      %add3A_635 = arith.addi %add3A_633, %add3A_634 : i32
      %sub3A_636 = arith.constant 1 : i32
      %sub3A_637 = arith.subi %add3A_635, %sub3A_636 : i32
      %ge3A_638 = arith.constant 1 : i32
      %ge3A_639 = arith.cmpi sge, %add3A_633, %ge3A_638 : i32
      %convert_element_type3A_640 = arith.extui %ge3A_639 : i1 to i32
      %cond3A_641 = arith.constant 0 : i32
      %cond3A_642 = arith.cmpi ne, %convert_element_type3A_640, %cond3A_641 : i32
      scf.if %cond3A_642 {
        %dma_wait3A_774 = arith.constant 0 : i32
        %dma_wait3A_775 = arith.constant 0 : i32
        %dma_wait3A_776 = tpu.memref_slice %arg31[%dma_wait3A_774, %dma_wait3A_775] : memref<10240x128xf32, #tpu.memory_space<vmem_shared>> -> memref<10240x128xf32, #tpu.memory_space<vmem_shared>>
        tpu.wait_indirect_dma semaphore(%arg47 : memref<!tpu.dma_semaphore, #tpu.memory_space<semaphore_mem>>) src(%arg26 : memref<64x128xf32, #tpu.memory_space<vmem>>) dst(%dma_wait3A_776 : memref<10240x128xf32, #tpu.memory_space<vmem_shared>>)
      } else {
      }
      %lt3A_643 = arith.constant 320 : i32
      %lt3A_644 = arith.cmpi slt, %sub3A_637, %lt3A_643 : i32
      %convert_element_type3A_645 = arith.extui %lt3A_644 : i1 to i32
      %cond3A_646 = arith.constant 0 : i32
      %cond3A_647 = arith.cmpi ne, %convert_element_type3A_645, %cond3A_646 : i32
      scf.if %cond3A_647 {
        %add3A_774 = arith.addi %mul3A_2, %sub3A_637 : i32
        %dma_wait3A_775 = arith.constant 0 : i32
        %dma_wait3A_776 = tpu.memref_slice %arg3[%add3A_774, %dma_wait3A_775] : memref<10240x64xi32, #tpu.memory_space<hbm>> -> memref<1x64xi32, #tpu.memory_space<hbm>>
        %dma_wait3A_777 = tpu.memref_squeeze %dma_wait3A_776 : memref<1x64xi32, #tpu.memory_space<hbm>> -> memref<64xi32, #tpu.memory_space<hbm>>
        %dma_wait3A_778 = arith.constant 0 : i32
        %dma_wait3A_779 = tpu.memref_slice %arg3[%add3A_774, %dma_wait3A_778] : memref<10240x64xi32, #tpu.memory_space<hbm>> -> memref<1x64xi32, #tpu.memory_space<hbm>>
        %dma_wait3A_780 = tpu.memref_squeeze %dma_wait3A_779 : memref<1x64xi32, #tpu.memory_space<hbm>> -> memref<64xi32, #tpu.memory_space<hbm>>
        tpu.wait_dma2 semaphore(%arg32 : memref<!tpu.dma_semaphore, #tpu.memory_space<semaphore_mem>>) src(%dma_wait3A_780 : memref<64xi32, #tpu.memory_space<hbm>>) dst(%arg6 : memref<64xi32, #tpu.memory_space<vmem>>)
        %add3A_781 = arith.addi %mul3A_2, %sub3A_637 : i32
        %dma_wait3A_782 = arith.constant 0 : i32
        %dma_wait3A_783 = tpu.memref_slice %arg4[%add3A_781, %dma_wait3A_782] : memref<10240x64xi32, #tpu.memory_space<hbm>> -> memref<1x64xi32, #tpu.memory_space<hbm>>
        %dma_wait3A_784 = tpu.memref_squeeze %dma_wait3A_783 : memref<1x64xi32, #tpu.memory_space<hbm>> -> memref<64xi32, #tpu.memory_space<hbm>>
        %dma_wait3A_785 = arith.constant 0 : i32
        %dma_wait3A_786 = tpu.memref_slice %arg4[%add3A_781, %dma_wait3A_785] : memref<10240x64xi32, #tpu.memory_space<hbm>> -> memref<1x64xi32, #tpu.memory_space<hbm>>
        %dma_wait3A_787 = tpu.memref_squeeze %dma_wait3A_786 : memref<1x64xi32, #tpu.memory_space<hbm>> -> memref<64xi32, #tpu.memory_space<hbm>>
        tpu.wait_dma2 semaphore(%arg32 : memref<!tpu.dma_semaphore, #tpu.memory_space<semaphore_mem>>) src(%dma_wait3A_787 : memref<64xi32, #tpu.memory_space<hbm>>) dst(%arg16 : memref<64xi32, #tpu.memory_space<vmem>>)
        %dma_start3A_788 = arith.constant 0 : i32
        %dma_start3A_789 = arith.constant 0 : i32
        %dma_start3A_790 = tpu.memref_slice %arg2[%dma_start3A_788, %dma_start3A_789] : memref<10000x128xf32, #tpu.memory_space<hbm>> -> memref<10000x128xf32, #tpu.memory_space<hbm>>
        tpu.enqueue_indirect_dma source(%dma_start3A_790 : memref<10000x128xf32, #tpu.memory_space<hbm>>) target(%arg26 : memref<64x128xf32, #tpu.memory_space<vmem>>) offsets(%arg16 : memref<64xi32, #tpu.memory_space<vmem>>) semaphore(%arg42 : memref<!tpu.dma_semaphore, #tpu.memory_space<semaphore_mem>>)
      } else {
      }
      %dma_wait3A_648 = arith.constant 0 : i32
      %dma_wait3A_649 = arith.constant 0 : i32
      %dma_wait3A_650 = tpu.memref_slice %arg2[%dma_wait3A_648, %dma_wait3A_649] : memref<10000x128xf32, #tpu.memory_space<hbm>> -> memref<10000x128xf32, #tpu.memory_space<hbm>>
      tpu.wait_indirect_dma semaphore(%arg43 : memref<!tpu.dma_semaphore, #tpu.memory_space<semaphore_mem>>) src(%dma_wait3A_650 : memref<10000x128xf32, #tpu.memory_space<hbm>>) dst(%arg27 : memref<64x128xf32, #tpu.memory_space<vmem>>)
      %dma_start3A_651 = arith.constant 0 : i32
      %dma_start3A_652 = arith.constant 0 : i32
      %dma_start3A_653 = tpu.memref_slice %arg31[%dma_start3A_651, %dma_start3A_652] : memref<10240x128xf32, #tpu.memory_space<vmem_shared>> -> memref<10240x128xf32, #tpu.memory_space<vmem_shared>>
      tpu.enqueue_indirect_dma source(%arg27 : memref<64x128xf32, #tpu.memory_space<vmem>>) target(%dma_start3A_653 : memref<10240x128xf32, #tpu.memory_space<vmem_shared>>) offsets(%arg12 : memref<64xi32, #tpu.memory_space<vmem>>) semaphore(%arg48 : memref<!tpu.dma_semaphore, #tpu.memory_space<semaphore_mem>>) {add = true}
      %ge3A_654 = arith.constant 1 : i32
      %ge3A_655 = arith.cmpi sge, %add3A_633, %ge3A_654 : i32
      %add3A_656 = arith.constant 10 : i32
      %add3A_657 = arith.addi %add3A_633, %add3A_656 : i32
      %sub3A_658 = arith.constant 1 : i32
      %sub3A_659 = arith.subi %add3A_657, %sub3A_658 : i32
      %lt3A_660 = arith.constant 320 : i32
      %lt3A_661 = arith.cmpi slt, %sub3A_659, %lt3A_660 : i32
      %and3A_662 = arith.andi %ge3A_655, %lt3A_661 : i1
      %convert_element_type3A_663 = arith.extui %and3A_662 : i1 to i32
      %cond3A_664 = arith.constant 0 : i32
      %cond3A_665 = arith.cmpi ne, %convert_element_type3A_663, %cond3A_664 : i32
      scf.if %cond3A_665 {
        %add3A_774 = arith.constant 10 : i32
        %add3A_775 = arith.addi %add3A_633, %add3A_774 : i32
        %sub3A_776 = arith.constant 1 : i32
        %sub3A_777 = arith.subi %add3A_775, %sub3A_776 : i32
        %add3A_778 = arith.addi %mul3A_2, %sub3A_777 : i32
        %dma_start3A_779 = arith.constant 0 : i32
        %dma_start3A_780 = tpu.memref_slice %arg3[%add3A_778, %dma_start3A_779] : memref<10240x64xi32, #tpu.memory_space<hbm>> -> memref<1x64xi32, #tpu.memory_space<hbm>>
        %dma_start3A_781 = tpu.memref_squeeze %dma_start3A_780 : memref<1x64xi32, #tpu.memory_space<hbm>> -> memref<64xi32, #tpu.memory_space<hbm>>
        %dma_start3A_782 = arith.constant 0 : i32
        %dma_start3A_783 = tpu.memref_slice %arg3[%add3A_778, %dma_start3A_782] : memref<10240x64xi32, #tpu.memory_space<hbm>> -> memref<1x64xi32, #tpu.memory_space<hbm>>
        %dma_start3A_784 = tpu.memref_squeeze %dma_start3A_783 : memref<1x64xi32, #tpu.memory_space<hbm>> -> memref<64xi32, #tpu.memory_space<hbm>>
        tpu.enqueue_dma source(%dma_start3A_784 : memref<64xi32, #tpu.memory_space<hbm>>) target(%arg11 : memref<64xi32, #tpu.memory_space<vmem>>) target_semaphore(%arg37 : memref<!tpu.dma_semaphore, #tpu.memory_space<semaphore_mem>>)
        %add3A_785 = arith.addi %mul3A_2, %sub3A_777 : i32
        %dma_start3A_786 = arith.constant 0 : i32
        %dma_start3A_787 = tpu.memref_slice %arg4[%add3A_785, %dma_start3A_786] : memref<10240x64xi32, #tpu.memory_space<hbm>> -> memref<1x64xi32, #tpu.memory_space<hbm>>
        %dma_start3A_788 = tpu.memref_squeeze %dma_start3A_787 : memref<1x64xi32, #tpu.memory_space<hbm>> -> memref<64xi32, #tpu.memory_space<hbm>>
        %dma_start3A_789 = arith.constant 0 : i32
        %dma_start3A_790 = tpu.memref_slice %arg4[%add3A_785, %dma_start3A_789] : memref<10240x64xi32, #tpu.memory_space<hbm>> -> memref<1x64xi32, #tpu.memory_space<hbm>>
        %dma_start3A_791 = tpu.memref_squeeze %dma_start3A_790 : memref<1x64xi32, #tpu.memory_space<hbm>> -> memref<64xi32, #tpu.memory_space<hbm>>
        tpu.enqueue_dma source(%dma_start3A_791 : memref<64xi32, #tpu.memory_space<hbm>>) target(%arg21 : memref<64xi32, #tpu.memory_space<vmem>>) target_semaphore(%arg37 : memref<!tpu.dma_semaphore, #tpu.memory_space<semaphore_mem>>)
      } else {
      }
      %mul3A_666 = arith.constant 10 : i32
      %mul3A_667 = arith.muli %scan3A_419, %mul3A_666 : i32
      %add3A_668 = arith.constant 7 : i32
      %add3A_669 = arith.addi %mul3A_667, %add3A_668 : i32
      %add3A_670 = arith.constant 5 : i32
      %add3A_671 = arith.addi %add3A_669, %add3A_670 : i32
      %sub3A_672 = arith.constant 1 : i32
      %sub3A_673 = arith.subi %add3A_671, %sub3A_672 : i32
      %ge3A_674 = arith.constant 1 : i32
      %ge3A_675 = arith.cmpi sge, %add3A_669, %ge3A_674 : i32
      %convert_element_type3A_676 = arith.extui %ge3A_675 : i1 to i32
      %cond3A_677 = arith.constant 0 : i32
      %cond3A_678 = arith.cmpi ne, %convert_element_type3A_676, %cond3A_677 : i32
      scf.if %cond3A_678 {
        %dma_wait3A_774 = arith.constant 0 : i32
        %dma_wait3A_775 = arith.constant 0 : i32
        %dma_wait3A_776 = tpu.memref_slice %arg31[%dma_wait3A_774, %dma_wait3A_775] : memref<10240x128xf32, #tpu.memory_space<vmem_shared>> -> memref<10240x128xf32, #tpu.memory_space<vmem_shared>>
        tpu.wait_indirect_dma semaphore(%arg48 : memref<!tpu.dma_semaphore, #tpu.memory_space<semaphore_mem>>) src(%arg27 : memref<64x128xf32, #tpu.memory_space<vmem>>) dst(%dma_wait3A_776 : memref<10240x128xf32, #tpu.memory_space<vmem_shared>>)
      } else {
      }
      %lt3A_679 = arith.constant 320 : i32
      %lt3A_680 = arith.cmpi slt, %sub3A_673, %lt3A_679 : i32
      %convert_element_type3A_681 = arith.extui %lt3A_680 : i1 to i32
      %cond3A_682 = arith.constant 0 : i32
      %cond3A_683 = arith.cmpi ne, %convert_element_type3A_681, %cond3A_682 : i32
      scf.if %cond3A_683 {
        %add3A_774 = arith.addi %mul3A_2, %sub3A_673 : i32
        %dma_wait3A_775 = arith.constant 0 : i32
        %dma_wait3A_776 = tpu.memref_slice %arg3[%add3A_774, %dma_wait3A_775] : memref<10240x64xi32, #tpu.memory_space<hbm>> -> memref<1x64xi32, #tpu.memory_space<hbm>>
        %dma_wait3A_777 = tpu.memref_squeeze %dma_wait3A_776 : memref<1x64xi32, #tpu.memory_space<hbm>> -> memref<64xi32, #tpu.memory_space<hbm>>
        %dma_wait3A_778 = arith.constant 0 : i32
        %dma_wait3A_779 = tpu.memref_slice %arg3[%add3A_774, %dma_wait3A_778] : memref<10240x64xi32, #tpu.memory_space<hbm>> -> memref<1x64xi32, #tpu.memory_space<hbm>>
        %dma_wait3A_780 = tpu.memref_squeeze %dma_wait3A_779 : memref<1x64xi32, #tpu.memory_space<hbm>> -> memref<64xi32, #tpu.memory_space<hbm>>
        tpu.wait_dma2 semaphore(%arg33 : memref<!tpu.dma_semaphore, #tpu.memory_space<semaphore_mem>>) src(%dma_wait3A_780 : memref<64xi32, #tpu.memory_space<hbm>>) dst(%arg7 : memref<64xi32, #tpu.memory_space<vmem>>)
        %add3A_781 = arith.addi %mul3A_2, %sub3A_673 : i32
        %dma_wait3A_782 = arith.constant 0 : i32
        %dma_wait3A_783 = tpu.memref_slice %arg4[%add3A_781, %dma_wait3A_782] : memref<10240x64xi32, #tpu.memory_space<hbm>> -> memref<1x64xi32, #tpu.memory_space<hbm>>
        %dma_wait3A_784 = tpu.memref_squeeze %dma_wait3A_783 : memref<1x64xi32, #tpu.memory_space<hbm>> -> memref<64xi32, #tpu.memory_space<hbm>>
        %dma_wait3A_785 = arith.constant 0 : i32
        %dma_wait3A_786 = tpu.memref_slice %arg4[%add3A_781, %dma_wait3A_785] : memref<10240x64xi32, #tpu.memory_space<hbm>> -> memref<1x64xi32, #tpu.memory_space<hbm>>
        %dma_wait3A_787 = tpu.memref_squeeze %dma_wait3A_786 : memref<1x64xi32, #tpu.memory_space<hbm>> -> memref<64xi32, #tpu.memory_space<hbm>>
        tpu.wait_dma2 semaphore(%arg33 : memref<!tpu.dma_semaphore, #tpu.memory_space<semaphore_mem>>) src(%dma_wait3A_787 : memref<64xi32, #tpu.memory_space<hbm>>) dst(%arg17 : memref<64xi32, #tpu.memory_space<vmem>>)
        %dma_start3A_788 = arith.constant 0 : i32
        %dma_start3A_789 = arith.constant 0 : i32
        %dma_start3A_790 = tpu.memref_slice %arg2[%dma_start3A_788, %dma_start3A_789] : memref<10000x128xf32, #tpu.memory_space<hbm>> -> memref<10000x128xf32, #tpu.memory_space<hbm>>
        tpu.enqueue_indirect_dma source(%dma_start3A_790 : memref<10000x128xf32, #tpu.memory_space<hbm>>) target(%arg27 : memref<64x128xf32, #tpu.memory_space<vmem>>) offsets(%arg17 : memref<64xi32, #tpu.memory_space<vmem>>) semaphore(%arg43 : memref<!tpu.dma_semaphore, #tpu.memory_space<semaphore_mem>>)
      } else {
      }
      %dma_wait3A_684 = arith.constant 0 : i32
      %dma_wait3A_685 = arith.constant 0 : i32
      %dma_wait3A_686 = tpu.memref_slice %arg2[%dma_wait3A_684, %dma_wait3A_685] : memref<10000x128xf32, #tpu.memory_space<hbm>> -> memref<10000x128xf32, #tpu.memory_space<hbm>>
      tpu.wait_indirect_dma semaphore(%arg44 : memref<!tpu.dma_semaphore, #tpu.memory_space<semaphore_mem>>) src(%dma_wait3A_686 : memref<10000x128xf32, #tpu.memory_space<hbm>>) dst(%arg28 : memref<64x128xf32, #tpu.memory_space<vmem>>)
      %dma_start3A_687 = arith.constant 0 : i32
      %dma_start3A_688 = arith.constant 0 : i32
      %dma_start3A_689 = tpu.memref_slice %arg31[%dma_start3A_687, %dma_start3A_688] : memref<10240x128xf32, #tpu.memory_space<vmem_shared>> -> memref<10240x128xf32, #tpu.memory_space<vmem_shared>>
      tpu.enqueue_indirect_dma source(%arg28 : memref<64x128xf32, #tpu.memory_space<vmem>>) target(%dma_start3A_689 : memref<10240x128xf32, #tpu.memory_space<vmem_shared>>) offsets(%arg13 : memref<64xi32, #tpu.memory_space<vmem>>) semaphore(%arg49 : memref<!tpu.dma_semaphore, #tpu.memory_space<semaphore_mem>>) {add = true}
      %ge3A_690 = arith.constant 1 : i32
      %ge3A_691 = arith.cmpi sge, %add3A_669, %ge3A_690 : i32
      %add3A_692 = arith.constant 10 : i32
      %add3A_693 = arith.addi %add3A_669, %add3A_692 : i32
      %sub3A_694 = arith.constant 1 : i32
      %sub3A_695 = arith.subi %add3A_693, %sub3A_694 : i32
      %lt3A_696 = arith.constant 320 : i32
      %lt3A_697 = arith.cmpi slt, %sub3A_695, %lt3A_696 : i32
      %and3A_698 = arith.andi %ge3A_691, %lt3A_697 : i1
      %convert_element_type3A_699 = arith.extui %and3A_698 : i1 to i32
      %cond3A_700 = arith.constant 0 : i32
      %cond3A_701 = arith.cmpi ne, %convert_element_type3A_699, %cond3A_700 : i32
      scf.if %cond3A_701 {
        %add3A_774 = arith.constant 10 : i32
        %add3A_775 = arith.addi %add3A_669, %add3A_774 : i32
        %sub3A_776 = arith.constant 1 : i32
        %sub3A_777 = arith.subi %add3A_775, %sub3A_776 : i32
        %add3A_778 = arith.addi %mul3A_2, %sub3A_777 : i32
        %dma_start3A_779 = arith.constant 0 : i32
        %dma_start3A_780 = tpu.memref_slice %arg3[%add3A_778, %dma_start3A_779] : memref<10240x64xi32, #tpu.memory_space<hbm>> -> memref<1x64xi32, #tpu.memory_space<hbm>>
        %dma_start3A_781 = tpu.memref_squeeze %dma_start3A_780 : memref<1x64xi32, #tpu.memory_space<hbm>> -> memref<64xi32, #tpu.memory_space<hbm>>
        %dma_start3A_782 = arith.constant 0 : i32
        %dma_start3A_783 = tpu.memref_slice %arg3[%add3A_778, %dma_start3A_782] : memref<10240x64xi32, #tpu.memory_space<hbm>> -> memref<1x64xi32, #tpu.memory_space<hbm>>
        %dma_start3A_784 = tpu.memref_squeeze %dma_start3A_783 : memref<1x64xi32, #tpu.memory_space<hbm>> -> memref<64xi32, #tpu.memory_space<hbm>>
        tpu.enqueue_dma source(%dma_start3A_784 : memref<64xi32, #tpu.memory_space<hbm>>) target(%arg12 : memref<64xi32, #tpu.memory_space<vmem>>) target_semaphore(%arg38 : memref<!tpu.dma_semaphore, #tpu.memory_space<semaphore_mem>>)
        %add3A_785 = arith.addi %mul3A_2, %sub3A_777 : i32
        %dma_start3A_786 = arith.constant 0 : i32
        %dma_start3A_787 = tpu.memref_slice %arg4[%add3A_785, %dma_start3A_786] : memref<10240x64xi32, #tpu.memory_space<hbm>> -> memref<1x64xi32, #tpu.memory_space<hbm>>
        %dma_start3A_788 = tpu.memref_squeeze %dma_start3A_787 : memref<1x64xi32, #tpu.memory_space<hbm>> -> memref<64xi32, #tpu.memory_space<hbm>>
        %dma_start3A_789 = arith.constant 0 : i32
        %dma_start3A_790 = tpu.memref_slice %arg4[%add3A_785, %dma_start3A_789] : memref<10240x64xi32, #tpu.memory_space<hbm>> -> memref<1x64xi32, #tpu.memory_space<hbm>>
        %dma_start3A_791 = tpu.memref_squeeze %dma_start3A_790 : memref<1x64xi32, #tpu.memory_space<hbm>> -> memref<64xi32, #tpu.memory_space<hbm>>
        tpu.enqueue_dma source(%dma_start3A_791 : memref<64xi32, #tpu.memory_space<hbm>>) target(%arg22 : memref<64xi32, #tpu.memory_space<vmem>>) target_semaphore(%arg38 : memref<!tpu.dma_semaphore, #tpu.memory_space<semaphore_mem>>)
      } else {
      }
      %mul3A_702 = arith.constant 10 : i32
      %mul3A_703 = arith.muli %scan3A_419, %mul3A_702 : i32
      %add3A_704 = arith.constant 8 : i32
      %add3A_705 = arith.addi %mul3A_703, %add3A_704 : i32
      %add3A_706 = arith.constant 5 : i32
      %add3A_707 = arith.addi %add3A_705, %add3A_706 : i32
      %sub3A_708 = arith.constant 1 : i32
      %sub3A_709 = arith.subi %add3A_707, %sub3A_708 : i32
      %ge3A_710 = arith.constant 1 : i32
      %ge3A_711 = arith.cmpi sge, %add3A_705, %ge3A_710 : i32
      %convert_element_type3A_712 = arith.extui %ge3A_711 : i1 to i32
      %cond3A_713 = arith.constant 0 : i32
      %cond3A_714 = arith.cmpi ne, %convert_element_type3A_712, %cond3A_713 : i32
      scf.if %cond3A_714 {
        %dma_wait3A_774 = arith.constant 0 : i32
        %dma_wait3A_775 = arith.constant 0 : i32
        %dma_wait3A_776 = tpu.memref_slice %arg31[%dma_wait3A_774, %dma_wait3A_775] : memref<10240x128xf32, #tpu.memory_space<vmem_shared>> -> memref<10240x128xf32, #tpu.memory_space<vmem_shared>>
        tpu.wait_indirect_dma semaphore(%arg49 : memref<!tpu.dma_semaphore, #tpu.memory_space<semaphore_mem>>) src(%arg28 : memref<64x128xf32, #tpu.memory_space<vmem>>) dst(%dma_wait3A_776 : memref<10240x128xf32, #tpu.memory_space<vmem_shared>>)
      } else {
      }
      %lt3A_715 = arith.constant 320 : i32
      %lt3A_716 = arith.cmpi slt, %sub3A_709, %lt3A_715 : i32
      %convert_element_type3A_717 = arith.extui %lt3A_716 : i1 to i32
      %cond3A_718 = arith.constant 0 : i32
      %cond3A_719 = arith.cmpi ne, %convert_element_type3A_717, %cond3A_718 : i32
      scf.if %cond3A_719 {
        %add3A_774 = arith.addi %mul3A_2, %sub3A_709 : i32
        %dma_wait3A_775 = arith.constant 0 : i32
        %dma_wait3A_776 = tpu.memref_slice %arg3[%add3A_774, %dma_wait3A_775] : memref<10240x64xi32, #tpu.memory_space<hbm>> -> memref<1x64xi32, #tpu.memory_space<hbm>>
        %dma_wait3A_777 = tpu.memref_squeeze %dma_wait3A_776 : memref<1x64xi32, #tpu.memory_space<hbm>> -> memref<64xi32, #tpu.memory_space<hbm>>
        %dma_wait3A_778 = arith.constant 0 : i32
        %dma_wait3A_779 = tpu.memref_slice %arg3[%add3A_774, %dma_wait3A_778] : memref<10240x64xi32, #tpu.memory_space<hbm>> -> memref<1x64xi32, #tpu.memory_space<hbm>>
        %dma_wait3A_780 = tpu.memref_squeeze %dma_wait3A_779 : memref<1x64xi32, #tpu.memory_space<hbm>> -> memref<64xi32, #tpu.memory_space<hbm>>
        tpu.wait_dma2 semaphore(%arg34 : memref<!tpu.dma_semaphore, #tpu.memory_space<semaphore_mem>>) src(%dma_wait3A_780 : memref<64xi32, #tpu.memory_space<hbm>>) dst(%arg8 : memref<64xi32, #tpu.memory_space<vmem>>)
        %add3A_781 = arith.addi %mul3A_2, %sub3A_709 : i32
        %dma_wait3A_782 = arith.constant 0 : i32
        %dma_wait3A_783 = tpu.memref_slice %arg4[%add3A_781, %dma_wait3A_782] : memref<10240x64xi32, #tpu.memory_space<hbm>> -> memref<1x64xi32, #tpu.memory_space<hbm>>
        %dma_wait3A_784 = tpu.memref_squeeze %dma_wait3A_783 : memref<1x64xi32, #tpu.memory_space<hbm>> -> memref<64xi32, #tpu.memory_space<hbm>>
        %dma_wait3A_785 = arith.constant 0 : i32
        %dma_wait3A_786 = tpu.memref_slice %arg4[%add3A_781, %dma_wait3A_785] : memref<10240x64xi32, #tpu.memory_space<hbm>> -> memref<1x64xi32, #tpu.memory_space<hbm>>
        %dma_wait3A_787 = tpu.memref_squeeze %dma_wait3A_786 : memref<1x64xi32, #tpu.memory_space<hbm>> -> memref<64xi32, #tpu.memory_space<hbm>>
        tpu.wait_dma2 semaphore(%arg34 : memref<!tpu.dma_semaphore, #tpu.memory_space<semaphore_mem>>) src(%dma_wait3A_787 : memref<64xi32, #tpu.memory_space<hbm>>) dst(%arg18 : memref<64xi32, #tpu.memory_space<vmem>>)
        %dma_start3A_788 = arith.constant 0 : i32
        %dma_start3A_789 = arith.constant 0 : i32
        %dma_start3A_790 = tpu.memref_slice %arg2[%dma_start3A_788, %dma_start3A_789] : memref<10000x128xf32, #tpu.memory_space<hbm>> -> memref<10000x128xf32, #tpu.memory_space<hbm>>
        tpu.enqueue_indirect_dma source(%dma_start3A_790 : memref<10000x128xf32, #tpu.memory_space<hbm>>) target(%arg28 : memref<64x128xf32, #tpu.memory_space<vmem>>) offsets(%arg18 : memref<64xi32, #tpu.memory_space<vmem>>) semaphore(%arg44 : memref<!tpu.dma_semaphore, #tpu.memory_space<semaphore_mem>>)
      } else {
      }
      %dma_wait3A_720 = arith.constant 0 : i32
      %dma_wait3A_721 = arith.constant 0 : i32
      %dma_wait3A_722 = tpu.memref_slice %arg2[%dma_wait3A_720, %dma_wait3A_721] : memref<10000x128xf32, #tpu.memory_space<hbm>> -> memref<10000x128xf32, #tpu.memory_space<hbm>>
      tpu.wait_indirect_dma semaphore(%arg45 : memref<!tpu.dma_semaphore, #tpu.memory_space<semaphore_mem>>) src(%dma_wait3A_722 : memref<10000x128xf32, #tpu.memory_space<hbm>>) dst(%arg29 : memref<64x128xf32, #tpu.memory_space<vmem>>)
      %dma_start3A_723 = arith.constant 0 : i32
      %dma_start3A_724 = arith.constant 0 : i32
      %dma_start3A_725 = tpu.memref_slice %arg31[%dma_start3A_723, %dma_start3A_724] : memref<10240x128xf32, #tpu.memory_space<vmem_shared>> -> memref<10240x128xf32, #tpu.memory_space<vmem_shared>>
      tpu.enqueue_indirect_dma source(%arg29 : memref<64x128xf32, #tpu.memory_space<vmem>>) target(%dma_start3A_725 : memref<10240x128xf32, #tpu.memory_space<vmem_shared>>) offsets(%arg14 : memref<64xi32, #tpu.memory_space<vmem>>) semaphore(%arg50 : memref<!tpu.dma_semaphore, #tpu.memory_space<semaphore_mem>>) {add = true}
      %ge3A_726 = arith.constant 1 : i32
      %ge3A_727 = arith.cmpi sge, %add3A_705, %ge3A_726 : i32
      %add3A_728 = arith.constant 10 : i32
      %add3A_729 = arith.addi %add3A_705, %add3A_728 : i32
      %sub3A_730 = arith.constant 1 : i32
      %sub3A_731 = arith.subi %add3A_729, %sub3A_730 : i32
      %lt3A_732 = arith.constant 320 : i32
      %lt3A_733 = arith.cmpi slt, %sub3A_731, %lt3A_732 : i32
      %and3A_734 = arith.andi %ge3A_727, %lt3A_733 : i1
      %convert_element_type3A_735 = arith.extui %and3A_734 : i1 to i32
      %cond3A_736 = arith.constant 0 : i32
      %cond3A_737 = arith.cmpi ne, %convert_element_type3A_735, %cond3A_736 : i32
      scf.if %cond3A_737 {
        %add3A_774 = arith.constant 10 : i32
        %add3A_775 = arith.addi %add3A_705, %add3A_774 : i32
        %sub3A_776 = arith.constant 1 : i32
        %sub3A_777 = arith.subi %add3A_775, %sub3A_776 : i32
        %add3A_778 = arith.addi %mul3A_2, %sub3A_777 : i32
        %dma_start3A_779 = arith.constant 0 : i32
        %dma_start3A_780 = tpu.memref_slice %arg3[%add3A_778, %dma_start3A_779] : memref<10240x64xi32, #tpu.memory_space<hbm>> -> memref<1x64xi32, #tpu.memory_space<hbm>>
        %dma_start3A_781 = tpu.memref_squeeze %dma_start3A_780 : memref<1x64xi32, #tpu.memory_space<hbm>> -> memref<64xi32, #tpu.memory_space<hbm>>
        %dma_start3A_782 = arith.constant 0 : i32
        %dma_start3A_783 = tpu.memref_slice %arg3[%add3A_778, %dma_start3A_782] : memref<10240x64xi32, #tpu.memory_space<hbm>> -> memref<1x64xi32, #tpu.memory_space<hbm>>
        %dma_start3A_784 = tpu.memref_squeeze %dma_start3A_783 : memref<1x64xi32, #tpu.memory_space<hbm>> -> memref<64xi32, #tpu.memory_space<hbm>>
        tpu.enqueue_dma source(%dma_start3A_784 : memref<64xi32, #tpu.memory_space<hbm>>) target(%arg13 : memref<64xi32, #tpu.memory_space<vmem>>) target_semaphore(%arg39 : memref<!tpu.dma_semaphore, #tpu.memory_space<semaphore_mem>>)
        %add3A_785 = arith.addi %mul3A_2, %sub3A_777 : i32
        %dma_start3A_786 = arith.constant 0 : i32
        %dma_start3A_787 = tpu.memref_slice %arg4[%add3A_785, %dma_start3A_786] : memref<10240x64xi32, #tpu.memory_space<hbm>> -> memref<1x64xi32, #tpu.memory_space<hbm>>
        %dma_start3A_788 = tpu.memref_squeeze %dma_start3A_787 : memref<1x64xi32, #tpu.memory_space<hbm>> -> memref<64xi32, #tpu.memory_space<hbm>>
        %dma_start3A_789 = arith.constant 0 : i32
        %dma_start3A_790 = tpu.memref_slice %arg4[%add3A_785, %dma_start3A_789] : memref<10240x64xi32, #tpu.memory_space<hbm>> -> memref<1x64xi32, #tpu.memory_space<hbm>>
        %dma_start3A_791 = tpu.memref_squeeze %dma_start3A_790 : memref<1x64xi32, #tpu.memory_space<hbm>> -> memref<64xi32, #tpu.memory_space<hbm>>
        tpu.enqueue_dma source(%dma_start3A_791 : memref<64xi32, #tpu.memory_space<hbm>>) target(%arg23 : memref<64xi32, #tpu.memory_space<vmem>>) target_semaphore(%arg39 : memref<!tpu.dma_semaphore, #tpu.memory_space<semaphore_mem>>)
      } else {
      }
      %mul3A_738 = arith.constant 10 : i32
      %mul3A_739 = arith.muli %scan3A_419, %mul3A_738 : i32
      %add3A_740 = arith.constant 9 : i32
      %add3A_741 = arith.addi %mul3A_739, %add3A_740 : i32
      %add3A_742 = arith.constant 5 : i32
      %add3A_743 = arith.addi %add3A_741, %add3A_742 : i32
      %sub3A_744 = arith.constant 1 : i32
      %sub3A_745 = arith.subi %add3A_743, %sub3A_744 : i32
      %ge3A_746 = arith.constant 1 : i32
      %ge3A_747 = arith.cmpi sge, %add3A_741, %ge3A_746 : i32
      %convert_element_type3A_748 = arith.extui %ge3A_747 : i1 to i32
      %cond3A_749 = arith.constant 0 : i32
      %cond3A_750 = arith.cmpi ne, %convert_element_type3A_748, %cond3A_749 : i32
      scf.if %cond3A_750 {
        %dma_wait3A_774 = arith.constant 0 : i32
        %dma_wait3A_775 = arith.constant 0 : i32
        %dma_wait3A_776 = tpu.memref_slice %arg31[%dma_wait3A_774, %dma_wait3A_775] : memref<10240x128xf32, #tpu.memory_space<vmem_shared>> -> memref<10240x128xf32, #tpu.memory_space<vmem_shared>>
        tpu.wait_indirect_dma semaphore(%arg50 : memref<!tpu.dma_semaphore, #tpu.memory_space<semaphore_mem>>) src(%arg29 : memref<64x128xf32, #tpu.memory_space<vmem>>) dst(%dma_wait3A_776 : memref<10240x128xf32, #tpu.memory_space<vmem_shared>>)
      } else {
      }
      %lt3A_751 = arith.constant 320 : i32
      %lt3A_752 = arith.cmpi slt, %sub3A_745, %lt3A_751 : i32
      %convert_element_type3A_753 = arith.extui %lt3A_752 : i1 to i32
      %cond3A_754 = arith.constant 0 : i32
      %cond3A_755 = arith.cmpi ne, %convert_element_type3A_753, %cond3A_754 : i32
      scf.if %cond3A_755 {
        %add3A_774 = arith.addi %mul3A_2, %sub3A_745 : i32
        %dma_wait3A_775 = arith.constant 0 : i32
        %dma_wait3A_776 = tpu.memref_slice %arg3[%add3A_774, %dma_wait3A_775] : memref<10240x64xi32, #tpu.memory_space<hbm>> -> memref<1x64xi32, #tpu.memory_space<hbm>>
        %dma_wait3A_777 = tpu.memref_squeeze %dma_wait3A_776 : memref<1x64xi32, #tpu.memory_space<hbm>> -> memref<64xi32, #tpu.memory_space<hbm>>
        %dma_wait3A_778 = arith.constant 0 : i32
        %dma_wait3A_779 = tpu.memref_slice %arg3[%add3A_774, %dma_wait3A_778] : memref<10240x64xi32, #tpu.memory_space<hbm>> -> memref<1x64xi32, #tpu.memory_space<hbm>>
        %dma_wait3A_780 = tpu.memref_squeeze %dma_wait3A_779 : memref<1x64xi32, #tpu.memory_space<hbm>> -> memref<64xi32, #tpu.memory_space<hbm>>
        tpu.wait_dma2 semaphore(%arg35 : memref<!tpu.dma_semaphore, #tpu.memory_space<semaphore_mem>>) src(%dma_wait3A_780 : memref<64xi32, #tpu.memory_space<hbm>>) dst(%arg9 : memref<64xi32, #tpu.memory_space<vmem>>)
        %add3A_781 = arith.addi %mul3A_2, %sub3A_745 : i32
        %dma_wait3A_782 = arith.constant 0 : i32
        %dma_wait3A_783 = tpu.memref_slice %arg4[%add3A_781, %dma_wait3A_782] : memref<10240x64xi32, #tpu.memory_space<hbm>> -> memref<1x64xi32, #tpu.memory_space<hbm>>
        %dma_wait3A_784 = tpu.memref_squeeze %dma_wait3A_783 : memref<1x64xi32, #tpu.memory_space<hbm>> -> memref<64xi32, #tpu.memory_space<hbm>>
        %dma_wait3A_785 = arith.constant 0 : i32
        %dma_wait3A_786 = tpu.memref_slice %arg4[%add3A_781, %dma_wait3A_785] : memref<10240x64xi32, #tpu.memory_space<hbm>> -> memref<1x64xi32, #tpu.memory_space<hbm>>
        %dma_wait3A_787 = tpu.memref_squeeze %dma_wait3A_786 : memref<1x64xi32, #tpu.memory_space<hbm>> -> memref<64xi32, #tpu.memory_space<hbm>>
        tpu.wait_dma2 semaphore(%arg35 : memref<!tpu.dma_semaphore, #tpu.memory_space<semaphore_mem>>) src(%dma_wait3A_787 : memref<64xi32, #tpu.memory_space<hbm>>) dst(%arg19 : memref<64xi32, #tpu.memory_space<vmem>>)
        %dma_start3A_788 = arith.constant 0 : i32
        %dma_start3A_789 = arith.constant 0 : i32
        %dma_start3A_790 = tpu.memref_slice %arg2[%dma_start3A_788, %dma_start3A_789] : memref<10000x128xf32, #tpu.memory_space<hbm>> -> memref<10000x128xf32, #tpu.memory_space<hbm>>
        tpu.enqueue_indirect_dma source(%dma_start3A_790 : memref<10000x128xf32, #tpu.memory_space<hbm>>) target(%arg29 : memref<64x128xf32, #tpu.memory_space<vmem>>) offsets(%arg19 : memref<64xi32, #tpu.memory_space<vmem>>) semaphore(%arg45 : memref<!tpu.dma_semaphore, #tpu.memory_space<semaphore_mem>>)
      } else {
      }
      %dma_wait3A_756 = arith.constant 0 : i32
      %dma_wait3A_757 = arith.constant 0 : i32
      %dma_wait3A_758 = tpu.memref_slice %arg2[%dma_wait3A_756, %dma_wait3A_757] : memref<10000x128xf32, #tpu.memory_space<hbm>> -> memref<10000x128xf32, #tpu.memory_space<hbm>>
      tpu.wait_indirect_dma semaphore(%arg46 : memref<!tpu.dma_semaphore, #tpu.memory_space<semaphore_mem>>) src(%dma_wait3A_758 : memref<10000x128xf32, #tpu.memory_space<hbm>>) dst(%arg30 : memref<64x128xf32, #tpu.memory_space<vmem>>)
      %dma_start3A_759 = arith.constant 0 : i32
      %dma_start3A_760 = arith.constant 0 : i32
      %dma_start3A_761 = tpu.memref_slice %arg31[%dma_start3A_759, %dma_start3A_760] : memref<10240x128xf32, #tpu.memory_space<vmem_shared>> -> memref<10240x128xf32, #tpu.memory_space<vmem_shared>>
      tpu.enqueue_indirect_dma source(%arg30 : memref<64x128xf32, #tpu.memory_space<vmem>>) target(%dma_start3A_761 : memref<10240x128xf32, #tpu.memory_space<vmem_shared>>) offsets(%arg15 : memref<64xi32, #tpu.memory_space<vmem>>) semaphore(%arg51 : memref<!tpu.dma_semaphore, #tpu.memory_space<semaphore_mem>>) {add = true}
      %ge3A_762 = arith.constant 1 : i32
      %ge3A_763 = arith.cmpi sge, %add3A_741, %ge3A_762 : i32
      %add3A_764 = arith.constant 10 : i32
      %add3A_765 = arith.addi %add3A_741, %add3A_764 : i32
      %sub3A_766 = arith.constant 1 : i32
      %sub3A_767 = arith.subi %add3A_765, %sub3A_766 : i32
      %lt3A_768 = arith.constant 320 : i32
      %lt3A_769 = arith.cmpi slt, %sub3A_767, %lt3A_768 : i32
      %and3A_770 = arith.andi %ge3A_763, %lt3A_769 : i1
      %convert_element_type3A_771 = arith.extui %and3A_770 : i1 to i32
      %cond3A_772 = arith.constant 0 : i32
      %cond3A_773 = arith.cmpi ne, %convert_element_type3A_771, %cond3A_772 : i32
      scf.if %cond3A_773 {
        %add3A_774 = arith.constant 10 : i32
        %add3A_775 = arith.addi %add3A_741, %add3A_774 : i32
        %sub3A_776 = arith.constant 1 : i32
        %sub3A_777 = arith.subi %add3A_775, %sub3A_776 : i32
        %add3A_778 = arith.addi %mul3A_2, %sub3A_777 : i32
        %dma_start3A_779 = arith.constant 0 : i32
        %dma_start3A_780 = tpu.memref_slice %arg3[%add3A_778, %dma_start3A_779] : memref<10240x64xi32, #tpu.memory_space<hbm>> -> memref<1x64xi32, #tpu.memory_space<hbm>>
        %dma_start3A_781 = tpu.memref_squeeze %dma_start3A_780 : memref<1x64xi32, #tpu.memory_space<hbm>> -> memref<64xi32, #tpu.memory_space<hbm>>
        %dma_start3A_782 = arith.constant 0 : i32
        %dma_start3A_783 = tpu.memref_slice %arg3[%add3A_778, %dma_start3A_782] : memref<10240x64xi32, #tpu.memory_space<hbm>> -> memref<1x64xi32, #tpu.memory_space<hbm>>
        %dma_start3A_784 = tpu.memref_squeeze %dma_start3A_783 : memref<1x64xi32, #tpu.memory_space<hbm>> -> memref<64xi32, #tpu.memory_space<hbm>>
        tpu.enqueue_dma source(%dma_start3A_784 : memref<64xi32, #tpu.memory_space<hbm>>) target(%arg14 : memref<64xi32, #tpu.memory_space<vmem>>) target_semaphore(%arg40 : memref<!tpu.dma_semaphore, #tpu.memory_space<semaphore_mem>>)
        %add3A_785 = arith.addi %mul3A_2, %sub3A_777 : i32
        %dma_start3A_786 = arith.constant 0 : i32
        %dma_start3A_787 = tpu.memref_slice %arg4[%add3A_785, %dma_start3A_786] : memref<10240x64xi32, #tpu.memory_space<hbm>> -> memref<1x64xi32, #tpu.memory_space<hbm>>
        %dma_start3A_788 = tpu.memref_squeeze %dma_start3A_787 : memref<1x64xi32, #tpu.memory_space<hbm>> -> memref<64xi32, #tpu.memory_space<hbm>>
        %dma_start3A_789 = arith.constant 0 : i32
        %dma_start3A_790 = tpu.memref_slice %arg4[%add3A_785, %dma_start3A_789] : memref<10240x64xi32, #tpu.memory_space<hbm>> -> memref<1x64xi32, #tpu.memory_space<hbm>>
        %dma_start3A_791 = tpu.memref_squeeze %dma_start3A_790 : memref<1x64xi32, #tpu.memory_space<hbm>> -> memref<64xi32, #tpu.memory_space<hbm>>
        tpu.enqueue_dma source(%dma_start3A_791 : memref<64xi32, #tpu.memory_space<hbm>>) target(%arg24 : memref<64xi32, #tpu.memory_space<vmem>>) target_semaphore(%arg40 : memref<!tpu.dma_semaphore, #tpu.memory_space<semaphore_mem>>)
      } else {
      }
    }
    %scan3A_407 = arith.constant 32 : i32
    %dma_wait3A_408 = arith.constant 0 : i32
    %dma_wait3A_409 = arith.constant 0 : i32
    %dma_wait3A_410 = tpu.memref_slice %arg31[%dma_wait3A_408, %dma_wait3A_409] : memref<10240x128xf32, #tpu.memory_space<vmem_shared>> -> memref<10240x128xf32, #tpu.memory_space<vmem_shared>>
    tpu.wait_indirect_dma semaphore(%arg51 : memref<!tpu.dma_semaphore, #tpu.memory_space<semaphore_mem>>) src(%arg30 : memref<64x128xf32, #tpu.memory_space<vmem>>) dst(%dma_wait3A_410 : memref<10240x128xf32, #tpu.memory_space<vmem_shared>>)
    %barrier3A_411 = arith.constant 0 : index
    tpu.barrier barrier_id(%barrier3A_411)
    %mul3A_412 = arith.constant 640 : i32
    %mul3A_413 = arith.muli %arg1, %mul3A_412 : i32
    %mul3A_414 = arith.constant 10240 : i32
    %mul3A_415 = arith.muli %arg0, %mul3A_414 : i32
    %mul3A_416 = arith.constant 640 : i32
    %mul3A_417 = arith.muli %arg1, %mul3A_416 : i32
    %add3A_418 = arith.addi %mul3A_415, %mul3A_417 : i32
    "tpu.region"() ({
      %run_scoped3A = tpu.sem_alloc : memref<!tpu.dma_semaphore, #tpu.memory_space<semaphore_mem>>
      %dma_start3A_419 = arith.constant 0 : i32
      %dma_start3A_420 = tpu.memref_slice %arg5[%add3A_418, %dma_start3A_419] : memref<20480x128xf32, #tpu.memory_space<hbm>> -> memref<640x128xf32, #tpu.memory_space<hbm>>
      %dma_start3A_421 = arith.constant 0 : i32
      %dma_start3A_422 = tpu.memref_slice %arg31[%mul3A_413, %dma_start3A_421] : memref<10240x128xf32, #tpu.memory_space<vmem_shared>> -> memref<640x128xf32, #tpu.memory_space<vmem_shared>>
      tpu.enqueue_dma source(%dma_start3A_422 : memref<640x128xf32, #tpu.memory_space<vmem_shared>>) target(%dma_start3A_420 : memref<640x128xf32, #tpu.memory_space<hbm>>) target_semaphore(%run_scoped3A : memref<!tpu.dma_semaphore, #tpu.memory_space<semaphore_mem>>)
      %dma_wait3A_423 = arith.constant 0 : i32
      %dma_wait3A_424 = tpu.memref_slice %arg5[%add3A_418, %dma_wait3A_423] : memref<20480x128xf32, #tpu.memory_space<hbm>> -> memref<640x128xf32, #tpu.memory_space<hbm>>
      %dma_wait3A_425 = arith.constant 0 : i32
      %dma_wait3A_426 = tpu.memref_slice %arg31[%mul3A_413, %dma_wait3A_425] : memref<10240x128xf32, #tpu.memory_space<vmem_shared>> -> memref<640x128xf32, #tpu.memory_space<vmem_shared>>
      tpu.wait_dma2 semaphore(%run_scoped3A : memref<!tpu.dma_semaphore, #tpu.memory_space<semaphore_mem>>) src(%dma_wait3A_426 : memref<640x128xf32, #tpu.memory_space<vmem_shared>>) dst(%dma_wait3A_424 : memref<640x128xf32, #tpu.memory_space<hbm>>)
      tpu.yield
    }) : () -> ()
    return
  }
}

module attributes {stable_mosaic.version = 14 : i64} {
  func.func @body(%arg0: i32, %arg1: memref<5000x128xf32, #tpu.memory_space<vmem>>, %arg2: memref<128x128xf32, #tpu.memory_space<vmem>>, %arg3: memref<1x128xf32, #tpu.memory_space<vmem>>, %arg4: memref<128x128xf32, #tpu.memory_space<vmem>>, %arg5: memref<1x128xf32, #tpu.memory_space<vmem>>, %arg6: memref<5000x128xf32, #tpu.memory_space<vmem>>, %arg7: memref<5000x128xf32, #tpu.memory_space<vmem>>) attributes {dimension_semantics = [#tpu.dimension_semantics<arbitrary>], iteration_bounds = array<i64: 2>, scalar_prefetch = 0 : i64, scratch_operands = 0 : i64, tpu.core_type = #tpu.core_type<tc>, window_params = [{transform_indices = @transform_0, window_bounds = array<i64: 5000, 128>}, {pipeline_mode = #tpu.pipeline_mode<synchronous>, transform_indices = @transform_1, window_bounds = array<i64: 128, 128>}, {pipeline_mode = #tpu.pipeline_mode<synchronous>, transform_indices = @transform_2, window_bounds = array<i64: 1, 128>}, {pipeline_mode = #tpu.pipeline_mode<synchronous>, transform_indices = @transform_3, window_bounds = array<i64: 128, 128>}, {pipeline_mode = #tpu.pipeline_mode<synchronous>, transform_indices = @transform_4, window_bounds = array<i64: 1, 128>}, {transform_indices = @transform_5, window_bounds = array<i64: 5000, 128>}, {transform_indices = @transform_6, window_bounds = array<i64: 5000, 128>}]} {
    %get3A = arith.constant 0 : index
    %get3A_0 = arith.constant 0 : index
    %get3A_1 = vector.load %arg1[%get3A, %get3A_0] : memref<5000x128xf32, #tpu.memory_space<vmem>>, vector<5000x128xf32>
    %get3A_2 = arith.constant 0 : index
    %get3A_3 = arith.constant 0 : index
    %get3A_4 = vector.load %arg2[%get3A_2, %get3A_3] : memref<128x128xf32, #tpu.memory_space<vmem>>, vector<128x128xf32>
    %dot_general3A = arith.constant dense<0.000000e+00> : vector<5000x128xf32>
    %dot_general3A_5 = tpu.matmul %get3A_1, %get3A_4, %dot_general3A {dimension_numbers = #tpu.dot_dimension_numbers<[1], [0], [0], [1], [0, 0, 1, 1], [], []>, transpose_lhs_hint = false} : vector<5000x128xf32>, vector<128x128xf32>, vector<5000x128xf32> -> vector<5000x128xf32>
    %get3A_6 = arith.constant 0 : index
    %get3A_7 = arith.constant 0 : index
    %get3A_8 = vector.load %arg3[%get3A_6, %get3A_7] : memref<1x128xf32, #tpu.memory_space<vmem>>, vector<1x128xf32>
    %add3A = vector.broadcast %get3A_8 : vector<1x128xf32> to vector<5000x128xf32>
    %add3A_9 = arith.addf %dot_general3A_5, %add3A : vector<5000x128xf32>
    %swap3A = arith.constant 0 : index
    %swap3A_10 = arith.constant 0 : index
    %swap3A_11 = vector.load %arg6[%swap3A, %swap3A_10] : memref<5000x128xf32, #tpu.memory_space<vmem>>, vector<5000x128xf32>
    tpu.vector_store %arg6[%swap3A, %swap3A_10], %add3A_9 {strides = array<i32>} : memref<5000x128xf32, #tpu.memory_space<vmem>>, vector<5000x128xf32>,
    %get3A_12 = arith.constant 0 : index
    %get3A_13 = arith.constant 0 : index
    %get3A_14 = vector.load %arg4[%get3A_12, %get3A_13] : memref<128x128xf32, #tpu.memory_space<vmem>>, vector<128x128xf32>
    %dot_general3A_15 = arith.constant dense<0.000000e+00> : vector<5000x128xf32>
    %dot_general3A_16 = tpu.matmul %get3A_1, %get3A_14, %dot_general3A_15 {dimension_numbers = #tpu.dot_dimension_numbers<[1], [0], [0], [1], [0, 0, 1, 1], [], []>, transpose_lhs_hint = false} : vector<5000x128xf32>, vector<128x128xf32>, vector<5000x128xf32> -> vector<5000x128xf32>
    %get3A_17 = arith.constant 0 : index
    %get3A_18 = arith.constant 0 : index
    %get3A_19 = vector.load %arg5[%get3A_17, %get3A_18] : memref<1x128xf32, #tpu.memory_space<vmem>>, vector<1x128xf32>
    %add3A_20 = vector.broadcast %get3A_19 : vector<1x128xf32> to vector<5000x128xf32>
    %add3A_21 = arith.addf %dot_general3A_16, %add3A_20 : vector<5000x128xf32>
    %swap3A_22 = arith.constant 0 : index
    %swap3A_23 = arith.constant 0 : index
    %swap3A_24 = vector.load %arg7[%swap3A_22, %swap3A_23] : memref<5000x128xf32, #tpu.memory_space<vmem>>, vector<5000x128xf32>
    tpu.vector_store %arg7[%swap3A_22, %swap3A_23], %add3A_21 {strides = array<i32>} : memref<5000x128xf32, #tpu.memory_space<vmem>>, vector<5000x128xf32>,
    return
  }
  func.func @transform_0(%arg0: i32) -> (i32, i32) {
    %c0_i32 = arith.constant 0 : i32
    %c0_i32_0 = arith.constant 0 : i32
    return %arg0, %c0_i32 : i32, i32
  }
  func.func @transform_1(%arg0: i32) -> (i32, i32) {
    %c0_i32 = arith.constant 0 : i32
    %c0_i32_0 = arith.constant 0 : i32
    %c0_i32_1 = arith.constant 0 : i32
    return %c0_i32, %c0_i32_0 : i32, i32
  }
  func.func @transform_2(%arg0: i32) -> (i32, i32) {
    %c0_i32 = arith.constant 0 : i32
    %c0_i32_0 = arith.constant 0 : i32
    %c0_i32_1 = arith.constant 0 : i32
    return %c0_i32, %c0_i32_0 : i32, i32
  }
  func.func @transform_3(%arg0: i32) -> (i32, i32) {
    %c0_i32 = arith.constant 0 : i32
    %c0_i32_0 = arith.constant 0 : i32
    %c0_i32_1 = arith.constant 0 : i32
    return %c0_i32, %c0_i32_0 : i32, i32
  }
  func.func @transform_4(%arg0: i32) -> (i32, i32) {
    %c0_i32 = arith.constant 0 : i32
    %c0_i32_0 = arith.constant 0 : i32
    %c0_i32_1 = arith.constant 0 : i32
    return %c0_i32, %c0_i32_0 : i32, i32
  }
  func.func @transform_5(%arg0: i32) -> (i32, i32) {
    %c0_i32 = arith.constant 0 : i32
    %c0_i32_0 = arith.constant 0 : i32
    return %arg0, %c0_i32 : i32, i32
  }
  func.func @transform_6(%arg0: i32) -> (i32, i32) {
    %c0_i32 = arith.constant 0 : i32
    %c0_i32_0 = arith.constant 0 : i32
    return %arg0, %c0_i32 : i32, i32
  }
}

module attributes {stable_mosaic.version = 14 : i64} {
  func.func @body(%arg0: i32, %arg1: i32, %arg2: memref<5000x128xf32, #tpu.memory_space<vmem>>, %arg3: memref<2x5000x128xf32, #tpu.memory_space<vmem>>, %arg4: memref<1x128xf32, #tpu.memory_space<vmem>>, %arg5: memref<1x128xf32, #tpu.memory_space<vmem>>, %arg6: memref<128x128xf32, #tpu.memory_space<vmem>>, %arg7: memref<1x128xf32, #tpu.memory_space<vmem>>, %arg8: memref<128x128xf32, #tpu.memory_space<vmem>>, %arg9: memref<1x128xf32, #tpu.memory_space<vmem>>, %arg10: memref<5000x128xf32, #tpu.memory_space<vmem>>, %arg11: memref<5000x128xf32, #tpu.memory_space<vmem>>, %arg12: memref<10000x128xf32, #tpu.memory_space<vmem>>, %arg13: memref<2x128xf32, #tpu.memory_space<vmem>>) attributes {dimension_semantics = [#tpu.dimension_semantics<arbitrary>, #tpu.dimension_semantics<arbitrary>], iteration_bounds = array<i64: 2, 2>, scalar_prefetch = 0 : i64, scratch_operands = 2 : i64, tpu.core_type = #tpu.core_type<tc>, window_params = [{transform_indices = @transform_0, window_bounds = array<i64: 5000, 128>}, {transform_indices = @transform_1, window_bounds = array<i64: 2, 5000, 128>}, {pipeline_mode = #tpu.pipeline_mode<synchronous>, transform_indices = @transform_2, window_bounds = array<i64: 1, 128>}, {pipeline_mode = #tpu.pipeline_mode<synchronous>, transform_indices = @transform_3, window_bounds = array<i64: 1, 128>}, {pipeline_mode = #tpu.pipeline_mode<synchronous>, transform_indices = @transform_4, window_bounds = array<i64: 128, 128>}, {pipeline_mode = #tpu.pipeline_mode<synchronous>, transform_indices = @transform_5, window_bounds = array<i64: 1, 128>}, {pipeline_mode = #tpu.pipeline_mode<synchronous>, transform_indices = @transform_6, window_bounds = array<i64: 128, 128>}, {pipeline_mode = #tpu.pipeline_mode<synchronous>, transform_indices = @transform_7, window_bounds = array<i64: 1, 128>}, {transform_indices = @transform_8, window_bounds = array<i64: 5000, 128>}, {transform_indices = @transform_9, window_bounds = array<i64: 5000, 128>}]} {
    %eq3A = arith.constant 0 : i32
    %eq3A_0 = arith.cmpi eq, %arg0, %eq3A : i32
    %convert_element_type3A = arith.extui %eq3A_0 : i1 to i32
    %cond3A = arith.constant 0 : i32
    %cond3A_1 = arith.cmpi ne, %convert_element_type3A, %cond3A : i32
    scf.if %cond3A_1 {
      %get3A = arith.constant 0 : index
      %get3A_7 = arith.constant 0 : index
      %get3A_8 = vector.load %arg2[%get3A, %get3A_7] : memref<5000x128xf32, #tpu.memory_space<vmem>>, vector<5000x128xf32>
      %get3A_9 = arith.constant 0 : index
      %get3A_10 = arith.constant 0 : index
      %get3A_11 = arith.constant 0 : index
      %get3A_12 = vector.load %arg3[%get3A_9, %get3A_10, %get3A_11] : memref<2x5000x128xf32, #tpu.memory_space<vmem>>, vector<1x5000x128xf32>
      %get3A_13 = vector.shape_cast %get3A_12 : vector<1x5000x128xf32> to vector<5000x128xf32>
      %add3A = arith.addf %get3A_8, %get3A_13 : vector<5000x128xf32>
      %get3A_14 = arith.constant 1 : index
      %get3A_15 = arith.constant 0 : index
      %get3A_16 = arith.constant 0 : index
      %get3A_17 = vector.load %arg3[%get3A_14, %get3A_15, %get3A_16] : memref<2x5000x128xf32, #tpu.memory_space<vmem>>, vector<1x5000x128xf32>
      %get3A_18 = vector.shape_cast %get3A_17 : vector<1x5000x128xf32> to vector<5000x128xf32>
      %add3A_19 = arith.addf %add3A, %get3A_18 : vector<5000x128xf32>
      %mul3A = arith.constant 5000 : i32
      %mul3A_20 = arith.muli %arg1, %mul3A : i32
      %swap3A = arith.index_cast %mul3A_20 : i32 to index
      %swap3A_21 = arith.constant 0 : index
      %swap3A_22 = vector.load %arg12[%swap3A, %swap3A_21] : memref<10000x128xf32, #tpu.memory_space<vmem>>, vector<5000x128xf32>
      tpu.vector_store %arg12[%swap3A, %swap3A_21], %add3A_19 {strides = array<i32>} : memref<10000x128xf32, #tpu.memory_space<vmem>>, vector<5000x128xf32>,
      %eq3A_23 = arith.constant 0 : i32
      %eq3A_24 = arith.cmpi eq, %arg1, %eq3A_23 : i32
      %convert_element_type3A_25 = arith.extui %eq3A_24 : i1 to i32
      %cond3A_26 = arith.constant 0 : i32
      %cond3A_27 = arith.cmpi ne, %convert_element_type3A_25, %cond3A_26 : i32
      scf.if %cond3A_27 {
        %broadcast_in_dim3A_40 = arith.constant 0.000000e+00 : f32
        %broadcast_in_dim3A_41 = vector.broadcast %broadcast_in_dim3A_40 : f32 to vector<2x128xf32>
        %swap3A_42 = arith.constant 0 : index
        %swap3A_43 = arith.constant 0 : index
        %swap3A_44 = vector.load %arg13[%swap3A_42, %swap3A_43] : memref<2x128xf32, #tpu.memory_space<vmem>>, vector<2x128xf32>
        tpu.vector_store %arg13[%swap3A_42, %swap3A_43], %broadcast_in_dim3A_41 {strides = array<i32>} : memref<2x128xf32, #tpu.memory_space<vmem>>, vector<2x128xf32>,
      } else {
      }
      %get3A_28 = arith.constant 0 : index
      %get3A_29 = arith.constant 0 : index
      %get3A_30 = vector.load %arg13[%get3A_28, %get3A_29] : memref<2x128xf32, #tpu.memory_space<vmem>>, vector<2x128xf32>
      %reduce_sum3A = arith.constant dense<0.000000e+00> : vector<128xf32>
      %reduce_sum3A_31 = vector.multi_reduction <add>, %add3A_19, %reduce_sum3A [0] : vector<5000x128xf32> to vector<128xf32>
      %broadcast_in_dim3A = vector.shape_cast %reduce_sum3A_31 : vector<128xf32> to vector<1x128xf32>
      %mul3A_32 = arith.mulf %add3A_19, %add3A_19 : vector<5000x128xf32>
      %reduce_sum3A_33 = arith.constant dense<0.000000e+00> : vector<128xf32>
      %reduce_sum3A_34 = vector.multi_reduction <add>, %mul3A_32, %reduce_sum3A_33 [0] : vector<5000x128xf32> to vector<128xf32>
      %broadcast_in_dim3A_35 = vector.shape_cast %reduce_sum3A_34 : vector<128xf32> to vector<1x128xf32>
      %concatenate3A = tpu.concatenate %broadcast_in_dim3A, %broadcast_in_dim3A_35 in 0 : vector<1x128xf32>, vector<1x128xf32> -> vector<2x128xf32>
      %add3A_36 = arith.addf %get3A_30, %concatenate3A : vector<2x128xf32>
      %swap3A_37 = arith.constant 0 : index
      %swap3A_38 = arith.constant 0 : index
      %swap3A_39 = vector.load %arg13[%swap3A_37, %swap3A_38] : memref<2x128xf32, #tpu.memory_space<vmem>>, vector<2x128xf32>
      tpu.vector_store %arg13[%swap3A_37, %swap3A_38], %add3A_36 {strides = array<i32>} : memref<2x128xf32, #tpu.memory_space<vmem>>, vector<2x128xf32>,
    } else {
    }
    %eq3A_2 = arith.constant 1 : i32
    %eq3A_3 = arith.cmpi eq, %arg0, %eq3A_2 : i32
    %convert_element_type3A_4 = arith.extui %eq3A_3 : i1 to i32
    %cond3A_5 = arith.constant 0 : i32
    %cond3A_6 = arith.cmpi ne, %convert_element_type3A_4, %cond3A_5 : i32
    scf.if %cond3A_6 {
      %mul3A = arith.constant 5000 : i32
      %mul3A_7 = arith.muli %arg1, %mul3A : i32
      %get3A = arith.index_cast %mul3A_7 : i32 to index
      %get3A_8 = arith.constant 0 : index
      %get3A_9 = vector.load %arg12[%get3A, %get3A_8] : memref<10000x128xf32, #tpu.memory_space<vmem>>, vector<5000x128xf32>
      %get3A_10 = arith.constant 0 : index
      %get3A_11 = arith.constant 0 : index
      %get3A_12 = vector.load %arg13[%get3A_10, %get3A_11] : memref<2x128xf32, #tpu.memory_space<vmem>>, vector<1x128xf32>
      %mul3A_13 = arith.constant 9.99999974E-5 : f32
      %mul3A_14 = vector.broadcast %mul3A_13 : f32 to vector<1x128xf32>
      %mul3A_15 = arith.mulf %get3A_12, %mul3A_14 : vector<1x128xf32>
      %get3A_16 = arith.constant 1 : index
      %get3A_17 = arith.constant 0 : index
      %get3A_18 = vector.load %arg13[%get3A_16, %get3A_17] : memref<2x128xf32, #tpu.memory_space<vmem>>, vector<1x128xf32>
      %mul3A_19 = arith.constant 9.99999974E-5 : f32
      %mul3A_20 = vector.broadcast %mul3A_19 : f32 to vector<1x128xf32>
      %mul3A_21 = arith.mulf %get3A_18, %mul3A_20 : vector<1x128xf32>
      %mul3A_22 = arith.mulf %mul3A_15, %mul3A_15 : vector<1x128xf32>
      %sub3A = arith.subf %mul3A_21, %mul3A_22 : vector<1x128xf32>
      %add3A = arith.constant 9.99999974E-6 : f32
      %add3A_23 = vector.broadcast %add3A : f32 to vector<1x128xf32>
      %add3A_24 = arith.addf %sub3A, %add3A_23 : vector<1x128xf32>
      %rsqrt3A = math.rsqrt %add3A_24 : vector<1x128xf32>
      %sub3A_25 = vector.broadcast %mul3A_15 : vector<1x128xf32> to vector<5000x128xf32>
      %sub3A_26 = arith.subf %get3A_9, %sub3A_25 : vector<5000x128xf32>
      %get3A_27 = arith.constant 0 : index
      %get3A_28 = arith.constant 0 : index
      %get3A_29 = vector.load %arg4[%get3A_27, %get3A_28] : memref<1x128xf32, #tpu.memory_space<vmem>>, vector<1x128xf32>
      %mul3A_30 = arith.mulf %rsqrt3A, %get3A_29 : vector<1x128xf32>
      %mul3A_31 = vector.broadcast %mul3A_30 : vector<1x128xf32> to vector<5000x128xf32>
      %mul3A_32 = arith.mulf %sub3A_26, %mul3A_31 : vector<5000x128xf32>
      %get3A_33 = arith.constant 0 : index
      %get3A_34 = arith.constant 0 : index
      %get3A_35 = vector.load %arg5[%get3A_33, %get3A_34] : memref<1x128xf32, #tpu.memory_space<vmem>>, vector<1x128xf32>
      %add3A_36 = vector.broadcast %get3A_35 : vector<1x128xf32> to vector<5000x128xf32>
      %add3A_37 = arith.addf %mul3A_32, %add3A_36 : vector<5000x128xf32>
      %max3A = arith.constant 0.000000e+00 : f32
      %max3A_38 = vector.broadcast %max3A : f32 to vector<5000x128xf32>
      %max3A_39 = arith.maximumf %add3A_37, %max3A_38 : vector<5000x128xf32>
      %get3A_40 = arith.constant 0 : index
      %get3A_41 = arith.constant 0 : index
      %get3A_42 = vector.load %arg6[%get3A_40, %get3A_41] : memref<128x128xf32, #tpu.memory_space<vmem>>, vector<128x128xf32>
      %dot_general3A = arith.constant dense<0.000000e+00> : vector<5000x128xf32>
      %dot_general3A_43 = tpu.matmul %max3A_39, %get3A_42, %dot_general3A {dimension_numbers = #tpu.dot_dimension_numbers<[1], [0], [0], [1], [0, 0, 1, 1], [], []>, transpose_lhs_hint = false} : vector<5000x128xf32>, vector<128x128xf32>, vector<5000x128xf32> -> vector<5000x128xf32>
      %get3A_44 = arith.constant 0 : index
      %get3A_45 = arith.constant 0 : index
      %get3A_46 = vector.load %arg7[%get3A_44, %get3A_45] : memref<1x128xf32, #tpu.memory_space<vmem>>, vector<1x128xf32>
      %add3A_47 = vector.broadcast %get3A_46 : vector<1x128xf32> to vector<5000x128xf32>
      %add3A_48 = arith.addf %dot_general3A_43, %add3A_47 : vector<5000x128xf32>
      %swap3A = arith.constant 0 : index
      %swap3A_49 = arith.constant 0 : index
      %swap3A_50 = vector.load %arg10[%swap3A, %swap3A_49] : memref<5000x128xf32, #tpu.memory_space<vmem>>, vector<5000x128xf32>
      tpu.vector_store %arg10[%swap3A, %swap3A_49], %add3A_48 {strides = array<i32>} : memref<5000x128xf32, #tpu.memory_space<vmem>>, vector<5000x128xf32>,
      %get3A_51 = arith.constant 0 : index
      %get3A_52 = arith.constant 0 : index
      %get3A_53 = vector.load %arg8[%get3A_51, %get3A_52] : memref<128x128xf32, #tpu.memory_space<vmem>>, vector<128x128xf32>
      %dot_general3A_54 = arith.constant dense<0.000000e+00> : vector<5000x128xf32>
      %dot_general3A_55 = tpu.matmul %max3A_39, %get3A_53, %dot_general3A_54 {dimension_numbers = #tpu.dot_dimension_numbers<[1], [0], [0], [1], [0, 0, 1, 1], [], []>, transpose_lhs_hint = false} : vector<5000x128xf32>, vector<128x128xf32>, vector<5000x128xf32> -> vector<5000x128xf32>
      %get3A_56 = arith.constant 0 : index
      %get3A_57 = arith.constant 0 : index
      %get3A_58 = vector.load %arg9[%get3A_56, %get3A_57] : memref<1x128xf32, #tpu.memory_space<vmem>>, vector<1x128xf32>
      %add3A_59 = vector.broadcast %get3A_58 : vector<1x128xf32> to vector<5000x128xf32>
      %add3A_60 = arith.addf %dot_general3A_55, %add3A_59 : vector<5000x128xf32>
      %swap3A_61 = arith.constant 0 : index
      %swap3A_62 = arith.constant 0 : index
      %swap3A_63 = vector.load %arg11[%swap3A_61, %swap3A_62] : memref<5000x128xf32, #tpu.memory_space<vmem>>, vector<5000x128xf32>
      tpu.vector_store %arg11[%swap3A_61, %swap3A_62], %add3A_60 {strides = array<i32>} : memref<5000x128xf32, #tpu.memory_space<vmem>>, vector<5000x128xf32>,
    } else {
    }
    return
  }
  func.func @transform_0(%arg0: i32, %arg1: i32) -> (i32, i32) {
    %sub3A = arith.constant 1 : i32
    %sub3A_0 = arith.subi %sub3A, %arg0 : i32
    %mul3A = arith.muli %arg1, %sub3A_0 : i32
    %c0_i32 = arith.constant 0 : i32
    %c0_i32_1 = arith.constant 0 : i32
    return %mul3A, %c0_i32 : i32, i32
  }
  func.func @transform_1(%arg0: i32, %arg1: i32) -> (i32, i32, i32) {
    %sub3A = arith.constant 1 : i32
    %sub3A_0 = arith.subi %sub3A, %arg0 : i32
    %mul3A = arith.muli %arg1, %sub3A_0 : i32
    %c0_i32 = arith.constant 0 : i32
    %c0_i32_1 = arith.constant 0 : i32
    %c0_i32_2 = arith.constant 0 : i32
    return %c0_i32, %mul3A, %c0_i32_1 : i32, i32, i32
  }
  func.func @transform_2(%arg0: i32, %arg1: i32) -> (i32, i32) {
    %c0_i32 = arith.constant 0 : i32
    %c0_i32_0 = arith.constant 0 : i32
    %c0_i32_1 = arith.constant 0 : i32
    return %c0_i32, %c0_i32_0 : i32, i32
  }
  func.func @transform_3(%arg0: i32, %arg1: i32) -> (i32, i32) {
    %c0_i32 = arith.constant 0 : i32
    %c0_i32_0 = arith.constant 0 : i32
    %c0_i32_1 = arith.constant 0 : i32
    return %c0_i32, %c0_i32_0 : i32, i32
  }
  func.func @transform_4(%arg0: i32, %arg1: i32) -> (i32, i32) {
    %c0_i32 = arith.constant 0 : i32
    %c0_i32_0 = arith.constant 0 : i32
    %c0_i32_1 = arith.constant 0 : i32
    return %c0_i32, %c0_i32_0 : i32, i32
  }
  func.func @transform_5(%arg0: i32, %arg1: i32) -> (i32, i32) {
    %c0_i32 = arith.constant 0 : i32
    %c0_i32_0 = arith.constant 0 : i32
    %c0_i32_1 = arith.constant 0 : i32
    return %c0_i32, %c0_i32_0 : i32, i32
  }
  func.func @transform_6(%arg0: i32, %arg1: i32) -> (i32, i32) {
    %c0_i32 = arith.constant 0 : i32
    %c0_i32_0 = arith.constant 0 : i32
    %c0_i32_1 = arith.constant 0 : i32
    return %c0_i32, %c0_i32_0 : i32, i32
  }
  func.func @transform_7(%arg0: i32, %arg1: i32) -> (i32, i32) {
    %c0_i32 = arith.constant 0 : i32
    %c0_i32_0 = arith.constant 0 : i32
    %c0_i32_1 = arith.constant 0 : i32
    return %c0_i32, %c0_i32_0 : i32, i32
  }
  func.func @transform_8(%arg0: i32, %arg1: i32) -> (i32, i32) {
    %mul3A = arith.muli %arg1, %arg0 : i32
    %c0_i32 = arith.constant 0 : i32
    %c0_i32_0 = arith.constant 0 : i32
    return %mul3A, %c0_i32 : i32, i32
  }
  func.func @transform_9(%arg0: i32, %arg1: i32) -> (i32, i32) {
    %mul3A = arith.muli %arg1, %arg0 : i32
    %c0_i32 = arith.constant 0 : i32
    %c0_i32_0 = arith.constant 0 : i32
    return %mul3A, %c0_i32 : i32, i32
  }
}

module attributes {stable_mosaic.version = 14 : i64} {
  func.func @body(%arg0: i32, %arg1: i32, %arg2: memref<5000x128xf32, #tpu.memory_space<vmem>>, %arg3: memref<2x5000x128xf32, #tpu.memory_space<vmem>>, %arg4: memref<1x128xf32, #tpu.memory_space<vmem>>, %arg5: memref<1x128xf32, #tpu.memory_space<vmem>>, %arg6: memref<1x1x5000xi32, #tpu.memory_space<vmem>>, %arg7: memref<128x128xf32, #tpu.memory_space<vmem>>, %arg8: memref<1x128xf32, #tpu.memory_space<vmem>>, %arg9: memref<128x128xf32, #tpu.memory_space<vmem>>, %arg10: memref<1x128xf32, #tpu.memory_space<vmem>>, %arg11: memref<32x128xf32, #tpu.memory_space<vmem>>, %arg12: memref<10000x128xf32, #tpu.memory_space<vmem>>, %arg13: memref<2x128xf32, #tpu.memory_space<vmem>>, %arg14: memref<32x128xf32, #tpu.memory_space<vmem>>, %arg15: memref<32x128xf32, #tpu.memory_space<vmem>>) attributes {dimension_semantics = [#tpu.dimension_semantics<arbitrary>, #tpu.dimension_semantics<arbitrary>], iteration_bounds = array<i64: 2, 2>, scalar_prefetch = 0 : i64, scratch_operands = 4 : i64, tpu.core_type = #tpu.core_type<tc>, window_params = [{transform_indices = @transform_0, window_bounds = array<i64: 5000, 128>}, {transform_indices = @transform_1, window_bounds = array<i64: 2, 5000, 128>}, {pipeline_mode = #tpu.pipeline_mode<synchronous>, transform_indices = @transform_2, window_bounds = array<i64: 1, 128>}, {pipeline_mode = #tpu.pipeline_mode<synchronous>, transform_indices = @transform_3, window_bounds = array<i64: 1, 128>}, {transform_indices = @transform_4, window_bounds = array<i64: 1, 1, 5000>}, {pipeline_mode = #tpu.pipeline_mode<synchronous>, transform_indices = @transform_5, window_bounds = array<i64: 128, 128>}, {pipeline_mode = #tpu.pipeline_mode<synchronous>, transform_indices = @transform_6, window_bounds = array<i64: 1, 128>}, {pipeline_mode = #tpu.pipeline_mode<synchronous>, transform_indices = @transform_7, window_bounds = array<i64: 128, 128>}, {pipeline_mode = #tpu.pipeline_mode<synchronous>, transform_indices = @transform_8, window_bounds = array<i64: 1, 128>}, {pipeline_mode = #tpu.pipeline_mode<synchronous>, transform_indices = @transform_9, window_bounds = array<i64: 32, 128>}]} {
    %eq3A = arith.constant 0 : i32
    %eq3A_0 = arith.cmpi eq, %arg0, %eq3A : i32
    %convert_element_type3A = arith.extui %eq3A_0 : i1 to i32
    %cond3A = arith.constant 0 : i32
    %cond3A_1 = arith.cmpi ne, %convert_element_type3A, %cond3A : i32
    scf.if %cond3A_1 {
      %get3A = arith.constant 0 : index
      %get3A_7 = arith.constant 0 : index
      %get3A_8 = vector.load %arg2[%get3A, %get3A_7] : memref<5000x128xf32, #tpu.memory_space<vmem>>, vector<5000x128xf32>
      %get3A_9 = arith.constant 0 : index
      %get3A_10 = arith.constant 0 : index
      %get3A_11 = arith.constant 0 : index
      %get3A_12 = vector.load %arg3[%get3A_9, %get3A_10, %get3A_11] : memref<2x5000x128xf32, #tpu.memory_space<vmem>>, vector<1x5000x128xf32>
      %get3A_13 = vector.shape_cast %get3A_12 : vector<1x5000x128xf32> to vector<5000x128xf32>
      %add3A = arith.addf %get3A_8, %get3A_13 : vector<5000x128xf32>
      %get3A_14 = arith.constant 1 : index
      %get3A_15 = arith.constant 0 : index
      %get3A_16 = arith.constant 0 : index
      %get3A_17 = vector.load %arg3[%get3A_14, %get3A_15, %get3A_16] : memref<2x5000x128xf32, #tpu.memory_space<vmem>>, vector<1x5000x128xf32>
      %get3A_18 = vector.shape_cast %get3A_17 : vector<1x5000x128xf32> to vector<5000x128xf32>
      %add3A_19 = arith.addf %add3A, %get3A_18 : vector<5000x128xf32>
      %mul3A = arith.constant 5000 : i32
      %mul3A_20 = arith.muli %arg1, %mul3A : i32
      %swap3A = arith.index_cast %mul3A_20 : i32 to index
      %swap3A_21 = arith.constant 0 : index
      %swap3A_22 = vector.load %arg12[%swap3A, %swap3A_21] : memref<10000x128xf32, #tpu.memory_space<vmem>>, vector<5000x128xf32>
      tpu.vector_store %arg12[%swap3A, %swap3A_21], %add3A_19 {strides = array<i32>} : memref<10000x128xf32, #tpu.memory_space<vmem>>, vector<5000x128xf32>,
      %eq3A_23 = arith.constant 0 : i32
      %eq3A_24 = arith.cmpi eq, %arg1, %eq3A_23 : i32
      %convert_element_type3A_25 = arith.extui %eq3A_24 : i1 to i32
      %cond3A_26 = arith.constant 0 : i32
      %cond3A_27 = arith.cmpi ne, %convert_element_type3A_25, %cond3A_26 : i32
      scf.if %cond3A_27 {
        %broadcast_in_dim3A_40 = arith.constant 0.000000e+00 : f32
        %broadcast_in_dim3A_41 = vector.broadcast %broadcast_in_dim3A_40 : f32 to vector<2x128xf32>
        %swap3A_42 = arith.constant 0 : index
        %swap3A_43 = arith.constant 0 : index
        %swap3A_44 = vector.load %arg13[%swap3A_42, %swap3A_43] : memref<2x128xf32, #tpu.memory_space<vmem>>, vector<2x128xf32>
        tpu.vector_store %arg13[%swap3A_42, %swap3A_43], %broadcast_in_dim3A_41 {strides = array<i32>} : memref<2x128xf32, #tpu.memory_space<vmem>>, vector<2x128xf32>,
        %broadcast_in_dim3A_45 = arith.constant 0.000000e+00 : f32
        %broadcast_in_dim3A_46 = vector.broadcast %broadcast_in_dim3A_45 : f32 to vector<32x128xf32>
        %swap3A_47 = arith.constant 0 : index
        %swap3A_48 = arith.constant 0 : index
        %swap3A_49 = vector.load %arg14[%swap3A_47, %swap3A_48] : memref<32x128xf32, #tpu.memory_space<vmem>>, vector<32x128xf32>
        tpu.vector_store %arg14[%swap3A_47, %swap3A_48], %broadcast_in_dim3A_46 {strides = array<i32>} : memref<32x128xf32, #tpu.memory_space<vmem>>, vector<32x128xf32>,
        %broadcast_in_dim3A_50 = arith.constant 0.000000e+00 : f32
        %broadcast_in_dim3A_51 = vector.broadcast %broadcast_in_dim3A_50 : f32 to vector<32x128xf32>
        %swap3A_52 = arith.constant 0 : index
        %swap3A_53 = arith.constant 0 : index
        %swap3A_54 = vector.load %arg15[%swap3A_52, %swap3A_53] : memref<32x128xf32, #tpu.memory_space<vmem>>, vector<32x128xf32>
        tpu.vector_store %arg15[%swap3A_52, %swap3A_53], %broadcast_in_dim3A_51 {strides = array<i32>} : memref<32x128xf32, #tpu.memory_space<vmem>>, vector<32x128xf32>,
      } else {
      }
      %get3A_28 = arith.constant 0 : index
      %get3A_29 = arith.constant 0 : index
      %get3A_30 = vector.load %arg13[%get3A_28, %get3A_29] : memref<2x128xf32, #tpu.memory_space<vmem>>, vector<2x128xf32>
      %reduce_sum3A = arith.constant dense<0.000000e+00> : vector<128xf32>
      %reduce_sum3A_31 = vector.multi_reduction <add>, %add3A_19, %reduce_sum3A [0] : vector<5000x128xf32> to vector<128xf32>
      %broadcast_in_dim3A = vector.shape_cast %reduce_sum3A_31 : vector<128xf32> to vector<1x128xf32>
      %mul3A_32 = arith.mulf %add3A_19, %add3A_19 : vector<5000x128xf32>
      %reduce_sum3A_33 = arith.constant dense<0.000000e+00> : vector<128xf32>
      %reduce_sum3A_34 = vector.multi_reduction <add>, %mul3A_32, %reduce_sum3A_33 [0] : vector<5000x128xf32> to vector<128xf32>
      %broadcast_in_dim3A_35 = vector.shape_cast %reduce_sum3A_34 : vector<128xf32> to vector<1x128xf32>
      %concatenate3A = tpu.concatenate %broadcast_in_dim3A, %broadcast_in_dim3A_35 in 0 : vector<1x128xf32>, vector<1x128xf32> -> vector<2x128xf32>
      %add3A_36 = arith.addf %get3A_30, %concatenate3A : vector<2x128xf32>
      %swap3A_37 = arith.constant 0 : index
      %swap3A_38 = arith.constant 0 : index
      %swap3A_39 = vector.load %arg13[%swap3A_37, %swap3A_38] : memref<2x128xf32, #tpu.memory_space<vmem>>, vector<2x128xf32>
      tpu.vector_store %arg13[%swap3A_37, %swap3A_38], %add3A_36 {strides = array<i32>} : memref<2x128xf32, #tpu.memory_space<vmem>>, vector<2x128xf32>,
    } else {
    }
    %eq3A_2 = arith.constant 1 : i32
    %eq3A_3 = arith.cmpi eq, %arg0, %eq3A_2 : i32
    %convert_element_type3A_4 = arith.extui %eq3A_3 : i1 to i32
    %cond3A_5 = arith.constant 0 : i32
    %cond3A_6 = arith.cmpi ne, %convert_element_type3A_4, %cond3A_5 : i32
    scf.if %cond3A_6 {
      %mul3A = arith.constant 5000 : i32
      %mul3A_7 = arith.muli %arg1, %mul3A : i32
      %get3A = arith.index_cast %mul3A_7 : i32 to index
      %get3A_8 = arith.constant 0 : index
      %get3A_9 = vector.load %arg12[%get3A, %get3A_8] : memref<10000x128xf32, #tpu.memory_space<vmem>>, vector<5000x128xf32>
      %get3A_10 = arith.constant 0 : index
      %get3A_11 = arith.constant 0 : index
      %get3A_12 = vector.load %arg13[%get3A_10, %get3A_11] : memref<2x128xf32, #tpu.memory_space<vmem>>, vector<1x128xf32>
      %mul3A_13 = arith.constant 9.99999974E-5 : f32
      %mul3A_14 = vector.broadcast %mul3A_13 : f32 to vector<1x128xf32>
      %mul3A_15 = arith.mulf %get3A_12, %mul3A_14 : vector<1x128xf32>
      %get3A_16 = arith.constant 1 : index
      %get3A_17 = arith.constant 0 : index
      %get3A_18 = vector.load %arg13[%get3A_16, %get3A_17] : memref<2x128xf32, #tpu.memory_space<vmem>>, vector<1x128xf32>
      %mul3A_19 = arith.constant 9.99999974E-5 : f32
      %mul3A_20 = vector.broadcast %mul3A_19 : f32 to vector<1x128xf32>
      %mul3A_21 = arith.mulf %get3A_18, %mul3A_20 : vector<1x128xf32>
      %mul3A_22 = arith.mulf %mul3A_15, %mul3A_15 : vector<1x128xf32>
      %sub3A = arith.subf %mul3A_21, %mul3A_22 : vector<1x128xf32>
      %add3A = arith.constant 9.99999974E-6 : f32
      %add3A_23 = vector.broadcast %add3A : f32 to vector<1x128xf32>
      %add3A_24 = arith.addf %sub3A, %add3A_23 : vector<1x128xf32>
      %rsqrt3A = math.rsqrt %add3A_24 : vector<1x128xf32>
      %sub3A_25 = vector.broadcast %mul3A_15 : vector<1x128xf32> to vector<5000x128xf32>
      %sub3A_26 = arith.subf %get3A_9, %sub3A_25 : vector<5000x128xf32>
      %get3A_27 = arith.constant 0 : index
      %get3A_28 = arith.constant 0 : index
      %get3A_29 = vector.load %arg4[%get3A_27, %get3A_28] : memref<1x128xf32, #tpu.memory_space<vmem>>, vector<1x128xf32>
      %mul3A_30 = arith.mulf %rsqrt3A, %get3A_29 : vector<1x128xf32>
      %mul3A_31 = vector.broadcast %mul3A_30 : vector<1x128xf32> to vector<5000x128xf32>
      %mul3A_32 = arith.mulf %sub3A_26, %mul3A_31 : vector<5000x128xf32>
      %get3A_33 = arith.constant 0 : index
      %get3A_34 = arith.constant 0 : index
      %get3A_35 = vector.load %arg5[%get3A_33, %get3A_34] : memref<1x128xf32, #tpu.memory_space<vmem>>, vector<1x128xf32>
      %add3A_36 = vector.broadcast %get3A_35 : vector<1x128xf32> to vector<5000x128xf32>
      %add3A_37 = arith.addf %mul3A_32, %add3A_36 : vector<5000x128xf32>
      %max3A = arith.constant 0.000000e+00 : f32
      %max3A_38 = vector.broadcast %max3A : f32 to vector<5000x128xf32>
      %max3A_39 = arith.maximumf %add3A_37, %max3A_38 : vector<5000x128xf32>
      %get3A_40 = arith.constant 0 : index
      %get3A_41 = arith.constant 0 : index
      %get3A_42 = arith.constant 0 : index
      %get3A_43 = vector.load %arg6[%get3A_40, %get3A_41, %get3A_42] : memref<1x1x5000xi32, #tpu.memory_space<vmem>>, vector<1x1x5000xi32>
      %get3A_44 = vector.shape_cast %get3A_43 : vector<1x1x5000xi32> to vector<1x5000xi32>
      %broadcast_in_dim3A = vector.shape_cast %get3A_44 : vector<1x5000xi32> to vector<1x5000xi32>
      %broadcast_in_dim3A_45 = vector.broadcast %broadcast_in_dim3A : vector<1x5000xi32> to vector<32x5000xi32>
      %iota3A = tpu.iota {dimensions = array<i32: 0>} : vector<32x5000xi32>
      %eq3A_46 = arith.cmpi eq, %broadcast_in_dim3A_45, %iota3A : vector<32x5000xi32>
      %convert_element_type3A_47 = arith.extui %eq3A_46 : vector<32x5000xi1> to vector<32x5000xi32>
      %convert_element_type3A_48 = arith.sitofp %convert_element_type3A_47 : vector<32x5000xi32> to vector<32x5000xf32>
      %get3A_49 = arith.constant 0 : index
      %get3A_50 = arith.constant 0 : index
      %get3A_51 = vector.load %arg14[%get3A_49, %get3A_50] : memref<32x128xf32, #tpu.memory_space<vmem>>, vector<32x128xf32>
      %dot_general3A = arith.constant dense<0.000000e+00> : vector<32x128xf32>
      %dot_general3A_52 = tpu.matmul %convert_element_type3A_48, %max3A_39, %dot_general3A {dimension_numbers = #tpu.dot_dimension_numbers<[1], [0], [0], [1], [0, 0, 1, 1], [], []>, precision = #tpu.contract_precision<fp32>, transpose_lhs_hint = false} : vector<32x5000xf32>, vector<5000x128xf32>, vector<32x128xf32> -> vector<32x128xf32>
      %add3A_53 = arith.addf %get3A_51, %dot_general3A_52 : vector<32x128xf32>
      %swap3A = arith.constant 0 : index
      %swap3A_54 = arith.constant 0 : index
      %swap3A_55 = vector.load %arg14[%swap3A, %swap3A_54] : memref<32x128xf32, #tpu.memory_space<vmem>>, vector<32x128xf32>
      tpu.vector_store %arg14[%swap3A, %swap3A_54], %add3A_53 {strides = array<i32>} : memref<32x128xf32, #tpu.memory_space<vmem>>, vector<32x128xf32>,
      %get3A_56 = arith.constant 0 : index
      %get3A_57 = arith.constant 0 : index
      %get3A_58 = vector.load %arg15[%get3A_56, %get3A_57] : memref<32x128xf32, #tpu.memory_space<vmem>>, vector<32x128xf32>
      %reduce_sum3A = arith.constant dense<0.000000e+00> : vector<32xf32>
      %reduce_sum3A_59 = vector.multi_reduction <add>, %convert_element_type3A_48, %reduce_sum3A [1] : vector<32x5000xf32> to vector<32xf32>
      %broadcast_in_dim3A_60 = vector.shape_cast %reduce_sum3A_59 : vector<32xf32> to vector<32x1xf32>
      %broadcast_in_dim3A_61 = vector.shape_cast %broadcast_in_dim3A_60 : vector<32x1xf32> to vector<32x1xf32>
      %broadcast_in_dim3A_62 = vector.broadcast %broadcast_in_dim3A_61 : vector<32x1xf32> to vector<32x128xf32>
      %add3A_63 = arith.addf %get3A_58, %broadcast_in_dim3A_62 : vector<32x128xf32>
      %swap3A_64 = arith.constant 0 : index
      %swap3A_65 = arith.constant 0 : index
      %swap3A_66 = vector.load %arg15[%swap3A_64, %swap3A_65] : memref<32x128xf32, #tpu.memory_space<vmem>>, vector<32x128xf32>
      tpu.vector_store %arg15[%swap3A_64, %swap3A_65], %add3A_63 {strides = array<i32>} : memref<32x128xf32, #tpu.memory_space<vmem>>, vector<32x128xf32>,
      %eq3A_67 = arith.constant 1 : i32
      %eq3A_68 = arith.cmpi eq, %arg1, %eq3A_67 : i32
      %convert_element_type3A_69 = arith.extui %eq3A_68 : i1 to i32
      %cond3A_70 = arith.constant 0 : i32
      %cond3A_71 = arith.cmpi ne, %convert_element_type3A_69, %cond3A_70 : i32
      scf.if %cond3A_71 {
        %get3A_72 = arith.constant 0 : index
        %get3A_73 = arith.constant 0 : index
        %get3A_74 = vector.load %arg14[%get3A_72, %get3A_73] : memref<32x128xf32, #tpu.memory_space<vmem>>, vector<32x128xf32>
        %get3A_75 = arith.constant 0 : index
        %get3A_76 = arith.constant 0 : index
        %get3A_77 = vector.load %arg15[%get3A_75, %get3A_76] : memref<32x128xf32, #tpu.memory_space<vmem>>, vector<32x128xf32>
        %max3A_78 = arith.constant 1.000000e+00 : f32
        %max3A_79 = vector.broadcast %max3A_78 : f32 to vector<32x128xf32>
        %max3A_80 = arith.maximumf %get3A_77, %max3A_79 : vector<32x128xf32>
        %div3A = arith.divf %get3A_74, %max3A_80 : vector<32x128xf32>
        %get3A_81 = arith.constant 0 : index
        %get3A_82 = arith.constant 0 : index
        %get3A_83 = vector.load %arg7[%get3A_81, %get3A_82] : memref<128x128xf32, #tpu.memory_space<vmem>>, vector<128x128xf32>
        %dot_general3A_84 = arith.constant dense<0.000000e+00> : vector<32x128xf32>
        %dot_general3A_85 = tpu.matmul %div3A, %get3A_83, %dot_general3A_84 {dimension_numbers = #tpu.dot_dimension_numbers<[1], [0], [0], [1], [0, 0, 1, 1], [], []>, transpose_lhs_hint = false} : vector<32x128xf32>, vector<128x128xf32>, vector<32x128xf32> -> vector<32x128xf32>
        %get3A_86 = arith.constant 0 : index
        %get3A_87 = arith.constant 0 : index
        %get3A_88 = vector.load %arg8[%get3A_86, %get3A_87] : memref<1x128xf32, #tpu.memory_space<vmem>>, vector<1x128xf32>
        %add3A_89 = vector.broadcast %get3A_88 : vector<1x128xf32> to vector<32x128xf32>
        %add3A_90 = arith.addf %dot_general3A_85, %add3A_89 : vector<32x128xf32>
        %max3A_91 = arith.constant 0.000000e+00 : f32
        %max3A_92 = vector.broadcast %max3A_91 : f32 to vector<32x128xf32>
        %max3A_93 = arith.maximumf %add3A_90, %max3A_92 : vector<32x128xf32>
        %get3A_94 = arith.constant 0 : index
        %get3A_95 = arith.constant 0 : index
        %get3A_96 = vector.load %arg9[%get3A_94, %get3A_95] : memref<128x128xf32, #tpu.memory_space<vmem>>, vector<128x128xf32>
        %dot_general3A_97 = arith.constant dense<0.000000e+00> : vector<32x128xf32>
        %dot_general3A_98 = tpu.matmul %max3A_93, %get3A_96, %dot_general3A_97 {dimension_numbers = #tpu.dot_dimension_numbers<[1], [0], [0], [1], [0, 0, 1, 1], [], []>, transpose_lhs_hint = false} : vector<32x128xf32>, vector<128x128xf32>, vector<32x128xf32> -> vector<32x128xf32>
        %get3A_99 = arith.constant 0 : index
        %get3A_100 = arith.constant 0 : index
        %get3A_101 = vector.load %arg10[%get3A_99, %get3A_100] : memref<1x128xf32, #tpu.memory_space<vmem>>, vector<1x128xf32>
        %add3A_102 = vector.broadcast %get3A_101 : vector<1x128xf32> to vector<32x128xf32>
        %add3A_103 = arith.addf %dot_general3A_98, %add3A_102 : vector<32x128xf32>
        %swap3A_104 = arith.constant 0 : index
        %swap3A_105 = arith.constant 0 : index
        %swap3A_106 = vector.load %arg11[%swap3A_104, %swap3A_105] : memref<32x128xf32, #tpu.memory_space<vmem>>, vector<32x128xf32>
        tpu.vector_store %arg11[%swap3A_104, %swap3A_105], %add3A_103 {strides = array<i32>} : memref<32x128xf32, #tpu.memory_space<vmem>>, vector<32x128xf32>,
      } else {
      }
    } else {
    }
    return
  }
  func.func @transform_0(%arg0: i32, %arg1: i32) -> (i32, i32) {
    %sub3A = arith.constant 1 : i32
    %sub3A_0 = arith.subi %sub3A, %arg0 : i32
    %mul3A = arith.muli %arg1, %sub3A_0 : i32
    %c0_i32 = arith.constant 0 : i32
    %c0_i32_1 = arith.constant 0 : i32
    return %mul3A, %c0_i32 : i32, i32
  }
  func.func @transform_1(%arg0: i32, %arg1: i32) -> (i32, i32, i32) {
    %sub3A = arith.constant 1 : i32
    %sub3A_0 = arith.subi %sub3A, %arg0 : i32
    %mul3A = arith.muli %arg1, %sub3A_0 : i32
    %c0_i32 = arith.constant 0 : i32
    %c0_i32_1 = arith.constant 0 : i32
    %c0_i32_2 = arith.constant 0 : i32
    return %c0_i32, %mul3A, %c0_i32_1 : i32, i32, i32
  }
  func.func @transform_2(%arg0: i32, %arg1: i32) -> (i32, i32) {
    %c0_i32 = arith.constant 0 : i32
    %c0_i32_0 = arith.constant 0 : i32
    %c0_i32_1 = arith.constant 0 : i32
    return %c0_i32, %c0_i32_0 : i32, i32
  }
  func.func @transform_3(%arg0: i32, %arg1: i32) -> (i32, i32) {
    %c0_i32 = arith.constant 0 : i32
    %c0_i32_0 = arith.constant 0 : i32
    %c0_i32_1 = arith.constant 0 : i32
    return %c0_i32, %c0_i32_0 : i32, i32
  }
  func.func @transform_4(%arg0: i32, %arg1: i32) -> (i32, i32, i32) {
    %mul3A = arith.muli %arg1, %arg0 : i32
    %c0_i32 = arith.constant 0 : i32
    %c0_i32_0 = arith.constant 0 : i32
    %c0_i32_1 = arith.constant 0 : i32
    return %mul3A, %c0_i32, %c0_i32_0 : i32, i32, i32
  }
  func.func @transform_5(%arg0: i32, %arg1: i32) -> (i32, i32) {
    %c0_i32 = arith.constant 0 : i32
    %c0_i32_0 = arith.constant 0 : i32
    %c0_i32_1 = arith.constant 0 : i32
    return %c0_i32, %c0_i32_0 : i32, i32
  }
  func.func @transform_6(%arg0: i32, %arg1: i32) -> (i32, i32) {
    %c0_i32 = arith.constant 0 : i32
    %c0_i32_0 = arith.constant 0 : i32
    %c0_i32_1 = arith.constant 0 : i32
    return %c0_i32, %c0_i32_0 : i32, i32
  }
  func.func @transform_7(%arg0: i32, %arg1: i32) -> (i32, i32) {
    %c0_i32 = arith.constant 0 : i32
    %c0_i32_0 = arith.constant 0 : i32
    %c0_i32_1 = arith.constant 0 : i32
    return %c0_i32, %c0_i32_0 : i32, i32
  }
  func.func @transform_8(%arg0: i32, %arg1: i32) -> (i32, i32) {
    %c0_i32 = arith.constant 0 : i32
    %c0_i32_0 = arith.constant 0 : i32
    %c0_i32_1 = arith.constant 0 : i32
    return %c0_i32, %c0_i32_0 : i32, i32
  }
  func.func @transform_9(%arg0: i32, %arg1: i32) -> (i32, i32) {
    %c0_i32 = arith.constant 0 : i32
    %c0_i32_0 = arith.constant 0 : i32
    %c0_i32_1 = arith.constant 0 : i32
    return %c0_i32, %c0_i32_0 : i32, i32
  }
}

</mosaic_0001>

<sc_bundles>
// kernel: kernel.10.cloned.1.call-start
scs
__scs_entry_jumppad:
0x0: {  	(pc) =	sbr.rel $0x88, $3  }
0x1: {  	(tag) =	ssettag $0x0;
	lr =	simm.s32 $0x1  }
0x2: {  	[smem:$0x3F88] =	sst lr;
	_ =	strace $0xD0000000  }
0x3: {  	_ = 	snop  }
0x4: {  	_ = 	snop  }
0x5: {  	_ = 	snop  }
0x6: {  	_ = 	snop  }
0x7: {  	_ = 	snop  }
__scs_overlays_trampoline_lowered:
0x8: {  	[smem:$0x3F97] =	sst s0  }
0x9: {  	[smem:$0x3F98] =	sst s1  }
0xa: {  	[smem:$0x3F99] =	sst s2  }
0xb: {  	[smem:$0x3F9A] =	sst s3  }
0xc: {  	[smem:$0x3F9B] =	sst s4  }
0xd: {  	[smem:$0x3F9C] =	sst s5  }
0xe: {  	[smem:$0x3F9D] =	sst s6  }
0xf: {  	[smem:$0x3F9E] =	sst s7  }
0x10: {  	[smem:$0x3F9F] =	sst s8  }
0x11: {  	[smem:$0x3FA0] =	sst s9;
	s0 =	simm.s32 @!p0 $0x0  }
0x12: {  	s1 =	sld [smem:$0x3F86];
	s0 =	simm.s32 @p0 $0x1  }
0x13: {  	[smem:$0x3FA1] =	sst s0;
	s0 =	simm.s32 @!p1 $0x0  }
0x14: {  	s2 =	sld [smem:$0x3F85];
	s0 =	simm.s32 @p1 $0x1  }
0x15: {  	[smem:$0x3FA2] =	sst s0;
	s0 =	simm.s32 @!p2 $0x0  }
0x16: {  	s3 =	sld [smem:$0x3FDB];
	s0 =	simm.s32 @p2 $0x1  }
0x17: {  	s4 =	simm.s32 $0x1BF5;
	[smem:$0x3FA4] =	sst s0  }
0x18: {  	s0 =	sld [smem:$0x3F87];
	_ =	swait.ge [sflag:s4], $0x0  }
0x19: {  	s7 =	sld [smem:$0x3F88]  }
0x1a: {  	s8 =	sadd.s32 $0xFFFFE003, lr  }
0x1b: {  	s9 =	sadd.s32 $0xFFFFFEF7, lr;
	s5 =	simm.s32 $0xFFFFFFFF;
	p2 =	slt.u32 s8, $0xFFFFF086  }
0x1c: {  	p1 =	slt.u32 s9, $0xF7A;
	s5 =	simm.s32 @!p2 $0x0  }
0x1d: {  	s5 =	simm.s32 @p1 $0x1;
	p0 =	seq.s32 s7, s2  }
0x1e: {  	s7 =	smul.u32 @!p0 $0xF7A, s2;
	p2 =	seq.s32 @!p0 s5, $0x0  }
0x1f: {  	s9 =	smul.u32 $0xF7A, s1;
	s8 =	simm.s32 @!p0 $0x1BF5;
	p2 =	por !p2, p0  }
0x20: {  	[sflag:s8] =	ssyncset.s32 @!p0 $0xFFFFF086;
	s6 =	sadd.s32 @!p0 s3, s7;
	s7 =	simm.s32 @!p0 $0x108  }
0x21: {  	s3 =	sadd.s32 s3, s9;
	s6 =	sadd.s32 @!p0 $0x88, s6;
	s7 =	simm.s32 @p2 $0x1082  }
0x22: {  	[simem:s7], [sflag:s8] =	dma.local @!p0 [hbm:s6], $0xF7A  }
0x23: {  	s9 =	sor.u32 $0xD0000000, s2;
	s6 =	simm.s32 $0x108;
	_ =	swait.ge @!p0 [sflag:s8], $0x0  }
0x24: {  	s3 =	sadd.s32 $0x88, s3;
	s6 =	simm.s32 @!p1 $0x1082;
	[sflag:s4] =	ssyncset.s32 $0xFFFFF086  }
0x25: {  	[simem:s6], [sflag:s4] =	dma.local [hbm:s3], $0xF7A  }
0x26: {  	[smem:$0x3F88] =	sst s1;
	(tag) =	ssettag s2;
	_ =	strace s9  }
0x27: {  	s1 =	sld [smem:$0x3F98]  }
0x28: {  	s2 =	sld [smem:$0x3F99]  }
0x29: {  	s4 =	sld [smem:$0x3F9B]  }
0x2a: {  	p0 =	seq.s32 s5, $0x0;
	s5 =	sld [smem:$0x3F9C]  }
0x2b: {  	s6 =	sld [smem:$0x3F9D]  }
0x2c: {  	s7 =	sld [smem:$0x3F9E]  }
0x2d: {  	s3 =	simm.s32 $0x108;
	s8 =	sld [smem:$0x3F9F]  }
0x2e: {  	s3 =	simm.s32 @!p0 $0x1082;
	s9 =	sld [smem:$0x3FA0]  }
0x2f: {  	lr =	sadd.s32 s0, s3;
	s0 =	sld [smem:$0x3F97]  }
0x30: {  	s3 =	sld [smem:$0x3F9A]  }
0x31: {  	[smem:$0x3FA3] =	sst s10  }
0x32: {  	s10 =	sld [smem:$0x3FA1];
	_ =	sdelay $0x3  }
0x33: {  	p0 =	seq.s32 s10, $0x1;
	s10 =	sld [smem:$0x3FA3];
	_ =	sdelay $0x3  }
0x34: {  	[smem:$0x3FA3] =	sst s10  }
0x35: {  	s10 =	sld [smem:$0x3FA2];
	_ =	sdelay $0x3  }
0x36: {  	p1 =	seq.s32 s10, $0x1;
	s10 =	sld [smem:$0x3FA3];
	_ =	sdelay $0x3  }
0x37: {  	[smem:$0x3FA3] =	sst s10  }
0x38: {  	s10 =	sld [smem:$0x3FA4]  }
0x39: {  	_ = 	snop;
	(pc) =	sbr.ind lr, $3  }
0x3a: {  	_ = 	snop  }
0x3b: {  	_ = 	snop  }
0x3c: {  	p2 =	seq.s32 s10, $0x1;
	s10 =	sld [smem:$0x3FA3]  }
0x3d: {  	_ =	shalt  }
0x3e: {  	_ =	shalt  }
0x3f: {  	_ =	shalt  }
0x40: {  	_ =	shalt  }
0x41: {  	_ =	shalt  }
0x42: {  	_ =	shalt  }
0x43: {  	_ =	shalt  }
0x44: {  	_ =	shalt  }
0x45: {  	_ =	shalt  }
0x46: {  	_ =	shalt  }
0x47: {  	_ =	shalt  }
0x48: {  	_ =	shalt  }
0x49: {  	_ =	shalt  }
0x4a: {  	_ =	shalt  }
0x4b: {  	_ =	shalt  }
0x4c: {  	_ =	shalt  }
0x4d: {  	_ =	shalt  }
0x4e: {  	_ =	shalt  }
0x4f: {  	_ =	shalt  }
0x50: {  	_ =	shalt  }
0x51: {  	_ =	shalt  }
0x52: {  	_ =	shalt  }
0x53: {  	_ =	shalt  }
0x54: {  	_ =	shalt  }
0x55: {  	_ =	shalt  }
0x56: {  	_ =	shalt  }
0x57: {  	_ =	shalt  }
0x58: {  	_ =	shalt  }
0x59: {  	_ =	shalt  }
0x5a: {  	_ =	shalt  }
0x5b: {  	_ =	shalt  }
0x5c: {  	_ =	shalt  }
0x5d: {  	_ =	shalt  }
0x5e: {  	_ =	shalt  }
0x5f: {  	_ =	shalt  }
0x60: {  	_ =	shalt  }
0x61: {  	_ =	shalt  }
0x62: {  	_ =	shalt  }
0x63: {  	_ =	shalt  }
0x64: {  	_ =	shalt  }
0x65: {  	_ =	shalt  }
0x66: {  	_ =	shalt  }
0x67: {  	_ =	shalt  }
0x68: {  	_ =	shalt  }
0x69: {  	_ =	shalt  }
0x6a: {  	_ =	shalt  }
0x6b: {  	_ =	shalt  }
0x6c: {  	_ =	shalt  }
0x6d: {  	_ =	shalt  }
0x6e: {  	_ =	shalt  }
0x6f: {  	_ =	shalt  }
0x70: {  	_ =	shalt  }
0x71: {  	_ =	shalt  }
0x72: {  	_ =	shalt  }
0x73: {  	_ =	shalt  }
0x74: {  	_ =	shalt  }
0x75: {  	_ =	shalt  }
0x76: {  	_ =	shalt  }
0x77: {  	_ =	shalt  }
0x78: {  	_ =	shalt  }
0x79: {  	_ =	shalt  }
0x7a: {  	_ =	shalt  }
0x7b: {  	_ =	shalt  }
0x7c: {  	_ =	shalt  }
0x7d: {  	_ =	shalt  }
0x7e: {  	_ =	shalt  }
0x7f: {  	_ =	shalt  }
0x80: {  	_ =	shalt  }
0x81: {  	_ =	shalt  }
0x82: {  	_ =	shalt  }
0x83: {  	_ =	shalt  }
0x84: {  	_ =	shalt  }
0x85: {  	_ =	shalt  }
0x86: {  	_ =	shalt  }
0x87: {  	_ =	shalt  }
.Lfunc_end0:
.L_simem_size_0:
called_computation.1_lowered:
.L_overlay_start_0:
0x88: {  	s2 =	sld [smem:$0x3FD9]  }
0x89: {  	s3 =	sld [smem:$0x3FFE];
	_ =	sdelay $0x1  }
0x8a: {  	s1 =	srdreg.scid  }
0x8b: {  	s0 =	sand.u32 $0x1, s1  }
0x8c: {  	s16 =	sshll.u32 s0, $0xA;
	s2 =	sadd.s32 s3, s2  }
0x8d: {  	s2 =	sadd.s32 s2, s16  }
0x8e: {  	[smem:$0x3FAF] =	sst s2  }
0x8f: {  	_ = 	snop  }
0x90: {  	(tm) =	ssettm $0x1  }
0x91: {  	s17 =	sld [smem:$0x3FFB];
	_ =	sdelay $0x3  }
0x92: {  	_ =	strace s17  }
0x93: {  	s2 =	sld [smem:$0x3FFC];
	_ =	sdelay $0x3  }
0x94: {  	_ =	strace s2  }
0x95: {  	s2 =	sld [smem:$0x3FFD];
	_ =	sdelay $0x3  }
0x96: {  	_ =	strace s2  }
0x97: {  	_ =	strace $0x8FFFFFFF  }
0x98: {  	s18 =	sld [smem:$0x3FDB];
	_ =	sdelay $0x1  }
0x99: {  	s19 =	simm.s32 $_scs_section_size  }
0x9a: {  	s4 =	simm.s32 $_size__tile_overlayer_lowered;
	s5 =	simm.s32 $_tile_overlayer_lowered  }
0x9b: {  	s22 =	simm.s32 $0x1BFF;
	s21 =	sshll.u32 s5, $0x1;
	s2 =	sadd.s32 s19, s18  }
0x9c: {  	s6 =	simm.s32 $0x0;
	s20 =	sshll.u32 s4, $0x1;
	s4 =	sadd.s32 s21, s2  }
0x9d: {  	[timem:s6], [sflag:s22] =	dma.local [hbm:s4], s20  }
0x9e: {  	_ =	swait.ge [sflag:s22], s20  }
0x9f: {  	s3 =	ssub.s32 $0x0, s20;
	[sflag:s22] =	ssyncset.done $0x0  }
0xa0: {  	[sflag:s22] =	ssyncadd.s32 s3;
	_ =	sdelay $0x1  }
0xa1: {  	s23 =	simm.s32 $0x1B8B  }
0xa2: {  	_ =	swait.ge [sflag:s23], $0x1  }
0xa3: {  	[sflag:s23] =	ssyncset.done $0x0  }
0xa4: {  	s25 =	simm.s32 $0x1B8E;
	s24 =	sld [smem:$0x3FFE];
	[sflag:s23] =	ssyncadd.s32 $0xFFFFFFFF  }
0xa5: {  	s26 =	simm.s32 $execute0_lowered;
	[smem:$0x3FD2] =	sst s25  }
0xa6: {  	s4 =	sshll.u32 s26, $0x1;
	_ =	strace $0x80000049;
	[dreg:$0x1] =	wrdreg $0xFFFFFFFF  }
0xa7: {  	s28 =	simm.s32 $_size_execute0_lowered;
	s2 =	sadd.s32 s2, s4;
	[dreg:$0x0] =	wrdreg $0x0  }
0xa8: {  	s4 =	sshll.u32 s28, $0x1;
	[dreg:$0x2] =	wrdreg s2  }
0xa9: {  	[dreg:$0x3] =	wrdreg s4  }
0xaa: {  	[dreg:$0x4] =	wrdreg $0xC0  }
0xab: {  	_ =	task [dreg:s6], $0x5FFFF  }
0xac: {  	[dreg:$0x1] =	wrdreg $0xFFFFFFFF  }
0xad: {  	[dreg:$0x0] =	wrdreg $0x60  }
0xae: {  	[dreg:$0x2] =	wrdreg s24  }
0xaf: {  	[dreg:$0x3] =	wrdreg $0xAA000  }
0xb0: {  	[dreg:$0x4] =	wrdreg $0x9  }
0xb1: {  	_ =	task.clear_ibuf [dreg:s6], $0x5FFFF;
	_ =	strace $0x90000049  }
0xb2: {  	s29 =	simm.s32 $0x9;
	_ =	strace $0x8000004B  }
0xb3: {  	_ =	swait.ge [sflag:s29], $0x1  }
0xb4: {  	[sflag:s29] =	ssyncadd.s32 $0xFFFFFFFF  }
0xb5: {  	_ =	strace $0x9000004B  }
0xb6: {  	_ =	sfence  }
0xb7: {  	s30 =	sld [smem:$0x0];
	_ =	sdelay $0x2  }
0xb8: {  	s31 =	sshll.u32 s1, $0xD;
	s1 =	sshrl.u32 s1, $0x2  }
0xb9: {  	s3 =	sand.u32 $0x4000, s31;
	s1 =	sadd.s32 s1, s30  }
0xba: {  	s0 =	sor.u32 s3, s0;
	s1 =	sshll.u32 s1, $0x11  }
0xbb: {  	s0 =	sor.u32 s1, s0  }
0xbc: {  	s0 =	sadd.s32 $0x8F2B, s0  }
0xbd: {  	[sflag:s0] =	ssyncadd.remote.s32 $0x1  }
0xbe: {  	_ =	sfence.sel $0xFFFF  }
0xbf: {  	[dreg:$0x0] =	wrdreg $0xFFFFFFFF;
	(pc) =	sbr.abs _section_cstart, $3  }
0xc0: {  	[dreg:$0x1] =	wrdreg $0xFFFFFFFF  }
0xc1: {  	_ =	task.clear_ibuf [dreg:s6], $0x2FFFF;
	_ =	strace $0x9FFFFFFF  }
0xc2: {  	(tm) =	ssettm $0x7FFFFFFF  }
0xc3: {  	_ =	shalt  }
tec
execute0_lowered:
.L_overlay_start_1:
0x0: {  	(tag) =	ssettag $0x1  }
0x1: {  	s0 =	rddreg [dreg:$0x0]  }
0x2: {  	s1 =	rddreg [dreg:$0x1]  }
0x3: {  	s2 =	srdreg.scid;
	s11 =	stileid.u32  }
0x4: {  	s2 =	sand.u32 $0x1, s2;
	s3 =	smul.u32 $0x2800, s11;
	s4 =	sshll.u32 s11, $0x1  }
0x5: {  	s13 =	simm.s32 $0x0;
	s7 =	smul.u32 $0x28000, s2;
	s6 =	sor.u32 s2, s4  }
0x6: {  	[smem:$0x7FF] =	sst s13;
	s5 =	sadd.s32 $0x4400, s0;
	s8 =	smul.u32 $0x1400, s6  }
0x7: {  	_ =	strace $0x8000004A;
	s4 =	sadd.s32 $0x54400, s0;
	s9 =	ssub.s32 $0x2, s2  }
0x8: {  	s6 =	sadd.s32 $0x2C400, s0;
	s7 =	sadd.s32 s3, s7;
	s10 =	sor.u32 $0x10, s8  }
0x9: {  	s26 =	sshrl.u32 s9, $0x1;
	s0 =	sadd.s32 s7, s0;
	s12 =	sadd.s32 s5, s10  }
0xa: {  	s14 =	sor.u32 $0x20, s8;
	s10 =	sadd.s32 s6, s10;
	[dreg:$0x3] =	wrdreg s12  }
0xb: {  	s7 =	ssub.s32 s9, s26;
	s15 =	sadd.s32 s5, s14;
	[dreg:$0x4] =	wrdreg s10  }
0xc: {  	s16 =	sor.u32 $0x30, s8;
	s9 =	sadd.s32 s6, s14;
	[dreg:$0x5] =	wrdreg s15  }
0xd: {  	s18 =	sor.u32 $0x40, s8;
	s17 =	sadd.s32 s5, s16;
	[dreg:$0x6] =	wrdreg s9  }
0xe: {  	s20 =	sor.u32 $0x50, s8;
	s19 =	sadd.s32 s5, s18;
	[dreg:$0x7] =	wrdreg s17  }
0xf: {  	s21 =	sadd.s32 s5, s20;
	[dreg:$0x9] =	wrdreg s19  }
0x10: {  	s24 =	sor.u32 $0x70, s8;
	s22 =	sadd.s32 s6, s20;
	[dreg:$0xb] =	wrdreg s21  }
0x11: {  	s25 =	sadd.s32 s5, s24;
	[dreg:$0xc] =	wrdreg s22  }
0x12: {  	s26 =	sadd.s32 s6, s24;
	[dreg:$0xf] =	wrdreg s25  }
0x13: {  	s14 =	sadd.s32 s6, s8;
	[dreg:$0x10] =	wrdreg s26  }
0x14: {  	s0 =	sadd.s32 $0x7B600, s0;
	[dreg:$0x14] =	wrdreg s14  }
0x15: {  	s10 =	sadd.s32 s6, s16;
	[dreg:$0x18] =	wrdreg s0  }
0x16: {  	s23 =	sor.u32 $0x60, s8;
	s9 =	sadd.s32 s6, s18;
	[dreg:$0x8] =	wrdreg s10  }
0x17: {  	s29 =	simm.s32 $0x400;
	s12 =	sadd.s32 s5, s23;
	[dreg:$0xa] =	wrdreg s9  }
0x18: {  	s11 =	smul.u32 $0x50000, s11;
	s16 =	smax.u32 s7, $0x1;
	[dreg:$0xd] =	wrdreg s12  }
0x19: {  	s2 =	smul.u32 $0x1400, s2;
	s9 =	sadd.s32 s6, s23;
	[dreg:$0x19] =	wrdreg s16  }
0x1a: {  	s15 =	sor.u32 $0x90, s8;
	s12 =	sadd.s32 s5, s8;
	[dreg:$0xe] =	wrdreg s9  }
0x1b: {  	s21 =	sadd.s32 s2, s3;
	s3 =	sadd.s32 s6, s15;
	[dreg:$0x13] =	wrdreg s12  }
0x1c: {  	s9 =	sor.u32 $0x80, s8;
	s8 =	sadd.s32 s5, s15;
	[dreg:$0x16] =	wrdreg s3  }
0x1d: {  	s31 =	simm.s32 $0x6A00;
	s2 =	sadd.s32 s6, s9;
	[dreg:$0x15] =	wrdreg s8  }
0x1e: {  	s10 =	sadd.s32 s5, s9;
	[dreg:$0x12] =	wrdreg s2;
	s2 =	sshrl.u32 s11, $0x2  }
0x1f: {  	s28 =	simm.s32 $0x9;
	[dreg:$0x11] =	wrdreg s10;
	s3 =	sadd.s32 s2, s1  }
0x20: {  	s30 =	simm.s32 $0xF;
	s17 =	sadd.s32 $0x2000, s3;
	[dreg:$0x17] =	wrdreg s3  }
0x21: {  	s7 =	simm.s32 $0x500;
	s18 =	sadd.s32 $0x4000, s3;
	[dreg:$0x1a] =	wrdreg s17  }
0x22: {  	s14 =	simm.s32 $0xA;
	s19 =	sadd.s32 $0x6000, s3;
	[dreg:$0x1b] =	wrdreg s18  }
0x23: {  	s16 =	simm.s32 $0x6;
	s20 =	sadd.s32 $0x8000, s3;
	[dreg:$0x1c] =	wrdreg s19  }
0x24: {  	s12 =	simm.s32 $0xB;
	s22 =	sadd.s32 $0xA000, s3;
	[dreg:$0x1d] =	wrdreg s20  }
0x25: {  	s15 =	simm.s32 $0xC;
	s23 =	sadd.s32 $0xC000, s3;
	[dreg:$0x1e] =	wrdreg s22  }
0x26: {  	s9 =	simm.s32 $0x5;
	s24 =	sadd.s32 $0xE000, s3;
	[dreg:$0x1f] =	wrdreg s23  }
0x27: {  	s8 =	simm.s32 $0x0;
	s25 =	sadd.s32 $0x10000, s3;
	[smem:$0x7FB] =	sst s24  }
.Ltmp0:
0x28: {  	s26 =	sadd.s32 $0x12000, s3;
	[smem:$0x7FC] =	sst s25;
	(pc) =	sbr.rel .LBB2_1-.Ltmp0, $4  }
0x29: {  	s11 =	simm.s32 $0x580;
	s10 =	simm.s32 $0x40;
	[smem:$0x7FD] =	sst s26  }
0x2a: {  	s20 =	simm.s32 $0x600;
	s17 =	simm.s32 $0x680;
	s23 =	simm.s32 $0x2A00  }
0x2b: {  	s26 =	simm.s32 $0x4A00;
	s18 =	simm.s32 $0x8A00;
	s19 =	simm.s32 $0x7  }
0x2c: {  	v0 =	vimm.f32 $0.0e+00;
	s22 =	simm.s32 $0xD;
	s24 =	simm.s32 $0x8;
	s25 =	simm.s32 $0xE  }
.LBB2_6:
0x2d: {  	s0 =	simm.s32 $0x14  }
0x2e: {  	_ =	swait.ge [sflag:s0], $0x2000  }
0x2f: {  	[sflag:s0] =	ssyncset.done $0x0  }
0x30: {  	[sflag:s0] =	ssyncadd.s32 $0xFFFFE000  }
0x31: {  	s13 =	stileid.u32;
	[bflag:$0x0] =	sbarrier.arrive $0xFFFF  }
0x32: {  	s17 =	simm.s32 $0x16;
	s0 =	sshll.u32 s13, $0x6;
	s3 =	rddreg [dreg:$0x17]  }
0x33: {  	s0 =	sor.u32 $0x1C16, s0;
	s7 =	rddreg [dreg:$0x18];
	s2 =	sshrl.u32 s3, $0x3  }
0x34: {  	[hbm:s7], [sflag:s0] =	dma.local [spmem:s2], $0x2800  }
0x35: {  	_ =	swait.ge [sflag:s17], $0x2800  }
0x36: {  	s8 =	sld [smem:$0x7FA];
	_ =	sdelay $0x2  }
0x37: {  	s20 =	rddreg [dreg:$0x19];
	s8 =	sadd.s32 $0x1, s8  }
0x38: {  	p0 =	sne.s32 s8, s20  }
.Ltmp1:
0x39: {  	_ = 	snop;
	(pc) =	sbr.rel @!p0 .LBB2_7-.Ltmp1, $4  }
0x3a: {  	_ = 	snop  }
0x3b: {  	s29 =	simm.s32 $0x400;
	s11 =	simm.s32 $0x580  }
0x3c: {  	s13 =	simm.s32 $0x0;
	s7 =	simm.s32 $0x500;
	[sflag:s17] =	ssyncset.done $0x0  }
0x3d: {  	[sflag:s17] =	ssyncadd.s32 $0xFFFFD800;
	s17 =	simm.s32 $0x680;
	s20 =	simm.s32 $0x600  }
.LBB2_1:
0x3e: {  	[smem:$0x7FA] =	sst s8  }
0x3f: {  	s0 =	rddreg [dreg:$0x13]  }
0x40: {  	[tilespmem:s13], [sflag:$0x1] =	stream.linear.gather [hbm4b:s0+s13], $0x80, $0x38;
	[tilespmem:$0x1EA00] =	vst v63  }
0x41: {  	s2 =	rddreg [dreg:$0x14]  }
0x42: {  	[tilespmem:s7], [sflag:$0x1] =	stream.linear.gather [hbm4b:s2+s13], $0x80, $0x38;
	[tilespmem:$0x1EA00] =	vst v63  }
0x43: {  	s8 =	rddreg [dreg:$0x3];
	s2 =	simm.s32 $0x80  }
0x44: {  	[tilespmem:s2], [sflag:$0x2] =	stream.linear.gather [hbm4b:s8+s13], $0x80, $0x38;
	[tilespmem:$0x1EA00] =	vst v63  }
0x45: {  	s8 =	rddreg [dreg:$0x4]  }
0x46: {  	[tilespmem:s11], [sflag:$0x2] =	stream.linear.gather [hbm4b:s8+s13], $0x80, $0x38;
	[tilespmem:$0x1EA00] =	vst v63  }
0x47: {  	s2 =	rddreg [dreg:$0x5];
	s8 =	simm.s32 $0x100  }
0x48: {  	[tilespmem:s8], [sflag:$0x3] =	stream.linear.gather [hbm4b:s2+s13], $0x80, $0x38;
	[tilespmem:$0x1EA00] =	vst v63  }
0x49: {  	s8 =	rddreg [dreg:$0x6]  }
0x4a: {  	[tilespmem:s20], [sflag:$0x3] =	stream.linear.gather [hbm4b:s8+s13], $0x80, $0x38;
	[tilespmem:$0x1EA00] =	vst v63  }
0x4b: {  	s2 =	rddreg [dreg:$0x7];
	s8 =	simm.s32 $0x180  }
0x4c: {  	[tilespmem:s8], [sflag:$0x4] =	stream.linear.gather [hbm4b:s2+s13], $0x80, $0x38;
	[tilespmem:$0x1EA00] =	vst v63  }
0x4d: {  	s8 =	rddreg [dreg:$0x8]  }
0x4e: {  	[tilespmem:s17], [sflag:$0x4] =	stream.linear.gather [hbm4b:s8+s13], $0x80, $0x38;
	[tilespmem:$0x1EA00] =	vst v63  }
0x4f: {  	s2 =	rddreg [dreg:$0x9];
	s8 =	simm.s32 $0x200  }
0x50: {  	[tilespmem:s8], [sflag:$0x5] =	stream.linear.gather [hbm4b:s2+s13], $0x80, $0x38;
	[tilespmem:$0x1EA00] =	vst v63  }
0x51: {  	s2 =	rddreg [dreg:$0xa];
	s8 =	simm.s32 $0x700  }
0x52: {  	[tilespmem:s8], [sflag:$0x5] =	stream.linear.gather [hbm4b:s2+s13], $0x80, $0x38;
	[tilespmem:$0x1EA00] =	vst v63  }
0x53: {  	s2 =	rddreg [dreg:$0xb];
	s8 =	simm.s32 $0x280  }
0x54: {  	[tilespmem:s8], [sflag:$0x6] =	stream.linear.gather [hbm4b:s2+s13], $0x80, $0x38;
	[tilespmem:$0x1EA00] =	vst v63  }
0x55: {  	s2 =	rddreg [dreg:$0xc];
	s8 =	simm.s32 $0x780  }
0x56: {  	[tilespmem:s8], [sflag:$0x6] =	stream.linear.gather [hbm4b:s2+s13], $0x80, $0x38;
	[tilespmem:$0x1EA00] =	vst v63  }
0x57: {  	s2 =	rddreg [dreg:$0xd];
	s8 =	simm.s32 $0x300  }
0x58: {  	[tilespmem:s8], [sflag:$0x7] =	stream.linear.gather [hbm4b:s2+s13], $0x80, $0x38;
	[tilespmem:$0x1EA00] =	vst v63  }
0x59: {  	s2 =	rddreg [dreg:$0xe];
	s8 =	simm.s32 $0x800  }
0x5a: {  	[tilespmem:s8], [sflag:$0x7] =	stream.linear.gather [hbm4b:s2+s13], $0x80, $0x38;
	[tilespmem:$0x1EA00] =	vst v63  }
0x5b: {  	s2 =	rddreg [dreg:$0xf];
	s8 =	simm.s32 $0x380  }
0x5c: {  	[tilespmem:s8], [sflag:$0x8] =	stream.linear.gather [hbm4b:s2+s13], $0x80, $0x38;
	[tilespmem:$0x1EA00] =	vst v63  }
0x5d: {  	s2 =	rddreg [dreg:$0x10];
	s8 =	simm.s32 $0x880  }
0x5e: {  	[tilespmem:s8], [sflag:$0x8] =	stream.linear.gather [hbm4b:s2+s13], $0x80, $0x38;
	[tilespmem:$0x1EA00] =	vst v63  }
0x5f: {  	s2 =	rddreg [dreg:$0x11]  }
0x60: {  	[tilespmem:s29], [sflag:$0x9] =	stream.linear.gather [hbm4b:s2+s13], $0x80, $0x38;
	[tilespmem:$0x1EA00] =	vst v63  }
0x61: {  	s8 =	rddreg [dreg:$0x12];
	s29 =	simm.s32 $0x900  }
0x62: {  	[tilespmem:s29], [sflag:$0x9] =	stream.linear.gather [hbm4b:s8+s13], $0x80, $0x38;
	[tilespmem:$0x1EA00] =	vst v63  }
0x63: {  	s2 =	rddreg [dreg:$0x15];
	s8 =	simm.s32 $0x480  }
0x64: {  	[tilespmem:s8], [sflag:$0xA] =	stream.linear.gather [hbm4b:s2+s13], $0x80, $0x38;
	[tilespmem:$0x1EA00] =	vst v63  }
0x65: {  	s2 =	rddreg [dreg:$0x16];
	s8 =	simm.s32 $0x980  }
0x66: {  	[tilespmem:s8], [sflag:$0xA] =	stream.linear.gather [hbm4b:s2+s13], $0x80, $0x38;
	[tilespmem:$0x1EA00] =	vst v63  }
0x67: {  	s0 =	simm.s32 $0x0;
	s2 =	simm.s32 $0x200  }
.LBB2_2:
0x68: {  	p0 =	sne.s32 s2, $0x7E00;
	[tilespmem:s0+$0xA70] =	vst v0  }
0x69: {  	[tilespmem:s0+$0xA00] =	vst v0  }
0x6a: {  	[tilespmem:s0+$0xA10] =	vst v0  }
.Ltmp2:
0x6b: {  	[tilespmem:s0+$0xA20] =	vst v0;
	(pc) =	sbr.rel @p0 .LBB2_2-.Ltmp2, $4  }
0x6c: {  	[tilespmem:s0+$0xA30] =	vst v0  }
0x6d: {  	[tilespmem:s0+$0xA40] =	vst v0  }
0x6e: {  	[tilespmem:s0+$0xA50] =	vst v0  }
0x6f: {  	[tilespmem:s0+$0xA60] =	vst v0;
	s0 =	sshra.s32 s2, $0x2;
	s2 =	sadd.s32 $0x200, s2  }
0x70: {  	[tilespmem:s0+$0xA70] =	vst v0  }
0x71: {  	[tilespmem:s0+$0xA00] =	vst v0  }
0x72: {  	[tilespmem:s0+$0xA10] =	vst v0  }
0x73: {  	[tilespmem:s0+$0xA20] =	vst v0  }
0x74: {  	[tilespmem:s0+$0xA30] =	vst v0  }
0x75: {  	[tilespmem:s0+$0xA40] =	vst v0  }
0x76: {  	[tilespmem:s0+$0xA50] =	vst v0  }
0x77: {  	[tilespmem:s0+$0xA60] =	vst v0;
	s2 =	simm.s32 $0xA00;
	s8 =	rddreg [dreg:$0x1b]  }
0x78: {  	[spmem:s3] =	stream.linear.scatter [tilespmem:s2], [sflag:$0x15], $0x2000, $0x38;
	[tilespmem:$0x1EA00] =	vst v63  }
0x79: {  	s3 =	rddreg [dreg:$0x1a]  }
0x7a: {  	[spmem:s3] =	stream.linear.scatter [tilespmem:s2], [sflag:$0x15], $0x2000, $0x38;
	[tilespmem:$0x1EA00] =	vst v63  }
0x7b: {  	s3 =	rddreg [dreg:$0x1c]  }
0x7c: {  	[spmem:s8] =	stream.linear.scatter [tilespmem:s2], [sflag:$0x15], $0x2000, $0x38;
	[tilespmem:$0x1EA00] =	vst v63  }
0x7d: {  	s8 =	rddreg [dreg:$0x1d]  }
0x7e: {  	[spmem:s3] =	stream.linear.scatter [tilespmem:s2], [sflag:$0x15], $0x2000, $0x38;
	[tilespmem:$0x1EA00] =	vst v63  }
0x7f: {  	s3 =	rddreg [dreg:$0x1e]  }
0x80: {  	[spmem:s8] =	stream.linear.scatter [tilespmem:s2], [sflag:$0x15], $0x2000, $0x38;
	[tilespmem:$0x1EA00] =	vst v63  }
0x81: {  	s8 =	rddreg [dreg:$0x1f]  }
0x82: {  	[spmem:s3] =	stream.linear.scatter [tilespmem:s2], [sflag:$0x15], $0x2000, $0x38;
	[tilespmem:$0x1EA00] =	vst v63  }
0x83: {  	s3 =	sld [smem:$0x7FB]  }
0x84: {  	[spmem:s8] =	stream.linear.scatter [tilespmem:s2], [sflag:$0x15], $0x2000, $0x38;
	[tilespmem:$0x1EA00] =	vst v63  }
0x85: {  	s8 =	sld [smem:$0x7FC]  }
0x86: {  	[spmem:s3] =	stream.linear.scatter [tilespmem:s2], [sflag:$0x15], $0x2000, $0x38;
	[tilespmem:$0x1EA00] =	vst v63  }
0x87: {  	s3 =	sld [smem:$0x7FD]  }
0x88: {  	[spmem:s8] =	stream.linear.scatter [tilespmem:s2], [sflag:$0x15], $0x2000, $0x38;
	[tilespmem:$0x1EA00] =	vst v63  }
0x89: {  	s8 =	simm.s32 $0x15  }
0x8a: {  	[spmem:s3] =	stream.linear.scatter [tilespmem:s2], [sflag:$0x15], $0x2000, $0x38;
	[tilespmem:$0x1EA00] =	vst v63  }
0x8b: {  	_ =	swait.ge [sflag:s8], $0x2000  }
0x8c: {  	[sflag:s8] =	ssyncset.done $0x0  }
0x8d: {  	[sflag:s8] =	ssyncadd.s32 $0xFFFFE000  }
0x8e: {  	_ =	swait.ge [sflag:s8], $0x2000  }
0x8f: {  	[sflag:s8] =	ssyncset.done $0x0  }
0x90: {  	[sflag:s8] =	ssyncadd.s32 $0xFFFFE000  }
0x91: {  	_ =	swait.ge [sflag:s8], $0x2000  }
0x92: {  	[sflag:s8] =	ssyncset.done $0x0  }
0x93: {  	[sflag:s8] =	ssyncadd.s32 $0xFFFFE000  }
0x94: {  	_ =	swait.ge [sflag:s8], $0x2000  }
0x95: {  	[sflag:s8] =	ssyncset.done $0x0  }
0x96: {  	[sflag:s8] =	ssyncadd.s32 $0xFFFFE000  }
0x97: {  	_ =	swait.ge [sflag:s8], $0x2000  }
0x98: {  	[sflag:s8] =	ssyncset.done $0x0  }
0x99: {  	[sflag:s8] =	ssyncadd.s32 $0xFFFFE000  }
0x9a: {  	_ =	swait.ge [sflag:s8], $0x2000  }
0x9b: {  	[sflag:s8] =	ssyncset.done $0x0  }
0x9c: {  	[sflag:s8] =	ssyncadd.s32 $0xFFFFE000  }
0x9d: {  	_ =	swait.ge [sflag:s8], $0x2000  }
0x9e: {  	[sflag:s8] =	ssyncset.done $0x0  }
0x9f: {  	[sflag:s8] =	ssyncadd.s32 $0xFFFFE000  }
0xa0: {  	_ =	swait.ge [sflag:s8], $0x2000  }
0xa1: {  	[sflag:s8] =	ssyncset.done $0x0  }
0xa2: {  	[sflag:s8] =	ssyncadd.s32 $0xFFFFE000  }
0xa3: {  	_ =	swait.ge [sflag:s8], $0x2000  }
0xa4: {  	[sflag:s8] =	ssyncset.done $0x0  }
0xa5: {  	[sflag:s8] =	ssyncadd.s32 $0xFFFFE000  }
0xa6: {  	_ =	swait.ge [sflag:s8], $0x2000  }
0xa7: {  	[sflag:s8] =	ssyncset.done $0x0  }
0xa8: {  	s3 =	simm.s32 $0x1;
	[sflag:s8] =	ssyncadd.s32 $0xFFFFE000  }
0xa9: {  	_ =	swait.ge [sflag:s3], $0x80  }
0xaa: {  	[sflag:s3] =	ssyncset.done $0x0  }
0xab: {  	[sflag:s3] =	ssyncadd.s32 $0xFFFFFF80  }
0xac: {  	_ =	swait.ge [sflag:s3], $0x80  }
0xad: {  	[sflag:s3] =	ssyncset.done $0x0  }
0xae: {  	s8 =	simm.s32 $0x2;
	[sflag:s3] =	ssyncadd.s32 $0xFFFFFF80  }
0xaf: {  	[tilespmem:s2], [sflag:$0xB] =	stream.indirect.gather [hbm4b:s4+s10], $0x80, s7, s10, $0xb8;
	[tilespmem:$0x1EA00] =	vst v63  }
0xb0: {  	_ =	swait.ge [sflag:s8], $0x80  }
0xb1: {  	[sflag:s8] =	ssyncset.done $0x0  }
0xb2: {  	[sflag:s8] =	ssyncadd.s32 $0xFFFFFF80  }
0xb3: {  	_ =	swait.ge [sflag:s8], $0x80  }
0xb4: {  	[sflag:s8] =	ssyncset.done $0x0  }
0xb5: {  	[sflag:s8] =	ssyncadd.s32 $0xFFFFFF80  }
0xb6: {  	[tilespmem:s23], [sflag:$0xC] =	stream.indirect.gather [hbm4b:s4+s10], $0x80, s11, s10, $0xb8;
	[tilespmem:$0x1EA00] =	vst v63  }
0xb7: {  	s23 =	simm.s32 $0x3  }
0xb8: {  	_ =	swait.ge [sflag:s23], $0x80  }
0xb9: {  	[sflag:s23] =	ssyncset.done $0x0  }
0xba: {  	[sflag:s23] =	ssyncadd.s32 $0xFFFFFF80  }
0xbb: {  	_ =	swait.ge [sflag:s23], $0x80  }
0xbc: {  	[sflag:s23] =	ssyncset.done $0x0  }
0xbd: {  	[sflag:s23] =	ssyncadd.s32 $0xFFFFFF80  }
0xbe: {  	[tilespmem:s26], [sflag:$0xD] =	stream.indirect.gather [hbm4b:s4+s10], $0x80, s20, s10, $0xb8;
	[tilespmem:$0x1EA00] =	vst v63  }
0xbf: {  	s26 =	simm.s32 $0x4  }
0xc0: {  	_ =	swait.ge [sflag:s26], $0x80  }
0xc1: {  	[sflag:s26] =	ssyncset.done $0x0  }
0xc2: {  	[sflag:s26] =	ssyncadd.s32 $0xFFFFFF80  }
0xc3: {  	_ =	swait.ge [sflag:s26], $0x80  }
0xc4: {  	[sflag:s26] =	ssyncset.done $0x0  }
0xc5: {  	[sflag:s26] =	ssyncadd.s32 $0xFFFFFF80  }
0xc6: {  	[tilespmem:s31], [sflag:$0xE] =	stream.indirect.gather [hbm4b:s4+s10], $0x80, s17, s10, $0xb8;
	[tilespmem:$0x1EA00] =	vst v63  }
0xc7: {  	s0 =	simm.s32 $0x120;
	s7 =	simm.s32 $0x0;
	[bflag:$0x0] =	sbarrier.arrive $0xFFFF  }
.LBB2_4:
0xc8: {  	p0 =	seq.s32 s0, $0x120  }
0xc9: {  	s2 =	simm.s32 @!p0 $0x14  }
0xca: {  	_ =	swait.ge @!p0 [sflag:s2], $0x2000  }
0xcb: {  	[sflag:s2] =	ssyncset.done @!p0 $0x0  }
0xcc: {  	[sflag:s2] =	ssyncadd.s32 @!p0 $0xFFFFE000  }
0xcd: {  	_ =	swait.ge [sflag:s9], $0x80  }
0xce: {  	[sflag:s9] =	ssyncset.done $0x0  }
0xcf: {  	[sflag:s9] =	ssyncadd.s32 $0xFFFFFF80  }
0xd0: {  	_ =	swait.ge [sflag:s9], $0x80  }
0xd1: {  	[sflag:s9] =	ssyncset.done $0x0  }
0xd2: {  	s23 =	simm.s32 $0x700;
	s2 =	sadd.s32 @!p0 $0xFFFFFF70, s0;
	[sflag:s9] =	ssyncadd.s32 $0xFFFFFF80  }
0xd3: {  	[tilespmem:s18], [sflag:$0xF] =	stream.indirect.gather [hbm4b:s4+s10], $0x80, s23, s10, $0xb8;
	[tilespmem:$0x1EA00] =	vst v63  }
0xd4: {  	s3 =	sadd.s32 @!p0 s21, s2;
	_ =	swait.ge [sflag:s12], $0x2000  }
0xd5: {  	s2 =	sand.u32 @!p0 $0x70, s2;
	s3 =	sand.u32 @!p0 $0xFFFFF80, s3;
	[sflag:s12] =	ssyncset.done $0x0  }
0xd6: {  	s17 =	simm.s32 $0xA00;
	s2 =	sor.u32 @!p0 s2, s3;
	[sflag:s12] =	ssyncadd.s32 $0xFFFFE000  }
0xd7: {  	[spmem:s1] =	stream.indirect.scatter.add.f32 [tilespmem:s17], [sflag:$0x10], $0x80, s13, s10, $0xb8;
	[tilespmem:$0x1EA00] =	vst v63  }
0xd8: {  	s11 =	simm.s32 @!p0 $0x0;
	s20 =	simm.s32 @!p0 $0x480;
	s3 =	sadd.s32 @!p0 s5, s2  }
0xd9: {  	[tilespmem:s20], [sflag:$0xA] =	stream.linear.gather @!p0 [hbm4b:s3+s11], $0x80, $0x38;
	[tilespmem:$0x1EA00] =	vst v63  }
0xda: {  	s26 =	simm.s32 $0x10;
	s2 =	sadd.s32 @!p0 s6, s2;
	s3 =	simm.s32 @!p0 $0x980  }
0xdb: {  	[tilespmem:s3], [sflag:$0xA] =	stream.linear.gather @!p0 [hbm4b:s2+s11], $0x80, $0x38;
	[tilespmem:$0x1EA00] =	vst v63  }
0xdc: {  	_ =	swait.ge [sflag:s26], $0x2000  }
0xdd: {  	[sflag:s26] =	ssyncset.done $0x0  }
0xde: {  	[sflag:s26] =	ssyncadd.s32 $0xFFFFE000  }
0xdf: {  	_ =	swait.ge [sflag:s16], $0x80  }
0xe0: {  	[sflag:s16] =	ssyncset.done $0x0  }
0xe1: {  	[sflag:s16] =	ssyncadd.s32 $0xFFFFFF80  }
0xe2: {  	_ =	swait.ge [sflag:s16], $0x80  }
0xe3: {  	p0 =	seq.s32 s0, $0x1480;
	[sflag:s16] =	ssyncset.done $0x0  }
0xe4: {  	s3 =	simm.s32 $0x780;
	s2 =	sadd.s32 @!p0 $0xFFFFFF80, s0;
	[sflag:s16] =	ssyncadd.s32 $0xFFFFFF80  }
0xe5: {  	[tilespmem:s17], [sflag:$0xB] =	stream.indirect.gather [hbm4b:s4+s10], $0x80, s3, s10, $0xb8;
	[tilespmem:$0x1EA00] =	vst v63  }
0xe6: {  	s8 =	simm.s32 $0x80;
	s3 =	sadd.s32 @!p0 s21, s2;
	_ =	swait.ge [sflag:s15], $0x2000  }
0xe7: {  	s2 =	sand.u32 @!p0 $0x60, s2;
	s3 =	sand.u32 @!p0 $0xFFFFF80, s3;
	[sflag:s15] =	ssyncset.done $0x0  }
0xe8: {  	s13 =	simm.s32 $0x2A00;
	s3 =	sor.u32 @!p0 s2, s3;
	[sflag:s15] =	ssyncadd.s32 $0xFFFFE000  }
0xe9: {  	[spmem:s1] =	stream.indirect.scatter.add.f32 [tilespmem:s13], [sflag:$0x11], $0x80, s8, s10, $0xb8;
	[tilespmem:$0x1EA00] =	vst v63  }
0xea: {  	s2 =	simm.s32 @!p0 $0x0;
	s11 =	sadd.s32 @!p0 s5, s3  }
0xeb: {  	[tilespmem:s2], [sflag:$0x1] =	stream.linear.gather @!p0 [hbm4b:s11+s2], $0x80, $0x38;
	[tilespmem:$0x1EA00] =	vst v63  }
0xec: {  	s3 =	sadd.s32 @!p0 s6, s3;
	s11 =	simm.s32 @!p0 $0x500  }
0xed: {  	[tilespmem:s11], [sflag:$0x1] =	stream.linear.gather @!p0 [hbm4b:s3+s2], $0x80, $0x38;
	[tilespmem:$0x1EA00] =	vst v63  }
0xee: {  	s11 =	simm.s32 $0x11  }
0xef: {  	_ =	swait.ge [sflag:s11], $0x2000  }
0xf0: {  	[sflag:s11] =	ssyncset.done $0x0  }
0xf1: {  	[sflag:s11] =	ssyncadd.s32 $0xFFFFE000  }
0xf2: {  	_ =	swait.ge [sflag:s19], $0x80  }
0xf3: {  	[sflag:s19] =	ssyncset.done $0x0  }
0xf4: {  	[sflag:s19] =	ssyncadd.s32 $0xFFFFFF80  }
0xf5: {  	_ =	swait.ge [sflag:s19], $0x80  }
0xf6: {  	[sflag:s19] =	ssyncset.done $0x0  }
0xf7: {  	s20 =	simm.s32 $0x800;
	s3 =	sadd.s32 @!p0 $0xFFFFFF90, s0;
	[sflag:s19] =	ssyncadd.s32 $0xFFFFFF80  }
0xf8: {  	[tilespmem:s13], [sflag:$0xC] =	stream.indirect.gather [hbm4b:s4+s10], $0x80, s20, s10, $0xb8;
	[tilespmem:$0x1EA00] =	vst v63  }
0xf9: {  	s31 =	simm.s32 $0x4A00;
	s11 =	sadd.s32 @!p0 s21, s3;
	_ =	swait.ge [sflag:s22], $0x2000  }
0xfa: {  	s3 =	sand.u32 @!p0 $0x70, s3;
	s11 =	sand.u32 @!p0 $0xFFFFF80, s11;
	[sflag:s22] =	ssyncset.done $0x0  }
0xfb: {  	s23 =	simm.s32 $0x100;
	s3 =	sor.u32 @!p0 s3, s11;
	[sflag:s22] =	ssyncadd.s32 $0xFFFFE000  }
0xfc: {  	[spmem:s1] =	stream.indirect.scatter.add.f32 [tilespmem:s31], [sflag:$0x12], $0x80, s23, s10, $0xb8;
	[tilespmem:$0x1EA00] =	vst v63  }
0xfd: {  	s11 =	sadd.s32 @!p0 s5, s3;
	s20 =	simm.s32 @!p0 $0x80  }
0xfe: {  	[tilespmem:s20], [sflag:$0x2] =	stream.linear.gather @!p0 [hbm4b:s11+s2], $0x80, $0x38;
	[tilespmem:$0x1EA00] =	vst v63  }
0xff: {  	s26 =	simm.s32 $0x12;
	s3 =	sadd.s32 @!p0 s6, s3;
	s11 =	simm.s32 @!p0 $0x580  }
0x100: {  	[tilespmem:s11], [sflag:$0x2] =	stream.linear.gather @!p0 [hbm4b:s3+s2], $0x80, $0x38;
	[tilespmem:$0x1EA00] =	vst v63  }
0x101: {  	_ =	swait.ge [sflag:s26], $0x2000  }
0x102: {  	[sflag:s26] =	ssyncset.done $0x0  }
0x103: {  	[sflag:s26] =	ssyncadd.s32 $0xFFFFE000  }
0x104: {  	_ =	swait.ge [sflag:s24], $0x80  }
0x105: {  	[sflag:s24] =	ssyncset.done $0x0  }
0x106: {  	[sflag:s24] =	ssyncadd.s32 $0xFFFFFF80  }
0x107: {  	_ =	swait.ge [sflag:s24], $0x80  }
0x108: {  	[sflag:s24] =	ssyncset.done $0x0  }
0x109: {  	s8 =	simm.s32 $0x880;
	[sflag:s24] =	ssyncadd.s32 $0xFFFFFF80  }
0x10a: {  	[tilespmem:s31], [sflag:$0xD] =	stream.indirect.gather [hbm4b:s4+s10], $0x80, s8, s10, $0xb8;
	[tilespmem:$0x1EA00] =	vst v63  }
0x10b: {  	_ =	swait.ge [sflag:s25], $0x2000  }
0x10c: {  	s11 =	simm.s32 $0x180;
	[sflag:s25] =	ssyncset.done $0x0  }
0x10d: {  	s3 =	sadd.s32 @!p0 $0xFFFFFFA0, s0;
	s8 =	simm.s32 $0x6A00;
	[sflag:s25] =	ssyncadd.s32 $0xFFFFE000  }
0x10e: {  	[spmem:s1] =	stream.indirect.scatter.add.f32 [tilespmem:s8], [sflag:$0x13], $0x80, s11, s10, $0xb8;
	[tilespmem:$0x1EA00] =	vst v63  }
0x10f: {  	s11 =	sadd.s32 @!p0 s21, s3  }
0x110: {  	s3 =	sand.u32 @!p0 $0x60, s3;
	s11 =	sand.u32 @!p0 $0xFFFFF80, s11  }
0x111: {  	s3 =	sor.u32 @!p0 s3, s11  }
0x112: {  	s20 =	simm.s32 @!p0 $0x100;
	s11 =	sadd.s32 @!p0 s5, s3  }
0x113: {  	[tilespmem:s20], [sflag:$0x3] =	stream.linear.gather @!p0 [hbm4b:s11+s2], $0x80, $0x38;
	[tilespmem:$0x1EA00] =	vst v63  }
0x114: {  	s3 =	sadd.s32 @!p0 s6, s3;
	s11 =	simm.s32 @!p0 $0x600;
	s20 =	simm.s32 $0x13  }
0x115: {  	[tilespmem:s11], [sflag:$0x3] =	stream.linear.gather @!p0 [hbm4b:s3+s2], $0x80, $0x38;
	[tilespmem:$0x1EA00] =	vst v63  }
0x116: {  	_ =	swait.ge [sflag:s20], $0x2000  }
0x117: {  	[sflag:s20] =	ssyncset.done $0x0  }
0x118: {  	[sflag:s20] =	ssyncadd.s32 $0xFFFFE000  }
0x119: {  	_ =	swait.ge [sflag:s28], $0x80  }
0x11a: {  	[sflag:s28] =	ssyncset.done $0x0  }
0x11b: {  	[sflag:s28] =	ssyncadd.s32 $0xFFFFFF80  }
0x11c: {  	_ =	swait.ge [sflag:s28], $0x80  }
0x11d: {  	[sflag:s28] =	ssyncset.done $0x0  }
0x11e: {  	s3 =	sadd.s32 @!p0 $0xFFFFFFB0, s0;
	[sflag:s28] =	ssyncadd.s32 $0xFFFFFF80  }
0x11f: {  	[tilespmem:s8], [sflag:$0xE] =	stream.indirect.gather [hbm4b:s4+s10], $0x80, s29, s10, $0xb8;
	[tilespmem:$0x1EA00] =	vst v63  }
0x120: {  	s11 =	sadd.s32 @!p0 s21, s3;
	_ =	swait.ge [sflag:s30], $0x2000  }
0x121: {  	s3 =	sand.u32 @!p0 $0x70, s3;
	s11 =	sand.u32 @!p0 $0xFFFFF80, s11;
	[sflag:s30] =	ssyncset.done $0x0  }
0x122: {  	s23 =	simm.s32 $0x200;
	s3 =	sor.u32 @!p0 s3, s11;
	[sflag:s30] =	ssyncadd.s32 $0xFFFFE000  }
0x123: {  	[spmem:s1] =	stream.indirect.scatter.add.f32 [tilespmem:s18], [sflag:$0x14], $0x80, s23, s10, $0xb8;
	[tilespmem:$0x1EA00] =	vst v63  }
0x124: {  	s20 =	simm.s32 @!p0 $0x180;
	s11 =	sadd.s32 @!p0 s5, s3  }
0x125: {  	[tilespmem:s20], [sflag:$0x4] =	stream.linear.gather @!p0 [hbm4b:s11+s2], $0x80, $0x38;
	[tilespmem:$0x1EA00] =	vst v63  }
0x126: {  	s26 =	simm.s32 $0x14;
	s3 =	sadd.s32 @!p0 s6, s3;
	s11 =	simm.s32 @!p0 $0x680  }
0x127: {  	[tilespmem:s11], [sflag:$0x4] =	stream.linear.gather @!p0 [hbm4b:s3+s2], $0x80, $0x38;
	[tilespmem:$0x1EA00] =	vst v63  }
0x128: {  	_ =	swait.ge [sflag:s26], $0x2000  }
0x129: {  	[sflag:s26] =	ssyncset.done $0x0  }
0x12a: {  	[sflag:s26] =	ssyncadd.s32 $0xFFFFE000  }
0x12b: {  	_ =	swait.ge [sflag:s14], $0x80  }
0x12c: {  	[sflag:s14] =	ssyncset.done $0x0  }
0x12d: {  	[sflag:s14] =	ssyncadd.s32 $0xFFFFFF80  }
0x12e: {  	_ =	swait.ge [sflag:s14], $0x80  }
0x12f: {  	p1 =	sne.s32 s0, $0x1480;
	[sflag:s14] =	ssyncset.done $0x0  }
0x130: {  	s3 =	simm.s32 $0x980;
	s2 =	sadd.s32 @p1 $0xFFFFFFC0, s0;
	[sflag:s14] =	ssyncadd.s32 $0xFFFFFF80  }
0x131: {  	[tilespmem:s18], [sflag:$0xF] =	stream.indirect.gather [hbm4b:s4+s10], $0x80, s3, s10, $0xb8;
	[tilespmem:$0x1EA00] =	vst v63  }
0x132: {  	s3 =	sadd.s32 @p1 s21, s2;
	_ =	swait.ge [sflag:s12], $0x2000  }
0x133: {  	s2 =	sand.u32 @p1 $0x60, s2;
	s3 =	sand.u32 @p1 $0xFFFFF80, s3;
	[sflag:s12] =	ssyncset.done $0x0  }
0x134: {  	s11 =	simm.s32 $0x280;
	s3 =	sor.u32 @p1 s2, s3;
	[sflag:s12] =	ssyncadd.s32 $0xFFFFE000  }
0x135: {  	[spmem:s1] =	stream.indirect.scatter.add.f32 [tilespmem:s17], [sflag:$0x10], $0x80, s11, s10, $0xb8;
	[tilespmem:$0x1EA00] =	vst v63  }
0x136: {  	s20 =	simm.s32 @p1 $0x200;
	s2 =	simm.s32 @p1 $0x0;
	s11 =	sadd.s32 @p1 s5, s3  }
0x137: {  	[tilespmem:s20], [sflag:$0x5] =	stream.linear.gather @p1 [hbm4b:s11+s2], $0x80, $0x38;
	[tilespmem:$0x1EA00] =	vst v63  }
0x138: {  	s3 =	sadd.s32 @p1 s6, s3;
	s11 =	simm.s32 @p1 $0x700  }
0x139: {  	[tilespmem:s11], [sflag:$0x5] =	stream.linear.gather @p1 [hbm4b:s3+s2], $0x80, $0x38;
	[tilespmem:$0x1EA00] =	vst v63  }
0x13a: {  	s3 =	simm.s32 @p1 $0x10  }
0x13b: {  	_ =	swait.ge @p1 [sflag:s3], $0x2000  }
0x13c: {  	[sflag:s3] =	ssyncset.done @p1 $0x0  }
0x13d: {  	[sflag:s3] =	ssyncadd.s32 @p1 $0xFFFFE000;
	s3 =	simm.s32 @p1 $0x1  }
0x13e: {  	_ =	swait.ge @p1 [sflag:s3], $0x80  }
0x13f: {  	[sflag:s3] =	ssyncset.done @p1 $0x0  }
0x140: {  	[sflag:s3] =	ssyncadd.s32 @p1 $0xFFFFFF80  }
0x141: {  	_ =	swait.ge @p1 [sflag:s3], $0x80  }
0x142: {  	s20 =	simm.s32 @p1 $0xA00;
	[sflag:s3] =	ssyncset.done @p1 $0x0  }
0x143: {  	s11 =	simm.s32 @p1 $0x500;
	[sflag:s3] =	ssyncadd.s32 @p1 $0xFFFFFF80;
	s3 =	simm.s32 @p1 $0x40  }
0x144: {  	[tilespmem:s20], [sflag:$0xB] =	stream.indirect.gather @p1 [hbm4b:s4+s3], $0x80, s11, s3, $0xb8;
	[tilespmem:$0x1EA00] =	vst v63  }
0x145: {  	s11 =	simm.s32 @!p1 $0x10  }
0x146: {  	_ =	swait.ge @!p1 [sflag:s11], $0x2000  }
0x147: {  	[sflag:s11] =	ssyncset.done @!p1 $0x0  }
0x148: {  	[sflag:s11] =	ssyncadd.s32 @!p1 $0xFFFFE000;
	s11 =	sadd.s32 @p1 $0xFFFFFFD0, s0  }
0x149: {  	_ =	swait.ge [sflag:s15], $0x2000;
	s20 =	sadd.s32 @p1 s21, s11  }
0x14a: {  	s11 =	sand.u32 @p1 $0x70, s11;
	[sflag:s15] =	ssyncset.done $0x0;
	s20 =	sand.u32 @p1 $0xFFFFF80, s20  }
0x14b: {  	s17 =	simm.s32 $0x300;
	[sflag:s15] =	ssyncadd.s32 $0xFFFFE000;
	s11 =	sor.u32 @p1 s11, s20  }
0x14c: {  	[spmem:s1] =	stream.indirect.scatter.add.f32 [tilespmem:s13], [sflag:$0x11], $0x80, s17, s10, $0xb8;
	[tilespmem:$0x1EA00] =	vst v63  }
0x14d: {  	s20 =	sadd.s32 @p1 s5, s11;
	s13 =	simm.s32 @p1 $0x280  }
0x14e: {  	[tilespmem:s13], [sflag:$0x6] =	stream.linear.gather @p1 [hbm4b:s20+s2], $0x80, $0x38;
	[tilespmem:$0x1EA00] =	vst v63  }
0x14f: {  	s11 =	sadd.s32 @p1 s6, s11;
	s13 =	simm.s32 @p1 $0x780  }
0x150: {  	[tilespmem:s13], [sflag:$0x6] =	stream.linear.gather @p1 [hbm4b:s11+s2], $0x80, $0x38;
	[tilespmem:$0x1EA00] =	vst v63  }
0x151: {  	s11 =	simm.s32 @p1 $0x11  }
0x152: {  	_ =	swait.ge @p1 [sflag:s11], $0x2000  }
0x153: {  	[sflag:s11] =	ssyncset.done @p1 $0x0  }
0x154: {  	[sflag:s11] =	ssyncadd.s32 @p1 $0xFFFFE000;
	s11 =	simm.s32 @p1 $0x2  }
0x155: {  	_ =	swait.ge @p1 [sflag:s11], $0x80  }
0x156: {  	[sflag:s11] =	ssyncset.done @p1 $0x0  }
0x157: {  	[sflag:s11] =	ssyncadd.s32 @p1 $0xFFFFFF80  }
0x158: {  	_ =	swait.ge @p1 [sflag:s11], $0x80  }
0x159: {  	[sflag:s11] =	ssyncset.done @p1 $0x0  }
0x15a: {  	s13 =	simm.s32 @p1 $0x2A00;
	[sflag:s11] =	ssyncadd.s32 @p1 $0xFFFFFF80;
	s11 =	simm.s32 @p1 $0x580  }
0x15b: {  	[tilespmem:s13], [sflag:$0xC] =	stream.indirect.gather @p1 [hbm4b:s4+s3], $0x80, s11, s3, $0xb8;
	[tilespmem:$0x1EA00] =	vst v63  }
0x15c: {  	s11 =	simm.s32 @!p1 $0x11  }
0x15d: {  	_ =	swait.ge @!p1 [sflag:s11], $0x2000  }
0x15e: {  	[sflag:s11] =	ssyncset.done @!p1 $0x0  }
0x15f: {  	[sflag:s11] =	ssyncadd.s32 @!p1 $0xFFFFE000;
	s11 =	sadd.s32 @p1 s0, s21  }
0x160: {  	_ =	swait.ge [sflag:s22], $0x2000;
	s11 =	sadd.s32 @p1 $0xFFFFFFE0, s11  }
0x161: {  	s13 =	sand.u32 @p1 $0x60, s7;
	[sflag:s22] =	ssyncset.done $0x0;
	s11 =	sand.u32 @p1 $0xFFFFF80, s11  }
0x162: {  	s20 =	simm.s32 $0x380;
	[sflag:s22] =	ssyncadd.s32 $0xFFFFE000;
	s11 =	sor.u32 @p1 s13, s11  }
0x163: {  	[spmem:s1] =	stream.indirect.scatter.add.f32 [tilespmem:s31], [sflag:$0x12], $0x80, s20, s10, $0xb8;
	[tilespmem:$0x1EA00] =	vst v63  }
0x164: {  	s13 =	sadd.s32 @p1 s5, s11;
	s20 =	simm.s32 @p1 $0x300  }
0x165: {  	[tilespmem:s20], [sflag:$0x7] =	stream.linear.gather @p1 [hbm4b:s13+s2], $0x80, $0x38;
	[tilespmem:$0x1EA00] =	vst v63  }
0x166: {  	s11 =	sadd.s32 @p1 s6, s11;
	s13 =	simm.s32 @p1 $0x800  }
0x167: {  	[tilespmem:s13], [sflag:$0x7] =	stream.linear.gather @p1 [hbm4b:s11+s2], $0x80, $0x38;
	[tilespmem:$0x1EA00] =	vst v63  }
0x168: {  	s11 =	simm.s32 @p1 $0x12  }
0x169: {  	_ =	swait.ge @p1 [sflag:s11], $0x2000  }
0x16a: {  	[sflag:s11] =	ssyncset.done @p1 $0x0  }
0x16b: {  	[sflag:s11] =	ssyncadd.s32 @p1 $0xFFFFE000;
	s11 =	simm.s32 @p1 $0x3  }
0x16c: {  	_ =	swait.ge @p1 [sflag:s11], $0x80  }
0x16d: {  	[sflag:s11] =	ssyncset.done @p1 $0x0  }
0x16e: {  	[sflag:s11] =	ssyncadd.s32 @p1 $0xFFFFFF80  }
0x16f: {  	_ =	swait.ge @p1 [sflag:s11], $0x80  }
0x170: {  	[sflag:s11] =	ssyncset.done @p1 $0x0  }
0x171: {  	s13 =	simm.s32 @p1 $0x4A00;
	[sflag:s11] =	ssyncadd.s32 @p1 $0xFFFFFF80;
	s11 =	simm.s32 @p1 $0x600  }
0x172: {  	[tilespmem:s13], [sflag:$0xD] =	stream.indirect.gather @p1 [hbm4b:s4+s3], $0x80, s11, s3, $0xb8;
	[tilespmem:$0x1EA00] =	vst v63  }
0x173: {  	s11 =	simm.s32 @!p1 $0x12  }
0x174: {  	_ =	swait.ge @!p1 [sflag:s11], $0x2000  }
0x175: {  	[sflag:s11] =	ssyncset.done @!p1 $0x0  }
0x176: {  	[sflag:s11] =	ssyncadd.s32 @!p1 $0xFFFFE000  }
0x177: {  	_ =	swait.ge [sflag:s25], $0x2000  }
0x178: {  	[sflag:s25] =	ssyncset.done $0x0  }
0x179: {  	s13 =	simm.s32 $0x400;
	s11 =	sadd.s32 @p1 $0xFFFFFFF0, s0;
	[sflag:s25] =	ssyncadd.s32 $0xFFFFE000  }
0x17a: {  	[spmem:s1] =	stream.indirect.scatter.add.f32 [tilespmem:s8], [sflag:$0x13], $0x80, s13, s10, $0xb8;
	[tilespmem:$0x1EA00] =	vst v63  }
0x17b: {  	s13 =	sadd.s32 @p1 s21, s11  }
0x17c: {  	s11 =	sand.u32 @p1 $0x70, s11;
	s13 =	sand.u32 @p1 $0xFFFFF80, s13  }
0x17d: {  	s11 =	sor.u32 @p1 s11, s13  }
0x17e: {  	s20 =	simm.s32 @p1 $0x380;
	s13 =	sadd.s32 @p1 s5, s11  }
0x17f: {  	[tilespmem:s20], [sflag:$0x8] =	stream.linear.gather @p1 [hbm4b:s13+s2], $0x80, $0x38;
	[tilespmem:$0x1EA00] =	vst v63  }
0x180: {  	s11 =	sadd.s32 @p1 s6, s11;
	s13 =	simm.s32 @p1 $0x880  }
0x181: {  	[tilespmem:s13], [sflag:$0x8] =	stream.linear.gather @p1 [hbm4b:s11+s2], $0x80, $0x38;
	[tilespmem:$0x1EA00] =	vst v63  }
0x182: {  	s2 =	simm.s32 @p1 $0x13  }
0x183: {  	_ =	swait.ge @p1 [sflag:s2], $0x2000  }
0x184: {  	[sflag:s2] =	ssyncset.done @p1 $0x0  }
0x185: {  	[sflag:s2] =	ssyncadd.s32 @p1 $0xFFFFE000;
	s2 =	simm.s32 @p1 $0x4  }
0x186: {  	_ =	swait.ge @p1 [sflag:s2], $0x80  }
0x187: {  	[sflag:s2] =	ssyncset.done @p1 $0x0  }
0x188: {  	[sflag:s2] =	ssyncadd.s32 @p1 $0xFFFFFF80  }
0x189: {  	_ =	swait.ge @p1 [sflag:s2], $0x80  }
0x18a: {  	[sflag:s2] =	ssyncset.done @p1 $0x0  }
0x18b: {  	s11 =	simm.s32 @p1 $0x6A00;
	[sflag:s2] =	ssyncadd.s32 @p1 $0xFFFFFF80;
	s2 =	simm.s32 @p1 $0x680  }
0x18c: {  	[tilespmem:s11], [sflag:$0xE] =	stream.indirect.gather @p1 [hbm4b:s4+s3], $0x80, s2, s3, $0xb8;
	[tilespmem:$0x1EA00] =	vst v63  }
0x18d: {  	s2 =	simm.s32 @!p1 $0x13  }
0x18e: {  	_ =	swait.ge @!p1 [sflag:s2], $0x2000  }
0x18f: {  	[sflag:s2] =	ssyncset.done @!p1 $0x0  }
.Ltmp3:
0x190: {  	[sflag:s2] =	ssyncadd.s32 @!p1 $0xFFFFE000;
	(pc) =	sbr.rel @p0 .LBB2_6-.Ltmp3, $4  }
0x191: {  	s29 =	simm.s32 $0x0;
	s23 =	simm.s32 $0x2A00;
	_ =	swait.ge [sflag:s30], $0x2000  }
0x192: {  	s26 =	simm.s32 $0x4A00;
	s17 =	simm.s32 $0x900;
	[sflag:s30] =	ssyncset.done $0x0  }
0x193: {  	s31 =	simm.s32 $0x6A00;
	s20 =	simm.s32 $0x480;
	[sflag:s30] =	ssyncadd.s32 $0xFFFFE000  }
0x194: {  	[spmem:s1] =	stream.indirect.scatter.add.f32 [tilespmem:s18], [sflag:$0x14], $0x80, s20, s10, $0xb8;
	[tilespmem:$0x1EA00] =	vst v63  }
0x195: {  	s2 =	sadd.s32 s0, s21  }
0x196: {  	s3 =	sand.u32 $0x60, s0;
	s2 =	sand.u32 $0xFFFFF80, s2  }
0x197: {  	s2 =	sor.u32 s3, s2  }
.Ltmp4:
0x198: {  	s8 =	simm.s32 $0x400;
	s3 =	sadd.s32 s5, s2;
	(pc) =	sbr.rel .LBB2_4-.Ltmp4, $4  }
0x199: {  	[tilespmem:s8], [sflag:$0x9] =	stream.linear.gather [hbm4b:s3+s29], $0x80, $0x38;
	[tilespmem:$0x1EA00] =	vst v63  }
0x19a: {  	s7 =	sadd.s32 $0x20, s7;
	s2 =	sadd.s32 s6, s2  }
0x19b: {  	[tilespmem:s17], [sflag:$0x9] =	stream.linear.gather [hbm4b:s2+s29], $0x80, $0x38;
	[tilespmem:$0x1EA00] =	vst v63  }
0x19c: {  	s0 =	sadd.s32 $0xA0, s0;
	s13 =	simm.s32 $0x0;
	s29 =	simm.s32 $0x900  }
.LBB2_7:
0x19d: {  	_ =	sfence.sel $0x180000  }
0x19e: {  	[bflag:$0x0] =	sbarrier.arrive $0xFFFF  }
0x19f: {  	_ =	strace $0x9000004A  }
0x1a0: {  	s0 =	stileid.u32;
	[bflag:$0x2] =	sbarrier.arrive $0xFFFF  }
0x1a1: {  	p0 =	sne.s32 s0, $0x0;
	s0 =	rddreg [dreg:$0x2]  }
0x1a2: {  	s0 =	sadd.s32 @!p0 $0x100000, s0  }
0x1a3: {  	[sflag:s0] =	ssyncadd.tile.s32 @!p0 $0x1;
	_ =	shalt  }
.Lfunc_end2:
_tile_overlayer_lowered:
.L_overlay_start_2:
0x1a4: {  	(tag) =	ssettag $0x2  }
0x1a5: {  	s0 =	rddreg [dreg:$0x0];
	s2 =	stileid.u32  }
0x1a6: {  	s1 =	rddreg [dreg:$0x1];
	p0 =	sne.s32 s2, $0x0  }
0x1a7: {  	s3 =	rddreg [dreg:$0x2];
	[bflag:$0x3] =	sbarrier.arrive $0xFFFF;
	s2 =	simm.s32 @!p0 $0x1C16  }
0x1a8: {  	[timem:s3], [sflag:s2] =	dma.local @!p0 [hbm:s0], s1  }
0x1a9: {  	s0 =	simm.s32 @!p0 $0x16  }
0x1aa: {  	_ =	swait.ge @!p0 [sflag:s0], s1  }
0x1ab: {  	s1 =	ssub.s32 @!p0 $0x0, s1;
	[sflag:s0] =	ssyncset.done @!p0 $0x0  }
0x1ac: {  	[sflag:s0] =	ssyncadd.s32 @!p0 s1  }
0x1ad: {  	[bflag:$0x3] =	sbarrier.arrive $0xFFFF  }
0x1ae: {  	_ =	shalt  }

// kernel: kernel.7.cloned.1.call-start
scs
__scs_entry_jumppad:
0x0: {  	(pc) =	sbr.rel $0x88, $3  }
0x1: {  	(tag) =	ssettag $0x0;
	lr =	simm.s32 $0x1  }
0x2: {  	[smem:$0x3F88] =	sst lr;
	_ =	strace $0xD0000000  }
0x3: {  	_ = 	snop  }
0x4: {  	_ = 	snop  }
0x5: {  	_ = 	snop  }
0x6: {  	_ = 	snop  }
0x7: {  	_ = 	snop  }
__scs_overlays_trampoline_lowered:
0x8: {  	[smem:$0x3F97] =	sst s0  }
0x9: {  	[smem:$0x3F98] =	sst s1  }
0xa: {  	[smem:$0x3F99] =	sst s2  }
0xb: {  	[smem:$0x3F9A] =	sst s3  }
0xc: {  	[smem:$0x3F9B] =	sst s4  }
0xd: {  	[smem:$0x3F9C] =	sst s5  }
0xe: {  	[smem:$0x3F9D] =	sst s6  }
0xf: {  	[smem:$0x3F9E] =	sst s7  }
0x10: {  	[smem:$0x3F9F] =	sst s8  }
0x11: {  	[smem:$0x3FA0] =	sst s9;
	s0 =	simm.s32 @!p0 $0x0  }
0x12: {  	s1 =	sld [smem:$0x3F86];
	s0 =	simm.s32 @p0 $0x1  }
0x13: {  	[smem:$0x3FA1] =	sst s0;
	s0 =	simm.s32 @!p1 $0x0  }
0x14: {  	s2 =	sld [smem:$0x3F85];
	s0 =	simm.s32 @p1 $0x1  }
0x15: {  	[smem:$0x3FA2] =	sst s0;
	s0 =	simm.s32 @!p2 $0x0  }
0x16: {  	s3 =	sld [smem:$0x3FDB];
	s0 =	simm.s32 @p2 $0x1  }
0x17: {  	s4 =	simm.s32 $0x1BF5;
	[smem:$0x3FA4] =	sst s0  }
0x18: {  	s0 =	sld [smem:$0x3F87];
	_ =	swait.ge [sflag:s4], $0x0  }
0x19: {  	s7 =	sld [smem:$0x3F88]  }
0x1a: {  	s8 =	sadd.s32 $0xFFFFE003, lr  }
0x1b: {  	s9 =	sadd.s32 $0xFFFFFEF7, lr;
	s5 =	simm.s32 $0xFFFFFFFF;
	p2 =	slt.u32 s8, $0xFFFFF086  }
0x1c: {  	p1 =	slt.u32 s9, $0xF7A;
	s5 =	simm.s32 @!p2 $0x0  }
0x1d: {  	s5 =	simm.s32 @p1 $0x1;
	p0 =	seq.s32 s7, s2  }
0x1e: {  	s7 =	smul.u32 @!p0 $0xF7A, s2;
	p2 =	seq.s32 @!p0 s5, $0x0  }
0x1f: {  	s9 =	smul.u32 $0xF7A, s1;
	s8 =	simm.s32 @!p0 $0x1BF5;
	p2 =	por !p2, p0  }
0x20: {  	[sflag:s8] =	ssyncset.s32 @!p0 $0xFFFFF086;
	s6 =	sadd.s32 @!p0 s3, s7;
	s7 =	simm.s32 @!p0 $0x108  }
0x21: {  	s3 =	sadd.s32 s3, s9;
	s6 =	sadd.s32 @!p0 $0x88, s6;
	s7 =	simm.s32 @p2 $0x1082  }
0x22: {  	[simem:s7], [sflag:s8] =	dma.local @!p0 [hbm:s6], $0xF7A  }
0x23: {  	s9 =	sor.u32 $0xD0000000, s2;
	s6 =	simm.s32 $0x108;
	_ =	swait.ge @!p0 [sflag:s8], $0x0  }
0x24: {  	s3 =	sadd.s32 $0x88, s3;
	s6 =	simm.s32 @!p1 $0x1082;
	[sflag:s4] =	ssyncset.s32 $0xFFFFF086  }
0x25: {  	[simem:s6], [sflag:s4] =	dma.local [hbm:s3], $0xF7A  }
0x26: {  	[smem:$0x3F88] =	sst s1;
	(tag) =	ssettag s2;
	_ =	strace s9  }
0x27: {  	s1 =	sld [smem:$0x3F98]  }
0x28: {  	s2 =	sld [smem:$0x3F99]  }
0x29: {  	s4 =	sld [smem:$0x3F9B]  }
0x2a: {  	p0 =	seq.s32 s5, $0x0;
	s5 =	sld [smem:$0x3F9C]  }
0x2b: {  	s6 =	sld [smem:$0x3F9D]  }
0x2c: {  	s7 =	sld [smem:$0x3F9E]  }
0x2d: {  	s3 =	simm.s32 $0x108;
	s8 =	sld [smem:$0x3F9F]  }
0x2e: {  	s3 =	simm.s32 @!p0 $0x1082;
	s9 =	sld [smem:$0x3FA0]  }
0x2f: {  	lr =	sadd.s32 s0, s3;
	s0 =	sld [smem:$0x3F97]  }
0x30: {  	s3 =	sld [smem:$0x3F9A]  }
0x31: {  	[smem:$0x3FA3] =	sst s10  }
0x32: {  	s10 =	sld [smem:$0x3FA1];
	_ =	sdelay $0x3  }
0x33: {  	p0 =	seq.s32 s10, $0x1;
	s10 =	sld [smem:$0x3FA3];
	_ =	sdelay $0x3  }
0x34: {  	[smem:$0x3FA3] =	sst s10  }
0x35: {  	s10 =	sld [smem:$0x3FA2];
	_ =	sdelay $0x3  }
0x36: {  	p1 =	seq.s32 s10, $0x1;
	s10 =	sld [smem:$0x3FA3];
	_ =	sdelay $0x3  }
0x37: {  	[smem:$0x3FA3] =	sst s10  }
0x38: {  	s10 =	sld [smem:$0x3FA4]  }
0x39: {  	_ = 	snop;
	(pc) =	sbr.ind lr, $3  }
0x3a: {  	_ = 	snop  }
0x3b: {  	_ = 	snop  }
0x3c: {  	p2 =	seq.s32 s10, $0x1;
	s10 =	sld [smem:$0x3FA3]  }
0x3d: {  	_ =	shalt  }
0x3e: {  	_ =	shalt  }
0x3f: {  	_ =	shalt  }
0x40: {  	_ =	shalt  }
0x41: {  	_ =	shalt  }
0x42: {  	_ =	shalt  }
0x43: {  	_ =	shalt  }
0x44: {  	_ =	shalt  }
0x45: {  	_ =	shalt  }
0x46: {  	_ =	shalt  }
0x47: {  	_ =	shalt  }
0x48: {  	_ =	shalt  }
0x49: {  	_ =	shalt  }
0x4a: {  	_ =	shalt  }
0x4b: {  	_ =	shalt  }
0x4c: {  	_ =	shalt  }
0x4d: {  	_ =	shalt  }
0x4e: {  	_ =	shalt  }
0x4f: {  	_ =	shalt  }
0x50: {  	_ =	shalt  }
0x51: {  	_ =	shalt  }
0x52: {  	_ =	shalt  }
0x53: {  	_ =	shalt  }
0x54: {  	_ =	shalt  }
0x55: {  	_ =	shalt  }
0x56: {  	_ =	shalt  }
0x57: {  	_ =	shalt  }
0x58: {  	_ =	shalt  }
0x59: {  	_ =	shalt  }
0x5a: {  	_ =	shalt  }
0x5b: {  	_ =	shalt  }
0x5c: {  	_ =	shalt  }
0x5d: {  	_ =	shalt  }
0x5e: {  	_ =	shalt  }
0x5f: {  	_ =	shalt  }
0x60: {  	_ =	shalt  }
0x61: {  	_ =	shalt  }
0x62: {  	_ =	shalt  }
0x63: {  	_ =	shalt  }
0x64: {  	_ =	shalt  }
0x65: {  	_ =	shalt  }
0x66: {  	_ =	shalt  }
0x67: {  	_ =	shalt  }
0x68: {  	_ =	shalt  }
0x69: {  	_ =	shalt  }
0x6a: {  	_ =	shalt  }
0x6b: {  	_ =	shalt  }
0x6c: {  	_ =	shalt  }
0x6d: {  	_ =	shalt  }
0x6e: {  	_ =	shalt  }
0x6f: {  	_ =	shalt  }
0x70: {  	_ =	shalt  }
0x71: {  	_ =	shalt  }
0x72: {  	_ =	shalt  }
0x73: {  	_ =	shalt  }
0x74: {  	_ =	shalt  }
0x75: {  	_ =	shalt  }
0x76: {  	_ =	shalt  }
0x77: {  	_ =	shalt  }
0x78: {  	_ =	shalt  }
0x79: {  	_ =	shalt  }
0x7a: {  	_ =	shalt  }
0x7b: {  	_ =	shalt  }
0x7c: {  	_ =	shalt  }
0x7d: {  	_ =	shalt  }
0x7e: {  	_ =	shalt  }
0x7f: {  	_ =	shalt  }
0x80: {  	_ =	shalt  }
0x81: {  	_ =	shalt  }
0x82: {  	_ =	shalt  }
0x83: {  	_ =	shalt  }
0x84: {  	_ =	shalt  }
0x85: {  	_ =	shalt  }
0x86: {  	_ =	shalt  }
0x87: {  	_ =	shalt  }
.Lfunc_end0:
.L_simem_size_0:
called_computation_lowered:
.L_overlay_start_0:
0x88: {  	s2 =	sld [smem:$0x3FD9]  }
0x89: {  	s3 =	sld [smem:$0x3FFE];
	_ =	sdelay $0x1  }
0x8a: {  	s1 =	srdreg.scid  }
0x8b: {  	s0 =	sand.u32 $0x1, s1  }
0x8c: {  	s16 =	sshll.u32 s0, $0xA;
	s2 =	sadd.s32 s3, s2  }
0x8d: {  	s2 =	sadd.s32 s2, s16  }
0x8e: {  	[smem:$0x3FAF] =	sst s2  }
0x8f: {  	_ = 	snop  }
0x90: {  	(tm) =	ssettm $0x1  }
0x91: {  	s17 =	sld [smem:$0x3FFB];
	_ =	sdelay $0x3  }
0x92: {  	_ =	strace s17  }
0x93: {  	s2 =	sld [smem:$0x3FFC];
	_ =	sdelay $0x3  }
0x94: {  	_ =	strace s2  }
0x95: {  	s2 =	sld [smem:$0x3FFD];
	_ =	sdelay $0x3  }
0x96: {  	_ =	strace s2  }
0x97: {  	_ =	strace $0x8FFFFFFF  }
0x98: {  	s18 =	sld [smem:$0x3FDB];
	_ =	sdelay $0x1  }
0x99: {  	s19 =	simm.s32 $_scs_section_size  }
0x9a: {  	s4 =	simm.s32 $_size__tile_overlayer_lowered;
	s5 =	simm.s32 $_tile_overlayer_lowered  }
0x9b: {  	s22 =	simm.s32 $0x1BFF;
	s21 =	sshll.u32 s5, $0x1;
	s2 =	sadd.s32 s19, s18  }
0x9c: {  	s6 =	simm.s32 $0x0;
	s20 =	sshll.u32 s4, $0x1;
	s4 =	sadd.s32 s21, s2  }
0x9d: {  	[timem:s6], [sflag:s22] =	dma.local [hbm:s4], s20  }
0x9e: {  	_ =	swait.ge [sflag:s22], s20  }
0x9f: {  	s3 =	ssub.s32 $0x0, s20;
	[sflag:s22] =	ssyncset.done $0x0  }
0xa0: {  	[sflag:s22] =	ssyncadd.s32 s3;
	_ =	sdelay $0x1  }
0xa1: {  	s23 =	simm.s32 $0x1B8B  }
0xa2: {  	_ =	swait.ge [sflag:s23], $0x1  }
0xa3: {  	[sflag:s23] =	ssyncset.done $0x0  }
0xa4: {  	s25 =	simm.s32 $0x1B8E;
	s24 =	sld [smem:$0x3FFE];
	[sflag:s23] =	ssyncadd.s32 $0xFFFFFFFF  }
0xa5: {  	s26 =	simm.s32 $execute0_lowered;
	[smem:$0x3FD2] =	sst s25  }
0xa6: {  	s4 =	sshll.u32 s26, $0x1;
	_ =	strace $0x80000046;
	[dreg:$0x1] =	wrdreg $0xFFFFFFFF  }
0xa7: {  	s28 =	simm.s32 $_size_execute0_lowered;
	s2 =	sadd.s32 s2, s4;
	[dreg:$0x0] =	wrdreg $0x0  }
0xa8: {  	s4 =	sshll.u32 s28, $0x1;
	[dreg:$0x2] =	wrdreg s2  }
0xa9: {  	[dreg:$0x3] =	wrdreg s4  }
0xaa: {  	[dreg:$0x4] =	wrdreg $0xC0  }
0xab: {  	_ =	task [dreg:s6], $0x5FFFF  }
0xac: {  	[dreg:$0x1] =	wrdreg $0xFFFFFFFF  }
0xad: {  	[dreg:$0x0] =	wrdreg $0x60  }
0xae: {  	[dreg:$0x2] =	wrdreg s24  }
0xaf: {  	[dreg:$0x3] =	wrdreg $0xAA000  }
0xb0: {  	[dreg:$0x4] =	wrdreg $0x9  }
0xb1: {  	_ =	task.clear_ibuf [dreg:s6], $0x5FFFF;
	_ =	strace $0x90000046  }
0xb2: {  	s29 =	simm.s32 $0x9;
	_ =	strace $0x80000048  }
0xb3: {  	_ =	swait.ge [sflag:s29], $0x1  }
0xb4: {  	[sflag:s29] =	ssyncadd.s32 $0xFFFFFFFF  }
0xb5: {  	_ =	strace $0x90000048  }
0xb6: {  	_ =	sfence  }
0xb7: {  	s30 =	sld [smem:$0x0];
	_ =	sdelay $0x2  }
0xb8: {  	s31 =	sshll.u32 s1, $0xD;
	s1 =	sshrl.u32 s1, $0x2  }
0xb9: {  	s3 =	sand.u32 $0x4000, s31;
	s1 =	sadd.s32 s1, s30  }
0xba: {  	s0 =	sor.u32 s3, s0;
	s1 =	sshll.u32 s1, $0x11  }
0xbb: {  	s0 =	sor.u32 s1, s0  }
0xbc: {  	s0 =	sadd.s32 $0x8F2B, s0  }
0xbd: {  	[sflag:s0] =	ssyncadd.remote.s32 $0x1  }
0xbe: {  	_ =	sfence.sel $0xFFFF  }
0xbf: {  	[dreg:$0x0] =	wrdreg $0xFFFFFFFF;
	(pc) =	sbr.abs _section_cstart, $3  }
0xc0: {  	[dreg:$0x1] =	wrdreg $0xFFFFFFFF  }
0xc1: {  	_ =	task.clear_ibuf [dreg:s6], $0x2FFFF;
	_ =	strace $0x9FFFFFFF  }
0xc2: {  	(tm) =	ssettm $0x7FFFFFFF  }
0xc3: {  	_ =	shalt  }
tec
execute0_lowered:
.L_overlay_start_1:
0x0: {  	(tag) =	ssettag $0x1  }
0x1: {  	s0 =	rddreg [dreg:$0x0]  }
0x2: {  	s1 =	rddreg [dreg:$0x1]  }
0x3: {  	s2 =	srdreg.scid;
	s11 =	stileid.u32  }
0x4: {  	s2 =	sand.u32 $0x1, s2;
	s3 =	smul.u32 $0x2800, s11;
	s4 =	sshll.u32 s11, $0x1  }
0x5: {  	s13 =	simm.s32 $0x0;
	s7 =	smul.u32 $0x28000, s2;
	s6 =	sor.u32 s2, s4  }
0x6: {  	[smem:$0x7FF] =	sst s13;
	s5 =	sadd.s32 $0x4400, s0;
	s8 =	smul.u32 $0x1400, s6  }
0x7: {  	_ =	strace $0x80000047;
	s4 =	sadd.s32 $0x54400, s0;
	s9 =	ssub.s32 $0x2, s2  }
0x8: {  	s6 =	sadd.s32 $0x2C400, s0;
	s7 =	sadd.s32 s3, s7;
	s10 =	sor.u32 $0x10, s8  }
0x9: {  	s26 =	sshrl.u32 s9, $0x1;
	s0 =	sadd.s32 s7, s0;
	s12 =	sadd.s32 s5, s10  }
0xa: {  	s14 =	sor.u32 $0x20, s8;
	s10 =	sadd.s32 s6, s10;
	[dreg:$0x3] =	wrdreg s12  }
0xb: {  	s7 =	ssub.s32 s9, s26;
	s15 =	sadd.s32 s5, s14;
	[dreg:$0x4] =	wrdreg s10  }
0xc: {  	s16 =	sor.u32 $0x30, s8;
	s9 =	sadd.s32 s6, s14;
	[dreg:$0x5] =	wrdreg s15  }
0xd: {  	s18 =	sor.u32 $0x40, s8;
	s17 =	sadd.s32 s5, s16;
	[dreg:$0x6] =	wrdreg s9  }
0xe: {  	s20 =	sor.u32 $0x50, s8;
	s19 =	sadd.s32 s5, s18;
	[dreg:$0x7] =	wrdreg s17  }
0xf: {  	s21 =	sadd.s32 s5, s20;
	[dreg:$0x9] =	wrdreg s19  }
0x10: {  	s24 =	sor.u32 $0x70, s8;
	s22 =	sadd.s32 s6, s20;
	[dreg:$0xb] =	wrdreg s21  }
0x11: {  	s25 =	sadd.s32 s5, s24;
	[dreg:$0xc] =	wrdreg s22  }
0x12: {  	s26 =	sadd.s32 s6, s24;
	[dreg:$0xf] =	wrdreg s25  }
0x13: {  	s14 =	sadd.s32 s6, s8;
	[dreg:$0x10] =	wrdreg s26  }
0x14: {  	s0 =	sadd.s32 $0x7B600, s0;
	[dreg:$0x14] =	wrdreg s14  }
0x15: {  	s10 =	sadd.s32 s6, s16;
	[dreg:$0x18] =	wrdreg s0  }
0x16: {  	s23 =	sor.u32 $0x60, s8;
	s9 =	sadd.s32 s6, s18;
	[dreg:$0x8] =	wrdreg s10  }
0x17: {  	s29 =	simm.s32 $0x400;
	s12 =	sadd.s32 s5, s23;
	[dreg:$0xa] =	wrdreg s9  }
0x18: {  	s11 =	smul.u32 $0x50000, s11;
	s16 =	smax.u32 s7, $0x1;
	[dreg:$0xd] =	wrdreg s12  }
0x19: {  	s2 =	smul.u32 $0x1400, s2;
	s9 =	sadd.s32 s6, s23;
	[dreg:$0x19] =	wrdreg s16  }
0x1a: {  	s15 =	sor.u32 $0x90, s8;
	s12 =	sadd.s32 s5, s8;
	[dreg:$0xe] =	wrdreg s9  }
0x1b: {  	s21 =	sadd.s32 s2, s3;
	s3 =	sadd.s32 s6, s15;
	[dreg:$0x13] =	wrdreg s12  }
0x1c: {  	s9 =	sor.u32 $0x80, s8;
	s8 =	sadd.s32 s5, s15;
	[dreg:$0x16] =	wrdreg s3  }
0x1d: {  	s31 =	simm.s32 $0x6A00;
	s2 =	sadd.s32 s6, s9;
	[dreg:$0x15] =	wrdreg s8  }
0x1e: {  	s10 =	sadd.s32 s5, s9;
	[dreg:$0x12] =	wrdreg s2;
	s2 =	sshrl.u32 s11, $0x2  }
0x1f: {  	s28 =	simm.s32 $0x9;
	[dreg:$0x11] =	wrdreg s10;
	s3 =	sadd.s32 s2, s1  }
0x20: {  	s30 =	simm.s32 $0xF;
	s17 =	sadd.s32 $0x2000, s3;
	[dreg:$0x17] =	wrdreg s3  }
0x21: {  	s7 =	simm.s32 $0x500;
	s18 =	sadd.s32 $0x4000, s3;
	[dreg:$0x1a] =	wrdreg s17  }
0x22: {  	s14 =	simm.s32 $0xA;
	s19 =	sadd.s32 $0x6000, s3;
	[dreg:$0x1b] =	wrdreg s18  }
0x23: {  	s16 =	simm.s32 $0x6;
	s20 =	sadd.s32 $0x8000, s3;
	[dreg:$0x1c] =	wrdreg s19  }
0x24: {  	s12 =	simm.s32 $0xB;
	s22 =	sadd.s32 $0xA000, s3;
	[dreg:$0x1d] =	wrdreg s20  }
0x25: {  	s15 =	simm.s32 $0xC;
	s23 =	sadd.s32 $0xC000, s3;
	[dreg:$0x1e] =	wrdreg s22  }
0x26: {  	s9 =	simm.s32 $0x5;
	s24 =	sadd.s32 $0xE000, s3;
	[dreg:$0x1f] =	wrdreg s23  }
0x27: {  	s8 =	simm.s32 $0x0;
	s25 =	sadd.s32 $0x10000, s3;
	[smem:$0x7FB] =	sst s24  }
.Ltmp0:
0x28: {  	s26 =	sadd.s32 $0x12000, s3;
	[smem:$0x7FC] =	sst s25;
	(pc) =	sbr.rel .LBB2_1-.Ltmp0, $4  }
0x29: {  	s11 =	simm.s32 $0x580;
	s10 =	simm.s32 $0x40;
	[smem:$0x7FD] =	sst s26  }
0x2a: {  	s20 =	simm.s32 $0x600;
	s17 =	simm.s32 $0x680;
	s23 =	simm.s32 $0x2A00  }
0x2b: {  	s26 =	simm.s32 $0x4A00;
	s18 =	simm.s32 $0x8A00;
	s19 =	simm.s32 $0x7  }
0x2c: {  	v0 =	vimm.f32 $0.0e+00;
	s22 =	simm.s32 $0xD;
	s24 =	simm.s32 $0x8;
	s25 =	simm.s32 $0xE  }
.LBB2_6:
0x2d: {  	s0 =	simm.s32 $0x14  }
0x2e: {  	_ =	swait.ge [sflag:s0], $0x2000  }
0x2f: {  	[sflag:s0] =	ssyncset.done $0x0  }
0x30: {  	[sflag:s0] =	ssyncadd.s32 $0xFFFFE000  }
0x31: {  	s13 =	stileid.u32;
	[bflag:$0x0] =	sbarrier.arrive $0xFFFF  }
0x32: {  	s17 =	simm.s32 $0x16;
	s0 =	sshll.u32 s13, $0x6;
	s3 =	rddreg [dreg:$0x17]  }
0x33: {  	s0 =	sor.u32 $0x1C16, s0;
	s7 =	rddreg [dreg:$0x18];
	s2 =	sshrl.u32 s3, $0x3  }
0x34: {  	[hbm:s7], [sflag:s0] =	dma.local [spmem:s2], $0x2800  }
0x35: {  	_ =	swait.ge [sflag:s17], $0x2800  }
0x36: {  	s8 =	sld [smem:$0x7FA];
	_ =	sdelay $0x2  }
0x37: {  	s20 =	rddreg [dreg:$0x19];
	s8 =	sadd.s32 $0x1, s8  }
0x38: {  	p0 =	sne.s32 s8, s20  }
.Ltmp1:
0x39: {  	_ = 	snop;
	(pc) =	sbr.rel @!p0 .LBB2_7-.Ltmp1, $4  }
0x3a: {  	_ = 	snop  }
0x3b: {  	s29 =	simm.s32 $0x400;
	s11 =	simm.s32 $0x580  }
0x3c: {  	s13 =	simm.s32 $0x0;
	s7 =	simm.s32 $0x500;
	[sflag:s17] =	ssyncset.done $0x0  }
0x3d: {  	[sflag:s17] =	ssyncadd.s32 $0xFFFFD800;
	s17 =	simm.s32 $0x680;
	s20 =	simm.s32 $0x600  }
.LBB2_1:
0x3e: {  	[smem:$0x7FA] =	sst s8  }
0x3f: {  	s0 =	rddreg [dreg:$0x13]  }
0x40: {  	[tilespmem:s13], [sflag:$0x1] =	stream.linear.gather [hbm4b:s0+s13], $0x80, $0x38;
	[tilespmem:$0x1EA00] =	vst v63  }
0x41: {  	s2 =	rddreg [dreg:$0x14]  }
0x42: {  	[tilespmem:s7], [sflag:$0x1] =	stream.linear.gather [hbm4b:s2+s13], $0x80, $0x38;
	[tilespmem:$0x1EA00] =	vst v63  }
0x43: {  	s8 =	rddreg [dreg:$0x3];
	s2 =	simm.s32 $0x80  }
0x44: {  	[tilespmem:s2], [sflag:$0x2] =	stream.linear.gather [hbm4b:s8+s13], $0x80, $0x38;
	[tilespmem:$0x1EA00] =	vst v63  }
0x45: {  	s8 =	rddreg [dreg:$0x4]  }
0x46: {  	[tilespmem:s11], [sflag:$0x2] =	stream.linear.gather [hbm4b:s8+s13], $0x80, $0x38;
	[tilespmem:$0x1EA00] =	vst v63  }
0x47: {  	s2 =	rddreg [dreg:$0x5];
	s8 =	simm.s32 $0x100  }
0x48: {  	[tilespmem:s8], [sflag:$0x3] =	stream.linear.gather [hbm4b:s2+s13], $0x80, $0x38;
	[tilespmem:$0x1EA00] =	vst v63  }
0x49: {  	s8 =	rddreg [dreg:$0x6]  }
0x4a: {  	[tilespmem:s20], [sflag:$0x3] =	stream.linear.gather [hbm4b:s8+s13], $0x80, $0x38;
	[tilespmem:$0x1EA00] =	vst v63  }
0x4b: {  	s2 =	rddreg [dreg:$0x7];
	s8 =	simm.s32 $0x180  }
0x4c: {  	[tilespmem:s8], [sflag:$0x4] =	stream.linear.gather [hbm4b:s2+s13], $0x80, $0x38;
	[tilespmem:$0x1EA00] =	vst v63  }
0x4d: {  	s8 =	rddreg [dreg:$0x8]  }
0x4e: {  	[tilespmem:s17], [sflag:$0x4] =	stream.linear.gather [hbm4b:s8+s13], $0x80, $0x38;
	[tilespmem:$0x1EA00] =	vst v63  }
0x4f: {  	s2 =	rddreg [dreg:$0x9];
	s8 =	simm.s32 $0x200  }
0x50: {  	[tilespmem:s8], [sflag:$0x5] =	stream.linear.gather [hbm4b:s2+s13], $0x80, $0x38;
	[tilespmem:$0x1EA00] =	vst v63  }
0x51: {  	s2 =	rddreg [dreg:$0xa];
	s8 =	simm.s32 $0x700  }
0x52: {  	[tilespmem:s8], [sflag:$0x5] =	stream.linear.gather [hbm4b:s2+s13], $0x80, $0x38;
	[tilespmem:$0x1EA00] =	vst v63  }
0x53: {  	s2 =	rddreg [dreg:$0xb];
	s8 =	simm.s32 $0x280  }
0x54: {  	[tilespmem:s8], [sflag:$0x6] =	stream.linear.gather [hbm4b:s2+s13], $0x80, $0x38;
	[tilespmem:$0x1EA00] =	vst v63  }
0x55: {  	s2 =	rddreg [dreg:$0xc];
	s8 =	simm.s32 $0x780  }
0x56: {  	[tilespmem:s8], [sflag:$0x6] =	stream.linear.gather [hbm4b:s2+s13], $0x80, $0x38;
	[tilespmem:$0x1EA00] =	vst v63  }
0x57: {  	s2 =	rddreg [dreg:$0xd];
	s8 =	simm.s32 $0x300  }
0x58: {  	[tilespmem:s8], [sflag:$0x7] =	stream.linear.gather [hbm4b:s2+s13], $0x80, $0x38;
	[tilespmem:$0x1EA00] =	vst v63  }
0x59: {  	s2 =	rddreg [dreg:$0xe];
	s8 =	simm.s32 $0x800  }
0x5a: {  	[tilespmem:s8], [sflag:$0x7] =	stream.linear.gather [hbm4b:s2+s13], $0x80, $0x38;
	[tilespmem:$0x1EA00] =	vst v63  }
0x5b: {  	s2 =	rddreg [dreg:$0xf];
	s8 =	simm.s32 $0x380  }
0x5c: {  	[tilespmem:s8], [sflag:$0x8] =	stream.linear.gather [hbm4b:s2+s13], $0x80, $0x38;
	[tilespmem:$0x1EA00] =	vst v63  }
0x5d: {  	s2 =	rddreg [dreg:$0x10];
	s8 =	simm.s32 $0x880  }
0x5e: {  	[tilespmem:s8], [sflag:$0x8] =	stream.linear.gather [hbm4b:s2+s13], $0x80, $0x38;
	[tilespmem:$0x1EA00] =	vst v63  }
0x5f: {  	s2 =	rddreg [dreg:$0x11]  }
0x60: {  	[tilespmem:s29], [sflag:$0x9] =	stream.linear.gather [hbm4b:s2+s13], $0x80, $0x38;
	[tilespmem:$0x1EA00] =	vst v63  }
0x61: {  	s8 =	rddreg [dreg:$0x12];
	s29 =	simm.s32 $0x900  }
0x62: {  	[tilespmem:s29], [sflag:$0x9] =	stream.linear.gather [hbm4b:s8+s13], $0x80, $0x38;
	[tilespmem:$0x1EA00] =	vst v63  }
0x63: {  	s2 =	rddreg [dreg:$0x15];
	s8 =	simm.s32 $0x480  }
0x64: {  	[tilespmem:s8], [sflag:$0xA] =	stream.linear.gather [hbm4b:s2+s13], $0x80, $0x38;
	[tilespmem:$0x1EA00] =	vst v63  }
0x65: {  	s2 =	rddreg [dreg:$0x16];
	s8 =	simm.s32 $0x980  }
0x66: {  	[tilespmem:s8], [sflag:$0xA] =	stream.linear.gather [hbm4b:s2+s13], $0x80, $0x38;
	[tilespmem:$0x1EA00] =	vst v63  }
0x67: {  	s0 =	simm.s32 $0x0;
	s2 =	simm.s32 $0x200  }
.LBB2_2:
0x68: {  	p0 =	sne.s32 s2, $0x7E00;
	[tilespmem:s0+$0xA70] =	vst v0  }
0x69: {  	[tilespmem:s0+$0xA00] =	vst v0  }
0x6a: {  	[tilespmem:s0+$0xA10] =	vst v0  }
.Ltmp2:
0x6b: {  	[tilespmem:s0+$0xA20] =	vst v0;
	(pc) =	sbr.rel @p0 .LBB2_2-.Ltmp2, $4  }
0x6c: {  	[tilespmem:s0+$0xA30] =	vst v0  }
0x6d: {  	[tilespmem:s0+$0xA40] =	vst v0  }
0x6e: {  	[tilespmem:s0+$0xA50] =	vst v0  }
0x6f: {  	[tilespmem:s0+$0xA60] =	vst v0;
	s0 =	sshra.s32 s2, $0x2;
	s2 =	sadd.s32 $0x200, s2  }
0x70: {  	[tilespmem:s0+$0xA70] =	vst v0  }
0x71: {  	[tilespmem:s0+$0xA00] =	vst v0  }
0x72: {  	[tilespmem:s0+$0xA10] =	vst v0  }
0x73: {  	[tilespmem:s0+$0xA20] =	vst v0  }
0x74: {  	[tilespmem:s0+$0xA30] =	vst v0  }
0x75: {  	[tilespmem:s0+$0xA40] =	vst v0  }
0x76: {  	[tilespmem:s0+$0xA50] =	vst v0  }
0x77: {  	[tilespmem:s0+$0xA60] =	vst v0;
	s2 =	simm.s32 $0xA00;
	s8 =	rddreg [dreg:$0x1b]  }
0x78: {  	[spmem:s3] =	stream.linear.scatter [tilespmem:s2], [sflag:$0x15], $0x2000, $0x38;
	[tilespmem:$0x1EA00] =	vst v63  }
0x79: {  	s3 =	rddreg [dreg:$0x1a]  }
0x7a: {  	[spmem:s3] =	stream.linear.scatter [tilespmem:s2], [sflag:$0x15], $0x2000, $0x38;
	[tilespmem:$0x1EA00] =	vst v63  }
0x7b: {  	s3 =	rddreg [dreg:$0x1c]  }
0x7c: {  	[spmem:s8] =	stream.linear.scatter [tilespmem:s2], [sflag:$0x15], $0x2000, $0x38;
	[tilespmem:$0x1EA00] =	vst v63  }
0x7d: {  	s8 =	rddreg [dreg:$0x1d]  }
0x7e: {  	[spmem:s3] =	stream.linear.scatter [tilespmem:s2], [sflag:$0x15], $0x2000, $0x38;
	[tilespmem:$0x1EA00] =	vst v63  }
0x7f: {  	s3 =	rddreg [dreg:$0x1e]  }
0x80: {  	[spmem:s8] =	stream.linear.scatter [tilespmem:s2], [sflag:$0x15], $0x2000, $0x38;
	[tilespmem:$0x1EA00] =	vst v63  }
0x81: {  	s8 =	rddreg [dreg:$0x1f]  }
0x82: {  	[spmem:s3] =	stream.linear.scatter [tilespmem:s2], [sflag:$0x15], $0x2000, $0x38;
	[tilespmem:$0x1EA00] =	vst v63  }
0x83: {  	s3 =	sld [smem:$0x7FB]  }
0x84: {  	[spmem:s8] =	stream.linear.scatter [tilespmem:s2], [sflag:$0x15], $0x2000, $0x38;
	[tilespmem:$0x1EA00] =	vst v63  }
0x85: {  	s8 =	sld [smem:$0x7FC]  }
0x86: {  	[spmem:s3] =	stream.linear.scatter [tilespmem:s2], [sflag:$0x15], $0x2000, $0x38;
	[tilespmem:$0x1EA00] =	vst v63  }
0x87: {  	s3 =	sld [smem:$0x7FD]  }
0x88: {  	[spmem:s8] =	stream.linear.scatter [tilespmem:s2], [sflag:$0x15], $0x2000, $0x38;
	[tilespmem:$0x1EA00] =	vst v63  }
0x89: {  	s8 =	simm.s32 $0x15  }
0x8a: {  	[spmem:s3] =	stream.linear.scatter [tilespmem:s2], [sflag:$0x15], $0x2000, $0x38;
	[tilespmem:$0x1EA00] =	vst v63  }
0x8b: {  	_ =	swait.ge [sflag:s8], $0x2000  }
0x8c: {  	[sflag:s8] =	ssyncset.done $0x0  }
0x8d: {  	[sflag:s8] =	ssyncadd.s32 $0xFFFFE000  }
0x8e: {  	_ =	swait.ge [sflag:s8], $0x2000  }
0x8f: {  	[sflag:s8] =	ssyncset.done $0x0  }
0x90: {  	[sflag:s8] =	ssyncadd.s32 $0xFFFFE000  }
0x91: {  	_ =	swait.ge [sflag:s8], $0x2000  }
0x92: {  	[sflag:s8] =	ssyncset.done $0x0  }
0x93: {  	[sflag:s8] =	ssyncadd.s32 $0xFFFFE000  }
0x94: {  	_ =	swait.ge [sflag:s8], $0x2000  }
0x95: {  	[sflag:s8] =	ssyncset.done $0x0  }
0x96: {  	[sflag:s8] =	ssyncadd.s32 $0xFFFFE000  }
0x97: {  	_ =	swait.ge [sflag:s8], $0x2000  }
0x98: {  	[sflag:s8] =	ssyncset.done $0x0  }
0x99: {  	[sflag:s8] =	ssyncadd.s32 $0xFFFFE000  }
0x9a: {  	_ =	swait.ge [sflag:s8], $0x2000  }
0x9b: {  	[sflag:s8] =	ssyncset.done $0x0  }
0x9c: {  	[sflag:s8] =	ssyncadd.s32 $0xFFFFE000  }
0x9d: {  	_ =	swait.ge [sflag:s8], $0x2000  }
0x9e: {  	[sflag:s8] =	ssyncset.done $0x0  }
0x9f: {  	[sflag:s8] =	ssyncadd.s32 $0xFFFFE000  }
0xa0: {  	_ =	swait.ge [sflag:s8], $0x2000  }
0xa1: {  	[sflag:s8] =	ssyncset.done $0x0  }
0xa2: {  	[sflag:s8] =	ssyncadd.s32 $0xFFFFE000  }
0xa3: {  	_ =	swait.ge [sflag:s8], $0x2000  }
0xa4: {  	[sflag:s8] =	ssyncset.done $0x0  }
0xa5: {  	[sflag:s8] =	ssyncadd.s32 $0xFFFFE000  }
0xa6: {  	_ =	swait.ge [sflag:s8], $0x2000  }
0xa7: {  	[sflag:s8] =	ssyncset.done $0x0  }
0xa8: {  	s3 =	simm.s32 $0x1;
	[sflag:s8] =	ssyncadd.s32 $0xFFFFE000  }
0xa9: {  	_ =	swait.ge [sflag:s3], $0x80  }
0xaa: {  	[sflag:s3] =	ssyncset.done $0x0  }
0xab: {  	[sflag:s3] =	ssyncadd.s32 $0xFFFFFF80  }
0xac: {  	_ =	swait.ge [sflag:s3], $0x80  }
0xad: {  	[sflag:s3] =	ssyncset.done $0x0  }
0xae: {  	s8 =	simm.s32 $0x2;
	[sflag:s3] =	ssyncadd.s32 $0xFFFFFF80  }
0xaf: {  	[tilespmem:s2], [sflag:$0xB] =	stream.indirect.gather [hbm4b:s4+s10], $0x80, s7, s10, $0xb8;
	[tilespmem:$0x1EA00] =	vst v63  }
0xb0: {  	_ =	swait.ge [sflag:s8], $0x80  }
0xb1: {  	[sflag:s8] =	ssyncset.done $0x0  }
0xb2: {  	[sflag:s8] =	ssyncadd.s32 $0xFFFFFF80  }
0xb3: {  	_ =	swait.ge [sflag:s8], $0x80  }
0xb4: {  	[sflag:s8] =	ssyncset.done $0x0  }
0xb5: {  	[sflag:s8] =	ssyncadd.s32 $0xFFFFFF80  }
0xb6: {  	[tilespmem:s23], [sflag:$0xC] =	stream.indirect.gather [hbm4b:s4+s10], $0x80, s11, s10, $0xb8;
	[tilespmem:$0x1EA00] =	vst v63  }
0xb7: {  	s23 =	simm.s32 $0x3  }
0xb8: {  	_ =	swait.ge [sflag:s23], $0x80  }
0xb9: {  	[sflag:s23] =	ssyncset.done $0x0  }
0xba: {  	[sflag:s23] =	ssyncadd.s32 $0xFFFFFF80  }
0xbb: {  	_ =	swait.ge [sflag:s23], $0x80  }
0xbc: {  	[sflag:s23] =	ssyncset.done $0x0  }
0xbd: {  	[sflag:s23] =	ssyncadd.s32 $0xFFFFFF80  }
0xbe: {  	[tilespmem:s26], [sflag:$0xD] =	stream.indirect.gather [hbm4b:s4+s10], $0x80, s20, s10, $0xb8;
	[tilespmem:$0x1EA00] =	vst v63  }
0xbf: {  	s26 =	simm.s32 $0x4  }
0xc0: {  	_ =	swait.ge [sflag:s26], $0x80  }
0xc1: {  	[sflag:s26] =	ssyncset.done $0x0  }
0xc2: {  	[sflag:s26] =	ssyncadd.s32 $0xFFFFFF80  }
0xc3: {  	_ =	swait.ge [sflag:s26], $0x80  }
0xc4: {  	[sflag:s26] =	ssyncset.done $0x0  }
0xc5: {  	[sflag:s26] =	ssyncadd.s32 $0xFFFFFF80  }
0xc6: {  	[tilespmem:s31], [sflag:$0xE] =	stream.indirect.gather [hbm4b:s4+s10], $0x80, s17, s10, $0xb8;
	[tilespmem:$0x1EA00] =	vst v63  }
0xc7: {  	s0 =	simm.s32 $0x120;
	s7 =	simm.s32 $0x0;
	[bflag:$0x0] =	sbarrier.arrive $0xFFFF  }
.LBB2_4:
0xc8: {  	p0 =	seq.s32 s0, $0x120  }
0xc9: {  	s2 =	simm.s32 @!p0 $0x14  }
0xca: {  	_ =	swait.ge @!p0 [sflag:s2], $0x2000  }
0xcb: {  	[sflag:s2] =	ssyncset.done @!p0 $0x0  }
0xcc: {  	[sflag:s2] =	ssyncadd.s32 @!p0 $0xFFFFE000  }
0xcd: {  	_ =	swait.ge [sflag:s9], $0x80  }
0xce: {  	[sflag:s9] =	ssyncset.done $0x0  }
0xcf: {  	[sflag:s9] =	ssyncadd.s32 $0xFFFFFF80  }
0xd0: {  	_ =	swait.ge [sflag:s9], $0x80  }
0xd1: {  	[sflag:s9] =	ssyncset.done $0x0  }
0xd2: {  	s23 =	simm.s32 $0x700;
	s2 =	sadd.s32 @!p0 $0xFFFFFF70, s0;
	[sflag:s9] =	ssyncadd.s32 $0xFFFFFF80  }
0xd3: {  	[tilespmem:s18], [sflag:$0xF] =	stream.indirect.gather [hbm4b:s4+s10], $0x80, s23, s10, $0xb8;
	[tilespmem:$0x1EA00] =	vst v63  }
0xd4: {  	s3 =	sadd.s32 @!p0 s21, s2;
	_ =	swait.ge [sflag:s12], $0x2000  }
0xd5: {  	s2 =	sand.u32 @!p0 $0x70, s2;
	s3 =	sand.u32 @!p0 $0xFFFFF80, s3;
	[sflag:s12] =	ssyncset.done $0x0  }
0xd6: {  	s17 =	simm.s32 $0xA00;
	s2 =	sor.u32 @!p0 s2, s3;
	[sflag:s12] =	ssyncadd.s32 $0xFFFFE000  }
0xd7: {  	[spmem:s1] =	stream.indirect.scatter.add.f32 [tilespmem:s17], [sflag:$0x10], $0x80, s13, s10, $0xb8;
	[tilespmem:$0x1EA00] =	vst v63  }
0xd8: {  	s11 =	simm.s32 @!p0 $0x0;
	s20 =	simm.s32 @!p0 $0x480;
	s3 =	sadd.s32 @!p0 s5, s2  }
0xd9: {  	[tilespmem:s20], [sflag:$0xA] =	stream.linear.gather @!p0 [hbm4b:s3+s11], $0x80, $0x38;
	[tilespmem:$0x1EA00] =	vst v63  }
0xda: {  	s26 =	simm.s32 $0x10;
	s2 =	sadd.s32 @!p0 s6, s2;
	s3 =	simm.s32 @!p0 $0x980  }
0xdb: {  	[tilespmem:s3], [sflag:$0xA] =	stream.linear.gather @!p0 [hbm4b:s2+s11], $0x80, $0x38;
	[tilespmem:$0x1EA00] =	vst v63  }
0xdc: {  	_ =	swait.ge [sflag:s26], $0x2000  }
0xdd: {  	[sflag:s26] =	ssyncset.done $0x0  }
0xde: {  	[sflag:s26] =	ssyncadd.s32 $0xFFFFE000  }
0xdf: {  	_ =	swait.ge [sflag:s16], $0x80  }
0xe0: {  	[sflag:s16] =	ssyncset.done $0x0  }
0xe1: {  	[sflag:s16] =	ssyncadd.s32 $0xFFFFFF80  }
0xe2: {  	_ =	swait.ge [sflag:s16], $0x80  }
0xe3: {  	p0 =	seq.s32 s0, $0x1480;
	[sflag:s16] =	ssyncset.done $0x0  }
0xe4: {  	s3 =	simm.s32 $0x780;
	s2 =	sadd.s32 @!p0 $0xFFFFFF80, s0;
	[sflag:s16] =	ssyncadd.s32 $0xFFFFFF80  }
0xe5: {  	[tilespmem:s17], [sflag:$0xB] =	stream.indirect.gather [hbm4b:s4+s10], $0x80, s3, s10, $0xb8;
	[tilespmem:$0x1EA00] =	vst v63  }
0xe6: {  	s8 =	simm.s32 $0x80;
	s3 =	sadd.s32 @!p0 s21, s2;
	_ =	swait.ge [sflag:s15], $0x2000  }
0xe7: {  	s2 =	sand.u32 @!p0 $0x60, s2;
	s3 =	sand.u32 @!p0 $0xFFFFF80, s3;
	[sflag:s15] =	ssyncset.done $0x0  }
0xe8: {  	s13 =	simm.s32 $0x2A00;
	s3 =	sor.u32 @!p0 s2, s3;
	[sflag:s15] =	ssyncadd.s32 $0xFFFFE000  }
0xe9: {  	[spmem:s1] =	stream.indirect.scatter.add.f32 [tilespmem:s13], [sflag:$0x11], $0x80, s8, s10, $0xb8;
	[tilespmem:$0x1EA00] =	vst v63  }
0xea: {  	s2 =	simm.s32 @!p0 $0x0;
	s11 =	sadd.s32 @!p0 s5, s3  }
0xeb: {  	[tilespmem:s2], [sflag:$0x1] =	stream.linear.gather @!p0 [hbm4b:s11+s2], $0x80, $0x38;
	[tilespmem:$0x1EA00] =	vst v63  }
0xec: {  	s3 =	sadd.s32 @!p0 s6, s3;
	s11 =	simm.s32 @!p0 $0x500  }
0xed: {  	[tilespmem:s11], [sflag:$0x1] =	stream.linear.gather @!p0 [hbm4b:s3+s2], $0x80, $0x38;
	[tilespmem:$0x1EA00] =	vst v63  }
0xee: {  	s11 =	simm.s32 $0x11  }
0xef: {  	_ =	swait.ge [sflag:s11], $0x2000  }
0xf0: {  	[sflag:s11] =	ssyncset.done $0x0  }
0xf1: {  	[sflag:s11] =	ssyncadd.s32 $0xFFFFE000  }
0xf2: {  	_ =	swait.ge [sflag:s19], $0x80  }
0xf3: {  	[sflag:s19] =	ssyncset.done $0x0  }
0xf4: {  	[sflag:s19] =	ssyncadd.s32 $0xFFFFFF80  }
0xf5: {  	_ =	swait.ge [sflag:s19], $0x80  }
0xf6: {  	[sflag:s19] =	ssyncset.done $0x0  }
0xf7: {  	s20 =	simm.s32 $0x800;
	s3 =	sadd.s32 @!p0 $0xFFFFFF90, s0;
	[sflag:s19] =	ssyncadd.s32 $0xFFFFFF80  }
0xf8: {  	[tilespmem:s13], [sflag:$0xC] =	stream.indirect.gather [hbm4b:s4+s10], $0x80, s20, s10, $0xb8;
	[tilespmem:$0x1EA00] =	vst v63  }
0xf9: {  	s31 =	simm.s32 $0x4A00;
	s11 =	sadd.s32 @!p0 s21, s3;
	_ =	swait.ge [sflag:s22], $0x2000  }
0xfa: {  	s3 =	sand.u32 @!p0 $0x70, s3;
	s11 =	sand.u32 @!p0 $0xFFFFF80, s11;
	[sflag:s22] =	ssyncset.done $0x0  }
0xfb: {  	s23 =	simm.s32 $0x100;
	s3 =	sor.u32 @!p0 s3, s11;
	[sflag:s22] =	ssyncadd.s32 $0xFFFFE000  }
0xfc: {  	[spmem:s1] =	stream.indirect.scatter.add.f32 [tilespmem:s31], [sflag:$0x12], $0x80, s23, s10, $0xb8;
	[tilespmem:$0x1EA00] =	vst v63  }
0xfd: {  	s11 =	sadd.s32 @!p0 s5, s3;
	s20 =	simm.s32 @!p0 $0x80  }
0xfe: {  	[tilespmem:s20], [sflag:$0x2] =	stream.linear.gather @!p0 [hbm4b:s11+s2], $0x80, $0x38;
	[tilespmem:$0x1EA00] =	vst v63  }
0xff: {  	s26 =	simm.s32 $0x12;
	s3 =	sadd.s32 @!p0 s6, s3;
	s11 =	simm.s32 @!p0 $0x580  }
0x100: {  	[tilespmem:s11], [sflag:$0x2] =	stream.linear.gather @!p0 [hbm4b:s3+s2], $0x80, $0x38;
	[tilespmem:$0x1EA00] =	vst v63  }
0x101: {  	_ =	swait.ge [sflag:s26], $0x2000  }
0x102: {  	[sflag:s26] =	ssyncset.done $0x0  }
0x103: {  	[sflag:s26] =	ssyncadd.s32 $0xFFFFE000  }
0x104: {  	_ =	swait.ge [sflag:s24], $0x80  }
0x105: {  	[sflag:s24] =	ssyncset.done $0x0  }
0x106: {  	[sflag:s24] =	ssyncadd.s32 $0xFFFFFF80  }
0x107: {  	_ =	swait.ge [sflag:s24], $0x80  }
0x108: {  	[sflag:s24] =	ssyncset.done $0x0  }
0x109: {  	s8 =	simm.s32 $0x880;
	[sflag:s24] =	ssyncadd.s32 $0xFFFFFF80  }
0x10a: {  	[tilespmem:s31], [sflag:$0xD] =	stream.indirect.gather [hbm4b:s4+s10], $0x80, s8, s10, $0xb8;
	[tilespmem:$0x1EA00] =	vst v63  }
0x10b: {  	_ =	swait.ge [sflag:s25], $0x2000  }
0x10c: {  	s11 =	simm.s32 $0x180;
	[sflag:s25] =	ssyncset.done $0x0  }
0x10d: {  	s3 =	sadd.s32 @!p0 $0xFFFFFFA0, s0;
	s8 =	simm.s32 $0x6A00;
	[sflag:s25] =	ssyncadd.s32 $0xFFFFE000  }
0x10e: {  	[spmem:s1] =	stream.indirect.scatter.add.f32 [tilespmem:s8], [sflag:$0x13], $0x80, s11, s10, $0xb8;
	[tilespmem:$0x1EA00] =	vst v63  }
0x10f: {  	s11 =	sadd.s32 @!p0 s21, s3  }
0x110: {  	s3 =	sand.u32 @!p0 $0x60, s3;
	s11 =	sand.u32 @!p0 $0xFFFFF80, s11  }
0x111: {  	s3 =	sor.u32 @!p0 s3, s11  }
0x112: {  	s20 =	simm.s32 @!p0 $0x100;
	s11 =	sadd.s32 @!p0 s5, s3  }
0x113: {  	[tilespmem:s20], [sflag:$0x3] =	stream.linear.gather @!p0 [hbm4b:s11+s2], $0x80, $0x38;
	[tilespmem:$0x1EA00] =	vst v63  }
0x114: {  	s3 =	sadd.s32 @!p0 s6, s3;
	s11 =	simm.s32 @!p0 $0x600;
	s20 =	simm.s32 $0x13  }
0x115: {  	[tilespmem:s11], [sflag:$0x3] =	stream.linear.gather @!p0 [hbm4b:s3+s2], $0x80, $0x38;
	[tilespmem:$0x1EA00] =	vst v63  }
0x116: {  	_ =	swait.ge [sflag:s20], $0x2000  }
0x117: {  	[sflag:s20] =	ssyncset.done $0x0  }
0x118: {  	[sflag:s20] =	ssyncadd.s32 $0xFFFFE000  }
0x119: {  	_ =	swait.ge [sflag:s28], $0x80  }
0x11a: {  	[sflag:s28] =	ssyncset.done $0x0  }
0x11b: {  	[sflag:s28] =	ssyncadd.s32 $0xFFFFFF80  }
0x11c: {  	_ =	swait.ge [sflag:s28], $0x80  }
0x11d: {  	[sflag:s28] =	ssyncset.done $0x0  }
0x11e: {  	s3 =	sadd.s32 @!p0 $0xFFFFFFB0, s0;
	[sflag:s28] =	ssyncadd.s32 $0xFFFFFF80  }
0x11f: {  	[tilespmem:s8], [sflag:$0xE] =	stream.indirect.gather [hbm4b:s4+s10], $0x80, s29, s10, $0xb8;
	[tilespmem:$0x1EA00] =	vst v63  }
0x120: {  	s11 =	sadd.s32 @!p0 s21, s3;
	_ =	swait.ge [sflag:s30], $0x2000  }
0x121: {  	s3 =	sand.u32 @!p0 $0x70, s3;
	s11 =	sand.u32 @!p0 $0xFFFFF80, s11;
	[sflag:s30] =	ssyncset.done $0x0  }
0x122: {  	s23 =	simm.s32 $0x200;
	s3 =	sor.u32 @!p0 s3, s11;
	[sflag:s30] =	ssyncadd.s32 $0xFFFFE000  }
0x123: {  	[spmem:s1] =	stream.indirect.scatter.add.f32 [tilespmem:s18], [sflag:$0x14], $0x80, s23, s10, $0xb8;
	[tilespmem:$0x1EA00] =	vst v63  }
0x124: {  	s20 =	simm.s32 @!p0 $0x180;
	s11 =	sadd.s32 @!p0 s5, s3  }
0x125: {  	[tilespmem:s20], [sflag:$0x4] =	stream.linear.gather @!p0 [hbm4b:s11+s2], $0x80, $0x38;
	[tilespmem:$0x1EA00] =	vst v63  }
0x126: {  	s26 =	simm.s32 $0x14;
	s3 =	sadd.s32 @!p0 s6, s3;
	s11 =	simm.s32 @!p0 $0x680  }
0x127: {  	[tilespmem:s11], [sflag:$0x4] =	stream.linear.gather @!p0 [hbm4b:s3+s2], $0x80, $0x38;
	[tilespmem:$0x1EA00] =	vst v63  }
0x128: {  	_ =	swait.ge [sflag:s26], $0x2000  }
0x129: {  	[sflag:s26] =	ssyncset.done $0x0  }
0x12a: {  	[sflag:s26] =	ssyncadd.s32 $0xFFFFE000  }
0x12b: {  	_ =	swait.ge [sflag:s14], $0x80  }
0x12c: {  	[sflag:s14] =	ssyncset.done $0x0  }
0x12d: {  	[sflag:s14] =	ssyncadd.s32 $0xFFFFFF80  }
0x12e: {  	_ =	swait.ge [sflag:s14], $0x80  }
0x12f: {  	p1 =	sne.s32 s0, $0x1480;
	[sflag:s14] =	ssyncset.done $0x0  }
0x130: {  	s3 =	simm.s32 $0x980;
	s2 =	sadd.s32 @p1 $0xFFFFFFC0, s0;
	[sflag:s14] =	ssyncadd.s32 $0xFFFFFF80  }
0x131: {  	[tilespmem:s18], [sflag:$0xF] =	stream.indirect.gather [hbm4b:s4+s10], $0x80, s3, s10, $0xb8;
	[tilespmem:$0x1EA00] =	vst v63  }
0x132: {  	s3 =	sadd.s32 @p1 s21, s2;
	_ =	swait.ge [sflag:s12], $0x2000  }
0x133: {  	s2 =	sand.u32 @p1 $0x60, s2;
	s3 =	sand.u32 @p1 $0xFFFFF80, s3;
	[sflag:s12] =	ssyncset.done $0x0  }
0x134: {  	s11 =	simm.s32 $0x280;
	s3 =	sor.u32 @p1 s2, s3;
	[sflag:s12] =	ssyncadd.s32 $0xFFFFE000  }
0x135: {  	[spmem:s1] =	stream.indirect.scatter.add.f32 [tilespmem:s17], [sflag:$0x10], $0x80, s11, s10, $0xb8;
	[tilespmem:$0x1EA00] =	vst v63  }
0x136: {  	s20 =	simm.s32 @p1 $0x200;
	s2 =	simm.s32 @p1 $0x0;
	s11 =	sadd.s32 @p1 s5, s3  }
0x137: {  	[tilespmem:s20], [sflag:$0x5] =	stream.linear.gather @p1 [hbm4b:s11+s2], $0x80, $0x38;
	[tilespmem:$0x1EA00] =	vst v63  }
0x138: {  	s3 =	sadd.s32 @p1 s6, s3;
	s11 =	simm.s32 @p1 $0x700  }
0x139: {  	[tilespmem:s11], [sflag:$0x5] =	stream.linear.gather @p1 [hbm4b:s3+s2], $0x80, $0x38;
	[tilespmem:$0x1EA00] =	vst v63  }
0x13a: {  	s3 =	simm.s32 @p1 $0x10  }
0x13b: {  	_ =	swait.ge @p1 [sflag:s3], $0x2000  }
0x13c: {  	[sflag:s3] =	ssyncset.done @p1 $0x0  }
0x13d: {  	[sflag:s3] =	ssyncadd.s32 @p1 $0xFFFFE000;
	s3 =	simm.s32 @p1 $0x1  }
0x13e: {  	_ =	swait.ge @p1 [sflag:s3], $0x80  }
0x13f: {  	[sflag:s3] =	ssyncset.done @p1 $0x0  }
0x140: {  	[sflag:s3] =	ssyncadd.s32 @p1 $0xFFFFFF80  }
0x141: {  	_ =	swait.ge @p1 [sflag:s3], $0x80  }
0x142: {  	s20 =	simm.s32 @p1 $0xA00;
	[sflag:s3] =	ssyncset.done @p1 $0x0  }
0x143: {  	s11 =	simm.s32 @p1 $0x500;
	[sflag:s3] =	ssyncadd.s32 @p1 $0xFFFFFF80;
	s3 =	simm.s32 @p1 $0x40  }
0x144: {  	[tilespmem:s20], [sflag:$0xB] =	stream.indirect.gather @p1 [hbm4b:s4+s3], $0x80, s11, s3, $0xb8;
	[tilespmem:$0x1EA00] =	vst v63  }
0x145: {  	s11 =	simm.s32 @!p1 $0x10  }
0x146: {  	_ =	swait.ge @!p1 [sflag:s11], $0x2000  }
0x147: {  	[sflag:s11] =	ssyncset.done @!p1 $0x0  }
0x148: {  	[sflag:s11] =	ssyncadd.s32 @!p1 $0xFFFFE000;
	s11 =	sadd.s32 @p1 $0xFFFFFFD0, s0  }
0x149: {  	_ =	swait.ge [sflag:s15], $0x2000;
	s20 =	sadd.s32 @p1 s21, s11  }
0x14a: {  	s11 =	sand.u32 @p1 $0x70, s11;
	[sflag:s15] =	ssyncset.done $0x0;
	s20 =	sand.u32 @p1 $0xFFFFF80, s20  }
0x14b: {  	s17 =	simm.s32 $0x300;
	[sflag:s15] =	ssyncadd.s32 $0xFFFFE000;
	s11 =	sor.u32 @p1 s11, s20  }
0x14c: {  	[spmem:s1] =	stream.indirect.scatter.add.f32 [tilespmem:s13], [sflag:$0x11], $0x80, s17, s10, $0xb8;
	[tilespmem:$0x1EA00] =	vst v63  }
0x14d: {  	s20 =	sadd.s32 @p1 s5, s11;
	s13 =	simm.s32 @p1 $0x280  }
0x14e: {  	[tilespmem:s13], [sflag:$0x6] =	stream.linear.gather @p1 [hbm4b:s20+s2], $0x80, $0x38;
	[tilespmem:$0x1EA00] =	vst v63  }
0x14f: {  	s11 =	sadd.s32 @p1 s6, s11;
	s13 =	simm.s32 @p1 $0x780  }
0x150: {  	[tilespmem:s13], [sflag:$0x6] =	stream.linear.gather @p1 [hbm4b:s11+s2], $0x80, $0x38;
	[tilespmem:$0x1EA00] =	vst v63  }
0x151: {  	s11 =	simm.s32 @p1 $0x11  }
0x152: {  	_ =	swait.ge @p1 [sflag:s11], $0x2000  }
0x153: {  	[sflag:s11] =	ssyncset.done @p1 $0x0  }
0x154: {  	[sflag:s11] =	ssyncadd.s32 @p1 $0xFFFFE000;
	s11 =	simm.s32 @p1 $0x2  }
0x155: {  	_ =	swait.ge @p1 [sflag:s11], $0x80  }
0x156: {  	[sflag:s11] =	ssyncset.done @p1 $0x0  }
0x157: {  	[sflag:s11] =	ssyncadd.s32 @p1 $0xFFFFFF80  }
0x158: {  	_ =	swait.ge @p1 [sflag:s11], $0x80  }
0x159: {  	[sflag:s11] =	ssyncset.done @p1 $0x0  }
0x15a: {  	s13 =	simm.s32 @p1 $0x2A00;
	[sflag:s11] =	ssyncadd.s32 @p1 $0xFFFFFF80;
	s11 =	simm.s32 @p1 $0x580  }
0x15b: {  	[tilespmem:s13], [sflag:$0xC] =	stream.indirect.gather @p1 [hbm4b:s4+s3], $0x80, s11, s3, $0xb8;
	[tilespmem:$0x1EA00] =	vst v63  }
0x15c: {  	s11 =	simm.s32 @!p1 $0x11  }
0x15d: {  	_ =	swait.ge @!p1 [sflag:s11], $0x2000  }
0x15e: {  	[sflag:s11] =	ssyncset.done @!p1 $0x0  }
0x15f: {  	[sflag:s11] =	ssyncadd.s32 @!p1 $0xFFFFE000;
	s11 =	sadd.s32 @p1 s0, s21  }
0x160: {  	_ =	swait.ge [sflag:s22], $0x2000;
	s11 =	sadd.s32 @p1 $0xFFFFFFE0, s11  }
0x161: {  	s13 =	sand.u32 @p1 $0x60, s7;
	[sflag:s22] =	ssyncset.done $0x0;
	s11 =	sand.u32 @p1 $0xFFFFF80, s11  }
0x162: {  	s20 =	simm.s32 $0x380;
	[sflag:s22] =	ssyncadd.s32 $0xFFFFE000;
	s11 =	sor.u32 @p1 s13, s11  }
0x163: {  	[spmem:s1] =	stream.indirect.scatter.add.f32 [tilespmem:s31], [sflag:$0x12], $0x80, s20, s10, $0xb8;
	[tilespmem:$0x1EA00] =	vst v63  }
0x164: {  	s13 =	sadd.s32 @p1 s5, s11;
	s20 =	simm.s32 @p1 $0x300  }
0x165: {  	[tilespmem:s20], [sflag:$0x7] =	stream.linear.gather @p1 [hbm4b:s13+s2], $0x80, $0x38;
	[tilespmem:$0x1EA00] =	vst v63  }
0x166: {  	s11 =	sadd.s32 @p1 s6, s11;
	s13 =	simm.s32 @p1 $0x800  }
0x167: {  	[tilespmem:s13], [sflag:$0x7] =	stream.linear.gather @p1 [hbm4b:s11+s2], $0x80, $0x38;
	[tilespmem:$0x1EA00] =	vst v63  }
0x168: {  	s11 =	simm.s32 @p1 $0x12  }
0x169: {  	_ =	swait.ge @p1 [sflag:s11], $0x2000  }
0x16a: {  	[sflag:s11] =	ssyncset.done @p1 $0x0  }
0x16b: {  	[sflag:s11] =	ssyncadd.s32 @p1 $0xFFFFE000;
	s11 =	simm.s32 @p1 $0x3  }
0x16c: {  	_ =	swait.ge @p1 [sflag:s11], $0x80  }
0x16d: {  	[sflag:s11] =	ssyncset.done @p1 $0x0  }
0x16e: {  	[sflag:s11] =	ssyncadd.s32 @p1 $0xFFFFFF80  }
0x16f: {  	_ =	swait.ge @p1 [sflag:s11], $0x80  }
0x170: {  	[sflag:s11] =	ssyncset.done @p1 $0x0  }
0x171: {  	s13 =	simm.s32 @p1 $0x4A00;
	[sflag:s11] =	ssyncadd.s32 @p1 $0xFFFFFF80;
	s11 =	simm.s32 @p1 $0x600  }
0x172: {  	[tilespmem:s13], [sflag:$0xD] =	stream.indirect.gather @p1 [hbm4b:s4+s3], $0x80, s11, s3, $0xb8;
	[tilespmem:$0x1EA00] =	vst v63  }
0x173: {  	s11 =	simm.s32 @!p1 $0x12  }
0x174: {  	_ =	swait.ge @!p1 [sflag:s11], $0x2000  }
0x175: {  	[sflag:s11] =	ssyncset.done @!p1 $0x0  }
0x176: {  	[sflag:s11] =	ssyncadd.s32 @!p1 $0xFFFFE000  }
0x177: {  	_ =	swait.ge [sflag:s25], $0x2000  }
0x178: {  	[sflag:s25] =	ssyncset.done $0x0  }
0x179: {  	s13 =	simm.s32 $0x400;
	s11 =	sadd.s32 @p1 $0xFFFFFFF0, s0;
	[sflag:s25] =	ssyncadd.s32 $0xFFFFE000  }
0x17a: {  	[spmem:s1] =	stream.indirect.scatter.add.f32 [tilespmem:s8], [sflag:$0x13], $0x80, s13, s10, $0xb8;
	[tilespmem:$0x1EA00] =	vst v63  }
0x17b: {  	s13 =	sadd.s32 @p1 s21, s11  }
0x17c: {  	s11 =	sand.u32 @p1 $0x70, s11;
	s13 =	sand.u32 @p1 $0xFFFFF80, s13  }
0x17d: {  	s11 =	sor.u32 @p1 s11, s13  }
0x17e: {  	s20 =	simm.s32 @p1 $0x380;
	s13 =	sadd.s32 @p1 s5, s11  }
0x17f: {  	[tilespmem:s20], [sflag:$0x8] =	stream.linear.gather @p1 [hbm4b:s13+s2], $0x80, $0x38;
	[tilespmem:$0x1EA00] =	vst v63  }
0x180: {  	s11 =	sadd.s32 @p1 s6, s11;
	s13 =	simm.s32 @p1 $0x880  }
0x181: {  	[tilespmem:s13], [sflag:$0x8] =	stream.linear.gather @p1 [hbm4b:s11+s2], $0x80, $0x38;
	[tilespmem:$0x1EA00] =	vst v63  }
0x182: {  	s2 =	simm.s32 @p1 $0x13  }
0x183: {  	_ =	swait.ge @p1 [sflag:s2], $0x2000  }
0x184: {  	[sflag:s2] =	ssyncset.done @p1 $0x0  }
0x185: {  	[sflag:s2] =	ssyncadd.s32 @p1 $0xFFFFE000;
	s2 =	simm.s32 @p1 $0x4  }
0x186: {  	_ =	swait.ge @p1 [sflag:s2], $0x80  }
0x187: {  	[sflag:s2] =	ssyncset.done @p1 $0x0  }
0x188: {  	[sflag:s2] =	ssyncadd.s32 @p1 $0xFFFFFF80  }
0x189: {  	_ =	swait.ge @p1 [sflag:s2], $0x80  }
0x18a: {  	[sflag:s2] =	ssyncset.done @p1 $0x0  }
0x18b: {  	s11 =	simm.s32 @p1 $0x6A00;
	[sflag:s2] =	ssyncadd.s32 @p1 $0xFFFFFF80;
	s2 =	simm.s32 @p1 $0x680  }
0x18c: {  	[tilespmem:s11], [sflag:$0xE] =	stream.indirect.gather @p1 [hbm4b:s4+s3], $0x80, s2, s3, $0xb8;
	[tilespmem:$0x1EA00] =	vst v63  }
0x18d: {  	s2 =	simm.s32 @!p1 $0x13  }
0x18e: {  	_ =	swait.ge @!p1 [sflag:s2], $0x2000  }
0x18f: {  	[sflag:s2] =	ssyncset.done @!p1 $0x0  }
.Ltmp3:
0x190: {  	[sflag:s2] =	ssyncadd.s32 @!p1 $0xFFFFE000;
	(pc) =	sbr.rel @p0 .LBB2_6-.Ltmp3, $4  }
0x191: {  	s29 =	simm.s32 $0x0;
	s23 =	simm.s32 $0x2A00;
	_ =	swait.ge [sflag:s30], $0x2000  }
0x192: {  	s26 =	simm.s32 $0x4A00;
	s17 =	simm.s32 $0x900;
	[sflag:s30] =	ssyncset.done $0x0  }
0x193: {  	s31 =	simm.s32 $0x6A00;
	s20 =	simm.s32 $0x480;
	[sflag:s30] =	ssyncadd.s32 $0xFFFFE000  }
0x194: {  	[spmem:s1] =	stream.indirect.scatter.add.f32 [tilespmem:s18], [sflag:$0x14], $0x80, s20, s10, $0xb8;
	[tilespmem:$0x1EA00] =	vst v63  }
0x195: {  	s2 =	sadd.s32 s0, s21  }
0x196: {  	s3 =	sand.u32 $0x60, s0;
	s2 =	sand.u32 $0xFFFFF80, s2  }
0x197: {  	s2 =	sor.u32 s3, s2  }
.Ltmp4:
0x198: {  	s8 =	simm.s32 $0x400;
	s3 =	sadd.s32 s5, s2;
	(pc) =	sbr.rel .LBB2_4-.Ltmp4, $4  }
0x199: {  	[tilespmem:s8], [sflag:$0x9] =	stream.linear.gather [hbm4b:s3+s29], $0x80, $0x38;
	[tilespmem:$0x1EA00] =	vst v63  }
0x19a: {  	s7 =	sadd.s32 $0x20, s7;
	s2 =	sadd.s32 s6, s2  }
0x19b: {  	[tilespmem:s17], [sflag:$0x9] =	stream.linear.gather [hbm4b:s2+s29], $0x80, $0x38;
	[tilespmem:$0x1EA00] =	vst v63  }
0x19c: {  	s0 =	sadd.s32 $0xA0, s0;
	s13 =	simm.s32 $0x0;
	s29 =	simm.s32 $0x900  }
.LBB2_7:
0x19d: {  	_ =	sfence.sel $0x180000  }
0x19e: {  	[bflag:$0x0] =	sbarrier.arrive $0xFFFF  }
0x19f: {  	_ =	strace $0x90000047  }
0x1a0: {  	s0 =	stileid.u32;
	[bflag:$0x2] =	sbarrier.arrive $0xFFFF  }
0x1a1: {  	p0 =	sne.s32 s0, $0x0;
	s0 =	rddreg [dreg:$0x2]  }
0x1a2: {  	s0 =	sadd.s32 @!p0 $0x100000, s0  }
0x1a3: {  	[sflag:s0] =	ssyncadd.tile.s32 @!p0 $0x1;
	_ =	shalt  }
.Lfunc_end2:
_tile_overlayer_lowered:
.L_overlay_start_2:
0x1a4: {  	(tag) =	ssettag $0x2  }
0x1a5: {  	s0 =	rddreg [dreg:$0x0];
	s2 =	stileid.u32  }
0x1a6: {  	s1 =	rddreg [dreg:$0x1];
	p0 =	sne.s32 s2, $0x0  }
0x1a7: {  	s3 =	rddreg [dreg:$0x2];
	[bflag:$0x3] =	sbarrier.arrive $0xFFFF;
	s2 =	simm.s32 @!p0 $0x1C16  }
0x1a8: {  	[timem:s3], [sflag:s2] =	dma.local @!p0 [hbm:s0], s1  }
0x1a9: {  	s0 =	simm.s32 @!p0 $0x16  }
0x1aa: {  	_ =	swait.ge @!p0 [sflag:s0], s1  }
0x1ab: {  	s1 =	ssub.s32 @!p0 $0x0, s1;
	[sflag:s0] =	ssyncset.done @!p0 $0x0  }
0x1ac: {  	[sflag:s0] =	ssyncadd.s32 @!p0 s1  }
0x1ad: {  	[bflag:$0x3] =	sbarrier.arrive $0xFFFF  }
0x1ae: {  	_ =	shalt  }

</sc_bundles>
